<compile_context>
chip_gen: v7x
topology: tpu7x:2x2x1
jax: 0.10.2.dev20260603
libtpu: 0.0.44.dev20260713+nightly
codegen_flags: <defaults>
</compile_context>

<pallas_src>
import functools
import jax
import jax.numpy as jnp
from jax import lax
from jax.experimental import pallas as pl
from jax.experimental.pallas import tpu as pltpu
from jax.experimental.pallas import tpu_sc as plsc

N = 10000
E = 320000
NS = 16
NP = 10240
RP = NP // NS
RP4 = RP * 4
EPW = E // NS
EC = 2000
NCHUNK = EPW // EC

_mesh = plsc.VectorSubcoreMesh(core_axis_name="c", subcore_axis_name="s",
                               num_cores=1)


def _mm_body(x_ref, w_ref, o_ref):
    o_ref[...] = jnp.dot(x_ref[...], w_ref[...],
                         preferred_element_type=jnp.float32)


def _rsqrt16(x):
    i = plsc.bitcast(x, jnp.int32)
    y = plsc.bitcast(jnp.int32(0x5F3759DF) - (i >> 1), jnp.float32)
    for _ in range(4):
        y = y * (1.5 - 0.5 * x * y * y)
    return y


def _tanh16(x):
    e = jnp.exp(2.0 * x)
    return 1.0 - 2.0 / (e + 1.0)


@functools.partial(
    pl.kernel,
    out_type=[
        jax.ShapeDtypeStruct((NP * 4,), jnp.float32),
        jax.ShapeDtypeStruct((NP * 2,), jnp.float32),
    ],
    mesh=_mesh,
    compiler_params=pltpu.CompilerParams(needs_layout_passes=False),
    scratch_types=[
        pltpu.VMEM_SHARED((NP * 4,), jnp.float32),
        pltpu.VMEM_SHARED((NP * 4,), jnp.float32),
        pltpu.VMEM_SHARED((NP,), jnp.float32),
        pltpu.VMEM((NP * 4,), jnp.float32),
        [pltpu.VMEM((EC * 4,), jnp.int32)] * 2,
        [pltpu.VMEM((EC * 4,), jnp.float32)] * 2,
        [pltpu.VMEM((EC * 2,), jnp.int32)] * 2,
        [pltpu.VMEM((EC * 2,), jnp.float32)] * 2,
        [pltpu.VMEM((EC,), jnp.int32)] * 2,
        [pltpu.VMEM((EC,), jnp.int32)] * 2,
        pltpu.VMEM((EC,), jnp.float32),
        pltpu.VMEM((RP4,), jnp.float32),
        pltpu.VMEM((RP4,), jnp.float32),
        pltpu.VMEM((RP4,), jnp.float32),
        pltpu.VMEM((RP4,), jnp.float32),
        pltpu.VMEM((RP,), jnp.float32),
        pltpu.VMEM((64,), jnp.float32),
        [pltpu.SemaphoreType.DMA] * 2,
        [pltpu.SemaphoreType.DMA] * 2,
        [pltpu.SemaphoreType.DMA] * 2,
        pltpu.SemaphoreType.DMA,
    ],
)
def _gcn_sc(dst_hbm, src_hbm, h1_hbm, par_hbm,
            out_hbm, hout_hbm,
            g_sp, acc_sp, deg_sp, gt_v, si_v, msg_v, si2_v, msg2_v,
            di_v, ri_v, one_v, z_v, g_v, a_v, h_v, d_v, p_v, gsems, rsems, tsems, sem):
    wid = lax.axis_index("s")
    nsl = pl.ds(wid * RP4, RP4)
    lanes = lax.iota(jnp.int32, 16)

    def _fill(i, _):
        one_v[pl.ds(i * 16, 16)] = jnp.full((16,), 1.0, jnp.float32)
        return _
    lax.fori_loop(0, EC // 16, _fill, None)

    def _zfill(i, _):
        z_v[pl.ds(i * 16, 16)] = jnp.zeros((16,), jnp.float32)
        return _
    lax.fori_loop(0, RP4 // 16, _zfill, None)

    pltpu.sync_copy(par_hbm, p_v)
    pltpu.sync_copy(z_v.at[pl.ds(0, RP)], deg_sp.at[pl.ds(wid * RP, RP)])
    pltpu.sync_copy(z_v, acc_sp.at[nsl])
    plsc.subcore_barrier()

    for c in range(NCHUNK):
        pltpu.sync_copy(dst_hbm.at[pl.ds(wid * EPW + c * EC, EC)], di_v[0])
        pltpu.sync_copy(one_v, deg_sp.at[di_v[0]], add=True)
    plsc.subcore_barrier()

    pltpu.sync_copy(deg_sp.at[pl.ds(wid * RP, RP)], d_v)

    def _dinv(i, _):
        s = pl.ds(i * 16, 16)
        d_v[s] = _rsqrt16(d_v[s] + 1.0)
        return _
    lax.fori_loop(0, RP // 16, _dinv, None)

    pltpu.sync_copy(h1_hbm.at[nsl], g_v)

    def _scale(i, _):
        s = pl.ds(i * 16, 16)
        dv = plsc.load_gather(d_v, [(lanes + i * 16) >> 2])
        g_v[s] = g_v[s] * dv
        return _
    lax.fori_loop(0, RP4 // 16, _scale, None)

    pltpu.sync_copy(g_v, g_sp.at[nsl])
    plsc.subcore_barrier()

    def _edge_pass(si, msg, mult, lidx, lmod):
        iters = EC * mult // 16
        step = 16 // mult

        def esl(c):
            return pl.ds(wid * EPW + c * EC, EC)

        descs = [None, None]
        sdesc = [pltpu.async_copy(src_hbm.at[esl(0)], di_v[0], rsems[0])]
        ddesc = [pltpu.async_copy(dst_hbm.at[esl(0)], ri_v[0], tsems[0])]
        for c in range(NCHUNK):
            b = c % 2
            nb = 1 - b
            if c + 1 < NCHUNK:
                sdesc.append(
                    pltpu.async_copy(src_hbm.at[esl(c + 1)], di_v[nb],
                                     rsems[nb]))
                ddesc.append(
                    pltpu.async_copy(dst_hbm.at[esl(c + 1)], ri_v[nb],
                                     tsems[nb]))
            if descs[b] is not None:
                descs[b].wait()
            sdesc[c].wait()
            ddesc[c].wait()
            sib = si[b]
            msgb = msg[b]
            dib = di_v[b]
            rib = ri_v[b]

            def body(i, _):
                s = pl.ds(i * 16, 16)
                rs = plsc.load_gather(dib, [lidx + i * step])
                msgb[s] = plsc.load_gather(gt_v, [(rs << 2) + lmod])
                rd = plsc.load_gather(rib, [lidx + i * step])
                sib[s] = (rd << 2) + lmod
                return _
            lax.fori_loop(0, iters, body, None)
            descs[b] = pltpu.async_copy(msgb, acc_sp.at[sib], gsems[b],
                                        add=True)
        for d in descs:
            if d is not None:
                d.wait()

    l4 = lanes >> 2
    lm = lanes & 3
    l2 = lanes >> 1
    lm2 = lanes & 1

    for layer in range(3):
        pltpu.sync_copy(g_sp, gt_v)
        if layer < 2:
            _edge_pass(si_v, msg_v, 4, l4, lm)
        else:
            _edge_pass(si2_v, msg2_v, 2, l2, lm2)
        plsc.subcore_barrier()

        pltpu.sync_copy(acc_sp.at[nsl], a_v)
        boff = 48 + 4 * layer

        def _node(i, _):
            s = pl.ds(i * 16, 16)
            flat = lanes + i * 16
            dv = plsc.load_gather(d_v, [flat >> 2])
            bv = plsc.load_gather(p_v, [boff + (flat & 3)])
            h_v[s] = _tanh16(dv * (a_v[s] + g_v[s]) + bv)
            return _
        lax.fori_loop(0, RP4 // 16, _node, None)

        if layer < 2:
            woff = 16 * layer

            def _mm(i, _):
                s = pl.ds(i * 16, 16)
                flat = lanes + i * 16
                nd4 = (flat >> 2) << 2
                cc = flat & 3
                acc = jnp.zeros((16,), jnp.float32)
                for k in range(4):
                    hk = plsc.load_gather(h_v, [nd4 + k])
                    wk = plsc.load_gather(p_v, [woff + 4 * k + cc])
                    acc = acc + hk * wk
                dv = plsc.load_gather(d_v, [flat >> 2])
                g_v[s] = acc * dv
                return _
            lax.fori_loop(0, RP4 // 16, _mm, None)

            pltpu.sync_copy(g_v, g_sp.at[nsl])
            pltpu.sync_copy(z_v, acc_sp.at[nsl])
        else:
            def _cls(i, _):
                s = pl.ds(i * 16, 16)
                flat = lanes + i * 16
                nd4 = (flat >> 2) << 2
                cc = flat & 3
                acc = plsc.load_gather(p_v, [60 + cc])
                for k in range(4):
                    hk = plsc.load_gather(h_v, [nd4 + k])
                    wk = plsc.load_gather(p_v, [32 + 4 * k + cc])
                    acc = acc + hk * wk
                a_v[s] = acc
                return _
            lax.fori_loop(0, RP4 // 16, _cls, None)

            pltpu.sync_copy(a_v, out_hbm.at[nsl])

            def _hout(i, _):
                s = pl.ds(i * 16, 16)
                f2 = lanes + i * 16
                g_v[s] = plsc.load_gather(h_v, [((f2 >> 1) << 2) + (f2 & 1)])
                return _
            lax.fori_loop(0, RP * 2 // 16, _hout, None)

            pltpu.sync_copy(g_v.at[pl.ds(0, RP * 2)],
                            hout_hbm.at[pl.ds(wid * RP * 2, RP * 2)])
        plsc.subcore_barrier()


def kernel(x, edge_index, W1, b1, W2, b2, W3, b3, Wc, bc):
    src = edge_index[0]
    dst = edge_index[1]

    h1 = pl.pallas_call(
        _mm_body,
        out_shape=jax.ShapeDtypeStruct((N, 4), jnp.float32),
    )(x, W1)

    h1f = jnp.pad(h1, ((0, NP - N), (0, 0))).ravel()
    w3p = jnp.pad(W3, ((0, 0), (0, 2)))
    wcp = jnp.pad(Wc, ((0, 2), (0, 0)))
    b3p = jnp.pad(b3, (0, 2))
    par = jnp.concatenate([W2.ravel(), w3p.ravel(), wcp.ravel(),
                           b1, b2, b3p, bc]).astype(jnp.float32)

    out_f, h_f = _gcn_sc(dst, src, h1f, par)
    out = out_f.reshape(NP, 4)[:N]
    h = h_f.reshape(NP, 2)[:N]
    return (out, h)

# --- scband reference (transcript-rebuilt; emitter-appended) ---
"""Pipeline reference for scband-gcn-13331578486815 (READ-ONLY COPY).

The authoritative reference and input builder live on the scoring server;
editing this copy changes nothing except your own understanding.
"""

import jax, jax.numpy as jnp
import numpy as np

N = 10000
E = 320000
D_IN = 128
N_CLASSES = 4


def setup_inputs(seed: int = 0) -> dict:
    key = jax.random.key(seed)
    ks = jax.random.split(key, 12)
    x = jax.random.normal(ks[0], (N, D_IN), dtype=jnp.float32)
    edge_index = jax.random.randint(ks[1], (2, E), 0, N, dtype=jnp.int32)
    W1 = jax.random.normal(ks[2], (D_IN, 4), dtype=jnp.float32) * (1.0 / np.sqrt(D_IN))
    b1 = jnp.zeros((4,), dtype=jnp.float32)
    W2 = jax.random.normal(ks[3], (4, 4), dtype=jnp.float32) * 0.5
    b2 = jnp.zeros((4,), dtype=jnp.float32)
    W3 = jax.random.normal(ks[4], (4, 2), dtype=jnp.float32) * 0.5
    b3 = jnp.zeros((2,), dtype=jnp.float32)
    Wc = jax.random.normal(ks[5], (2, N_CLASSES), dtype=jnp.float32) * 0.7
    bc = jnp.zeros((N_CLASSES,), dtype=jnp.float32)
    return {"x": x, "edge_index": edge_index, "W1": W1, "b1": b1, "W2": W2, "b2": b2, "W3": W3, "b3": b3, "Wc": Wc, "bc": bc}


def _gcn_conv(x, edge_index, W, b):
    # PyG GCNConv: project, then aggregate with symmetric normalization and self-loops.
    n = x.shape[0]
    src = edge_index[0]
    dst = edge_index[1]
    loop = jnp.arange(n, dtype=src.dtype)
    s = jnp.concatenate([src, loop])
    d = jnp.concatenate([dst, loop])
    deg = jnp.zeros((n,), dtype=x.dtype).at[d].add(1.0)
    dinv = jax.lax.rsqrt(jnp.maximum(deg, 1.0))
    norm = dinv[s] * dinv[d]
    h = x @ W
    msg = h[s] * norm[:, None]
    out = jnp.zeros((n, W.shape[1]), dtype=x.dtype).at[d].add(msg)
    return out + b


def reference(x, edge_index, W1, b1, W2, b2, W3, b3, Wc, bc):
    h = jnp.tanh(_gcn_conv(x, edge_index, W1, b1))
    h = jnp.tanh(_gcn_conv(h, edge_index, W2, b2))
    h = jnp.tanh(_gcn_conv(h, edge_index, W3, b3))
    out = h @ Wc + bc
    return (out, h)

if __name__ == "__main__":
    import jax
    _d = setup_inputs()
    print(jax.jit(kernel)(*tuple(_d.values())))

</pallas_src>

<mosaic_0001>
#map = affine_map<(d0, d1) -> (0)>
module attributes {stable_mosaic.version = 14 : i64} {
  func.func @_gcn_sc(%arg0: i32, %arg1: i32, %arg2: memref<320000xi32, #tpu.memory_space<hbm>>, %arg3: memref<320000xi32, #tpu.memory_space<hbm>>, %arg4: memref<40960xf32, #tpu.memory_space<hbm>>, %arg5: memref<64xf32, #tpu.memory_space<hbm>>, %arg6: memref<40960xf32, #tpu.memory_space<hbm>>, %arg7: memref<20480xf32, #tpu.memory_space<hbm>>, %arg8: memref<40960xf32, #tpu.memory_space<vmem_shared>>, %arg9: memref<40960xf32, #tpu.memory_space<vmem_shared>>, %arg10: memref<10240xf32, #tpu.memory_space<vmem_shared>>, %arg11: memref<40960xf32, #tpu.memory_space<vmem>>, %arg12: memref<8000xi32, #tpu.memory_space<vmem>>, %arg13: memref<8000xi32, #tpu.memory_space<vmem>>, %arg14: memref<8000xf32, #tpu.memory_space<vmem>>, %arg15: memref<8000xf32, #tpu.memory_space<vmem>>, %arg16: memref<4000xi32, #tpu.memory_space<vmem>>, %arg17: memref<4000xi32, #tpu.memory_space<vmem>>, %arg18: memref<4000xf32, #tpu.memory_space<vmem>>, %arg19: memref<4000xf32, #tpu.memory_space<vmem>>, %arg20: memref<2000xi32, #tpu.memory_space<vmem>>, %arg21: memref<2000xi32, #tpu.memory_space<vmem>>, %arg22: memref<2000xi32, #tpu.memory_space<vmem>>, %arg23: memref<2000xi32, #tpu.memory_space<vmem>>, %arg24: memref<2000xf32, #tpu.memory_space<vmem>>, %arg25: memref<2560xf32, #tpu.memory_space<vmem>>, %arg26: memref<2560xf32, #tpu.memory_space<vmem>>, %arg27: memref<2560xf32, #tpu.memory_space<vmem>>, %arg28: memref<2560xf32, #tpu.memory_space<vmem>>, %arg29: memref<640xf32, #tpu.memory_space<vmem>>, %arg30: memref<64xf32, #tpu.memory_space<vmem>>, %arg31: memref<!tpu.dma_semaphore, #tpu.memory_space<semaphore_mem>>, %arg32: memref<!tpu.dma_semaphore, #tpu.memory_space<semaphore_mem>>, %arg33: memref<!tpu.dma_semaphore, #tpu.memory_space<semaphore_mem>>, %arg34: memref<!tpu.dma_semaphore, #tpu.memory_space<semaphore_mem>>, %arg35: memref<!tpu.dma_semaphore, #tpu.memory_space<semaphore_mem>>, %arg36: memref<!tpu.dma_semaphore, #tpu.memory_space<semaphore_mem>>, %arg37: memref<!tpu.dma_semaphore, #tpu.memory_space<semaphore_mem>>) attributes {dimension_semantics = [#tpu.dimension_semantics<core_parallel>, #tpu.dimension_semantics<subcore_parallel>], iteration_bounds = array<i64: 1, 16>, scalar_prefetch = 0 : i64, scratch_operands = 30 : i64, tpu.core_type = #tpu.core_type<sc_vector_subcore>, window_params = [{transform_indices = #map}, {transform_indices = #map}, {transform_indices = #map}, {transform_indices = #map}, {transform_indices = #map}, {transform_indices = #map}]} {
    %mul3A = arith.constant 2560 : i32
    %mul3A_0 = arith.muli %arg1, %mul3A : i32
    %iota3A = tpu.iota {dimensions = array<i32: 0>} : vector<16xi32>
    %scan3A = arith.constant 0 : i32
    %scan3A_1 = arith.constant 125 : i32
    %scan3A_2 = arith.addi %scan3A, %scan3A_1 : i32
    %scan3A_3 = arith.constant 1 : i32
    scf.for %scan3A_868 = %scan3A to %scan3A_2 step %scan3A_3  : i32 {
      %broadcast_in_dim3A = arith.constant 1.000000e+00 : f32
      %broadcast_in_dim3A_869 = vector.broadcast %broadcast_in_dim3A : f32 to vector<16xf32>
      %mul3A_870 = arith.constant 16 : i32
      %mul3A_871 = arith.muli %scan3A_868, %mul3A_870 : i32
      %swap3A = arith.index_cast %mul3A_871 : i32 to index
      %swap3A_872 = tpu.vector_load %arg24[%swap3A] {strides = array<i32>} : memref<2000xf32, #tpu.memory_space<vmem>>, vector<16xf32>,
      tpu.vector_store %arg24[%swap3A], %broadcast_in_dim3A_869 {strides = array<i32>} : memref<2000xf32, #tpu.memory_space<vmem>>, vector<16xf32>,
    }
    %scan3A_4 = arith.constant 125 : i32
    %scan3A_5 = arith.constant 0 : i32
    %scan3A_6 = arith.constant 160 : i32
    %scan3A_7 = arith.addi %scan3A_5, %scan3A_6 : i32
    %scan3A_8 = arith.constant 1 : i32
    scf.for %scan3A_868 = %scan3A_5 to %scan3A_7 step %scan3A_8  : i32 {
      %broadcast_in_dim3A = arith.constant 0.000000e+00 : f32
      %broadcast_in_dim3A_869 = vector.broadcast %broadcast_in_dim3A : f32 to vector<16xf32>
      %mul3A_870 = arith.constant 16 : i32
      %mul3A_871 = arith.muli %scan3A_868, %mul3A_870 : i32
      %swap3A = arith.index_cast %mul3A_871 : i32 to index
      %swap3A_872 = tpu.vector_load %arg25[%swap3A] {strides = array<i32>} : memref<2560xf32, #tpu.memory_space<vmem>>, vector<16xf32>,
      tpu.vector_store %arg25[%swap3A], %broadcast_in_dim3A_869 {strides = array<i32>} : memref<2560xf32, #tpu.memory_space<vmem>>, vector<16xf32>,
    }
    %scan3A_9 = arith.constant 160 : i32
    "tpu.region"() ({
      %run_scoped3A = tpu.sem_alloc : memref<!tpu.dma_semaphore, #tpu.memory_space<semaphore_mem>>
      tpu.enqueue_dma source(%arg5 : memref<64xf32, #tpu.memory_space<hbm>>) target(%arg30 : memref<64xf32, #tpu.memory_space<vmem>>) target_semaphore(%run_scoped3A : memref<!tpu.dma_semaphore, #tpu.memory_space<semaphore_mem>>)
      tpu.wait_dma2 semaphore(%run_scoped3A : memref<!tpu.dma_semaphore, #tpu.memory_space<semaphore_mem>>) src(%arg5 : memref<64xf32, #tpu.memory_space<hbm>>) dst(%arg30 : memref<64xf32, #tpu.memory_space<vmem>>)
      tpu.yield
    }) : () -> ()
    %mul3A_10 = arith.constant 640 : i32
    %mul3A_11 = arith.muli %arg1, %mul3A_10 : i32
    "tpu.region"() ({
      %run_scoped3A = tpu.sem_alloc : memref<!tpu.dma_semaphore, #tpu.memory_space<semaphore_mem>>
      %dma_start3A_868 = arith.constant 0 : i32
      %dma_start3A_869 = tpu.memref_slice %arg25[%dma_start3A_868] : memref<2560xf32, #tpu.memory_space<vmem>> -> memref<640xf32, #tpu.memory_space<vmem>>
      %dma_start3A_870 = tpu.memref_slice %arg10[%mul3A_11] : memref<10240xf32, #tpu.memory_space<vmem_shared>> -> memref<640xf32, #tpu.memory_space<vmem_shared>>
      %dma_start3A_871 = tpu.memref_slice %arg10[%mul3A_11] : memref<10240xf32, #tpu.memory_space<vmem_shared>> -> memref<640xf32, #tpu.memory_space<vmem_shared>>
      %dma_start3A_872 = arith.constant 0 : i32
      %dma_start3A_873 = tpu.memref_slice %arg25[%dma_start3A_872] : memref<2560xf32, #tpu.memory_space<vmem>> -> memref<640xf32, #tpu.memory_space<vmem>>
      tpu.enqueue_dma source(%dma_start3A_873 : memref<640xf32, #tpu.memory_space<vmem>>) target(%dma_start3A_871 : memref<640xf32, #tpu.memory_space<vmem_shared>>) target_semaphore(%run_scoped3A : memref<!tpu.dma_semaphore, #tpu.memory_space<semaphore_mem>>)
      %dma_wait3A_874 = arith.constant 0 : i32
      %dma_wait3A_875 = tpu.memref_slice %arg25[%dma_wait3A_874] : memref<2560xf32, #tpu.memory_space<vmem>> -> memref<640xf32, #tpu.memory_space<vmem>>
      %dma_wait3A_876 = tpu.memref_slice %arg10[%mul3A_11] : memref<10240xf32, #tpu.memory_space<vmem_shared>> -> memref<640xf32, #tpu.memory_space<vmem_shared>>
      %dma_wait3A_877 = tpu.memref_slice %arg10[%mul3A_11] : memref<10240xf32, #tpu.memory_space<vmem_shared>> -> memref<640xf32, #tpu.memory_space<vmem_shared>>
      %dma_wait3A_878 = arith.constant 0 : i32
      %dma_wait3A_879 = tpu.memref_slice %arg25[%dma_wait3A_878] : memref<2560xf32, #tpu.memory_space<vmem>> -> memref<640xf32, #tpu.memory_space<vmem>>
      tpu.wait_dma2 semaphore(%run_scoped3A : memref<!tpu.dma_semaphore, #tpu.memory_space<semaphore_mem>>) src(%dma_wait3A_879 : memref<640xf32, #tpu.memory_space<vmem>>) dst(%dma_wait3A_877 : memref<640xf32, #tpu.memory_space<vmem_shared>>)
      tpu.yield
    }) : () -> ()
    "tpu.region"() ({
      %run_scoped3A = tpu.sem_alloc : memref<!tpu.dma_semaphore, #tpu.memory_space<semaphore_mem>>
      %dma_start3A_868 = tpu.memref_slice %arg9[%mul3A_0] : memref<40960xf32, #tpu.memory_space<vmem_shared>> -> memref<2560xf32, #tpu.memory_space<vmem_shared>>
      %dma_start3A_869 = tpu.memref_slice %arg9[%mul3A_0] : memref<40960xf32, #tpu.memory_space<vmem_shared>> -> memref<2560xf32, #tpu.memory_space<vmem_shared>>
      tpu.enqueue_dma source(%arg25 : memref<2560xf32, #tpu.memory_space<vmem>>) target(%dma_start3A_869 : memref<2560xf32, #tpu.memory_space<vmem_shared>>) target_semaphore(%run_scoped3A : memref<!tpu.dma_semaphore, #tpu.memory_space<semaphore_mem>>)
      %dma_wait3A_870 = tpu.memref_slice %arg9[%mul3A_0] : memref<40960xf32, #tpu.memory_space<vmem_shared>> -> memref<2560xf32, #tpu.memory_space<vmem_shared>>
      %dma_wait3A_871 = tpu.memref_slice %arg9[%mul3A_0] : memref<40960xf32, #tpu.memory_space<vmem_shared>> -> memref<2560xf32, #tpu.memory_space<vmem_shared>>
      tpu.wait_dma2 semaphore(%run_scoped3A : memref<!tpu.dma_semaphore, #tpu.memory_space<semaphore_mem>>) src(%arg25 : memref<2560xf32, #tpu.memory_space<vmem>>) dst(%dma_wait3A_871 : memref<2560xf32, #tpu.memory_space<vmem_shared>>)
      tpu.yield
    }) : () -> ()
    %barrier3A = arith.constant 0 : index
    tpu.barrier barrier_id(%barrier3A)
    %mul3A_12 = arith.constant 20000 : i32
    %mul3A_13 = arith.muli %arg1, %mul3A_12 : i32
    %add3A = arith.constant 0 : i32
    %add3A_14 = arith.addi %mul3A_13, %add3A : i32
    "tpu.region"() ({
      %run_scoped3A = tpu.sem_alloc : memref<!tpu.dma_semaphore, #tpu.memory_space<semaphore_mem>>
      %dma_start3A_868 = tpu.memref_slice %arg2[%add3A_14] : memref<320000xi32, #tpu.memory_space<hbm>> -> memref<2000xi32, #tpu.memory_space<hbm>>
      %dma_start3A_869 = tpu.memref_slice %arg2[%add3A_14] : memref<320000xi32, #tpu.memory_space<hbm>> -> memref<2000xi32, #tpu.memory_space<hbm>>
      tpu.enqueue_dma source(%dma_start3A_869 : memref<2000xi32, #tpu.memory_space<hbm>>) target(%arg20 : memref<2000xi32, #tpu.memory_space<vmem>>) target_semaphore(%run_scoped3A : memref<!tpu.dma_semaphore, #tpu.memory_space<semaphore_mem>>)
      %dma_wait3A_870 = tpu.memref_slice %arg2[%add3A_14] : memref<320000xi32, #tpu.memory_space<hbm>> -> memref<2000xi32, #tpu.memory_space<hbm>>
      %dma_wait3A_871 = tpu.memref_slice %arg2[%add3A_14] : memref<320000xi32, #tpu.memory_space<hbm>> -> memref<2000xi32, #tpu.memory_space<hbm>>
      tpu.wait_dma2 semaphore(%run_scoped3A : memref<!tpu.dma_semaphore, #tpu.memory_space<semaphore_mem>>) src(%dma_wait3A_871 : memref<2000xi32, #tpu.memory_space<hbm>>) dst(%arg20 : memref<2000xi32, #tpu.memory_space<vmem>>)
      tpu.yield
    }) : () -> ()
    "tpu.region"() ({
      %run_scoped3A = tpu.sem_alloc : memref<!tpu.dma_semaphore, #tpu.memory_space<semaphore_mem>>
      %dma_start3A_868 = arith.constant 0 : i32
      %dma_start3A_869 = tpu.memref_slice %arg10[%dma_start3A_868] : memref<10240xf32, #tpu.memory_space<vmem_shared>> -> memref<10240xf32, #tpu.memory_space<vmem_shared>>
      tpu.enqueue_indirect_dma source(%arg24 : memref<2000xf32, #tpu.memory_space<vmem>>) target(%dma_start3A_869 : memref<10240xf32, #tpu.memory_space<vmem_shared>>) offsets(%arg20 : memref<2000xi32, #tpu.memory_space<vmem>>) semaphore(%run_scoped3A : memref<!tpu.dma_semaphore, #tpu.memory_space<semaphore_mem>>) {add = true}
      %dma_wait3A_870 = arith.constant 0 : i32
      %dma_wait3A_871 = tpu.memref_slice %arg10[%dma_wait3A_870] : memref<10240xf32, #tpu.memory_space<vmem_shared>> -> memref<10240xf32, #tpu.memory_space<vmem_shared>>
      tpu.wait_indirect_dma semaphore(%run_scoped3A : memref<!tpu.dma_semaphore, #tpu.memory_space<semaphore_mem>>) src(%arg24 : memref<2000xf32, #tpu.memory_space<vmem>>) dst(%dma_wait3A_871 : memref<10240xf32, #tpu.memory_space<vmem_shared>>)
      tpu.yield
    }) : () -> ()
    %mul3A_15 = arith.constant 20000 : i32
    %mul3A_16 = arith.muli %arg1, %mul3A_15 : i32
    %add3A_17 = arith.constant 2000 : i32
    %add3A_18 = arith.addi %mul3A_16, %add3A_17 : i32
    "tpu.region"() ({
      %run_scoped3A = tpu.sem_alloc : memref<!tpu.dma_semaphore, #tpu.memory_space<semaphore_mem>>
      %dma_start3A_868 = tpu.memref_slice %arg2[%add3A_18] : memref<320000xi32, #tpu.memory_space<hbm>> -> memref<2000xi32, #tpu.memory_space<hbm>>
      %dma_start3A_869 = tpu.memref_slice %arg2[%add3A_18] : memref<320000xi32, #tpu.memory_space<hbm>> -> memref<2000xi32, #tpu.memory_space<hbm>>
      tpu.enqueue_dma source(%dma_start3A_869 : memref<2000xi32, #tpu.memory_space<hbm>>) target(%arg20 : memref<2000xi32, #tpu.memory_space<vmem>>) target_semaphore(%run_scoped3A : memref<!tpu.dma_semaphore, #tpu.memory_space<semaphore_mem>>)
      %dma_wait3A_870 = tpu.memref_slice %arg2[%add3A_18] : memref<320000xi32, #tpu.memory_space<hbm>> -> memref<2000xi32, #tpu.memory_space<hbm>>
      %dma_wait3A_871 = tpu.memref_slice %arg2[%add3A_18] : memref<320000xi32, #tpu.memory_space<hbm>> -> memref<2000xi32, #tpu.memory_space<hbm>>
      tpu.wait_dma2 semaphore(%run_scoped3A : memref<!tpu.dma_semaphore, #tpu.memory_space<semaphore_mem>>) src(%dma_wait3A_871 : memref<2000xi32, #tpu.memory_space<hbm>>) dst(%arg20 : memref<2000xi32, #tpu.memory_space<vmem>>)
      tpu.yield
    }) : () -> ()
    "tpu.region"() ({
      %run_scoped3A = tpu.sem_alloc : memref<!tpu.dma_semaphore, #tpu.memory_space<semaphore_mem>>
      %dma_start3A_868 = arith.constant 0 : i32
      %dma_start3A_869 = tpu.memref_slice %arg10[%dma_start3A_868] : memref<10240xf32, #tpu.memory_space<vmem_shared>> -> memref<10240xf32, #tpu.memory_space<vmem_shared>>
      tpu.enqueue_indirect_dma source(%arg24 : memref<2000xf32, #tpu.memory_space<vmem>>) target(%dma_start3A_869 : memref<10240xf32, #tpu.memory_space<vmem_shared>>) offsets(%arg20 : memref<2000xi32, #tpu.memory_space<vmem>>) semaphore(%run_scoped3A : memref<!tpu.dma_semaphore, #tpu.memory_space<semaphore_mem>>) {add = true}
      %dma_wait3A_870 = arith.constant 0 : i32
      %dma_wait3A_871 = tpu.memref_slice %arg10[%dma_wait3A_870] : memref<10240xf32, #tpu.memory_space<vmem_shared>> -> memref<10240xf32, #tpu.memory_space<vmem_shared>>
      tpu.wait_indirect_dma semaphore(%run_scoped3A : memref<!tpu.dma_semaphore, #tpu.memory_space<semaphore_mem>>) src(%arg24 : memref<2000xf32, #tpu.memory_space<vmem>>) dst(%dma_wait3A_871 : memref<10240xf32, #tpu.memory_space<vmem_shared>>)
      tpu.yield
    }) : () -> ()
    %mul3A_19 = arith.constant 20000 : i32
    %mul3A_20 = arith.muli %arg1, %mul3A_19 : i32
    %add3A_21 = arith.constant 4000 : i32
    %add3A_22 = arith.addi %mul3A_20, %add3A_21 : i32
    "tpu.region"() ({
      %run_scoped3A = tpu.sem_alloc : memref<!tpu.dma_semaphore, #tpu.memory_space<semaphore_mem>>
      %dma_start3A_868 = tpu.memref_slice %arg2[%add3A_22] : memref<320000xi32, #tpu.memory_space<hbm>> -> memref<2000xi32, #tpu.memory_space<hbm>>
      %dma_start3A_869 = tpu.memref_slice %arg2[%add3A_22] : memref<320000xi32, #tpu.memory_space<hbm>> -> memref<2000xi32, #tpu.memory_space<hbm>>
      tpu.enqueue_dma source(%dma_start3A_869 : memref<2000xi32, #tpu.memory_space<hbm>>) target(%arg20 : memref<2000xi32, #tpu.memory_space<vmem>>) target_semaphore(%run_scoped3A : memref<!tpu.dma_semaphore, #tpu.memory_space<semaphore_mem>>)
      %dma_wait3A_870 = tpu.memref_slice %arg2[%add3A_22] : memref<320000xi32, #tpu.memory_space<hbm>> -> memref<2000xi32, #tpu.memory_space<hbm>>
      %dma_wait3A_871 = tpu.memref_slice %arg2[%add3A_22] : memref<320000xi32, #tpu.memory_space<hbm>> -> memref<2000xi32, #tpu.memory_space<hbm>>
      tpu.wait_dma2 semaphore(%run_scoped3A : memref<!tpu.dma_semaphore, #tpu.memory_space<semaphore_mem>>) src(%dma_wait3A_871 : memref<2000xi32, #tpu.memory_space<hbm>>) dst(%arg20 : memref<2000xi32, #tpu.memory_space<vmem>>)
      tpu.yield
    }) : () -> ()
    "tpu.region"() ({
      %run_scoped3A = tpu.sem_alloc : memref<!tpu.dma_semaphore, #tpu.memory_space<semaphore_mem>>
      %dma_start3A_868 = arith.constant 0 : i32
      %dma_start3A_869 = tpu.memref_slice %arg10[%dma_start3A_868] : memref<10240xf32, #tpu.memory_space<vmem_shared>> -> memref<10240xf32, #tpu.memory_space<vmem_shared>>
      tpu.enqueue_indirect_dma source(%arg24 : memref<2000xf32, #tpu.memory_space<vmem>>) target(%dma_start3A_869 : memref<10240xf32, #tpu.memory_space<vmem_shared>>) offsets(%arg20 : memref<2000xi32, #tpu.memory_space<vmem>>) semaphore(%run_scoped3A : memref<!tpu.dma_semaphore, #tpu.memory_space<semaphore_mem>>) {add = true}
      %dma_wait3A_870 = arith.constant 0 : i32
      %dma_wait3A_871 = tpu.memref_slice %arg10[%dma_wait3A_870] : memref<10240xf32, #tpu.memory_space<vmem_shared>> -> memref<10240xf32, #tpu.memory_space<vmem_shared>>
      tpu.wait_indirect_dma semaphore(%run_scoped3A : memref<!tpu.dma_semaphore, #tpu.memory_space<semaphore_mem>>) src(%arg24 : memref<2000xf32, #tpu.memory_space<vmem>>) dst(%dma_wait3A_871 : memref<10240xf32, #tpu.memory_space<vmem_shared>>)
      tpu.yield
    }) : () -> ()
    %mul3A_23 = arith.constant 20000 : i32
    %mul3A_24 = arith.muli %arg1, %mul3A_23 : i32
    %add3A_25 = arith.constant 6000 : i32
    %add3A_26 = arith.addi %mul3A_24, %add3A_25 : i32
    "tpu.region"() ({
      %run_scoped3A = tpu.sem_alloc : memref<!tpu.dma_semaphore, #tpu.memory_space<semaphore_mem>>
      %dma_start3A_868 = tpu.memref_slice %arg2[%add3A_26] : memref<320000xi32, #tpu.memory_space<hbm>> -> memref<2000xi32, #tpu.memory_space<hbm>>
      %dma_start3A_869 = tpu.memref_slice %arg2[%add3A_26] : memref<320000xi32, #tpu.memory_space<hbm>> -> memref<2000xi32, #tpu.memory_space<hbm>>
      tpu.enqueue_dma source(%dma_start3A_869 : memref<2000xi32, #tpu.memory_space<hbm>>) target(%arg20 : memref<2000xi32, #tpu.memory_space<vmem>>) target_semaphore(%run_scoped3A : memref<!tpu.dma_semaphore, #tpu.memory_space<semaphore_mem>>)
      %dma_wait3A_870 = tpu.memref_slice %arg2[%add3A_26] : memref<320000xi32, #tpu.memory_space<hbm>> -> memref<2000xi32, #tpu.memory_space<hbm>>
      %dma_wait3A_871 = tpu.memref_slice %arg2[%add3A_26] : memref<320000xi32, #tpu.memory_space<hbm>> -> memref<2000xi32, #tpu.memory_space<hbm>>
      tpu.wait_dma2 semaphore(%run_scoped3A : memref<!tpu.dma_semaphore, #tpu.memory_space<semaphore_mem>>) src(%dma_wait3A_871 : memref<2000xi32, #tpu.memory_space<hbm>>) dst(%arg20 : memref<2000xi32, #tpu.memory_space<vmem>>)
      tpu.yield
    }) : () -> ()
    "tpu.region"() ({
      %run_scoped3A = tpu.sem_alloc : memref<!tpu.dma_semaphore, #tpu.memory_space<semaphore_mem>>
      %dma_start3A_868 = arith.constant 0 : i32
      %dma_start3A_869 = tpu.memref_slice %arg10[%dma_start3A_868] : memref<10240xf32, #tpu.memory_space<vmem_shared>> -> memref<10240xf32, #tpu.memory_space<vmem_shared>>
      tpu.enqueue_indirect_dma source(%arg24 : memref<2000xf32, #tpu.memory_space<vmem>>) target(%dma_start3A_869 : memref<10240xf32, #tpu.memory_space<vmem_shared>>) offsets(%arg20 : memref<2000xi32, #tpu.memory_space<vmem>>) semaphore(%run_scoped3A : memref<!tpu.dma_semaphore, #tpu.memory_space<semaphore_mem>>) {add = true}
      %dma_wait3A_870 = arith.constant 0 : i32
      %dma_wait3A_871 = tpu.memref_slice %arg10[%dma_wait3A_870] : memref<10240xf32, #tpu.memory_space<vmem_shared>> -> memref<10240xf32, #tpu.memory_space<vmem_shared>>
      tpu.wait_indirect_dma semaphore(%run_scoped3A : memref<!tpu.dma_semaphore, #tpu.memory_space<semaphore_mem>>) src(%arg24 : memref<2000xf32, #tpu.memory_space<vmem>>) dst(%dma_wait3A_871 : memref<10240xf32, #tpu.memory_space<vmem_shared>>)
      tpu.yield
    }) : () -> ()
    %mul3A_27 = arith.constant 20000 : i32
    %mul3A_28 = arith.muli %arg1, %mul3A_27 : i32
    %add3A_29 = arith.constant 8000 : i32
    %add3A_30 = arith.addi %mul3A_28, %add3A_29 : i32
    "tpu.region"() ({
      %run_scoped3A = tpu.sem_alloc : memref<!tpu.dma_semaphore, #tpu.memory_space<semaphore_mem>>
      %dma_start3A_868 = tpu.memref_slice %arg2[%add3A_30] : memref<320000xi32, #tpu.memory_space<hbm>> -> memref<2000xi32, #tpu.memory_space<hbm>>
      %dma_start3A_869 = tpu.memref_slice %arg2[%add3A_30] : memref<320000xi32, #tpu.memory_space<hbm>> -> memref<2000xi32, #tpu.memory_space<hbm>>
      tpu.enqueue_dma source(%dma_start3A_869 : memref<2000xi32, #tpu.memory_space<hbm>>) target(%arg20 : memref<2000xi32, #tpu.memory_space<vmem>>) target_semaphore(%run_scoped3A : memref<!tpu.dma_semaphore, #tpu.memory_space<semaphore_mem>>)
      %dma_wait3A_870 = tpu.memref_slice %arg2[%add3A_30] : memref<320000xi32, #tpu.memory_space<hbm>> -> memref<2000xi32, #tpu.memory_space<hbm>>
      %dma_wait3A_871 = tpu.memref_slice %arg2[%add3A_30] : memref<320000xi32, #tpu.memory_space<hbm>> -> memref<2000xi32, #tpu.memory_space<hbm>>
      tpu.wait_dma2 semaphore(%run_scoped3A : memref<!tpu.dma_semaphore, #tpu.memory_space<semaphore_mem>>) src(%dma_wait3A_871 : memref<2000xi32, #tpu.memory_space<hbm>>) dst(%arg20 : memref<2000xi32, #tpu.memory_space<vmem>>)
      tpu.yield
    }) : () -> ()
    "tpu.region"() ({
      %run_scoped3A = tpu.sem_alloc : memref<!tpu.dma_semaphore, #tpu.memory_space<semaphore_mem>>
      %dma_start3A_868 = arith.constant 0 : i32
      %dma_start3A_869 = tpu.memref_slice %arg10[%dma_start3A_868] : memref<10240xf32, #tpu.memory_space<vmem_shared>> -> memref<10240xf32, #tpu.memory_space<vmem_shared>>
      tpu.enqueue_indirect_dma source(%arg24 : memref<2000xf32, #tpu.memory_space<vmem>>) target(%dma_start3A_869 : memref<10240xf32, #tpu.memory_space<vmem_shared>>) offsets(%arg20 : memref<2000xi32, #tpu.memory_space<vmem>>) semaphore(%run_scoped3A : memref<!tpu.dma_semaphore, #tpu.memory_space<semaphore_mem>>) {add = true}
      %dma_wait3A_870 = arith.constant 0 : i32
      %dma_wait3A_871 = tpu.memref_slice %arg10[%dma_wait3A_870] : memref<10240xf32, #tpu.memory_space<vmem_shared>> -> memref<10240xf32, #tpu.memory_space<vmem_shared>>
      tpu.wait_indirect_dma semaphore(%run_scoped3A : memref<!tpu.dma_semaphore, #tpu.memory_space<semaphore_mem>>) src(%arg24 : memref<2000xf32, #tpu.memory_space<vmem>>) dst(%dma_wait3A_871 : memref<10240xf32, #tpu.memory_space<vmem_shared>>)
      tpu.yield
    }) : () -> ()
    %mul3A_31 = arith.constant 20000 : i32
    %mul3A_32 = arith.muli %arg1, %mul3A_31 : i32
    %add3A_33 = arith.constant 10000 : i32
    %add3A_34 = arith.addi %mul3A_32, %add3A_33 : i32
    "tpu.region"() ({
      %run_scoped3A = tpu.sem_alloc : memref<!tpu.dma_semaphore, #tpu.memory_space<semaphore_mem>>
      %dma_start3A_868 = tpu.memref_slice %arg2[%add3A_34] : memref<320000xi32, #tpu.memory_space<hbm>> -> memref<2000xi32, #tpu.memory_space<hbm>>
      %dma_start3A_869 = tpu.memref_slice %arg2[%add3A_34] : memref<320000xi32, #tpu.memory_space<hbm>> -> memref<2000xi32, #tpu.memory_space<hbm>>
      tpu.enqueue_dma source(%dma_start3A_869 : memref<2000xi32, #tpu.memory_space<hbm>>) target(%arg20 : memref<2000xi32, #tpu.memory_space<vmem>>) target_semaphore(%run_scoped3A : memref<!tpu.dma_semaphore, #tpu.memory_space<semaphore_mem>>)
      %dma_wait3A_870 = tpu.memref_slice %arg2[%add3A_34] : memref<320000xi32, #tpu.memory_space<hbm>> -> memref<2000xi32, #tpu.memory_space<hbm>>
      %dma_wait3A_871 = tpu.memref_slice %arg2[%add3A_34] : memref<320000xi32, #tpu.memory_space<hbm>> -> memref<2000xi32, #tpu.memory_space<hbm>>
      tpu.wait_dma2 semaphore(%run_scoped3A : memref<!tpu.dma_semaphore, #tpu.memory_space<semaphore_mem>>) src(%dma_wait3A_871 : memref<2000xi32, #tpu.memory_space<hbm>>) dst(%arg20 : memref<2000xi32, #tpu.memory_space<vmem>>)
      tpu.yield
    }) : () -> ()
    "tpu.region"() ({
      %run_scoped3A = tpu.sem_alloc : memref<!tpu.dma_semaphore, #tpu.memory_space<semaphore_mem>>
      %dma_start3A_868 = arith.constant 0 : i32
      %dma_start3A_869 = tpu.memref_slice %arg10[%dma_start3A_868] : memref<10240xf32, #tpu.memory_space<vmem_shared>> -> memref<10240xf32, #tpu.memory_space<vmem_shared>>
      tpu.enqueue_indirect_dma source(%arg24 : memref<2000xf32, #tpu.memory_space<vmem>>) target(%dma_start3A_869 : memref<10240xf32, #tpu.memory_space<vmem_shared>>) offsets(%arg20 : memref<2000xi32, #tpu.memory_space<vmem>>) semaphore(%run_scoped3A : memref<!tpu.dma_semaphore, #tpu.memory_space<semaphore_mem>>) {add = true}
      %dma_wait3A_870 = arith.constant 0 : i32
      %dma_wait3A_871 = tpu.memref_slice %arg10[%dma_wait3A_870] : memref<10240xf32, #tpu.memory_space<vmem_shared>> -> memref<10240xf32, #tpu.memory_space<vmem_shared>>
      tpu.wait_indirect_dma semaphore(%run_scoped3A : memref<!tpu.dma_semaphore, #tpu.memory_space<semaphore_mem>>) src(%arg24 : memref<2000xf32, #tpu.memory_space<vmem>>) dst(%dma_wait3A_871 : memref<10240xf32, #tpu.memory_space<vmem_shared>>)
      tpu.yield
    }) : () -> ()
    %mul3A_35 = arith.constant 20000 : i32
    %mul3A_36 = arith.muli %arg1, %mul3A_35 : i32
    %add3A_37 = arith.constant 12000 : i32
    %add3A_38 = arith.addi %mul3A_36, %add3A_37 : i32
    "tpu.region"() ({
      %run_scoped3A = tpu.sem_alloc : memref<!tpu.dma_semaphore, #tpu.memory_space<semaphore_mem>>
      %dma_start3A_868 = tpu.memref_slice %arg2[%add3A_38] : memref<320000xi32, #tpu.memory_space<hbm>> -> memref<2000xi32, #tpu.memory_space<hbm>>
      %dma_start3A_869 = tpu.memref_slice %arg2[%add3A_38] : memref<320000xi32, #tpu.memory_space<hbm>> -> memref<2000xi32, #tpu.memory_space<hbm>>
      tpu.enqueue_dma source(%dma_start3A_869 : memref<2000xi32, #tpu.memory_space<hbm>>) target(%arg20 : memref<2000xi32, #tpu.memory_space<vmem>>) target_semaphore(%run_scoped3A : memref<!tpu.dma_semaphore, #tpu.memory_space<semaphore_mem>>)
      %dma_wait3A_870 = tpu.memref_slice %arg2[%add3A_38] : memref<320000xi32, #tpu.memory_space<hbm>> -> memref<2000xi32, #tpu.memory_space<hbm>>
      %dma_wait3A_871 = tpu.memref_slice %arg2[%add3A_38] : memref<320000xi32, #tpu.memory_space<hbm>> -> memref<2000xi32, #tpu.memory_space<hbm>>
      tpu.wait_dma2 semaphore(%run_scoped3A : memref<!tpu.dma_semaphore, #tpu.memory_space<semaphore_mem>>) src(%dma_wait3A_871 : memref<2000xi32, #tpu.memory_space<hbm>>) dst(%arg20 : memref<2000xi32, #tpu.memory_space<vmem>>)
      tpu.yield
    }) : () -> ()
    "tpu.region"() ({
      %run_scoped3A = tpu.sem_alloc : memref<!tpu.dma_semaphore, #tpu.memory_space<semaphore_mem>>
      %dma_start3A_868 = arith.constant 0 : i32
      %dma_start3A_869 = tpu.memref_slice %arg10[%dma_start3A_868] : memref<10240xf32, #tpu.memory_space<vmem_shared>> -> memref<10240xf32, #tpu.memory_space<vmem_shared>>
      tpu.enqueue_indirect_dma source(%arg24 : memref<2000xf32, #tpu.memory_space<vmem>>) target(%dma_start3A_869 : memref<10240xf32, #tpu.memory_space<vmem_shared>>) offsets(%arg20 : memref<2000xi32, #tpu.memory_space<vmem>>) semaphore(%run_scoped3A : memref<!tpu.dma_semaphore, #tpu.memory_space<semaphore_mem>>) {add = true}
      %dma_wait3A_870 = arith.constant 0 : i32
      %dma_wait3A_871 = tpu.memref_slice %arg10[%dma_wait3A_870] : memref<10240xf32, #tpu.memory_space<vmem_shared>> -> memref<10240xf32, #tpu.memory_space<vmem_shared>>
      tpu.wait_indirect_dma semaphore(%run_scoped3A : memref<!tpu.dma_semaphore, #tpu.memory_space<semaphore_mem>>) src(%arg24 : memref<2000xf32, #tpu.memory_space<vmem>>) dst(%dma_wait3A_871 : memref<10240xf32, #tpu.memory_space<vmem_shared>>)
      tpu.yield
    }) : () -> ()
    %mul3A_39 = arith.constant 20000 : i32
    %mul3A_40 = arith.muli %arg1, %mul3A_39 : i32
    %add3A_41 = arith.constant 14000 : i32
    %add3A_42 = arith.addi %mul3A_40, %add3A_41 : i32
    "tpu.region"() ({
      %run_scoped3A = tpu.sem_alloc : memref<!tpu.dma_semaphore, #tpu.memory_space<semaphore_mem>>
      %dma_start3A_868 = tpu.memref_slice %arg2[%add3A_42] : memref<320000xi32, #tpu.memory_space<hbm>> -> memref<2000xi32, #tpu.memory_space<hbm>>
      %dma_start3A_869 = tpu.memref_slice %arg2[%add3A_42] : memref<320000xi32, #tpu.memory_space<hbm>> -> memref<2000xi32, #tpu.memory_space<hbm>>
      tpu.enqueue_dma source(%dma_start3A_869 : memref<2000xi32, #tpu.memory_space<hbm>>) target(%arg20 : memref<2000xi32, #tpu.memory_space<vmem>>) target_semaphore(%run_scoped3A : memref<!tpu.dma_semaphore, #tpu.memory_space<semaphore_mem>>)
      %dma_wait3A_870 = tpu.memref_slice %arg2[%add3A_42] : memref<320000xi32, #tpu.memory_space<hbm>> -> memref<2000xi32, #tpu.memory_space<hbm>>
      %dma_wait3A_871 = tpu.memref_slice %arg2[%add3A_42] : memref<320000xi32, #tpu.memory_space<hbm>> -> memref<2000xi32, #tpu.memory_space<hbm>>
      tpu.wait_dma2 semaphore(%run_scoped3A : memref<!tpu.dma_semaphore, #tpu.memory_space<semaphore_mem>>) src(%dma_wait3A_871 : memref<2000xi32, #tpu.memory_space<hbm>>) dst(%arg20 : memref<2000xi32, #tpu.memory_space<vmem>>)
      tpu.yield
    }) : () -> ()
    "tpu.region"() ({
      %run_scoped3A = tpu.sem_alloc : memref<!tpu.dma_semaphore, #tpu.memory_space<semaphore_mem>>
      %dma_start3A_868 = arith.constant 0 : i32
      %dma_start3A_869 = tpu.memref_slice %arg10[%dma_start3A_868] : memref<10240xf32, #tpu.memory_space<vmem_shared>> -> memref<10240xf32, #tpu.memory_space<vmem_shared>>
      tpu.enqueue_indirect_dma source(%arg24 : memref<2000xf32, #tpu.memory_space<vmem>>) target(%dma_start3A_869 : memref<10240xf32, #tpu.memory_space<vmem_shared>>) offsets(%arg20 : memref<2000xi32, #tpu.memory_space<vmem>>) semaphore(%run_scoped3A : memref<!tpu.dma_semaphore, #tpu.memory_space<semaphore_mem>>) {add = true}
      %dma_wait3A_870 = arith.constant 0 : i32
      %dma_wait3A_871 = tpu.memref_slice %arg10[%dma_wait3A_870] : memref<10240xf32, #tpu.memory_space<vmem_shared>> -> memref<10240xf32, #tpu.memory_space<vmem_shared>>
      tpu.wait_indirect_dma semaphore(%run_scoped3A : memref<!tpu.dma_semaphore, #tpu.memory_space<semaphore_mem>>) src(%arg24 : memref<2000xf32, #tpu.memory_space<vmem>>) dst(%dma_wait3A_871 : memref<10240xf32, #tpu.memory_space<vmem_shared>>)
      tpu.yield
    }) : () -> ()
    %mul3A_43 = arith.constant 20000 : i32
    %mul3A_44 = arith.muli %arg1, %mul3A_43 : i32
    %add3A_45 = arith.constant 16000 : i32
    %add3A_46 = arith.addi %mul3A_44, %add3A_45 : i32
    "tpu.region"() ({
      %run_scoped3A = tpu.sem_alloc : memref<!tpu.dma_semaphore, #tpu.memory_space<semaphore_mem>>
      %dma_start3A_868 = tpu.memref_slice %arg2[%add3A_46] : memref<320000xi32, #tpu.memory_space<hbm>> -> memref<2000xi32, #tpu.memory_space<hbm>>
      %dma_start3A_869 = tpu.memref_slice %arg2[%add3A_46] : memref<320000xi32, #tpu.memory_space<hbm>> -> memref<2000xi32, #tpu.memory_space<hbm>>
      tpu.enqueue_dma source(%dma_start3A_869 : memref<2000xi32, #tpu.memory_space<hbm>>) target(%arg20 : memref<2000xi32, #tpu.memory_space<vmem>>) target_semaphore(%run_scoped3A : memref<!tpu.dma_semaphore, #tpu.memory_space<semaphore_mem>>)
      %dma_wait3A_870 = tpu.memref_slice %arg2[%add3A_46] : memref<320000xi32, #tpu.memory_space<hbm>> -> memref<2000xi32, #tpu.memory_space<hbm>>
      %dma_wait3A_871 = tpu.memref_slice %arg2[%add3A_46] : memref<320000xi32, #tpu.memory_space<hbm>> -> memref<2000xi32, #tpu.memory_space<hbm>>
      tpu.wait_dma2 semaphore(%run_scoped3A : memref<!tpu.dma_semaphore, #tpu.memory_space<semaphore_mem>>) src(%dma_wait3A_871 : memref<2000xi32, #tpu.memory_space<hbm>>) dst(%arg20 : memref<2000xi32, #tpu.memory_space<vmem>>)
      tpu.yield
    }) : () -> ()
    "tpu.region"() ({
      %run_scoped3A = tpu.sem_alloc : memref<!tpu.dma_semaphore, #tpu.memory_space<semaphore_mem>>
      %dma_start3A_868 = arith.constant 0 : i32
      %dma_start3A_869 = tpu.memref_slice %arg10[%dma_start3A_868] : memref<10240xf32, #tpu.memory_space<vmem_shared>> -> memref<10240xf32, #tpu.memory_space<vmem_shared>>
      tpu.enqueue_indirect_dma source(%arg24 : memref<2000xf32, #tpu.memory_space<vmem>>) target(%dma_start3A_869 : memref<10240xf32, #tpu.memory_space<vmem_shared>>) offsets(%arg20 : memref<2000xi32, #tpu.memory_space<vmem>>) semaphore(%run_scoped3A : memref<!tpu.dma_semaphore, #tpu.memory_space<semaphore_mem>>) {add = true}
      %dma_wait3A_870 = arith.constant 0 : i32
      %dma_wait3A_871 = tpu.memref_slice %arg10[%dma_wait3A_870] : memref<10240xf32, #tpu.memory_space<vmem_shared>> -> memref<10240xf32, #tpu.memory_space<vmem_shared>>
      tpu.wait_indirect_dma semaphore(%run_scoped3A : memref<!tpu.dma_semaphore, #tpu.memory_space<semaphore_mem>>) src(%arg24 : memref<2000xf32, #tpu.memory_space<vmem>>) dst(%dma_wait3A_871 : memref<10240xf32, #tpu.memory_space<vmem_shared>>)
      tpu.yield
    }) : () -> ()
    %mul3A_47 = arith.constant 20000 : i32
    %mul3A_48 = arith.muli %arg1, %mul3A_47 : i32
    %add3A_49 = arith.constant 18000 : i32
    %add3A_50 = arith.addi %mul3A_48, %add3A_49 : i32
    "tpu.region"() ({
      %run_scoped3A = tpu.sem_alloc : memref<!tpu.dma_semaphore, #tpu.memory_space<semaphore_mem>>
      %dma_start3A_868 = tpu.memref_slice %arg2[%add3A_50] : memref<320000xi32, #tpu.memory_space<hbm>> -> memref<2000xi32, #tpu.memory_space<hbm>>
      %dma_start3A_869 = tpu.memref_slice %arg2[%add3A_50] : memref<320000xi32, #tpu.memory_space<hbm>> -> memref<2000xi32, #tpu.memory_space<hbm>>
      tpu.enqueue_dma source(%dma_start3A_869 : memref<2000xi32, #tpu.memory_space<hbm>>) target(%arg20 : memref<2000xi32, #tpu.memory_space<vmem>>) target_semaphore(%run_scoped3A : memref<!tpu.dma_semaphore, #tpu.memory_space<semaphore_mem>>)
      %dma_wait3A_870 = tpu.memref_slice %arg2[%add3A_50] : memref<320000xi32, #tpu.memory_space<hbm>> -> memref<2000xi32, #tpu.memory_space<hbm>>
      %dma_wait3A_871 = tpu.memref_slice %arg2[%add3A_50] : memref<320000xi32, #tpu.memory_space<hbm>> -> memref<2000xi32, #tpu.memory_space<hbm>>
      tpu.wait_dma2 semaphore(%run_scoped3A : memref<!tpu.dma_semaphore, #tpu.memory_space<semaphore_mem>>) src(%dma_wait3A_871 : memref<2000xi32, #tpu.memory_space<hbm>>) dst(%arg20 : memref<2000xi32, #tpu.memory_space<vmem>>)
      tpu.yield
    }) : () -> ()
    "tpu.region"() ({
      %run_scoped3A = tpu.sem_alloc : memref<!tpu.dma_semaphore, #tpu.memory_space<semaphore_mem>>
      %dma_start3A_868 = arith.constant 0 : i32
      %dma_start3A_869 = tpu.memref_slice %arg10[%dma_start3A_868] : memref<10240xf32, #tpu.memory_space<vmem_shared>> -> memref<10240xf32, #tpu.memory_space<vmem_shared>>
      tpu.enqueue_indirect_dma source(%arg24 : memref<2000xf32, #tpu.memory_space<vmem>>) target(%dma_start3A_869 : memref<10240xf32, #tpu.memory_space<vmem_shared>>) offsets(%arg20 : memref<2000xi32, #tpu.memory_space<vmem>>) semaphore(%run_scoped3A : memref<!tpu.dma_semaphore, #tpu.memory_space<semaphore_mem>>) {add = true}
      %dma_wait3A_870 = arith.constant 0 : i32
      %dma_wait3A_871 = tpu.memref_slice %arg10[%dma_wait3A_870] : memref<10240xf32, #tpu.memory_space<vmem_shared>> -> memref<10240xf32, #tpu.memory_space<vmem_shared>>
      tpu.wait_indirect_dma semaphore(%run_scoped3A : memref<!tpu.dma_semaphore, #tpu.memory_space<semaphore_mem>>) src(%arg24 : memref<2000xf32, #tpu.memory_space<vmem>>) dst(%dma_wait3A_871 : memref<10240xf32, #tpu.memory_space<vmem_shared>>)
      tpu.yield
    }) : () -> ()
    %barrier3A_51 = arith.constant 0 : index
    tpu.barrier barrier_id(%barrier3A_51)
    %mul3A_52 = arith.constant 640 : i32
    %mul3A_53 = arith.muli %arg1, %mul3A_52 : i32
    "tpu.region"() ({
      %run_scoped3A = tpu.sem_alloc : memref<!tpu.dma_semaphore, #tpu.memory_space<semaphore_mem>>
      %dma_start3A_868 = tpu.memref_slice %arg10[%mul3A_53] : memref<10240xf32, #tpu.memory_space<vmem_shared>> -> memref<640xf32, #tpu.memory_space<vmem_shared>>
      %dma_start3A_869 = tpu.memref_slice %arg10[%mul3A_53] : memref<10240xf32, #tpu.memory_space<vmem_shared>> -> memref<640xf32, #tpu.memory_space<vmem_shared>>
      tpu.enqueue_dma source(%dma_start3A_869 : memref<640xf32, #tpu.memory_space<vmem_shared>>) target(%arg29 : memref<640xf32, #tpu.memory_space<vmem>>) target_semaphore(%run_scoped3A : memref<!tpu.dma_semaphore, #tpu.memory_space<semaphore_mem>>)
      %dma_wait3A_870 = tpu.memref_slice %arg10[%mul3A_53] : memref<10240xf32, #tpu.memory_space<vmem_shared>> -> memref<640xf32, #tpu.memory_space<vmem_shared>>
      %dma_wait3A_871 = tpu.memref_slice %arg10[%mul3A_53] : memref<10240xf32, #tpu.memory_space<vmem_shared>> -> memref<640xf32, #tpu.memory_space<vmem_shared>>
      tpu.wait_dma2 semaphore(%run_scoped3A : memref<!tpu.dma_semaphore, #tpu.memory_space<semaphore_mem>>) src(%dma_wait3A_871 : memref<640xf32, #tpu.memory_space<vmem_shared>>) dst(%arg29 : memref<640xf32, #tpu.memory_space<vmem>>)
      tpu.yield
    }) : () -> ()
    %scan3A_54 = arith.constant 0 : i32
    %scan3A_55 = arith.constant 40 : i32
    %scan3A_56 = arith.addi %scan3A_54, %scan3A_55 : i32
    %scan3A_57 = arith.constant 1 : i32
    scf.for %scan3A_868 = %scan3A_54 to %scan3A_56 step %scan3A_57  : i32 {
      %mul3A_869 = arith.constant 16 : i32
      %mul3A_870 = arith.muli %scan3A_868, %mul3A_869 : i32
      %get3A = arith.index_cast %mul3A_870 : i32 to index
      %get3A_871 = tpu.vector_load %arg29[%get3A] {strides = array<i32>} : memref<640xf32, #tpu.memory_space<vmem>>, vector<16xf32>,
      %add3A_872 = arith.constant 1.000000e+00 : f32
      %add3A_873 = vector.broadcast %add3A_872 : f32 to vector<16xf32>
      %add3A_874 = arith.addf %get3A_871, %add3A_873 : vector<16xf32>
      %bitcast3A = vector.bitcast %add3A_874 : vector<16xf32> to vector<16xi32>
      %shift_right_arithmetic3A_875 = arith.constant 1 : i32
      %shift_right_arithmetic3A_876 = vector.broadcast %shift_right_arithmetic3A_875 : i32 to vector<16xi32>
      %shift_right_arithmetic3A_877 = arith.shrsi %bitcast3A, %shift_right_arithmetic3A_876 : vector<16xi32>
      %sub3A = arith.constant 1597463007 : i32
      %sub3A_878 = vector.broadcast %sub3A : i32 to vector<16xi32>
      %sub3A_879 = arith.subi %sub3A_878, %shift_right_arithmetic3A_877 : vector<16xi32>
      %bitcast3A_880 = vector.bitcast %sub3A_879 : vector<16xi32> to vector<16xf32>
      %mul3A_881 = arith.constant 5.000000e-01 : f32
      %mul3A_882 = vector.broadcast %mul3A_881 : f32 to vector<16xf32>
      %mul3A_883 = arith.mulf %mul3A_882, %add3A_874 : vector<16xf32>
      %mul3A_884 = arith.mulf %mul3A_883, %bitcast3A_880 : vector<16xf32>
      %mul3A_885 = arith.mulf %mul3A_884, %bitcast3A_880 : vector<16xf32>
      %sub3A_886 = arith.constant 1.500000e+00 : f32
      %sub3A_887 = vector.broadcast %sub3A_886 : f32 to vector<16xf32>
      %sub3A_888 = arith.subf %sub3A_887, %mul3A_885 : vector<16xf32>
      %mul3A_889 = arith.mulf %bitcast3A_880, %sub3A_888 : vector<16xf32>
      %mul3A_890 = arith.constant 5.000000e-01 : f32
      %mul3A_891 = vector.broadcast %mul3A_890 : f32 to vector<16xf32>
      %mul3A_892 = arith.mulf %mul3A_891, %add3A_874 : vector<16xf32>
      %mul3A_893 = arith.mulf %mul3A_892, %mul3A_889 : vector<16xf32>
      %mul3A_894 = arith.mulf %mul3A_893, %mul3A_889 : vector<16xf32>
      %sub3A_895 = arith.constant 1.500000e+00 : f32
      %sub3A_896 = vector.broadcast %sub3A_895 : f32 to vector<16xf32>
      %sub3A_897 = arith.subf %sub3A_896, %mul3A_894 : vector<16xf32>
      %mul3A_898 = arith.mulf %mul3A_889, %sub3A_897 : vector<16xf32>
      %mul3A_899 = arith.constant 5.000000e-01 : f32
      %mul3A_900 = vector.broadcast %mul3A_899 : f32 to vector<16xf32>
      %mul3A_901 = arith.mulf %mul3A_900, %add3A_874 : vector<16xf32>
      %mul3A_902 = arith.mulf %mul3A_901, %mul3A_898 : vector<16xf32>
      %mul3A_903 = arith.mulf %mul3A_902, %mul3A_898 : vector<16xf32>
      %sub3A_904 = arith.constant 1.500000e+00 : f32
      %sub3A_905 = vector.broadcast %sub3A_904 : f32 to vector<16xf32>
      %sub3A_906 = arith.subf %sub3A_905, %mul3A_903 : vector<16xf32>
      %mul3A_907 = arith.mulf %mul3A_898, %sub3A_906 : vector<16xf32>
      %mul3A_908 = arith.constant 5.000000e-01 : f32
      %mul3A_909 = vector.broadcast %mul3A_908 : f32 to vector<16xf32>
      %mul3A_910 = arith.mulf %mul3A_909, %add3A_874 : vector<16xf32>
      %mul3A_911 = arith.mulf %mul3A_910, %mul3A_907 : vector<16xf32>
      %mul3A_912 = arith.mulf %mul3A_911, %mul3A_907 : vector<16xf32>
      %sub3A_913 = arith.constant 1.500000e+00 : f32
      %sub3A_914 = vector.broadcast %sub3A_913 : f32 to vector<16xf32>
      %sub3A_915 = arith.subf %sub3A_914, %mul3A_912 : vector<16xf32>
      %mul3A_916 = arith.mulf %mul3A_907, %sub3A_915 : vector<16xf32>
      %swap3A = arith.index_cast %mul3A_870 : i32 to index
      %swap3A_917 = tpu.vector_load %arg29[%swap3A] {strides = array<i32>} : memref<640xf32, #tpu.memory_space<vmem>>, vector<16xf32>,
      tpu.vector_store %arg29[%swap3A], %mul3A_916 {strides = array<i32>} : memref<640xf32, #tpu.memory_space<vmem>>, vector<16xf32>,
    }
    %scan3A_58 = arith.constant 40 : i32
    "tpu.region"() ({
      %run_scoped3A = tpu.sem_alloc : memref<!tpu.dma_semaphore, #tpu.memory_space<semaphore_mem>>
      %dma_start3A_868 = tpu.memref_slice %arg4[%mul3A_0] : memref<40960xf32, #tpu.memory_space<hbm>> -> memref<2560xf32, #tpu.memory_space<hbm>>
      %dma_start3A_869 = tpu.memref_slice %arg4[%mul3A_0] : memref<40960xf32, #tpu.memory_space<hbm>> -> memref<2560xf32, #tpu.memory_space<hbm>>
      tpu.enqueue_dma source(%dma_start3A_869 : memref<2560xf32, #tpu.memory_space<hbm>>) target(%arg26 : memref<2560xf32, #tpu.memory_space<vmem>>) target_semaphore(%run_scoped3A : memref<!tpu.dma_semaphore, #tpu.memory_space<semaphore_mem>>)
      %dma_wait3A_870 = tpu.memref_slice %arg4[%mul3A_0] : memref<40960xf32, #tpu.memory_space<hbm>> -> memref<2560xf32, #tpu.memory_space<hbm>>
      %dma_wait3A_871 = tpu.memref_slice %arg4[%mul3A_0] : memref<40960xf32, #tpu.memory_space<hbm>> -> memref<2560xf32, #tpu.memory_space<hbm>>
      tpu.wait_dma2 semaphore(%run_scoped3A : memref<!tpu.dma_semaphore, #tpu.memory_space<semaphore_mem>>) src(%dma_wait3A_871 : memref<2560xf32, #tpu.memory_space<hbm>>) dst(%arg26 : memref<2560xf32, #tpu.memory_space<vmem>>)
      tpu.yield
    }) : () -> ()
    %scan3A_59 = arith.constant 0 : i32
    %scan3A_60 = arith.constant 160 : i32
    %scan3A_61 = arith.addi %scan3A_59, %scan3A_60 : i32
    %scan3A_62 = arith.constant 1 : i32
    scf.for %scan3A_868 = %scan3A_59 to %scan3A_61 step %scan3A_62  : i32 {
      %mul3A_869 = arith.constant 16 : i32
      %mul3A_870 = arith.muli %scan3A_868, %mul3A_869 : i32
      %mul3A_871 = arith.constant 16 : i32
      %mul3A_872 = arith.muli %scan3A_868, %mul3A_871 : i32
      %add3A_873 = vector.broadcast %mul3A_872 : i32 to vector<16xi32>
      %add3A_874 = arith.addi %iota3A, %add3A_873 : vector<16xi32>
      %shift_right_arithmetic3A_875 = arith.constant 2 : i32
      %shift_right_arithmetic3A_876 = vector.broadcast %shift_right_arithmetic3A_875 : i32 to vector<16xi32>
      %shift_right_arithmetic3A_877 = arith.shrsi %add3A_874, %shift_right_arithmetic3A_876 : vector<16xi32>
      %gather3A = tpu.vector_load_idx %arg29[%shift_right_arithmetic3A_877] : memref<640xf32, #tpu.memory_space<vmem>>[vector<16xi32>], vector<16xf32>,
      %get3A = arith.index_cast %mul3A_870 : i32 to index
      %get3A_878 = tpu.vector_load %arg26[%get3A] {strides = array<i32>} : memref<2560xf32, #tpu.memory_space<vmem>>, vector<16xf32>,
      %mul3A_879 = arith.mulf %get3A_878, %gather3A : vector<16xf32>
      %swap3A = arith.index_cast %mul3A_870 : i32 to index
      %swap3A_880 = tpu.vector_load %arg26[%swap3A] {strides = array<i32>} : memref<2560xf32, #tpu.memory_space<vmem>>, vector<16xf32>,
      tpu.vector_store %arg26[%swap3A], %mul3A_879 {strides = array<i32>} : memref<2560xf32, #tpu.memory_space<vmem>>, vector<16xf32>,
    }
    %scan3A_63 = arith.constant 160 : i32
    "tpu.region"() ({
      %run_scoped3A = tpu.sem_alloc : memref<!tpu.dma_semaphore, #tpu.memory_space<semaphore_mem>>
      %dma_start3A_868 = tpu.memref_slice %arg8[%mul3A_0] : memref<40960xf32, #tpu.memory_space<vmem_shared>> -> memref<2560xf32, #tpu.memory_space<vmem_shared>>
      %dma_start3A_869 = tpu.memref_slice %arg8[%mul3A_0] : memref<40960xf32, #tpu.memory_space<vmem_shared>> -> memref<2560xf32, #tpu.memory_space<vmem_shared>>
      tpu.enqueue_dma source(%arg26 : memref<2560xf32, #tpu.memory_space<vmem>>) target(%dma_start3A_869 : memref<2560xf32, #tpu.memory_space<vmem_shared>>) target_semaphore(%run_scoped3A : memref<!tpu.dma_semaphore, #tpu.memory_space<semaphore_mem>>)
      %dma_wait3A_870 = tpu.memref_slice %arg8[%mul3A_0] : memref<40960xf32, #tpu.memory_space<vmem_shared>> -> memref<2560xf32, #tpu.memory_space<vmem_shared>>
      %dma_wait3A_871 = tpu.memref_slice %arg8[%mul3A_0] : memref<40960xf32, #tpu.memory_space<vmem_shared>> -> memref<2560xf32, #tpu.memory_space<vmem_shared>>
      tpu.wait_dma2 semaphore(%run_scoped3A : memref<!tpu.dma_semaphore, #tpu.memory_space<semaphore_mem>>) src(%arg26 : memref<2560xf32, #tpu.memory_space<vmem>>) dst(%dma_wait3A_871 : memref<2560xf32, #tpu.memory_space<vmem_shared>>)
      tpu.yield
    }) : () -> ()
    %barrier3A_64 = arith.constant 0 : index
    tpu.barrier barrier_id(%barrier3A_64)
    %shift_right_arithmetic3A = arith.constant 2 : i32
    %shift_right_arithmetic3A_65 = vector.broadcast %shift_right_arithmetic3A : i32 to vector<16xi32>
    %shift_right_arithmetic3A_66 = arith.shrsi %iota3A, %shift_right_arithmetic3A_65 : vector<16xi32>
    %and3A = arith.constant 3 : i32
    %and3A_67 = vector.broadcast %and3A : i32 to vector<16xi32>
    %and3A_68 = arith.andi %iota3A, %and3A_67 : vector<16xi32>
    %shift_right_arithmetic3A_69 = arith.constant 1 : i32
    %shift_right_arithmetic3A_70 = vector.broadcast %shift_right_arithmetic3A_69 : i32 to vector<16xi32>
    %shift_right_arithmetic3A_71 = arith.shrsi %iota3A, %shift_right_arithmetic3A_70 : vector<16xi32>
    %and3A_72 = arith.constant 1 : i32
    %and3A_73 = vector.broadcast %and3A_72 : i32 to vector<16xi32>
    %and3A_74 = arith.andi %iota3A, %and3A_73 : vector<16xi32>
    "tpu.region"() ({
      %run_scoped3A = tpu.sem_alloc : memref<!tpu.dma_semaphore, #tpu.memory_space<semaphore_mem>>
      tpu.enqueue_dma source(%arg8 : memref<40960xf32, #tpu.memory_space<vmem_shared>>) target(%arg11 : memref<40960xf32, #tpu.memory_space<vmem>>) target_semaphore(%run_scoped3A : memref<!tpu.dma_semaphore, #tpu.memory_space<semaphore_mem>>)
      tpu.wait_dma2 semaphore(%run_scoped3A : memref<!tpu.dma_semaphore, #tpu.memory_space<semaphore_mem>>) src(%arg8 : memref<40960xf32, #tpu.memory_space<vmem_shared>>) dst(%arg11 : memref<40960xf32, #tpu.memory_space<vmem>>)
      tpu.yield
    }) : () -> ()
    %mul3A_75 = arith.constant 20000 : i32
    %mul3A_76 = arith.muli %arg1, %mul3A_75 : i32
    %add3A_77 = arith.constant 0 : i32
    %add3A_78 = arith.addi %mul3A_76, %add3A_77 : i32
    %dma_start3A = tpu.memref_slice %arg3[%add3A_78] : memref<320000xi32, #tpu.memory_space<hbm>> -> memref<2000xi32, #tpu.memory_space<hbm>>
    %dma_start3A_79 = tpu.memref_slice %arg3[%add3A_78] : memref<320000xi32, #tpu.memory_space<hbm>> -> memref<2000xi32, #tpu.memory_space<hbm>>
    tpu.enqueue_dma source(%dma_start3A_79 : memref<2000xi32, #tpu.memory_space<hbm>>) target(%arg20 : memref<2000xi32, #tpu.memory_space<vmem>>) target_semaphore(%arg33 : memref<!tpu.dma_semaphore, #tpu.memory_space<semaphore_mem>>)
    %mul3A_80 = arith.constant 20000 : i32
    %mul3A_81 = arith.muli %arg1, %mul3A_80 : i32
    %add3A_82 = arith.constant 0 : i32
    %add3A_83 = arith.addi %mul3A_81, %add3A_82 : i32
    %dma_start3A_84 = tpu.memref_slice %arg2[%add3A_83] : memref<320000xi32, #tpu.memory_space<hbm>> -> memref<2000xi32, #tpu.memory_space<hbm>>
    %dma_start3A_85 = tpu.memref_slice %arg2[%add3A_83] : memref<320000xi32, #tpu.memory_space<hbm>> -> memref<2000xi32, #tpu.memory_space<hbm>>
    tpu.enqueue_dma source(%dma_start3A_85 : memref<2000xi32, #tpu.memory_space<hbm>>) target(%arg22 : memref<2000xi32, #tpu.memory_space<vmem>>) target_semaphore(%arg35 : memref<!tpu.dma_semaphore, #tpu.memory_space<semaphore_mem>>)
    %mul3A_86 = arith.constant 20000 : i32
    %mul3A_87 = arith.muli %arg1, %mul3A_86 : i32
    %add3A_88 = arith.constant 2000 : i32
    %add3A_89 = arith.addi %mul3A_87, %add3A_88 : i32
    %dma_start3A_90 = tpu.memref_slice %arg3[%add3A_89] : memref<320000xi32, #tpu.memory_space<hbm>> -> memref<2000xi32, #tpu.memory_space<hbm>>
    %dma_start3A_91 = tpu.memref_slice %arg3[%add3A_89] : memref<320000xi32, #tpu.memory_space<hbm>> -> memref<2000xi32, #tpu.memory_space<hbm>>
    tpu.enqueue_dma source(%dma_start3A_91 : memref<2000xi32, #tpu.memory_space<hbm>>) target(%arg21 : memref<2000xi32, #tpu.memory_space<vmem>>) target_semaphore(%arg34 : memref<!tpu.dma_semaphore, #tpu.memory_space<semaphore_mem>>)
    %mul3A_92 = arith.constant 20000 : i32
    %mul3A_93 = arith.muli %arg1, %mul3A_92 : i32
    %add3A_94 = arith.constant 2000 : i32
    %add3A_95 = arith.addi %mul3A_93, %add3A_94 : i32
    %dma_start3A_96 = tpu.memref_slice %arg2[%add3A_95] : memref<320000xi32, #tpu.memory_space<hbm>> -> memref<2000xi32, #tpu.memory_space<hbm>>
    %dma_start3A_97 = tpu.memref_slice %arg2[%add3A_95] : memref<320000xi32, #tpu.memory_space<hbm>> -> memref<2000xi32, #tpu.memory_space<hbm>>
    tpu.enqueue_dma source(%dma_start3A_97 : memref<2000xi32, #tpu.memory_space<hbm>>) target(%arg23 : memref<2000xi32, #tpu.memory_space<vmem>>) target_semaphore(%arg36 : memref<!tpu.dma_semaphore, #tpu.memory_space<semaphore_mem>>)
    %dma_wait3A = tpu.memref_slice %arg3[%add3A_78] : memref<320000xi32, #tpu.memory_space<hbm>> -> memref<2000xi32, #tpu.memory_space<hbm>>
    %dma_wait3A_98 = tpu.memref_slice %arg3[%add3A_78] : memref<320000xi32, #tpu.memory_space<hbm>> -> memref<2000xi32, #tpu.memory_space<hbm>>
    tpu.wait_dma2 semaphore(%arg33 : memref<!tpu.dma_semaphore, #tpu.memory_space<semaphore_mem>>) src(%dma_wait3A_98 : memref<2000xi32, #tpu.memory_space<hbm>>) dst(%arg20 : memref<2000xi32, #tpu.memory_space<vmem>>)
    %dma_wait3A_99 = tpu.memref_slice %arg2[%add3A_83] : memref<320000xi32, #tpu.memory_space<hbm>> -> memref<2000xi32, #tpu.memory_space<hbm>>
    %dma_wait3A_100 = tpu.memref_slice %arg2[%add3A_83] : memref<320000xi32, #tpu.memory_space<hbm>> -> memref<2000xi32, #tpu.memory_space<hbm>>
    tpu.wait_dma2 semaphore(%arg35 : memref<!tpu.dma_semaphore, #tpu.memory_space<semaphore_mem>>) src(%dma_wait3A_100 : memref<2000xi32, #tpu.memory_space<hbm>>) dst(%arg22 : memref<2000xi32, #tpu.memory_space<vmem>>)
    %scan3A_101 = arith.constant 0 : i32
    %scan3A_102 = arith.constant 500 : i32
    %scan3A_103 = arith.addi %scan3A_101, %scan3A_102 : i32
    %scan3A_104 = arith.constant 1 : i32
    scf.for %scan3A_868 = %scan3A_101 to %scan3A_103 step %scan3A_104  : i32 {
      %mul3A_869 = arith.constant 16 : i32
      %mul3A_870 = arith.muli %scan3A_868, %mul3A_869 : i32
      %mul3A_871 = arith.constant 4 : i32
      %mul3A_872 = arith.muli %scan3A_868, %mul3A_871 : i32
      %add3A_873 = vector.broadcast %mul3A_872 : i32 to vector<16xi32>
      %add3A_874 = arith.addi %shift_right_arithmetic3A_66, %add3A_873 : vector<16xi32>
      %gather3A = tpu.vector_load_idx %arg20[%add3A_874] : memref<2000xi32, #tpu.memory_space<vmem>>[vector<16xi32>], vector<16xi32>,
      %shift_left3A = arith.constant 2 : i32
      %shift_left3A_875 = vector.broadcast %shift_left3A : i32 to vector<16xi32>
      %shift_left3A_876 = arith.shli %gather3A, %shift_left3A_875 : vector<16xi32>
      %add3A_877 = arith.addi %shift_left3A_876, %and3A_68 : vector<16xi32>
      %gather3A_878 = tpu.vector_load_idx %arg11[%add3A_877] : memref<40960xf32, #tpu.memory_space<vmem>>[vector<16xi32>], vector<16xf32>,
      %swap3A = arith.index_cast %mul3A_870 : i32 to index
      %swap3A_879 = tpu.vector_load %arg14[%swap3A] {strides = array<i32>} : memref<8000xf32, #tpu.memory_space<vmem>>, vector<16xf32>,
      tpu.vector_store %arg14[%swap3A], %gather3A_878 {strides = array<i32>} : memref<8000xf32, #tpu.memory_space<vmem>>, vector<16xf32>,
      %mul3A_880 = arith.constant 4 : i32
      %mul3A_881 = arith.muli %scan3A_868, %mul3A_880 : i32
      %add3A_882 = vector.broadcast %mul3A_881 : i32 to vector<16xi32>
      %add3A_883 = arith.addi %shift_right_arithmetic3A_66, %add3A_882 : vector<16xi32>
      %gather3A_884 = tpu.vector_load_idx %arg22[%add3A_883] : memref<2000xi32, #tpu.memory_space<vmem>>[vector<16xi32>], vector<16xi32>,
      %shift_left3A_885 = arith.constant 2 : i32
      %shift_left3A_886 = vector.broadcast %shift_left3A_885 : i32 to vector<16xi32>
      %shift_left3A_887 = arith.shli %gather3A_884, %shift_left3A_886 : vector<16xi32>
      %add3A_888 = arith.addi %shift_left3A_887, %and3A_68 : vector<16xi32>
      %swap3A_889 = arith.index_cast %mul3A_870 : i32 to index
      %swap3A_890 = tpu.vector_load %arg12[%swap3A_889] {strides = array<i32>} : memref<8000xi32, #tpu.memory_space<vmem>>, vector<16xi32>,
      tpu.vector_store %arg12[%swap3A_889], %add3A_888 {strides = array<i32>} : memref<8000xi32, #tpu.memory_space<vmem>>, vector<16xi32>,
    }
    %scan3A_105 = arith.constant 500 : i32
    %dma_start3A_106 = arith.constant 0 : i32
    %dma_start3A_107 = tpu.memref_slice %arg9[%dma_start3A_106] : memref<40960xf32, #tpu.memory_space<vmem_shared>> -> memref<40960xf32, #tpu.memory_space<vmem_shared>>
    tpu.enqueue_indirect_dma source(%arg14 : memref<8000xf32, #tpu.memory_space<vmem>>) target(%dma_start3A_107 : memref<40960xf32, #tpu.memory_space<vmem_shared>>) offsets(%arg12 : memref<8000xi32, #tpu.memory_space<vmem>>) semaphore(%arg31 : memref<!tpu.dma_semaphore, #tpu.memory_space<semaphore_mem>>) {add = true}
    %mul3A_108 = arith.constant 20000 : i32
    %mul3A_109 = arith.muli %arg1, %mul3A_108 : i32
    %add3A_110 = arith.constant 4000 : i32
    %add3A_111 = arith.addi %mul3A_109, %add3A_110 : i32
    %dma_start3A_112 = tpu.memref_slice %arg3[%add3A_111] : memref<320000xi32, #tpu.memory_space<hbm>> -> memref<2000xi32, #tpu.memory_space<hbm>>
    %dma_start3A_113 = tpu.memref_slice %arg3[%add3A_111] : memref<320000xi32, #tpu.memory_space<hbm>> -> memref<2000xi32, #tpu.memory_space<hbm>>
    tpu.enqueue_dma source(%dma_start3A_113 : memref<2000xi32, #tpu.memory_space<hbm>>) target(%arg20 : memref<2000xi32, #tpu.memory_space<vmem>>) target_semaphore(%arg33 : memref<!tpu.dma_semaphore, #tpu.memory_space<semaphore_mem>>)
    %mul3A_114 = arith.constant 20000 : i32
    %mul3A_115 = arith.muli %arg1, %mul3A_114 : i32
    %add3A_116 = arith.constant 4000 : i32
    %add3A_117 = arith.addi %mul3A_115, %add3A_116 : i32
    %dma_start3A_118 = tpu.memref_slice %arg2[%add3A_117] : memref<320000xi32, #tpu.memory_space<hbm>> -> memref<2000xi32, #tpu.memory_space<hbm>>
    %dma_start3A_119 = tpu.memref_slice %arg2[%add3A_117] : memref<320000xi32, #tpu.memory_space<hbm>> -> memref<2000xi32, #tpu.memory_space<hbm>>
    tpu.enqueue_dma source(%dma_start3A_119 : memref<2000xi32, #tpu.memory_space<hbm>>) target(%arg22 : memref<2000xi32, #tpu.memory_space<vmem>>) target_semaphore(%arg35 : memref<!tpu.dma_semaphore, #tpu.memory_space<semaphore_mem>>)
    %dma_wait3A_120 = tpu.memref_slice %arg3[%add3A_89] : memref<320000xi32, #tpu.memory_space<hbm>> -> memref<2000xi32, #tpu.memory_space<hbm>>
    %dma_wait3A_121 = tpu.memref_slice %arg3[%add3A_89] : memref<320000xi32, #tpu.memory_space<hbm>> -> memref<2000xi32, #tpu.memory_space<hbm>>
    tpu.wait_dma2 semaphore(%arg34 : memref<!tpu.dma_semaphore, #tpu.memory_space<semaphore_mem>>) src(%dma_wait3A_121 : memref<2000xi32, #tpu.memory_space<hbm>>) dst(%arg21 : memref<2000xi32, #tpu.memory_space<vmem>>)
    %dma_wait3A_122 = tpu.memref_slice %arg2[%add3A_95] : memref<320000xi32, #tpu.memory_space<hbm>> -> memref<2000xi32, #tpu.memory_space<hbm>>
    %dma_wait3A_123 = tpu.memref_slice %arg2[%add3A_95] : memref<320000xi32, #tpu.memory_space<hbm>> -> memref<2000xi32, #tpu.memory_space<hbm>>
    tpu.wait_dma2 semaphore(%arg36 : memref<!tpu.dma_semaphore, #tpu.memory_space<semaphore_mem>>) src(%dma_wait3A_123 : memref<2000xi32, #tpu.memory_space<hbm>>) dst(%arg23 : memref<2000xi32, #tpu.memory_space<vmem>>)
    %scan3A_124 = arith.constant 0 : i32
    %scan3A_125 = arith.constant 500 : i32
    %scan3A_126 = arith.addi %scan3A_124, %scan3A_125 : i32
    %scan3A_127 = arith.constant 1 : i32
    scf.for %scan3A_868 = %scan3A_124 to %scan3A_126 step %scan3A_127  : i32 {
      %mul3A_869 = arith.constant 16 : i32
      %mul3A_870 = arith.muli %scan3A_868, %mul3A_869 : i32
      %mul3A_871 = arith.constant 4 : i32
      %mul3A_872 = arith.muli %scan3A_868, %mul3A_871 : i32
      %add3A_873 = vector.broadcast %mul3A_872 : i32 to vector<16xi32>
      %add3A_874 = arith.addi %shift_right_arithmetic3A_66, %add3A_873 : vector<16xi32>
      %gather3A = tpu.vector_load_idx %arg21[%add3A_874] : memref<2000xi32, #tpu.memory_space<vmem>>[vector<16xi32>], vector<16xi32>,
      %shift_left3A = arith.constant 2 : i32
      %shift_left3A_875 = vector.broadcast %shift_left3A : i32 to vector<16xi32>
      %shift_left3A_876 = arith.shli %gather3A, %shift_left3A_875 : vector<16xi32>
      %add3A_877 = arith.addi %shift_left3A_876, %and3A_68 : vector<16xi32>
      %gather3A_878 = tpu.vector_load_idx %arg11[%add3A_877] : memref<40960xf32, #tpu.memory_space<vmem>>[vector<16xi32>], vector<16xf32>,
      %swap3A = arith.index_cast %mul3A_870 : i32 to index
      %swap3A_879 = tpu.vector_load %arg15[%swap3A] {strides = array<i32>} : memref<8000xf32, #tpu.memory_space<vmem>>, vector<16xf32>,
      tpu.vector_store %arg15[%swap3A], %gather3A_878 {strides = array<i32>} : memref<8000xf32, #tpu.memory_space<vmem>>, vector<16xf32>,
      %mul3A_880 = arith.constant 4 : i32
      %mul3A_881 = arith.muli %scan3A_868, %mul3A_880 : i32
      %add3A_882 = vector.broadcast %mul3A_881 : i32 to vector<16xi32>
      %add3A_883 = arith.addi %shift_right_arithmetic3A_66, %add3A_882 : vector<16xi32>
      %gather3A_884 = tpu.vector_load_idx %arg23[%add3A_883] : memref<2000xi32, #tpu.memory_space<vmem>>[vector<16xi32>], vector<16xi32>,
      %shift_left3A_885 = arith.constant 2 : i32
      %shift_left3A_886 = vector.broadcast %shift_left3A_885 : i32 to vector<16xi32>
      %shift_left3A_887 = arith.shli %gather3A_884, %shift_left3A_886 : vector<16xi32>
      %add3A_888 = arith.addi %shift_left3A_887, %and3A_68 : vector<16xi32>
      %swap3A_889 = arith.index_cast %mul3A_870 : i32 to index
      %swap3A_890 = tpu.vector_load %arg13[%swap3A_889] {strides = array<i32>} : memref<8000xi32, #tpu.memory_space<vmem>>, vector<16xi32>,
      tpu.vector_store %arg13[%swap3A_889], %add3A_888 {strides = array<i32>} : memref<8000xi32, #tpu.memory_space<vmem>>, vector<16xi32>,
    }
    %scan3A_128 = arith.constant 500 : i32
    %dma_start3A_129 = arith.constant 0 : i32
    %dma_start3A_130 = tpu.memref_slice %arg9[%dma_start3A_129] : memref<40960xf32, #tpu.memory_space<vmem_shared>> -> memref<40960xf32, #tpu.memory_space<vmem_shared>>
    tpu.enqueue_indirect_dma source(%arg15 : memref<8000xf32, #tpu.memory_space<vmem>>) target(%dma_start3A_130 : memref<40960xf32, #tpu.memory_space<vmem_shared>>) offsets(%arg13 : memref<8000xi32, #tpu.memory_space<vmem>>) semaphore(%arg32 : memref<!tpu.dma_semaphore, #tpu.memory_space<semaphore_mem>>) {add = true}
    %mul3A_131 = arith.constant 20000 : i32
    %mul3A_132 = arith.muli %arg1, %mul3A_131 : i32
    %add3A_133 = arith.constant 6000 : i32
    %add3A_134 = arith.addi %mul3A_132, %add3A_133 : i32
    %dma_start3A_135 = tpu.memref_slice %arg3[%add3A_134] : memref<320000xi32, #tpu.memory_space<hbm>> -> memref<2000xi32, #tpu.memory_space<hbm>>
    %dma_start3A_136 = tpu.memref_slice %arg3[%add3A_134] : memref<320000xi32, #tpu.memory_space<hbm>> -> memref<2000xi32, #tpu.memory_space<hbm>>
    tpu.enqueue_dma source(%dma_start3A_136 : memref<2000xi32, #tpu.memory_space<hbm>>) target(%arg21 : memref<2000xi32, #tpu.memory_space<vmem>>) target_semaphore(%arg34 : memref<!tpu.dma_semaphore, #tpu.memory_space<semaphore_mem>>)
    %mul3A_137 = arith.constant 20000 : i32
    %mul3A_138 = arith.muli %arg1, %mul3A_137 : i32
    %add3A_139 = arith.constant 6000 : i32
    %add3A_140 = arith.addi %mul3A_138, %add3A_139 : i32
    %dma_start3A_141 = tpu.memref_slice %arg2[%add3A_140] : memref<320000xi32, #tpu.memory_space<hbm>> -> memref<2000xi32, #tpu.memory_space<hbm>>
    %dma_start3A_142 = tpu.memref_slice %arg2[%add3A_140] : memref<320000xi32, #tpu.memory_space<hbm>> -> memref<2000xi32, #tpu.memory_space<hbm>>
    tpu.enqueue_dma source(%dma_start3A_142 : memref<2000xi32, #tpu.memory_space<hbm>>) target(%arg23 : memref<2000xi32, #tpu.memory_space<vmem>>) target_semaphore(%arg36 : memref<!tpu.dma_semaphore, #tpu.memory_space<semaphore_mem>>)
    %dma_wait3A_143 = arith.constant 0 : i32
    %dma_wait3A_144 = tpu.memref_slice %arg9[%dma_wait3A_143] : memref<40960xf32, #tpu.memory_space<vmem_shared>> -> memref<40960xf32, #tpu.memory_space<vmem_shared>>
    tpu.wait_indirect_dma semaphore(%arg31 : memref<!tpu.dma_semaphore, #tpu.memory_space<semaphore_mem>>) src(%arg14 : memref<8000xf32, #tpu.memory_space<vmem>>) dst(%dma_wait3A_144 : memref<40960xf32, #tpu.memory_space<vmem_shared>>)
    %dma_wait3A_145 = tpu.memref_slice %arg3[%add3A_111] : memref<320000xi32, #tpu.memory_space<hbm>> -> memref<2000xi32, #tpu.memory_space<hbm>>
    %dma_wait3A_146 = tpu.memref_slice %arg3[%add3A_111] : memref<320000xi32, #tpu.memory_space<hbm>> -> memref<2000xi32, #tpu.memory_space<hbm>>
    tpu.wait_dma2 semaphore(%arg33 : memref<!tpu.dma_semaphore, #tpu.memory_space<semaphore_mem>>) src(%dma_wait3A_146 : memref<2000xi32, #tpu.memory_space<hbm>>) dst(%arg20 : memref<2000xi32, #tpu.memory_space<vmem>>)
    %dma_wait3A_147 = tpu.memref_slice %arg2[%add3A_117] : memref<320000xi32, #tpu.memory_space<hbm>> -> memref<2000xi32, #tpu.memory_space<hbm>>
    %dma_wait3A_148 = tpu.memref_slice %arg2[%add3A_117] : memref<320000xi32, #tpu.memory_space<hbm>> -> memref<2000xi32, #tpu.memory_space<hbm>>
    tpu.wait_dma2 semaphore(%arg35 : memref<!tpu.dma_semaphore, #tpu.memory_space<semaphore_mem>>) src(%dma_wait3A_148 : memref<2000xi32, #tpu.memory_space<hbm>>) dst(%arg22 : memref<2000xi32, #tpu.memory_space<vmem>>)
    %scan3A_149 = arith.constant 0 : i32
    %scan3A_150 = arith.constant 500 : i32
    %scan3A_151 = arith.addi %scan3A_149, %scan3A_150 : i32
    %scan3A_152 = arith.constant 1 : i32
    scf.for %scan3A_868 = %scan3A_149 to %scan3A_151 step %scan3A_152  : i32 {
      %mul3A_869 = arith.constant 16 : i32
      %mul3A_870 = arith.muli %scan3A_868, %mul3A_869 : i32
      %mul3A_871 = arith.constant 4 : i32
      %mul3A_872 = arith.muli %scan3A_868, %mul3A_871 : i32
      %add3A_873 = vector.broadcast %mul3A_872 : i32 to vector<16xi32>
      %add3A_874 = arith.addi %shift_right_arithmetic3A_66, %add3A_873 : vector<16xi32>
      %gather3A = tpu.vector_load_idx %arg20[%add3A_874] : memref<2000xi32, #tpu.memory_space<vmem>>[vector<16xi32>], vector<16xi32>,
      %shift_left3A = arith.constant 2 : i32
      %shift_left3A_875 = vector.broadcast %shift_left3A : i32 to vector<16xi32>
      %shift_left3A_876 = arith.shli %gather3A, %shift_left3A_875 : vector<16xi32>
      %add3A_877 = arith.addi %shift_left3A_876, %and3A_68 : vector<16xi32>
      %gather3A_878 = tpu.vector_load_idx %arg11[%add3A_877] : memref<40960xf32, #tpu.memory_space<vmem>>[vector<16xi32>], vector<16xf32>,
      %swap3A = arith.index_cast %mul3A_870 : i32 to index
      %swap3A_879 = tpu.vector_load %arg14[%swap3A] {strides = array<i32>} : memref<8000xf32, #tpu.memory_space<vmem>>, vector<16xf32>,
      tpu.vector_store %arg14[%swap3A], %gather3A_878 {strides = array<i32>} : memref<8000xf32, #tpu.memory_space<vmem>>, vector<16xf32>,
      %mul3A_880 = arith.constant 4 : i32
      %mul3A_881 = arith.muli %scan3A_868, %mul3A_880 : i32
      %add3A_882 = vector.broadcast %mul3A_881 : i32 to vector<16xi32>
      %add3A_883 = arith.addi %shift_right_arithmetic3A_66, %add3A_882 : vector<16xi32>
      %gather3A_884 = tpu.vector_load_idx %arg22[%add3A_883] : memref<2000xi32, #tpu.memory_space<vmem>>[vector<16xi32>], vector<16xi32>,
      %shift_left3A_885 = arith.constant 2 : i32
      %shift_left3A_886 = vector.broadcast %shift_left3A_885 : i32 to vector<16xi32>
      %shift_left3A_887 = arith.shli %gather3A_884, %shift_left3A_886 : vector<16xi32>
      %add3A_888 = arith.addi %shift_left3A_887, %and3A_68 : vector<16xi32>
      %swap3A_889 = arith.index_cast %mul3A_870 : i32 to index
      %swap3A_890 = tpu.vector_load %arg12[%swap3A_889] {strides = array<i32>} : memref<8000xi32, #tpu.memory_space<vmem>>, vector<16xi32>,
      tpu.vector_store %arg12[%swap3A_889], %add3A_888 {strides = array<i32>} : memref<8000xi32, #tpu.memory_space<vmem>>, vector<16xi32>,
    }
    %scan3A_153 = arith.constant 500 : i32
    %dma_start3A_154 = arith.constant 0 : i32
    %dma_start3A_155 = tpu.memref_slice %arg9[%dma_start3A_154] : memref<40960xf32, #tpu.memory_space<vmem_shared>> -> memref<40960xf32, #tpu.memory_space<vmem_shared>>
    tpu.enqueue_indirect_dma source(%arg14 : memref<8000xf32, #tpu.memory_space<vmem>>) target(%dma_start3A_155 : memref<40960xf32, #tpu.memory_space<vmem_shared>>) offsets(%arg12 : memref<8000xi32, #tpu.memory_space<vmem>>) semaphore(%arg31 : memref<!tpu.dma_semaphore, #tpu.memory_space<semaphore_mem>>) {add = true}
    %mul3A_156 = arith.constant 20000 : i32
    %mul3A_157 = arith.muli %arg1, %mul3A_156 : i32
    %add3A_158 = arith.constant 8000 : i32
    %add3A_159 = arith.addi %mul3A_157, %add3A_158 : i32
    %dma_start3A_160 = tpu.memref_slice %arg3[%add3A_159] : memref<320000xi32, #tpu.memory_space<hbm>> -> memref<2000xi32, #tpu.memory_space<hbm>>
    %dma_start3A_161 = tpu.memref_slice %arg3[%add3A_159] : memref<320000xi32, #tpu.memory_space<hbm>> -> memref<2000xi32, #tpu.memory_space<hbm>>
    tpu.enqueue_dma source(%dma_start3A_161 : memref<2000xi32, #tpu.memory_space<hbm>>) target(%arg20 : memref<2000xi32, #tpu.memory_space<vmem>>) target_semaphore(%arg33 : memref<!tpu.dma_semaphore, #tpu.memory_space<semaphore_mem>>)
    %mul3A_162 = arith.constant 20000 : i32
    %mul3A_163 = arith.muli %arg1, %mul3A_162 : i32
    %add3A_164 = arith.constant 8000 : i32
    %add3A_165 = arith.addi %mul3A_163, %add3A_164 : i32
    %dma_start3A_166 = tpu.memref_slice %arg2[%add3A_165] : memref<320000xi32, #tpu.memory_space<hbm>> -> memref<2000xi32, #tpu.memory_space<hbm>>
    %dma_start3A_167 = tpu.memref_slice %arg2[%add3A_165] : memref<320000xi32, #tpu.memory_space<hbm>> -> memref<2000xi32, #tpu.memory_space<hbm>>
    tpu.enqueue_dma source(%dma_start3A_167 : memref<2000xi32, #tpu.memory_space<hbm>>) target(%arg22 : memref<2000xi32, #tpu.memory_space<vmem>>) target_semaphore(%arg35 : memref<!tpu.dma_semaphore, #tpu.memory_space<semaphore_mem>>)
    %dma_wait3A_168 = arith.constant 0 : i32
    %dma_wait3A_169 = tpu.memref_slice %arg9[%dma_wait3A_168] : memref<40960xf32, #tpu.memory_space<vmem_shared>> -> memref<40960xf32, #tpu.memory_space<vmem_shared>>
    tpu.wait_indirect_dma semaphore(%arg32 : memref<!tpu.dma_semaphore, #tpu.memory_space<semaphore_mem>>) src(%arg15 : memref<8000xf32, #tpu.memory_space<vmem>>) dst(%dma_wait3A_169 : memref<40960xf32, #tpu.memory_space<vmem_shared>>)
    %dma_wait3A_170 = tpu.memref_slice %arg3[%add3A_134] : memref<320000xi32, #tpu.memory_space<hbm>> -> memref<2000xi32, #tpu.memory_space<hbm>>
    %dma_wait3A_171 = tpu.memref_slice %arg3[%add3A_134] : memref<320000xi32, #tpu.memory_space<hbm>> -> memref<2000xi32, #tpu.memory_space<hbm>>
    tpu.wait_dma2 semaphore(%arg34 : memref<!tpu.dma_semaphore, #tpu.memory_space<semaphore_mem>>) src(%dma_wait3A_171 : memref<2000xi32, #tpu.memory_space<hbm>>) dst(%arg21 : memref<2000xi32, #tpu.memory_space<vmem>>)
    %dma_wait3A_172 = tpu.memref_slice %arg2[%add3A_140] : memref<320000xi32, #tpu.memory_space<hbm>> -> memref<2000xi32, #tpu.memory_space<hbm>>
    %dma_wait3A_173 = tpu.memref_slice %arg2[%add3A_140] : memref<320000xi32, #tpu.memory_space<hbm>> -> memref<2000xi32, #tpu.memory_space<hbm>>
    tpu.wait_dma2 semaphore(%arg36 : memref<!tpu.dma_semaphore, #tpu.memory_space<semaphore_mem>>) src(%dma_wait3A_173 : memref<2000xi32, #tpu.memory_space<hbm>>) dst(%arg23 : memref<2000xi32, #tpu.memory_space<vmem>>)
    %scan3A_174 = arith.constant 0 : i32
    %scan3A_175 = arith.constant 500 : i32
    %scan3A_176 = arith.addi %scan3A_174, %scan3A_175 : i32
    %scan3A_177 = arith.constant 1 : i32
    scf.for %scan3A_868 = %scan3A_174 to %scan3A_176 step %scan3A_177  : i32 {
      %mul3A_869 = arith.constant 16 : i32
      %mul3A_870 = arith.muli %scan3A_868, %mul3A_869 : i32
      %mul3A_871 = arith.constant 4 : i32
      %mul3A_872 = arith.muli %scan3A_868, %mul3A_871 : i32
      %add3A_873 = vector.broadcast %mul3A_872 : i32 to vector<16xi32>
      %add3A_874 = arith.addi %shift_right_arithmetic3A_66, %add3A_873 : vector<16xi32>
      %gather3A = tpu.vector_load_idx %arg21[%add3A_874] : memref<2000xi32, #tpu.memory_space<vmem>>[vector<16xi32>], vector<16xi32>,
      %shift_left3A = arith.constant 2 : i32
      %shift_left3A_875 = vector.broadcast %shift_left3A : i32 to vector<16xi32>
      %shift_left3A_876 = arith.shli %gather3A, %shift_left3A_875 : vector<16xi32>
      %add3A_877 = arith.addi %shift_left3A_876, %and3A_68 : vector<16xi32>
      %gather3A_878 = tpu.vector_load_idx %arg11[%add3A_877] : memref<40960xf32, #tpu.memory_space<vmem>>[vector<16xi32>], vector<16xf32>,
      %swap3A = arith.index_cast %mul3A_870 : i32 to index
      %swap3A_879 = tpu.vector_load %arg15[%swap3A] {strides = array<i32>} : memref<8000xf32, #tpu.memory_space<vmem>>, vector<16xf32>,
      tpu.vector_store %arg15[%swap3A], %gather3A_878 {strides = array<i32>} : memref<8000xf32, #tpu.memory_space<vmem>>, vector<16xf32>,
      %mul3A_880 = arith.constant 4 : i32
      %mul3A_881 = arith.muli %scan3A_868, %mul3A_880 : i32
      %add3A_882 = vector.broadcast %mul3A_881 : i32 to vector<16xi32>
      %add3A_883 = arith.addi %shift_right_arithmetic3A_66, %add3A_882 : vector<16xi32>
      %gather3A_884 = tpu.vector_load_idx %arg23[%add3A_883] : memref<2000xi32, #tpu.memory_space<vmem>>[vector<16xi32>], vector<16xi32>,
      %shift_left3A_885 = arith.constant 2 : i32
      %shift_left3A_886 = vector.broadcast %shift_left3A_885 : i32 to vector<16xi32>
      %shift_left3A_887 = arith.shli %gather3A_884, %shift_left3A_886 : vector<16xi32>
      %add3A_888 = arith.addi %shift_left3A_887, %and3A_68 : vector<16xi32>
      %swap3A_889 = arith.index_cast %mul3A_870 : i32 to index
      %swap3A_890 = tpu.vector_load %arg13[%swap3A_889] {strides = array<i32>} : memref<8000xi32, #tpu.memory_space<vmem>>, vector<16xi32>,
      tpu.vector_store %arg13[%swap3A_889], %add3A_888 {strides = array<i32>} : memref<8000xi32, #tpu.memory_space<vmem>>, vector<16xi32>,
    }
    %scan3A_178 = arith.constant 500 : i32
    %dma_start3A_179 = arith.constant 0 : i32
    %dma_start3A_180 = tpu.memref_slice %arg9[%dma_start3A_179] : memref<40960xf32, #tpu.memory_space<vmem_shared>> -> memref<40960xf32, #tpu.memory_space<vmem_shared>>
    tpu.enqueue_indirect_dma source(%arg15 : memref<8000xf32, #tpu.memory_space<vmem>>) target(%dma_start3A_180 : memref<40960xf32, #tpu.memory_space<vmem_shared>>) offsets(%arg13 : memref<8000xi32, #tpu.memory_space<vmem>>) semaphore(%arg32 : memref<!tpu.dma_semaphore, #tpu.memory_space<semaphore_mem>>) {add = true}
    %mul3A_181 = arith.constant 20000 : i32
    %mul3A_182 = arith.muli %arg1, %mul3A_181 : i32
    %add3A_183 = arith.constant 10000 : i32
    %add3A_184 = arith.addi %mul3A_182, %add3A_183 : i32
    %dma_start3A_185 = tpu.memref_slice %arg3[%add3A_184] : memref<320000xi32, #tpu.memory_space<hbm>> -> memref<2000xi32, #tpu.memory_space<hbm>>
    %dma_start3A_186 = tpu.memref_slice %arg3[%add3A_184] : memref<320000xi32, #tpu.memory_space<hbm>> -> memref<2000xi32, #tpu.memory_space<hbm>>
    tpu.enqueue_dma source(%dma_start3A_186 : memref<2000xi32, #tpu.memory_space<hbm>>) target(%arg21 : memref<2000xi32, #tpu.memory_space<vmem>>) target_semaphore(%arg34 : memref<!tpu.dma_semaphore, #tpu.memory_space<semaphore_mem>>)
    %mul3A_187 = arith.constant 20000 : i32
    %mul3A_188 = arith.muli %arg1, %mul3A_187 : i32
    %add3A_189 = arith.constant 10000 : i32
    %add3A_190 = arith.addi %mul3A_188, %add3A_189 : i32
    %dma_start3A_191 = tpu.memref_slice %arg2[%add3A_190] : memref<320000xi32, #tpu.memory_space<hbm>> -> memref<2000xi32, #tpu.memory_space<hbm>>
    %dma_start3A_192 = tpu.memref_slice %arg2[%add3A_190] : memref<320000xi32, #tpu.memory_space<hbm>> -> memref<2000xi32, #tpu.memory_space<hbm>>
    tpu.enqueue_dma source(%dma_start3A_192 : memref<2000xi32, #tpu.memory_space<hbm>>) target(%arg23 : memref<2000xi32, #tpu.memory_space<vmem>>) target_semaphore(%arg36 : memref<!tpu.dma_semaphore, #tpu.memory_space<semaphore_mem>>)
    %dma_wait3A_193 = arith.constant 0 : i32
    %dma_wait3A_194 = tpu.memref_slice %arg9[%dma_wait3A_193] : memref<40960xf32, #tpu.memory_space<vmem_shared>> -> memref<40960xf32, #tpu.memory_space<vmem_shared>>
    tpu.wait_indirect_dma semaphore(%arg31 : memref<!tpu.dma_semaphore, #tpu.memory_space<semaphore_mem>>) src(%arg14 : memref<8000xf32, #tpu.memory_space<vmem>>) dst(%dma_wait3A_194 : memref<40960xf32, #tpu.memory_space<vmem_shared>>)
    %dma_wait3A_195 = tpu.memref_slice %arg3[%add3A_159] : memref<320000xi32, #tpu.memory_space<hbm>> -> memref<2000xi32, #tpu.memory_space<hbm>>
    %dma_wait3A_196 = tpu.memref_slice %arg3[%add3A_159] : memref<320000xi32, #tpu.memory_space<hbm>> -> memref<2000xi32, #tpu.memory_space<hbm>>
    tpu.wait_dma2 semaphore(%arg33 : memref<!tpu.dma_semaphore, #tpu.memory_space<semaphore_mem>>) src(%dma_wait3A_196 : memref<2000xi32, #tpu.memory_space<hbm>>) dst(%arg20 : memref<2000xi32, #tpu.memory_space<vmem>>)
    %dma_wait3A_197 = tpu.memref_slice %arg2[%add3A_165] : memref<320000xi32, #tpu.memory_space<hbm>> -> memref<2000xi32, #tpu.memory_space<hbm>>
    %dma_wait3A_198 = tpu.memref_slice %arg2[%add3A_165] : memref<320000xi32, #tpu.memory_space<hbm>> -> memref<2000xi32, #tpu.memory_space<hbm>>
    tpu.wait_dma2 semaphore(%arg35 : memref<!tpu.dma_semaphore, #tpu.memory_space<semaphore_mem>>) src(%dma_wait3A_198 : memref<2000xi32, #tpu.memory_space<hbm>>) dst(%arg22 : memref<2000xi32, #tpu.memory_space<vmem>>)
    %scan3A_199 = arith.constant 0 : i32
    %scan3A_200 = arith.constant 500 : i32
    %scan3A_201 = arith.addi %scan3A_199, %scan3A_200 : i32
    %scan3A_202 = arith.constant 1 : i32
    scf.for %scan3A_868 = %scan3A_199 to %scan3A_201 step %scan3A_202  : i32 {
      %mul3A_869 = arith.constant 16 : i32
      %mul3A_870 = arith.muli %scan3A_868, %mul3A_869 : i32
      %mul3A_871 = arith.constant 4 : i32
      %mul3A_872 = arith.muli %scan3A_868, %mul3A_871 : i32
      %add3A_873 = vector.broadcast %mul3A_872 : i32 to vector<16xi32>
      %add3A_874 = arith.addi %shift_right_arithmetic3A_66, %add3A_873 : vector<16xi32>
      %gather3A = tpu.vector_load_idx %arg20[%add3A_874] : memref<2000xi32, #tpu.memory_space<vmem>>[vector<16xi32>], vector<16xi32>,
      %shift_left3A = arith.constant 2 : i32
      %shift_left3A_875 = vector.broadcast %shift_left3A : i32 to vector<16xi32>
      %shift_left3A_876 = arith.shli %gather3A, %shift_left3A_875 : vector<16xi32>
      %add3A_877 = arith.addi %shift_left3A_876, %and3A_68 : vector<16xi32>
      %gather3A_878 = tpu.vector_load_idx %arg11[%add3A_877] : memref<40960xf32, #tpu.memory_space<vmem>>[vector<16xi32>], vector<16xf32>,
      %swap3A = arith.index_cast %mul3A_870 : i32 to index
      %swap3A_879 = tpu.vector_load %arg14[%swap3A] {strides = array<i32>} : memref<8000xf32, #tpu.memory_space<vmem>>, vector<16xf32>,
      tpu.vector_store %arg14[%swap3A], %gather3A_878 {strides = array<i32>} : memref<8000xf32, #tpu.memory_space<vmem>>, vector<16xf32>,
      %mul3A_880 = arith.constant 4 : i32
      %mul3A_881 = arith.muli %scan3A_868, %mul3A_880 : i32
      %add3A_882 = vector.broadcast %mul3A_881 : i32 to vector<16xi32>
      %add3A_883 = arith.addi %shift_right_arithmetic3A_66, %add3A_882 : vector<16xi32>
      %gather3A_884 = tpu.vector_load_idx %arg22[%add3A_883] : memref<2000xi32, #tpu.memory_space<vmem>>[vector<16xi32>], vector<16xi32>,
      %shift_left3A_885 = arith.constant 2 : i32
      %shift_left3A_886 = vector.broadcast %shift_left3A_885 : i32 to vector<16xi32>
      %shift_left3A_887 = arith.shli %gather3A_884, %shift_left3A_886 : vector<16xi32>
      %add3A_888 = arith.addi %shift_left3A_887, %and3A_68 : vector<16xi32>
      %swap3A_889 = arith.index_cast %mul3A_870 : i32 to index
      %swap3A_890 = tpu.vector_load %arg12[%swap3A_889] {strides = array<i32>} : memref<8000xi32, #tpu.memory_space<vmem>>, vector<16xi32>,
      tpu.vector_store %arg12[%swap3A_889], %add3A_888 {strides = array<i32>} : memref<8000xi32, #tpu.memory_space<vmem>>, vector<16xi32>,
    }
    %scan3A_203 = arith.constant 500 : i32
    %dma_start3A_204 = arith.constant 0 : i32
    %dma_start3A_205 = tpu.memref_slice %arg9[%dma_start3A_204] : memref<40960xf32, #tpu.memory_space<vmem_shared>> -> memref<40960xf32, #tpu.memory_space<vmem_shared>>
    tpu.enqueue_indirect_dma source(%arg14 : memref<8000xf32, #tpu.memory_space<vmem>>) target(%dma_start3A_205 : memref<40960xf32, #tpu.memory_space<vmem_shared>>) offsets(%arg12 : memref<8000xi32, #tpu.memory_space<vmem>>) semaphore(%arg31 : memref<!tpu.dma_semaphore, #tpu.memory_space<semaphore_mem>>) {add = true}
    %mul3A_206 = arith.constant 20000 : i32
    %mul3A_207 = arith.muli %arg1, %mul3A_206 : i32
    %add3A_208 = arith.constant 12000 : i32
    %add3A_209 = arith.addi %mul3A_207, %add3A_208 : i32
    %dma_start3A_210 = tpu.memref_slice %arg3[%add3A_209] : memref<320000xi32, #tpu.memory_space<hbm>> -> memref<2000xi32, #tpu.memory_space<hbm>>
    %dma_start3A_211 = tpu.memref_slice %arg3[%add3A_209] : memref<320000xi32, #tpu.memory_space<hbm>> -> memref<2000xi32, #tpu.memory_space<hbm>>
    tpu.enqueue_dma source(%dma_start3A_211 : memref<2000xi32, #tpu.memory_space<hbm>>) target(%arg20 : memref<2000xi32, #tpu.memory_space<vmem>>) target_semaphore(%arg33 : memref<!tpu.dma_semaphore, #tpu.memory_space<semaphore_mem>>)
    %mul3A_212 = arith.constant 20000 : i32
    %mul3A_213 = arith.muli %arg1, %mul3A_212 : i32
    %add3A_214 = arith.constant 12000 : i32
    %add3A_215 = arith.addi %mul3A_213, %add3A_214 : i32
    %dma_start3A_216 = tpu.memref_slice %arg2[%add3A_215] : memref<320000xi32, #tpu.memory_space<hbm>> -> memref<2000xi32, #tpu.memory_space<hbm>>
    %dma_start3A_217 = tpu.memref_slice %arg2[%add3A_215] : memref<320000xi32, #tpu.memory_space<hbm>> -> memref<2000xi32, #tpu.memory_space<hbm>>
    tpu.enqueue_dma source(%dma_start3A_217 : memref<2000xi32, #tpu.memory_space<hbm>>) target(%arg22 : memref<2000xi32, #tpu.memory_space<vmem>>) target_semaphore(%arg35 : memref<!tpu.dma_semaphore, #tpu.memory_space<semaphore_mem>>)
    %dma_wait3A_218 = arith.constant 0 : i32
    %dma_wait3A_219 = tpu.memref_slice %arg9[%dma_wait3A_218] : memref<40960xf32, #tpu.memory_space<vmem_shared>> -> memref<40960xf32, #tpu.memory_space<vmem_shared>>
    tpu.wait_indirect_dma semaphore(%arg32 : memref<!tpu.dma_semaphore, #tpu.memory_space<semaphore_mem>>) src(%arg15 : memref<8000xf32, #tpu.memory_space<vmem>>) dst(%dma_wait3A_219 : memref<40960xf32, #tpu.memory_space<vmem_shared>>)
    %dma_wait3A_220 = tpu.memref_slice %arg3[%add3A_184] : memref<320000xi32, #tpu.memory_space<hbm>> -> memref<2000xi32, #tpu.memory_space<hbm>>
    %dma_wait3A_221 = tpu.memref_slice %arg3[%add3A_184] : memref<320000xi32, #tpu.memory_space<hbm>> -> memref<2000xi32, #tpu.memory_space<hbm>>
    tpu.wait_dma2 semaphore(%arg34 : memref<!tpu.dma_semaphore, #tpu.memory_space<semaphore_mem>>) src(%dma_wait3A_221 : memref<2000xi32, #tpu.memory_space<hbm>>) dst(%arg21 : memref<2000xi32, #tpu.memory_space<vmem>>)
    %dma_wait3A_222 = tpu.memref_slice %arg2[%add3A_190] : memref<320000xi32, #tpu.memory_space<hbm>> -> memref<2000xi32, #tpu.memory_space<hbm>>
    %dma_wait3A_223 = tpu.memref_slice %arg2[%add3A_190] : memref<320000xi32, #tpu.memory_space<hbm>> -> memref<2000xi32, #tpu.memory_space<hbm>>
    tpu.wait_dma2 semaphore(%arg36 : memref<!tpu.dma_semaphore, #tpu.memory_space<semaphore_mem>>) src(%dma_wait3A_223 : memref<2000xi32, #tpu.memory_space<hbm>>) dst(%arg23 : memref<2000xi32, #tpu.memory_space<vmem>>)
    %scan3A_224 = arith.constant 0 : i32
    %scan3A_225 = arith.constant 500 : i32
    %scan3A_226 = arith.addi %scan3A_224, %scan3A_225 : i32
    %scan3A_227 = arith.constant 1 : i32
    scf.for %scan3A_868 = %scan3A_224 to %scan3A_226 step %scan3A_227  : i32 {
      %mul3A_869 = arith.constant 16 : i32
      %mul3A_870 = arith.muli %scan3A_868, %mul3A_869 : i32
      %mul3A_871 = arith.constant 4 : i32
      %mul3A_872 = arith.muli %scan3A_868, %mul3A_871 : i32
      %add3A_873 = vector.broadcast %mul3A_872 : i32 to vector<16xi32>
      %add3A_874 = arith.addi %shift_right_arithmetic3A_66, %add3A_873 : vector<16xi32>
      %gather3A = tpu.vector_load_idx %arg21[%add3A_874] : memref<2000xi32, #tpu.memory_space<vmem>>[vector<16xi32>], vector<16xi32>,
      %shift_left3A = arith.constant 2 : i32
      %shift_left3A_875 = vector.broadcast %shift_left3A : i32 to vector<16xi32>
      %shift_left3A_876 = arith.shli %gather3A, %shift_left3A_875 : vector<16xi32>
      %add3A_877 = arith.addi %shift_left3A_876, %and3A_68 : vector<16xi32>
      %gather3A_878 = tpu.vector_load_idx %arg11[%add3A_877] : memref<40960xf32, #tpu.memory_space<vmem>>[vector<16xi32>], vector<16xf32>,
      %swap3A = arith.index_cast %mul3A_870 : i32 to index
      %swap3A_879 = tpu.vector_load %arg15[%swap3A] {strides = array<i32>} : memref<8000xf32, #tpu.memory_space<vmem>>, vector<16xf32>,
      tpu.vector_store %arg15[%swap3A], %gather3A_878 {strides = array<i32>} : memref<8000xf32, #tpu.memory_space<vmem>>, vector<16xf32>,
      %mul3A_880 = arith.constant 4 : i32
      %mul3A_881 = arith.muli %scan3A_868, %mul3A_880 : i32
      %add3A_882 = vector.broadcast %mul3A_881 : i32 to vector<16xi32>
      %add3A_883 = arith.addi %shift_right_arithmetic3A_66, %add3A_882 : vector<16xi32>
      %gather3A_884 = tpu.vector_load_idx %arg23[%add3A_883] : memref<2000xi32, #tpu.memory_space<vmem>>[vector<16xi32>], vector<16xi32>,
      %shift_left3A_885 = arith.constant 2 : i32
      %shift_left3A_886 = vector.broadcast %shift_left3A_885 : i32 to vector<16xi32>
      %shift_left3A_887 = arith.shli %gather3A_884, %shift_left3A_886 : vector<16xi32>
      %add3A_888 = arith.addi %shift_left3A_887, %and3A_68 : vector<16xi32>
      %swap3A_889 = arith.index_cast %mul3A_870 : i32 to index
      %swap3A_890 = tpu.vector_load %arg13[%swap3A_889] {strides = array<i32>} : memref<8000xi32, #tpu.memory_space<vmem>>, vector<16xi32>,
      tpu.vector_store %arg13[%swap3A_889], %add3A_888 {strides = array<i32>} : memref<8000xi32, #tpu.memory_space<vmem>>, vector<16xi32>,
    }
    %scan3A_228 = arith.constant 500 : i32
    %dma_start3A_229 = arith.constant 0 : i32
    %dma_start3A_230 = tpu.memref_slice %arg9[%dma_start3A_229] : memref<40960xf32, #tpu.memory_space<vmem_shared>> -> memref<40960xf32, #tpu.memory_space<vmem_shared>>
    tpu.enqueue_indirect_dma source(%arg15 : memref<8000xf32, #tpu.memory_space<vmem>>) target(%dma_start3A_230 : memref<40960xf32, #tpu.memory_space<vmem_shared>>) offsets(%arg13 : memref<8000xi32, #tpu.memory_space<vmem>>) semaphore(%arg32 : memref<!tpu.dma_semaphore, #tpu.memory_space<semaphore_mem>>) {add = true}
    %mul3A_231 = arith.constant 20000 : i32
    %mul3A_232 = arith.muli %arg1, %mul3A_231 : i32
    %add3A_233 = arith.constant 14000 : i32
    %add3A_234 = arith.addi %mul3A_232, %add3A_233 : i32
    %dma_start3A_235 = tpu.memref_slice %arg3[%add3A_234] : memref<320000xi32, #tpu.memory_space<hbm>> -> memref<2000xi32, #tpu.memory_space<hbm>>
    %dma_start3A_236 = tpu.memref_slice %arg3[%add3A_234] : memref<320000xi32, #tpu.memory_space<hbm>> -> memref<2000xi32, #tpu.memory_space<hbm>>
    tpu.enqueue_dma source(%dma_start3A_236 : memref<2000xi32, #tpu.memory_space<hbm>>) target(%arg21 : memref<2000xi32, #tpu.memory_space<vmem>>) target_semaphore(%arg34 : memref<!tpu.dma_semaphore, #tpu.memory_space<semaphore_mem>>)
    %mul3A_237 = arith.constant 20000 : i32
    %mul3A_238 = arith.muli %arg1, %mul3A_237 : i32
    %add3A_239 = arith.constant 14000 : i32
    %add3A_240 = arith.addi %mul3A_238, %add3A_239 : i32
    %dma_start3A_241 = tpu.memref_slice %arg2[%add3A_240] : memref<320000xi32, #tpu.memory_space<hbm>> -> memref<2000xi32, #tpu.memory_space<hbm>>
    %dma_start3A_242 = tpu.memref_slice %arg2[%add3A_240] : memref<320000xi32, #tpu.memory_space<hbm>> -> memref<2000xi32, #tpu.memory_space<hbm>>
    tpu.enqueue_dma source(%dma_start3A_242 : memref<2000xi32, #tpu.memory_space<hbm>>) target(%arg23 : memref<2000xi32, #tpu.memory_space<vmem>>) target_semaphore(%arg36 : memref<!tpu.dma_semaphore, #tpu.memory_space<semaphore_mem>>)
    %dma_wait3A_243 = arith.constant 0 : i32
    %dma_wait3A_244 = tpu.memref_slice %arg9[%dma_wait3A_243] : memref<40960xf32, #tpu.memory_space<vmem_shared>> -> memref<40960xf32, #tpu.memory_space<vmem_shared>>
    tpu.wait_indirect_dma semaphore(%arg31 : memref<!tpu.dma_semaphore, #tpu.memory_space<semaphore_mem>>) src(%arg14 : memref<8000xf32, #tpu.memory_space<vmem>>) dst(%dma_wait3A_244 : memref<40960xf32, #tpu.memory_space<vmem_shared>>)
    %dma_wait3A_245 = tpu.memref_slice %arg3[%add3A_209] : memref<320000xi32, #tpu.memory_space<hbm>> -> memref<2000xi32, #tpu.memory_space<hbm>>
    %dma_wait3A_246 = tpu.memref_slice %arg3[%add3A_209] : memref<320000xi32, #tpu.memory_space<hbm>> -> memref<2000xi32, #tpu.memory_space<hbm>>
    tpu.wait_dma2 semaphore(%arg33 : memref<!tpu.dma_semaphore, #tpu.memory_space<semaphore_mem>>) src(%dma_wait3A_246 : memref<2000xi32, #tpu.memory_space<hbm>>) dst(%arg20 : memref<2000xi32, #tpu.memory_space<vmem>>)
    %dma_wait3A_247 = tpu.memref_slice %arg2[%add3A_215] : memref<320000xi32, #tpu.memory_space<hbm>> -> memref<2000xi32, #tpu.memory_space<hbm>>
    %dma_wait3A_248 = tpu.memref_slice %arg2[%add3A_215] : memref<320000xi32, #tpu.memory_space<hbm>> -> memref<2000xi32, #tpu.memory_space<hbm>>
    tpu.wait_dma2 semaphore(%arg35 : memref<!tpu.dma_semaphore, #tpu.memory_space<semaphore_mem>>) src(%dma_wait3A_248 : memref<2000xi32, #tpu.memory_space<hbm>>) dst(%arg22 : memref<2000xi32, #tpu.memory_space<vmem>>)
    %scan3A_249 = arith.constant 0 : i32
    %scan3A_250 = arith.constant 500 : i32
    %scan3A_251 = arith.addi %scan3A_249, %scan3A_250 : i32
    %scan3A_252 = arith.constant 1 : i32
    scf.for %scan3A_868 = %scan3A_249 to %scan3A_251 step %scan3A_252  : i32 {
      %mul3A_869 = arith.constant 16 : i32
      %mul3A_870 = arith.muli %scan3A_868, %mul3A_869 : i32
      %mul3A_871 = arith.constant 4 : i32
      %mul3A_872 = arith.muli %scan3A_868, %mul3A_871 : i32
      %add3A_873 = vector.broadcast %mul3A_872 : i32 to vector<16xi32>
      %add3A_874 = arith.addi %shift_right_arithmetic3A_66, %add3A_873 : vector<16xi32>
      %gather3A = tpu.vector_load_idx %arg20[%add3A_874] : memref<2000xi32, #tpu.memory_space<vmem>>[vector<16xi32>], vector<16xi32>,
      %shift_left3A = arith.constant 2 : i32
      %shift_left3A_875 = vector.broadcast %shift_left3A : i32 to vector<16xi32>
      %shift_left3A_876 = arith.shli %gather3A, %shift_left3A_875 : vector<16xi32>
      %add3A_877 = arith.addi %shift_left3A_876, %and3A_68 : vector<16xi32>
      %gather3A_878 = tpu.vector_load_idx %arg11[%add3A_877] : memref<40960xf32, #tpu.memory_space<vmem>>[vector<16xi32>], vector<16xf32>,
      %swap3A = arith.index_cast %mul3A_870 : i32 to index
      %swap3A_879 = tpu.vector_load %arg14[%swap3A] {strides = array<i32>} : memref<8000xf32, #tpu.memory_space<vmem>>, vector<16xf32>,
      tpu.vector_store %arg14[%swap3A], %gather3A_878 {strides = array<i32>} : memref<8000xf32, #tpu.memory_space<vmem>>, vector<16xf32>,
      %mul3A_880 = arith.constant 4 : i32
      %mul3A_881 = arith.muli %scan3A_868, %mul3A_880 : i32
      %add3A_882 = vector.broadcast %mul3A_881 : i32 to vector<16xi32>
      %add3A_883 = arith.addi %shift_right_arithmetic3A_66, %add3A_882 : vector<16xi32>
      %gather3A_884 = tpu.vector_load_idx %arg22[%add3A_883] : memref<2000xi32, #tpu.memory_space<vmem>>[vector<16xi32>], vector<16xi32>,
      %shift_left3A_885 = arith.constant 2 : i32
      %shift_left3A_886 = vector.broadcast %shift_left3A_885 : i32 to vector<16xi32>
      %shift_left3A_887 = arith.shli %gather3A_884, %shift_left3A_886 : vector<16xi32>
      %add3A_888 = arith.addi %shift_left3A_887, %and3A_68 : vector<16xi32>
      %swap3A_889 = arith.index_cast %mul3A_870 : i32 to index
      %swap3A_890 = tpu.vector_load %arg12[%swap3A_889] {strides = array<i32>} : memref<8000xi32, #tpu.memory_space<vmem>>, vector<16xi32>,
      tpu.vector_store %arg12[%swap3A_889], %add3A_888 {strides = array<i32>} : memref<8000xi32, #tpu.memory_space<vmem>>, vector<16xi32>,
    }
    %scan3A_253 = arith.constant 500 : i32
    %dma_start3A_254 = arith.constant 0 : i32
    %dma_start3A_255 = tpu.memref_slice %arg9[%dma_start3A_254] : memref<40960xf32, #tpu.memory_space<vmem_shared>> -> memref<40960xf32, #tpu.memory_space<vmem_shared>>
    tpu.enqueue_indirect_dma source(%arg14 : memref<8000xf32, #tpu.memory_space<vmem>>) target(%dma_start3A_255 : memref<40960xf32, #tpu.memory_space<vmem_shared>>) offsets(%arg12 : memref<8000xi32, #tpu.memory_space<vmem>>) semaphore(%arg31 : memref<!tpu.dma_semaphore, #tpu.memory_space<semaphore_mem>>) {add = true}
    %mul3A_256 = arith.constant 20000 : i32
    %mul3A_257 = arith.muli %arg1, %mul3A_256 : i32
    %add3A_258 = arith.constant 16000 : i32
    %add3A_259 = arith.addi %mul3A_257, %add3A_258 : i32
    %dma_start3A_260 = tpu.memref_slice %arg3[%add3A_259] : memref<320000xi32, #tpu.memory_space<hbm>> -> memref<2000xi32, #tpu.memory_space<hbm>>
    %dma_start3A_261 = tpu.memref_slice %arg3[%add3A_259] : memref<320000xi32, #tpu.memory_space<hbm>> -> memref<2000xi32, #tpu.memory_space<hbm>>
    tpu.enqueue_dma source(%dma_start3A_261 : memref<2000xi32, #tpu.memory_space<hbm>>) target(%arg20 : memref<2000xi32, #tpu.memory_space<vmem>>) target_semaphore(%arg33 : memref<!tpu.dma_semaphore, #tpu.memory_space<semaphore_mem>>)
    %mul3A_262 = arith.constant 20000 : i32
    %mul3A_263 = arith.muli %arg1, %mul3A_262 : i32
    %add3A_264 = arith.constant 16000 : i32
    %add3A_265 = arith.addi %mul3A_263, %add3A_264 : i32
    %dma_start3A_266 = tpu.memref_slice %arg2[%add3A_265] : memref<320000xi32, #tpu.memory_space<hbm>> -> memref<2000xi32, #tpu.memory_space<hbm>>
    %dma_start3A_267 = tpu.memref_slice %arg2[%add3A_265] : memref<320000xi32, #tpu.memory_space<hbm>> -> memref<2000xi32, #tpu.memory_space<hbm>>
    tpu.enqueue_dma source(%dma_start3A_267 : memref<2000xi32, #tpu.memory_space<hbm>>) target(%arg22 : memref<2000xi32, #tpu.memory_space<vmem>>) target_semaphore(%arg35 : memref<!tpu.dma_semaphore, #tpu.memory_space<semaphore_mem>>)
    %dma_wait3A_268 = arith.constant 0 : i32
    %dma_wait3A_269 = tpu.memref_slice %arg9[%dma_wait3A_268] : memref<40960xf32, #tpu.memory_space<vmem_shared>> -> memref<40960xf32, #tpu.memory_space<vmem_shared>>
    tpu.wait_indirect_dma semaphore(%arg32 : memref<!tpu.dma_semaphore, #tpu.memory_space<semaphore_mem>>) src(%arg15 : memref<8000xf32, #tpu.memory_space<vmem>>) dst(%dma_wait3A_269 : memref<40960xf32, #tpu.memory_space<vmem_shared>>)
    %dma_wait3A_270 = tpu.memref_slice %arg3[%add3A_234] : memref<320000xi32, #tpu.memory_space<hbm>> -> memref<2000xi32, #tpu.memory_space<hbm>>
    %dma_wait3A_271 = tpu.memref_slice %arg3[%add3A_234] : memref<320000xi32, #tpu.memory_space<hbm>> -> memref<2000xi32, #tpu.memory_space<hbm>>
    tpu.wait_dma2 semaphore(%arg34 : memref<!tpu.dma_semaphore, #tpu.memory_space<semaphore_mem>>) src(%dma_wait3A_271 : memref<2000xi32, #tpu.memory_space<hbm>>) dst(%arg21 : memref<2000xi32, #tpu.memory_space<vmem>>)
    %dma_wait3A_272 = tpu.memref_slice %arg2[%add3A_240] : memref<320000xi32, #tpu.memory_space<hbm>> -> memref<2000xi32, #tpu.memory_space<hbm>>
    %dma_wait3A_273 = tpu.memref_slice %arg2[%add3A_240] : memref<320000xi32, #tpu.memory_space<hbm>> -> memref<2000xi32, #tpu.memory_space<hbm>>
    tpu.wait_dma2 semaphore(%arg36 : memref<!tpu.dma_semaphore, #tpu.memory_space<semaphore_mem>>) src(%dma_wait3A_273 : memref<2000xi32, #tpu.memory_space<hbm>>) dst(%arg23 : memref<2000xi32, #tpu.memory_space<vmem>>)
    %scan3A_274 = arith.constant 0 : i32
    %scan3A_275 = arith.constant 500 : i32
    %scan3A_276 = arith.addi %scan3A_274, %scan3A_275 : i32
    %scan3A_277 = arith.constant 1 : i32
    scf.for %scan3A_868 = %scan3A_274 to %scan3A_276 step %scan3A_277  : i32 {
      %mul3A_869 = arith.constant 16 : i32
      %mul3A_870 = arith.muli %scan3A_868, %mul3A_869 : i32
      %mul3A_871 = arith.constant 4 : i32
      %mul3A_872 = arith.muli %scan3A_868, %mul3A_871 : i32
      %add3A_873 = vector.broadcast %mul3A_872 : i32 to vector<16xi32>
      %add3A_874 = arith.addi %shift_right_arithmetic3A_66, %add3A_873 : vector<16xi32>
      %gather3A = tpu.vector_load_idx %arg21[%add3A_874] : memref<2000xi32, #tpu.memory_space<vmem>>[vector<16xi32>], vector<16xi32>,
      %shift_left3A = arith.constant 2 : i32
      %shift_left3A_875 = vector.broadcast %shift_left3A : i32 to vector<16xi32>
      %shift_left3A_876 = arith.shli %gather3A, %shift_left3A_875 : vector<16xi32>
      %add3A_877 = arith.addi %shift_left3A_876, %and3A_68 : vector<16xi32>
      %gather3A_878 = tpu.vector_load_idx %arg11[%add3A_877] : memref<40960xf32, #tpu.memory_space<vmem>>[vector<16xi32>], vector<16xf32>,
      %swap3A = arith.index_cast %mul3A_870 : i32 to index
      %swap3A_879 = tpu.vector_load %arg15[%swap3A] {strides = array<i32>} : memref<8000xf32, #tpu.memory_space<vmem>>, vector<16xf32>,
      tpu.vector_store %arg15[%swap3A], %gather3A_878 {strides = array<i32>} : memref<8000xf32, #tpu.memory_space<vmem>>, vector<16xf32>,
      %mul3A_880 = arith.constant 4 : i32
      %mul3A_881 = arith.muli %scan3A_868, %mul3A_880 : i32
      %add3A_882 = vector.broadcast %mul3A_881 : i32 to vector<16xi32>
      %add3A_883 = arith.addi %shift_right_arithmetic3A_66, %add3A_882 : vector<16xi32>
      %gather3A_884 = tpu.vector_load_idx %arg23[%add3A_883] : memref<2000xi32, #tpu.memory_space<vmem>>[vector<16xi32>], vector<16xi32>,
      %shift_left3A_885 = arith.constant 2 : i32
      %shift_left3A_886 = vector.broadcast %shift_left3A_885 : i32 to vector<16xi32>
      %shift_left3A_887 = arith.shli %gather3A_884, %shift_left3A_886 : vector<16xi32>
      %add3A_888 = arith.addi %shift_left3A_887, %and3A_68 : vector<16xi32>
      %swap3A_889 = arith.index_cast %mul3A_870 : i32 to index
      %swap3A_890 = tpu.vector_load %arg13[%swap3A_889] {strides = array<i32>} : memref<8000xi32, #tpu.memory_space<vmem>>, vector<16xi32>,
      tpu.vector_store %arg13[%swap3A_889], %add3A_888 {strides = array<i32>} : memref<8000xi32, #tpu.memory_space<vmem>>, vector<16xi32>,
    }
    %scan3A_278 = arith.constant 500 : i32
    %dma_start3A_279 = arith.constant 0 : i32
    %dma_start3A_280 = tpu.memref_slice %arg9[%dma_start3A_279] : memref<40960xf32, #tpu.memory_space<vmem_shared>> -> memref<40960xf32, #tpu.memory_space<vmem_shared>>
    tpu.enqueue_indirect_dma source(%arg15 : memref<8000xf32, #tpu.memory_space<vmem>>) target(%dma_start3A_280 : memref<40960xf32, #tpu.memory_space<vmem_shared>>) offsets(%arg13 : memref<8000xi32, #tpu.memory_space<vmem>>) semaphore(%arg32 : memref<!tpu.dma_semaphore, #tpu.memory_space<semaphore_mem>>) {add = true}
    %mul3A_281 = arith.constant 20000 : i32
    %mul3A_282 = arith.muli %arg1, %mul3A_281 : i32
    %add3A_283 = arith.constant 18000 : i32
    %add3A_284 = arith.addi %mul3A_282, %add3A_283 : i32
    %dma_start3A_285 = tpu.memref_slice %arg3[%add3A_284] : memref<320000xi32, #tpu.memory_space<hbm>> -> memref<2000xi32, #tpu.memory_space<hbm>>
    %dma_start3A_286 = tpu.memref_slice %arg3[%add3A_284] : memref<320000xi32, #tpu.memory_space<hbm>> -> memref<2000xi32, #tpu.memory_space<hbm>>
    tpu.enqueue_dma source(%dma_start3A_286 : memref<2000xi32, #tpu.memory_space<hbm>>) target(%arg21 : memref<2000xi32, #tpu.memory_space<vmem>>) target_semaphore(%arg34 : memref<!tpu.dma_semaphore, #tpu.memory_space<semaphore_mem>>)
    %mul3A_287 = arith.constant 20000 : i32
    %mul3A_288 = arith.muli %arg1, %mul3A_287 : i32
    %add3A_289 = arith.constant 18000 : i32
    %add3A_290 = arith.addi %mul3A_288, %add3A_289 : i32
    %dma_start3A_291 = tpu.memref_slice %arg2[%add3A_290] : memref<320000xi32, #tpu.memory_space<hbm>> -> memref<2000xi32, #tpu.memory_space<hbm>>
    %dma_start3A_292 = tpu.memref_slice %arg2[%add3A_290] : memref<320000xi32, #tpu.memory_space<hbm>> -> memref<2000xi32, #tpu.memory_space<hbm>>
    tpu.enqueue_dma source(%dma_start3A_292 : memref<2000xi32, #tpu.memory_space<hbm>>) target(%arg23 : memref<2000xi32, #tpu.memory_space<vmem>>) target_semaphore(%arg36 : memref<!tpu.dma_semaphore, #tpu.memory_space<semaphore_mem>>)
    %dma_wait3A_293 = arith.constant 0 : i32
    %dma_wait3A_294 = tpu.memref_slice %arg9[%dma_wait3A_293] : memref<40960xf32, #tpu.memory_space<vmem_shared>> -> memref<40960xf32, #tpu.memory_space<vmem_shared>>
    tpu.wait_indirect_dma semaphore(%arg31 : memref<!tpu.dma_semaphore, #tpu.memory_space<semaphore_mem>>) src(%arg14 : memref<8000xf32, #tpu.memory_space<vmem>>) dst(%dma_wait3A_294 : memref<40960xf32, #tpu.memory_space<vmem_shared>>)
    %dma_wait3A_295 = tpu.memref_slice %arg3[%add3A_259] : memref<320000xi32, #tpu.memory_space<hbm>> -> memref<2000xi32, #tpu.memory_space<hbm>>
    %dma_wait3A_296 = tpu.memref_slice %arg3[%add3A_259] : memref<320000xi32, #tpu.memory_space<hbm>> -> memref<2000xi32, #tpu.memory_space<hbm>>
    tpu.wait_dma2 semaphore(%arg33 : memref<!tpu.dma_semaphore, #tpu.memory_space<semaphore_mem>>) src(%dma_wait3A_296 : memref<2000xi32, #tpu.memory_space<hbm>>) dst(%arg20 : memref<2000xi32, #tpu.memory_space<vmem>>)
    %dma_wait3A_297 = tpu.memref_slice %arg2[%add3A_265] : memref<320000xi32, #tpu.memory_space<hbm>> -> memref<2000xi32, #tpu.memory_space<hbm>>
    %dma_wait3A_298 = tpu.memref_slice %arg2[%add3A_265] : memref<320000xi32, #tpu.memory_space<hbm>> -> memref<2000xi32, #tpu.memory_space<hbm>>
    tpu.wait_dma2 semaphore(%arg35 : memref<!tpu.dma_semaphore, #tpu.memory_space<semaphore_mem>>) src(%dma_wait3A_298 : memref<2000xi32, #tpu.memory_space<hbm>>) dst(%arg22 : memref<2000xi32, #tpu.memory_space<vmem>>)
    %scan3A_299 = arith.constant 0 : i32
    %scan3A_300 = arith.constant 500 : i32
    %scan3A_301 = arith.addi %scan3A_299, %scan3A_300 : i32
    %scan3A_302 = arith.constant 1 : i32
    scf.for %scan3A_868 = %scan3A_299 to %scan3A_301 step %scan3A_302  : i32 {
      %mul3A_869 = arith.constant 16 : i32
      %mul3A_870 = arith.muli %scan3A_868, %mul3A_869 : i32
      %mul3A_871 = arith.constant 4 : i32
      %mul3A_872 = arith.muli %scan3A_868, %mul3A_871 : i32
      %add3A_873 = vector.broadcast %mul3A_872 : i32 to vector<16xi32>
      %add3A_874 = arith.addi %shift_right_arithmetic3A_66, %add3A_873 : vector<16xi32>
      %gather3A = tpu.vector_load_idx %arg20[%add3A_874] : memref<2000xi32, #tpu.memory_space<vmem>>[vector<16xi32>], vector<16xi32>,
      %shift_left3A = arith.constant 2 : i32
      %shift_left3A_875 = vector.broadcast %shift_left3A : i32 to vector<16xi32>
      %shift_left3A_876 = arith.shli %gather3A, %shift_left3A_875 : vector<16xi32>
      %add3A_877 = arith.addi %shift_left3A_876, %and3A_68 : vector<16xi32>
      %gather3A_878 = tpu.vector_load_idx %arg11[%add3A_877] : memref<40960xf32, #tpu.memory_space<vmem>>[vector<16xi32>], vector<16xf32>,
      %swap3A = arith.index_cast %mul3A_870 : i32 to index
      %swap3A_879 = tpu.vector_load %arg14[%swap3A] {strides = array<i32>} : memref<8000xf32, #tpu.memory_space<vmem>>, vector<16xf32>,
      tpu.vector_store %arg14[%swap3A], %gather3A_878 {strides = array<i32>} : memref<8000xf32, #tpu.memory_space<vmem>>, vector<16xf32>,
      %mul3A_880 = arith.constant 4 : i32
      %mul3A_881 = arith.muli %scan3A_868, %mul3A_880 : i32
      %add3A_882 = vector.broadcast %mul3A_881 : i32 to vector<16xi32>
      %add3A_883 = arith.addi %shift_right_arithmetic3A_66, %add3A_882 : vector<16xi32>
      %gather3A_884 = tpu.vector_load_idx %arg22[%add3A_883] : memref<2000xi32, #tpu.memory_space<vmem>>[vector<16xi32>], vector<16xi32>,
      %shift_left3A_885 = arith.constant 2 : i32
      %shift_left3A_886 = vector.broadcast %shift_left3A_885 : i32 to vector<16xi32>
      %shift_left3A_887 = arith.shli %gather3A_884, %shift_left3A_886 : vector<16xi32>
      %add3A_888 = arith.addi %shift_left3A_887, %and3A_68 : vector<16xi32>
      %swap3A_889 = arith.index_cast %mul3A_870 : i32 to index
      %swap3A_890 = tpu.vector_load %arg12[%swap3A_889] {strides = array<i32>} : memref<8000xi32, #tpu.memory_space<vmem>>, vector<16xi32>,
      tpu.vector_store %arg12[%swap3A_889], %add3A_888 {strides = array<i32>} : memref<8000xi32, #tpu.memory_space<vmem>>, vector<16xi32>,
    }
    %scan3A_303 = arith.constant 500 : i32
    %dma_start3A_304 = arith.constant 0 : i32
    %dma_start3A_305 = tpu.memref_slice %arg9[%dma_start3A_304] : memref<40960xf32, #tpu.memory_space<vmem_shared>> -> memref<40960xf32, #tpu.memory_space<vmem_shared>>
    tpu.enqueue_indirect_dma source(%arg14 : memref<8000xf32, #tpu.memory_space<vmem>>) target(%dma_start3A_305 : memref<40960xf32, #tpu.memory_space<vmem_shared>>) offsets(%arg12 : memref<8000xi32, #tpu.memory_space<vmem>>) semaphore(%arg31 : memref<!tpu.dma_semaphore, #tpu.memory_space<semaphore_mem>>) {add = true}
    %dma_wait3A_306 = arith.constant 0 : i32
    %dma_wait3A_307 = tpu.memref_slice %arg9[%dma_wait3A_306] : memref<40960xf32, #tpu.memory_space<vmem_shared>> -> memref<40960xf32, #tpu.memory_space<vmem_shared>>
    tpu.wait_indirect_dma semaphore(%arg32 : memref<!tpu.dma_semaphore, #tpu.memory_space<semaphore_mem>>) src(%arg15 : memref<8000xf32, #tpu.memory_space<vmem>>) dst(%dma_wait3A_307 : memref<40960xf32, #tpu.memory_space<vmem_shared>>)
    %dma_wait3A_308 = tpu.memref_slice %arg3[%add3A_284] : memref<320000xi32, #tpu.memory_space<hbm>> -> memref<2000xi32, #tpu.memory_space<hbm>>
    %dma_wait3A_309 = tpu.memref_slice %arg3[%add3A_284] : memref<320000xi32, #tpu.memory_space<hbm>> -> memref<2000xi32, #tpu.memory_space<hbm>>
    tpu.wait_dma2 semaphore(%arg34 : memref<!tpu.dma_semaphore, #tpu.memory_space<semaphore_mem>>) src(%dma_wait3A_309 : memref<2000xi32, #tpu.memory_space<hbm>>) dst(%arg21 : memref<2000xi32, #tpu.memory_space<vmem>>)
    %dma_wait3A_310 = tpu.memref_slice %arg2[%add3A_290] : memref<320000xi32, #tpu.memory_space<hbm>> -> memref<2000xi32, #tpu.memory_space<hbm>>
    %dma_wait3A_311 = tpu.memref_slice %arg2[%add3A_290] : memref<320000xi32, #tpu.memory_space<hbm>> -> memref<2000xi32, #tpu.memory_space<hbm>>
    tpu.wait_dma2 semaphore(%arg36 : memref<!tpu.dma_semaphore, #tpu.memory_space<semaphore_mem>>) src(%dma_wait3A_311 : memref<2000xi32, #tpu.memory_space<hbm>>) dst(%arg23 : memref<2000xi32, #tpu.memory_space<vmem>>)
    %scan3A_312 = arith.constant 0 : i32
    %scan3A_313 = arith.constant 500 : i32
    %scan3A_314 = arith.addi %scan3A_312, %scan3A_313 : i32
    %scan3A_315 = arith.constant 1 : i32
    scf.for %scan3A_868 = %scan3A_312 to %scan3A_314 step %scan3A_315  : i32 {
      %mul3A_869 = arith.constant 16 : i32
      %mul3A_870 = arith.muli %scan3A_868, %mul3A_869 : i32
      %mul3A_871 = arith.constant 4 : i32
      %mul3A_872 = arith.muli %scan3A_868, %mul3A_871 : i32
      %add3A_873 = vector.broadcast %mul3A_872 : i32 to vector<16xi32>
      %add3A_874 = arith.addi %shift_right_arithmetic3A_66, %add3A_873 : vector<16xi32>
      %gather3A = tpu.vector_load_idx %arg21[%add3A_874] : memref<2000xi32, #tpu.memory_space<vmem>>[vector<16xi32>], vector<16xi32>,
      %shift_left3A = arith.constant 2 : i32
      %shift_left3A_875 = vector.broadcast %shift_left3A : i32 to vector<16xi32>
      %shift_left3A_876 = arith.shli %gather3A, %shift_left3A_875 : vector<16xi32>
      %add3A_877 = arith.addi %shift_left3A_876, %and3A_68 : vector<16xi32>
      %gather3A_878 = tpu.vector_load_idx %arg11[%add3A_877] : memref<40960xf32, #tpu.memory_space<vmem>>[vector<16xi32>], vector<16xf32>,
      %swap3A = arith.index_cast %mul3A_870 : i32 to index
      %swap3A_879 = tpu.vector_load %arg15[%swap3A] {strides = array<i32>} : memref<8000xf32, #tpu.memory_space<vmem>>, vector<16xf32>,
      tpu.vector_store %arg15[%swap3A], %gather3A_878 {strides = array<i32>} : memref<8000xf32, #tpu.memory_space<vmem>>, vector<16xf32>,
      %mul3A_880 = arith.constant 4 : i32
      %mul3A_881 = arith.muli %scan3A_868, %mul3A_880 : i32
      %add3A_882 = vector.broadcast %mul3A_881 : i32 to vector<16xi32>
      %add3A_883 = arith.addi %shift_right_arithmetic3A_66, %add3A_882 : vector<16xi32>
      %gather3A_884 = tpu.vector_load_idx %arg23[%add3A_883] : memref<2000xi32, #tpu.memory_space<vmem>>[vector<16xi32>], vector<16xi32>,
      %shift_left3A_885 = arith.constant 2 : i32
      %shift_left3A_886 = vector.broadcast %shift_left3A_885 : i32 to vector<16xi32>
      %shift_left3A_887 = arith.shli %gather3A_884, %shift_left3A_886 : vector<16xi32>
      %add3A_888 = arith.addi %shift_left3A_887, %and3A_68 : vector<16xi32>
      %swap3A_889 = arith.index_cast %mul3A_870 : i32 to index
      %swap3A_890 = tpu.vector_load %arg13[%swap3A_889] {strides = array<i32>} : memref<8000xi32, #tpu.memory_space<vmem>>, vector<16xi32>,
      tpu.vector_store %arg13[%swap3A_889], %add3A_888 {strides = array<i32>} : memref<8000xi32, #tpu.memory_space<vmem>>, vector<16xi32>,
    }
    %scan3A_316 = arith.constant 500 : i32
    %dma_start3A_317 = arith.constant 0 : i32
    %dma_start3A_318 = tpu.memref_slice %arg9[%dma_start3A_317] : memref<40960xf32, #tpu.memory_space<vmem_shared>> -> memref<40960xf32, #tpu.memory_space<vmem_shared>>
    tpu.enqueue_indirect_dma source(%arg15 : memref<8000xf32, #tpu.memory_space<vmem>>) target(%dma_start3A_318 : memref<40960xf32, #tpu.memory_space<vmem_shared>>) offsets(%arg13 : memref<8000xi32, #tpu.memory_space<vmem>>) semaphore(%arg32 : memref<!tpu.dma_semaphore, #tpu.memory_space<semaphore_mem>>) {add = true}
    %dma_wait3A_319 = arith.constant 0 : i32
    %dma_wait3A_320 = tpu.memref_slice %arg9[%dma_wait3A_319] : memref<40960xf32, #tpu.memory_space<vmem_shared>> -> memref<40960xf32, #tpu.memory_space<vmem_shared>>
    tpu.wait_indirect_dma semaphore(%arg31 : memref<!tpu.dma_semaphore, #tpu.memory_space<semaphore_mem>>) src(%arg14 : memref<8000xf32, #tpu.memory_space<vmem>>) dst(%dma_wait3A_320 : memref<40960xf32, #tpu.memory_space<vmem_shared>>)
    %dma_wait3A_321 = arith.constant 0 : i32
    %dma_wait3A_322 = tpu.memref_slice %arg9[%dma_wait3A_321] : memref<40960xf32, #tpu.memory_space<vmem_shared>> -> memref<40960xf32, #tpu.memory_space<vmem_shared>>
    tpu.wait_indirect_dma semaphore(%arg32 : memref<!tpu.dma_semaphore, #tpu.memory_space<semaphore_mem>>) src(%arg15 : memref<8000xf32, #tpu.memory_space<vmem>>) dst(%dma_wait3A_322 : memref<40960xf32, #tpu.memory_space<vmem_shared>>)
    %barrier3A_323 = arith.constant 0 : index
    tpu.barrier barrier_id(%barrier3A_323)
    "tpu.region"() ({
      %run_scoped3A = tpu.sem_alloc : memref<!tpu.dma_semaphore, #tpu.memory_space<semaphore_mem>>
      %dma_start3A_868 = tpu.memref_slice %arg9[%mul3A_0] : memref<40960xf32, #tpu.memory_space<vmem_shared>> -> memref<2560xf32, #tpu.memory_space<vmem_shared>>
      %dma_start3A_869 = tpu.memref_slice %arg9[%mul3A_0] : memref<40960xf32, #tpu.memory_space<vmem_shared>> -> memref<2560xf32, #tpu.memory_space<vmem_shared>>
      tpu.enqueue_dma source(%dma_start3A_869 : memref<2560xf32, #tpu.memory_space<vmem_shared>>) target(%arg27 : memref<2560xf32, #tpu.memory_space<vmem>>) target_semaphore(%run_scoped3A : memref<!tpu.dma_semaphore, #tpu.memory_space<semaphore_mem>>)
      %dma_wait3A_870 = tpu.memref_slice %arg9[%mul3A_0] : memref<40960xf32, #tpu.memory_space<vmem_shared>> -> memref<2560xf32, #tpu.memory_space<vmem_shared>>
      %dma_wait3A_871 = tpu.memref_slice %arg9[%mul3A_0] : memref<40960xf32, #tpu.memory_space<vmem_shared>> -> memref<2560xf32, #tpu.memory_space<vmem_shared>>
      tpu.wait_dma2 semaphore(%run_scoped3A : memref<!tpu.dma_semaphore, #tpu.memory_space<semaphore_mem>>) src(%dma_wait3A_871 : memref<2560xf32, #tpu.memory_space<vmem_shared>>) dst(%arg27 : memref<2560xf32, #tpu.memory_space<vmem>>)
      tpu.yield
    }) : () -> ()
    %scan3A_324 = arith.constant 0 : i32
    %scan3A_325 = arith.constant 160 : i32
    %scan3A_326 = arith.addi %scan3A_324, %scan3A_325 : i32
    %scan3A_327 = arith.constant 1 : i32
    scf.for %scan3A_868 = %scan3A_324 to %scan3A_326 step %scan3A_327  : i32 {
      %mul3A_869 = arith.constant 16 : i32
      %mul3A_870 = arith.muli %scan3A_868, %mul3A_869 : i32
      %mul3A_871 = arith.constant 16 : i32
      %mul3A_872 = arith.muli %scan3A_868, %mul3A_871 : i32
      %add3A_873 = vector.broadcast %mul3A_872 : i32 to vector<16xi32>
      %add3A_874 = arith.addi %iota3A, %add3A_873 : vector<16xi32>
      %shift_right_arithmetic3A_875 = arith.constant 2 : i32
      %shift_right_arithmetic3A_876 = vector.broadcast %shift_right_arithmetic3A_875 : i32 to vector<16xi32>
      %shift_right_arithmetic3A_877 = arith.shrsi %add3A_874, %shift_right_arithmetic3A_876 : vector<16xi32>
      %gather3A = tpu.vector_load_idx %arg29[%shift_right_arithmetic3A_877] : memref<640xf32, #tpu.memory_space<vmem>>[vector<16xi32>], vector<16xf32>,
      %and3A_878 = arith.constant 3 : i32
      %and3A_879 = vector.broadcast %and3A_878 : i32 to vector<16xi32>
      %and3A_880 = arith.andi %add3A_874, %and3A_879 : vector<16xi32>
      %add3A_881 = arith.constant 48 : i32
      %add3A_882 = vector.broadcast %add3A_881 : i32 to vector<16xi32>
      %add3A_883 = arith.addi %add3A_882, %and3A_880 : vector<16xi32>
      %gather3A_884 = tpu.vector_load_idx %arg30[%add3A_883] : memref<64xf32, #tpu.memory_space<vmem>>[vector<16xi32>], vector<16xf32>,
      %get3A = arith.index_cast %mul3A_870 : i32 to index
      %get3A_885 = tpu.vector_load %arg27[%get3A] {strides = array<i32>} : memref<2560xf32, #tpu.memory_space<vmem>>, vector<16xf32>,
      %get3A_886 = arith.index_cast %mul3A_870 : i32 to index
      %get3A_887 = tpu.vector_load %arg26[%get3A_886] {strides = array<i32>} : memref<2560xf32, #tpu.memory_space<vmem>>, vector<16xf32>,
      %add3A_888 = arith.addf %get3A_885, %get3A_887 : vector<16xf32>
      %mul3A_889 = arith.mulf %gather3A, %add3A_888 : vector<16xf32>
      %add3A_890 = arith.addf %mul3A_889, %gather3A_884 : vector<16xf32>
      %mul3A_891 = arith.constant 2.000000e+00 : f32
      %mul3A_892 = vector.broadcast %mul3A_891 : f32 to vector<16xf32>
      %mul3A_893 = arith.mulf %mul3A_892, %add3A_890 : vector<16xf32>
      %exp3A = math.exp %mul3A_893 : vector<16xf32>
      %add3A_894 = arith.constant 1.000000e+00 : f32
      %add3A_895 = vector.broadcast %add3A_894 : f32 to vector<16xf32>
      %add3A_896 = arith.addf %exp3A, %add3A_895 : vector<16xf32>
      %div3A = arith.constant 2.000000e+00 : f32
      %div3A_897 = vector.broadcast %div3A : f32 to vector<16xf32>
      %div3A_898 = arith.divf %div3A_897, %add3A_896 : vector<16xf32>
      %sub3A = arith.constant 1.000000e+00 : f32
      %sub3A_899 = vector.broadcast %sub3A : f32 to vector<16xf32>
      %sub3A_900 = arith.subf %sub3A_899, %div3A_898 : vector<16xf32>
      %swap3A = arith.index_cast %mul3A_870 : i32 to index
      %swap3A_901 = tpu.vector_load %arg28[%swap3A] {strides = array<i32>} : memref<2560xf32, #tpu.memory_space<vmem>>, vector<16xf32>,
      tpu.vector_store %arg28[%swap3A], %sub3A_900 {strides = array<i32>} : memref<2560xf32, #tpu.memory_space<vmem>>, vector<16xf32>,
    }
    %scan3A_328 = arith.constant 160 : i32
    %scan3A_329 = arith.constant 0 : i32
    %scan3A_330 = arith.constant 160 : i32
    %scan3A_331 = arith.addi %scan3A_329, %scan3A_330 : i32
    %scan3A_332 = arith.constant 1 : i32
    scf.for %scan3A_868 = %scan3A_329 to %scan3A_331 step %scan3A_332  : i32 {
      %mul3A_869 = arith.constant 16 : i32
      %mul3A_870 = arith.muli %scan3A_868, %mul3A_869 : i32
      %mul3A_871 = arith.constant 16 : i32
      %mul3A_872 = arith.muli %scan3A_868, %mul3A_871 : i32
      %add3A_873 = vector.broadcast %mul3A_872 : i32 to vector<16xi32>
      %add3A_874 = arith.addi %iota3A, %add3A_873 : vector<16xi32>
      %shift_right_arithmetic3A_875 = arith.constant 2 : i32
      %shift_right_arithmetic3A_876 = vector.broadcast %shift_right_arithmetic3A_875 : i32 to vector<16xi32>
      %shift_right_arithmetic3A_877 = arith.shrsi %add3A_874, %shift_right_arithmetic3A_876 : vector<16xi32>
      %shift_left3A = arith.constant 2 : i32
      %shift_left3A_878 = vector.broadcast %shift_left3A : i32 to vector<16xi32>
      %shift_left3A_879 = arith.shli %shift_right_arithmetic3A_877, %shift_left3A_878 : vector<16xi32>
      %and3A_880 = arith.constant 3 : i32
      %and3A_881 = vector.broadcast %and3A_880 : i32 to vector<16xi32>
      %and3A_882 = arith.andi %add3A_874, %and3A_881 : vector<16xi32>
      %broadcast_in_dim3A = arith.constant 0.000000e+00 : f32
      %broadcast_in_dim3A_883 = vector.broadcast %broadcast_in_dim3A : f32 to vector<16xf32>
      %add3A_884 = arith.constant 0 : i32
      %add3A_885 = vector.broadcast %add3A_884 : i32 to vector<16xi32>
      %add3A_886 = arith.addi %shift_left3A_879, %add3A_885 : vector<16xi32>
      %gather3A = tpu.vector_load_idx %arg28[%add3A_886] : memref<2560xf32, #tpu.memory_space<vmem>>[vector<16xi32>], vector<16xf32>,
      %add3A_887 = arith.constant 0 : i32
      %add3A_888 = vector.broadcast %add3A_887 : i32 to vector<16xi32>
      %add3A_889 = arith.addi %add3A_888, %and3A_882 : vector<16xi32>
      %gather3A_890 = tpu.vector_load_idx %arg30[%add3A_889] : memref<64xf32, #tpu.memory_space<vmem>>[vector<16xi32>], vector<16xf32>,
      %mul3A_891 = arith.mulf %gather3A, %gather3A_890 : vector<16xf32>
      %add3A_892 = arith.addf %broadcast_in_dim3A_883, %mul3A_891 : vector<16xf32>
      %add3A_893 = arith.constant 1 : i32
      %add3A_894 = vector.broadcast %add3A_893 : i32 to vector<16xi32>
      %add3A_895 = arith.addi %shift_left3A_879, %add3A_894 : vector<16xi32>
      %gather3A_896 = tpu.vector_load_idx %arg28[%add3A_895] : memref<2560xf32, #tpu.memory_space<vmem>>[vector<16xi32>], vector<16xf32>,
      %add3A_897 = arith.constant 4 : i32
      %add3A_898 = vector.broadcast %add3A_897 : i32 to vector<16xi32>
      %add3A_899 = arith.addi %add3A_898, %and3A_882 : vector<16xi32>
      %gather3A_900 = tpu.vector_load_idx %arg30[%add3A_899] : memref<64xf32, #tpu.memory_space<vmem>>[vector<16xi32>], vector<16xf32>,
      %mul3A_901 = arith.mulf %gather3A_896, %gather3A_900 : vector<16xf32>
      %add3A_902 = arith.addf %add3A_892, %mul3A_901 : vector<16xf32>
      %add3A_903 = arith.constant 2 : i32
      %add3A_904 = vector.broadcast %add3A_903 : i32 to vector<16xi32>
      %add3A_905 = arith.addi %shift_left3A_879, %add3A_904 : vector<16xi32>
      %gather3A_906 = tpu.vector_load_idx %arg28[%add3A_905] : memref<2560xf32, #tpu.memory_space<vmem>>[vector<16xi32>], vector<16xf32>,
      %add3A_907 = arith.constant 8 : i32
      %add3A_908 = vector.broadcast %add3A_907 : i32 to vector<16xi32>
      %add3A_909 = arith.addi %add3A_908, %and3A_882 : vector<16xi32>
      %gather3A_910 = tpu.vector_load_idx %arg30[%add3A_909] : memref<64xf32, #tpu.memory_space<vmem>>[vector<16xi32>], vector<16xf32>,
      %mul3A_911 = arith.mulf %gather3A_906, %gather3A_910 : vector<16xf32>
      %add3A_912 = arith.addf %add3A_902, %mul3A_911 : vector<16xf32>
      %add3A_913 = arith.constant 3 : i32
      %add3A_914 = vector.broadcast %add3A_913 : i32 to vector<16xi32>
      %add3A_915 = arith.addi %shift_left3A_879, %add3A_914 : vector<16xi32>
      %gather3A_916 = tpu.vector_load_idx %arg28[%add3A_915] : memref<2560xf32, #tpu.memory_space<vmem>>[vector<16xi32>], vector<16xf32>,
      %add3A_917 = arith.constant 12 : i32
      %add3A_918 = vector.broadcast %add3A_917 : i32 to vector<16xi32>
      %add3A_919 = arith.addi %add3A_918, %and3A_882 : vector<16xi32>
      %gather3A_920 = tpu.vector_load_idx %arg30[%add3A_919] : memref<64xf32, #tpu.memory_space<vmem>>[vector<16xi32>], vector<16xf32>,
      %mul3A_921 = arith.mulf %gather3A_916, %gather3A_920 : vector<16xf32>
      %add3A_922 = arith.addf %add3A_912, %mul3A_921 : vector<16xf32>
      %shift_right_arithmetic3A_923 = arith.constant 2 : i32
      %shift_right_arithmetic3A_924 = vector.broadcast %shift_right_arithmetic3A_923 : i32 to vector<16xi32>
      %shift_right_arithmetic3A_925 = arith.shrsi %add3A_874, %shift_right_arithmetic3A_924 : vector<16xi32>
      %gather3A_926 = tpu.vector_load_idx %arg29[%shift_right_arithmetic3A_925] : memref<640xf32, #tpu.memory_space<vmem>>[vector<16xi32>], vector<16xf32>,
      %mul3A_927 = arith.mulf %add3A_922, %gather3A_926 : vector<16xf32>
      %swap3A = arith.index_cast %mul3A_870 : i32 to index
      %swap3A_928 = tpu.vector_load %arg26[%swap3A] {strides = array<i32>} : memref<2560xf32, #tpu.memory_space<vmem>>, vector<16xf32>,
      tpu.vector_store %arg26[%swap3A], %mul3A_927 {strides = array<i32>} : memref<2560xf32, #tpu.memory_space<vmem>>, vector<16xf32>,
    }
    %scan3A_333 = arith.constant 160 : i32
    "tpu.region"() ({
      %run_scoped3A = tpu.sem_alloc : memref<!tpu.dma_semaphore, #tpu.memory_space<semaphore_mem>>
      %dma_start3A_868 = tpu.memref_slice %arg8[%mul3A_0] : memref<40960xf32, #tpu.memory_space<vmem_shared>> -> memref<2560xf32, #tpu.memory_space<vmem_shared>>
      %dma_start3A_869 = tpu.memref_slice %arg8[%mul3A_0] : memref<40960xf32, #tpu.memory_space<vmem_shared>> -> memref<2560xf32, #tpu.memory_space<vmem_shared>>
      tpu.enqueue_dma source(%arg26 : memref<2560xf32, #tpu.memory_space<vmem>>) target(%dma_start3A_869 : memref<2560xf32, #tpu.memory_space<vmem_shared>>) target_semaphore(%run_scoped3A : memref<!tpu.dma_semaphore, #tpu.memory_space<semaphore_mem>>)
      %dma_wait3A_870 = tpu.memref_slice %arg8[%mul3A_0] : memref<40960xf32, #tpu.memory_space<vmem_shared>> -> memref<2560xf32, #tpu.memory_space<vmem_shared>>
      %dma_wait3A_871 = tpu.memref_slice %arg8[%mul3A_0] : memref<40960xf32, #tpu.memory_space<vmem_shared>> -> memref<2560xf32, #tpu.memory_space<vmem_shared>>
      tpu.wait_dma2 semaphore(%run_scoped3A : memref<!tpu.dma_semaphore, #tpu.memory_space<semaphore_mem>>) src(%arg26 : memref<2560xf32, #tpu.memory_space<vmem>>) dst(%dma_wait3A_871 : memref<2560xf32, #tpu.memory_space<vmem_shared>>)
      tpu.yield
    }) : () -> ()
    "tpu.region"() ({
      %run_scoped3A = tpu.sem_alloc : memref<!tpu.dma_semaphore, #tpu.memory_space<semaphore_mem>>
      %dma_start3A_868 = tpu.memref_slice %arg9[%mul3A_0] : memref<40960xf32, #tpu.memory_space<vmem_shared>> -> memref<2560xf32, #tpu.memory_space<vmem_shared>>
      %dma_start3A_869 = tpu.memref_slice %arg9[%mul3A_0] : memref<40960xf32, #tpu.memory_space<vmem_shared>> -> memref<2560xf32, #tpu.memory_space<vmem_shared>>
      tpu.enqueue_dma source(%arg25 : memref<2560xf32, #tpu.memory_space<vmem>>) target(%dma_start3A_869 : memref<2560xf32, #tpu.memory_space<vmem_shared>>) target_semaphore(%run_scoped3A : memref<!tpu.dma_semaphore, #tpu.memory_space<semaphore_mem>>)
      %dma_wait3A_870 = tpu.memref_slice %arg9[%mul3A_0] : memref<40960xf32, #tpu.memory_space<vmem_shared>> -> memref<2560xf32, #tpu.memory_space<vmem_shared>>
      %dma_wait3A_871 = tpu.memref_slice %arg9[%mul3A_0] : memref<40960xf32, #tpu.memory_space<vmem_shared>> -> memref<2560xf32, #tpu.memory_space<vmem_shared>>
      tpu.wait_dma2 semaphore(%run_scoped3A : memref<!tpu.dma_semaphore, #tpu.memory_space<semaphore_mem>>) src(%arg25 : memref<2560xf32, #tpu.memory_space<vmem>>) dst(%dma_wait3A_871 : memref<2560xf32, #tpu.memory_space<vmem_shared>>)
      tpu.yield
    }) : () -> ()
    %barrier3A_334 = arith.constant 0 : index
    tpu.barrier barrier_id(%barrier3A_334)
    "tpu.region"() ({
      %run_scoped3A = tpu.sem_alloc : memref<!tpu.dma_semaphore, #tpu.memory_space<semaphore_mem>>
      tpu.enqueue_dma source(%arg8 : memref<40960xf32, #tpu.memory_space<vmem_shared>>) target(%arg11 : memref<40960xf32, #tpu.memory_space<vmem>>) target_semaphore(%run_scoped3A : memref<!tpu.dma_semaphore, #tpu.memory_space<semaphore_mem>>)
      tpu.wait_dma2 semaphore(%run_scoped3A : memref<!tpu.dma_semaphore, #tpu.memory_space<semaphore_mem>>) src(%arg8 : memref<40960xf32, #tpu.memory_space<vmem_shared>>) dst(%arg11 : memref<40960xf32, #tpu.memory_space<vmem>>)
      tpu.yield
    }) : () -> ()
    %mul3A_335 = arith.constant 20000 : i32
    %mul3A_336 = arith.muli %arg1, %mul3A_335 : i32
    %add3A_337 = arith.constant 0 : i32
    %add3A_338 = arith.addi %mul3A_336, %add3A_337 : i32
    %dma_start3A_339 = tpu.memref_slice %arg3[%add3A_338] : memref<320000xi32, #tpu.memory_space<hbm>> -> memref<2000xi32, #tpu.memory_space<hbm>>
    %dma_start3A_340 = tpu.memref_slice %arg3[%add3A_338] : memref<320000xi32, #tpu.memory_space<hbm>> -> memref<2000xi32, #tpu.memory_space<hbm>>
    tpu.enqueue_dma source(%dma_start3A_340 : memref<2000xi32, #tpu.memory_space<hbm>>) target(%arg20 : memref<2000xi32, #tpu.memory_space<vmem>>) target_semaphore(%arg33 : memref<!tpu.dma_semaphore, #tpu.memory_space<semaphore_mem>>)
    %mul3A_341 = arith.constant 20000 : i32
    %mul3A_342 = arith.muli %arg1, %mul3A_341 : i32
    %add3A_343 = arith.constant 0 : i32
    %add3A_344 = arith.addi %mul3A_342, %add3A_343 : i32
    %dma_start3A_345 = tpu.memref_slice %arg2[%add3A_344] : memref<320000xi32, #tpu.memory_space<hbm>> -> memref<2000xi32, #tpu.memory_space<hbm>>
    %dma_start3A_346 = tpu.memref_slice %arg2[%add3A_344] : memref<320000xi32, #tpu.memory_space<hbm>> -> memref<2000xi32, #tpu.memory_space<hbm>>
    tpu.enqueue_dma source(%dma_start3A_346 : memref<2000xi32, #tpu.memory_space<hbm>>) target(%arg22 : memref<2000xi32, #tpu.memory_space<vmem>>) target_semaphore(%arg35 : memref<!tpu.dma_semaphore, #tpu.memory_space<semaphore_mem>>)
    %mul3A_347 = arith.constant 20000 : i32
    %mul3A_348 = arith.muli %arg1, %mul3A_347 : i32
    %add3A_349 = arith.constant 2000 : i32
    %add3A_350 = arith.addi %mul3A_348, %add3A_349 : i32
    %dma_start3A_351 = tpu.memref_slice %arg3[%add3A_350] : memref<320000xi32, #tpu.memory_space<hbm>> -> memref<2000xi32, #tpu.memory_space<hbm>>
    %dma_start3A_352 = tpu.memref_slice %arg3[%add3A_350] : memref<320000xi32, #tpu.memory_space<hbm>> -> memref<2000xi32, #tpu.memory_space<hbm>>
    tpu.enqueue_dma source(%dma_start3A_352 : memref<2000xi32, #tpu.memory_space<hbm>>) target(%arg21 : memref<2000xi32, #tpu.memory_space<vmem>>) target_semaphore(%arg34 : memref<!tpu.dma_semaphore, #tpu.memory_space<semaphore_mem>>)
    %mul3A_353 = arith.constant 20000 : i32
    %mul3A_354 = arith.muli %arg1, %mul3A_353 : i32
    %add3A_355 = arith.constant 2000 : i32
    %add3A_356 = arith.addi %mul3A_354, %add3A_355 : i32
    %dma_start3A_357 = tpu.memref_slice %arg2[%add3A_356] : memref<320000xi32, #tpu.memory_space<hbm>> -> memref<2000xi32, #tpu.memory_space<hbm>>
    %dma_start3A_358 = tpu.memref_slice %arg2[%add3A_356] : memref<320000xi32, #tpu.memory_space<hbm>> -> memref<2000xi32, #tpu.memory_space<hbm>>
    tpu.enqueue_dma source(%dma_start3A_358 : memref<2000xi32, #tpu.memory_space<hbm>>) target(%arg23 : memref<2000xi32, #tpu.memory_space<vmem>>) target_semaphore(%arg36 : memref<!tpu.dma_semaphore, #tpu.memory_space<semaphore_mem>>)
    %dma_wait3A_359 = tpu.memref_slice %arg3[%add3A_338] : memref<320000xi32, #tpu.memory_space<hbm>> -> memref<2000xi32, #tpu.memory_space<hbm>>
    %dma_wait3A_360 = tpu.memref_slice %arg3[%add3A_338] : memref<320000xi32, #tpu.memory_space<hbm>> -> memref<2000xi32, #tpu.memory_space<hbm>>
    tpu.wait_dma2 semaphore(%arg33 : memref<!tpu.dma_semaphore, #tpu.memory_space<semaphore_mem>>) src(%dma_wait3A_360 : memref<2000xi32, #tpu.memory_space<hbm>>) dst(%arg20 : memref<2000xi32, #tpu.memory_space<vmem>>)
    %dma_wait3A_361 = tpu.memref_slice %arg2[%add3A_344] : memref<320000xi32, #tpu.memory_space<hbm>> -> memref<2000xi32, #tpu.memory_space<hbm>>
    %dma_wait3A_362 = tpu.memref_slice %arg2[%add3A_344] : memref<320000xi32, #tpu.memory_space<hbm>> -> memref<2000xi32, #tpu.memory_space<hbm>>
    tpu.wait_dma2 semaphore(%arg35 : memref<!tpu.dma_semaphore, #tpu.memory_space<semaphore_mem>>) src(%dma_wait3A_362 : memref<2000xi32, #tpu.memory_space<hbm>>) dst(%arg22 : memref<2000xi32, #tpu.memory_space<vmem>>)
    %scan3A_363 = arith.constant 0 : i32
    %scan3A_364 = arith.constant 500 : i32
    %scan3A_365 = arith.addi %scan3A_363, %scan3A_364 : i32
    %scan3A_366 = arith.constant 1 : i32
    scf.for %scan3A_868 = %scan3A_363 to %scan3A_365 step %scan3A_366  : i32 {
      %mul3A_869 = arith.constant 16 : i32
      %mul3A_870 = arith.muli %scan3A_868, %mul3A_869 : i32
      %mul3A_871 = arith.constant 4 : i32
      %mul3A_872 = arith.muli %scan3A_868, %mul3A_871 : i32
      %add3A_873 = vector.broadcast %mul3A_872 : i32 to vector<16xi32>
      %add3A_874 = arith.addi %shift_right_arithmetic3A_66, %add3A_873 : vector<16xi32>
      %gather3A = tpu.vector_load_idx %arg20[%add3A_874] : memref<2000xi32, #tpu.memory_space<vmem>>[vector<16xi32>], vector<16xi32>,
      %shift_left3A = arith.constant 2 : i32
      %shift_left3A_875 = vector.broadcast %shift_left3A : i32 to vector<16xi32>
      %shift_left3A_876 = arith.shli %gather3A, %shift_left3A_875 : vector<16xi32>
      %add3A_877 = arith.addi %shift_left3A_876, %and3A_68 : vector<16xi32>
      %gather3A_878 = tpu.vector_load_idx %arg11[%add3A_877] : memref<40960xf32, #tpu.memory_space<vmem>>[vector<16xi32>], vector<16xf32>,
      %swap3A = arith.index_cast %mul3A_870 : i32 to index
      %swap3A_879 = tpu.vector_load %arg14[%swap3A] {strides = array<i32>} : memref<8000xf32, #tpu.memory_space<vmem>>, vector<16xf32>,
      tpu.vector_store %arg14[%swap3A], %gather3A_878 {strides = array<i32>} : memref<8000xf32, #tpu.memory_space<vmem>>, vector<16xf32>,
      %mul3A_880 = arith.constant 4 : i32
      %mul3A_881 = arith.muli %scan3A_868, %mul3A_880 : i32
      %add3A_882 = vector.broadcast %mul3A_881 : i32 to vector<16xi32>
      %add3A_883 = arith.addi %shift_right_arithmetic3A_66, %add3A_882 : vector<16xi32>
      %gather3A_884 = tpu.vector_load_idx %arg22[%add3A_883] : memref<2000xi32, #tpu.memory_space<vmem>>[vector<16xi32>], vector<16xi32>,
      %shift_left3A_885 = arith.constant 2 : i32
      %shift_left3A_886 = vector.broadcast %shift_left3A_885 : i32 to vector<16xi32>
      %shift_left3A_887 = arith.shli %gather3A_884, %shift_left3A_886 : vector<16xi32>
      %add3A_888 = arith.addi %shift_left3A_887, %and3A_68 : vector<16xi32>
      %swap3A_889 = arith.index_cast %mul3A_870 : i32 to index
      %swap3A_890 = tpu.vector_load %arg12[%swap3A_889] {strides = array<i32>} : memref<8000xi32, #tpu.memory_space<vmem>>, vector<16xi32>,
      tpu.vector_store %arg12[%swap3A_889], %add3A_888 {strides = array<i32>} : memref<8000xi32, #tpu.memory_space<vmem>>, vector<16xi32>,
    }
    %scan3A_367 = arith.constant 500 : i32
    %dma_start3A_368 = arith.constant 0 : i32
    %dma_start3A_369 = tpu.memref_slice %arg9[%dma_start3A_368] : memref<40960xf32, #tpu.memory_space<vmem_shared>> -> memref<40960xf32, #tpu.memory_space<vmem_shared>>
    tpu.enqueue_indirect_dma source(%arg14 : memref<8000xf32, #tpu.memory_space<vmem>>) target(%dma_start3A_369 : memref<40960xf32, #tpu.memory_space<vmem_shared>>) offsets(%arg12 : memref<8000xi32, #tpu.memory_space<vmem>>) semaphore(%arg31 : memref<!tpu.dma_semaphore, #tpu.memory_space<semaphore_mem>>) {add = true}
    %mul3A_370 = arith.constant 20000 : i32
    %mul3A_371 = arith.muli %arg1, %mul3A_370 : i32
    %add3A_372 = arith.constant 4000 : i32
    %add3A_373 = arith.addi %mul3A_371, %add3A_372 : i32
    %dma_start3A_374 = tpu.memref_slice %arg3[%add3A_373] : memref<320000xi32, #tpu.memory_space<hbm>> -> memref<2000xi32, #tpu.memory_space<hbm>>
    %dma_start3A_375 = tpu.memref_slice %arg3[%add3A_373] : memref<320000xi32, #tpu.memory_space<hbm>> -> memref<2000xi32, #tpu.memory_space<hbm>>
    tpu.enqueue_dma source(%dma_start3A_375 : memref<2000xi32, #tpu.memory_space<hbm>>) target(%arg20 : memref<2000xi32, #tpu.memory_space<vmem>>) target_semaphore(%arg33 : memref<!tpu.dma_semaphore, #tpu.memory_space<semaphore_mem>>)
    %mul3A_376 = arith.constant 20000 : i32
    %mul3A_377 = arith.muli %arg1, %mul3A_376 : i32
    %add3A_378 = arith.constant 4000 : i32
    %add3A_379 = arith.addi %mul3A_377, %add3A_378 : i32
    %dma_start3A_380 = tpu.memref_slice %arg2[%add3A_379] : memref<320000xi32, #tpu.memory_space<hbm>> -> memref<2000xi32, #tpu.memory_space<hbm>>
    %dma_start3A_381 = tpu.memref_slice %arg2[%add3A_379] : memref<320000xi32, #tpu.memory_space<hbm>> -> memref<2000xi32, #tpu.memory_space<hbm>>
    tpu.enqueue_dma source(%dma_start3A_381 : memref<2000xi32, #tpu.memory_space<hbm>>) target(%arg22 : memref<2000xi32, #tpu.memory_space<vmem>>) target_semaphore(%arg35 : memref<!tpu.dma_semaphore, #tpu.memory_space<semaphore_mem>>)
    %dma_wait3A_382 = tpu.memref_slice %arg3[%add3A_350] : memref<320000xi32, #tpu.memory_space<hbm>> -> memref<2000xi32, #tpu.memory_space<hbm>>
    %dma_wait3A_383 = tpu.memref_slice %arg3[%add3A_350] : memref<320000xi32, #tpu.memory_space<hbm>> -> memref<2000xi32, #tpu.memory_space<hbm>>
    tpu.wait_dma2 semaphore(%arg34 : memref<!tpu.dma_semaphore, #tpu.memory_space<semaphore_mem>>) src(%dma_wait3A_383 : memref<2000xi32, #tpu.memory_space<hbm>>) dst(%arg21 : memref<2000xi32, #tpu.memory_space<vmem>>)
    %dma_wait3A_384 = tpu.memref_slice %arg2[%add3A_356] : memref<320000xi32, #tpu.memory_space<hbm>> -> memref<2000xi32, #tpu.memory_space<hbm>>
    %dma_wait3A_385 = tpu.memref_slice %arg2[%add3A_356] : memref<320000xi32, #tpu.memory_space<hbm>> -> memref<2000xi32, #tpu.memory_space<hbm>>
    tpu.wait_dma2 semaphore(%arg36 : memref<!tpu.dma_semaphore, #tpu.memory_space<semaphore_mem>>) src(%dma_wait3A_385 : memref<2000xi32, #tpu.memory_space<hbm>>) dst(%arg23 : memref<2000xi32, #tpu.memory_space<vmem>>)
    %scan3A_386 = arith.constant 0 : i32
    %scan3A_387 = arith.constant 500 : i32
    %scan3A_388 = arith.addi %scan3A_386, %scan3A_387 : i32
    %scan3A_389 = arith.constant 1 : i32
    scf.for %scan3A_868 = %scan3A_386 to %scan3A_388 step %scan3A_389  : i32 {
      %mul3A_869 = arith.constant 16 : i32
      %mul3A_870 = arith.muli %scan3A_868, %mul3A_869 : i32
      %mul3A_871 = arith.constant 4 : i32
      %mul3A_872 = arith.muli %scan3A_868, %mul3A_871 : i32
      %add3A_873 = vector.broadcast %mul3A_872 : i32 to vector<16xi32>
      %add3A_874 = arith.addi %shift_right_arithmetic3A_66, %add3A_873 : vector<16xi32>
      %gather3A = tpu.vector_load_idx %arg21[%add3A_874] : memref<2000xi32, #tpu.memory_space<vmem>>[vector<16xi32>], vector<16xi32>,
      %shift_left3A = arith.constant 2 : i32
      %shift_left3A_875 = vector.broadcast %shift_left3A : i32 to vector<16xi32>
      %shift_left3A_876 = arith.shli %gather3A, %shift_left3A_875 : vector<16xi32>
      %add3A_877 = arith.addi %shift_left3A_876, %and3A_68 : vector<16xi32>
      %gather3A_878 = tpu.vector_load_idx %arg11[%add3A_877] : memref<40960xf32, #tpu.memory_space<vmem>>[vector<16xi32>], vector<16xf32>,
      %swap3A = arith.index_cast %mul3A_870 : i32 to index
      %swap3A_879 = tpu.vector_load %arg15[%swap3A] {strides = array<i32>} : memref<8000xf32, #tpu.memory_space<vmem>>, vector<16xf32>,
      tpu.vector_store %arg15[%swap3A], %gather3A_878 {strides = array<i32>} : memref<8000xf32, #tpu.memory_space<vmem>>, vector<16xf32>,
      %mul3A_880 = arith.constant 4 : i32
      %mul3A_881 = arith.muli %scan3A_868, %mul3A_880 : i32
      %add3A_882 = vector.broadcast %mul3A_881 : i32 to vector<16xi32>
      %add3A_883 = arith.addi %shift_right_arithmetic3A_66, %add3A_882 : vector<16xi32>
      %gather3A_884 = tpu.vector_load_idx %arg23[%add3A_883] : memref<2000xi32, #tpu.memory_space<vmem>>[vector<16xi32>], vector<16xi32>,
      %shift_left3A_885 = arith.constant 2 : i32
      %shift_left3A_886 = vector.broadcast %shift_left3A_885 : i32 to vector<16xi32>
      %shift_left3A_887 = arith.shli %gather3A_884, %shift_left3A_886 : vector<16xi32>
      %add3A_888 = arith.addi %shift_left3A_887, %and3A_68 : vector<16xi32>
      %swap3A_889 = arith.index_cast %mul3A_870 : i32 to index
      %swap3A_890 = tpu.vector_load %arg13[%swap3A_889] {strides = array<i32>} : memref<8000xi32, #tpu.memory_space<vmem>>, vector<16xi32>,
      tpu.vector_store %arg13[%swap3A_889], %add3A_888 {strides = array<i32>} : memref<8000xi32, #tpu.memory_space<vmem>>, vector<16xi32>,
    }
    %scan3A_390 = arith.constant 500 : i32
    %dma_start3A_391 = arith.constant 0 : i32
    %dma_start3A_392 = tpu.memref_slice %arg9[%dma_start3A_391] : memref<40960xf32, #tpu.memory_space<vmem_shared>> -> memref<40960xf32, #tpu.memory_space<vmem_shared>>
    tpu.enqueue_indirect_dma source(%arg15 : memref<8000xf32, #tpu.memory_space<vmem>>) target(%dma_start3A_392 : memref<40960xf32, #tpu.memory_space<vmem_shared>>) offsets(%arg13 : memref<8000xi32, #tpu.memory_space<vmem>>) semaphore(%arg32 : memref<!tpu.dma_semaphore, #tpu.memory_space<semaphore_mem>>) {add = true}
    %mul3A_393 = arith.constant 20000 : i32
    %mul3A_394 = arith.muli %arg1, %mul3A_393 : i32
    %add3A_395 = arith.constant 6000 : i32
    %add3A_396 = arith.addi %mul3A_394, %add3A_395 : i32
    %dma_start3A_397 = tpu.memref_slice %arg3[%add3A_396] : memref<320000xi32, #tpu.memory_space<hbm>> -> memref<2000xi32, #tpu.memory_space<hbm>>
    %dma_start3A_398 = tpu.memref_slice %arg3[%add3A_396] : memref<320000xi32, #tpu.memory_space<hbm>> -> memref<2000xi32, #tpu.memory_space<hbm>>
    tpu.enqueue_dma source(%dma_start3A_398 : memref<2000xi32, #tpu.memory_space<hbm>>) target(%arg21 : memref<2000xi32, #tpu.memory_space<vmem>>) target_semaphore(%arg34 : memref<!tpu.dma_semaphore, #tpu.memory_space<semaphore_mem>>)
    %mul3A_399 = arith.constant 20000 : i32
    %mul3A_400 = arith.muli %arg1, %mul3A_399 : i32
    %add3A_401 = arith.constant 6000 : i32
    %add3A_402 = arith.addi %mul3A_400, %add3A_401 : i32
    %dma_start3A_403 = tpu.memref_slice %arg2[%add3A_402] : memref<320000xi32, #tpu.memory_space<hbm>> -> memref<2000xi32, #tpu.memory_space<hbm>>
    %dma_start3A_404 = tpu.memref_slice %arg2[%add3A_402] : memref<320000xi32, #tpu.memory_space<hbm>> -> memref<2000xi32, #tpu.memory_space<hbm>>
    tpu.enqueue_dma source(%dma_start3A_404 : memref<2000xi32, #tpu.memory_space<hbm>>) target(%arg23 : memref<2000xi32, #tpu.memory_space<vmem>>) target_semaphore(%arg36 : memref<!tpu.dma_semaphore, #tpu.memory_space<semaphore_mem>>)
    %dma_wait3A_405 = arith.constant 0 : i32
    %dma_wait3A_406 = tpu.memref_slice %arg9[%dma_wait3A_405] : memref<40960xf32, #tpu.memory_space<vmem_shared>> -> memref<40960xf32, #tpu.memory_space<vmem_shared>>
    tpu.wait_indirect_dma semaphore(%arg31 : memref<!tpu.dma_semaphore, #tpu.memory_space<semaphore_mem>>) src(%arg14 : memref<8000xf32, #tpu.memory_space<vmem>>) dst(%dma_wait3A_406 : memref<40960xf32, #tpu.memory_space<vmem_shared>>)
    %dma_wait3A_407 = tpu.memref_slice %arg3[%add3A_373] : memref<320000xi32, #tpu.memory_space<hbm>> -> memref<2000xi32, #tpu.memory_space<hbm>>
    %dma_wait3A_408 = tpu.memref_slice %arg3[%add3A_373] : memref<320000xi32, #tpu.memory_space<hbm>> -> memref<2000xi32, #tpu.memory_space<hbm>>
    tpu.wait_dma2 semaphore(%arg33 : memref<!tpu.dma_semaphore, #tpu.memory_space<semaphore_mem>>) src(%dma_wait3A_408 : memref<2000xi32, #tpu.memory_space<hbm>>) dst(%arg20 : memref<2000xi32, #tpu.memory_space<vmem>>)
    %dma_wait3A_409 = tpu.memref_slice %arg2[%add3A_379] : memref<320000xi32, #tpu.memory_space<hbm>> -> memref<2000xi32, #tpu.memory_space<hbm>>
    %dma_wait3A_410 = tpu.memref_slice %arg2[%add3A_379] : memref<320000xi32, #tpu.memory_space<hbm>> -> memref<2000xi32, #tpu.memory_space<hbm>>
    tpu.wait_dma2 semaphore(%arg35 : memref<!tpu.dma_semaphore, #tpu.memory_space<semaphore_mem>>) src(%dma_wait3A_410 : memref<2000xi32, #tpu.memory_space<hbm>>) dst(%arg22 : memref<2000xi32, #tpu.memory_space<vmem>>)
    %scan3A_411 = arith.constant 0 : i32
    %scan3A_412 = arith.constant 500 : i32
    %scan3A_413 = arith.addi %scan3A_411, %scan3A_412 : i32
    %scan3A_414 = arith.constant 1 : i32
    scf.for %scan3A_868 = %scan3A_411 to %scan3A_413 step %scan3A_414  : i32 {
      %mul3A_869 = arith.constant 16 : i32
      %mul3A_870 = arith.muli %scan3A_868, %mul3A_869 : i32
      %mul3A_871 = arith.constant 4 : i32
      %mul3A_872 = arith.muli %scan3A_868, %mul3A_871 : i32
      %add3A_873 = vector.broadcast %mul3A_872 : i32 to vector<16xi32>
      %add3A_874 = arith.addi %shift_right_arithmetic3A_66, %add3A_873 : vector<16xi32>
      %gather3A = tpu.vector_load_idx %arg20[%add3A_874] : memref<2000xi32, #tpu.memory_space<vmem>>[vector<16xi32>], vector<16xi32>,
      %shift_left3A = arith.constant 2 : i32
      %shift_left3A_875 = vector.broadcast %shift_left3A : i32 to vector<16xi32>
      %shift_left3A_876 = arith.shli %gather3A, %shift_left3A_875 : vector<16xi32>
      %add3A_877 = arith.addi %shift_left3A_876, %and3A_68 : vector<16xi32>
      %gather3A_878 = tpu.vector_load_idx %arg11[%add3A_877] : memref<40960xf32, #tpu.memory_space<vmem>>[vector<16xi32>], vector<16xf32>,
      %swap3A = arith.index_cast %mul3A_870 : i32 to index
      %swap3A_879 = tpu.vector_load %arg14[%swap3A] {strides = array<i32>} : memref<8000xf32, #tpu.memory_space<vmem>>, vector<16xf32>,
      tpu.vector_store %arg14[%swap3A], %gather3A_878 {strides = array<i32>} : memref<8000xf32, #tpu.memory_space<vmem>>, vector<16xf32>,
      %mul3A_880 = arith.constant 4 : i32
      %mul3A_881 = arith.muli %scan3A_868, %mul3A_880 : i32
      %add3A_882 = vector.broadcast %mul3A_881 : i32 to vector<16xi32>
      %add3A_883 = arith.addi %shift_right_arithmetic3A_66, %add3A_882 : vector<16xi32>
      %gather3A_884 = tpu.vector_load_idx %arg22[%add3A_883] : memref<2000xi32, #tpu.memory_space<vmem>>[vector<16xi32>], vector<16xi32>,
      %shift_left3A_885 = arith.constant 2 : i32
      %shift_left3A_886 = vector.broadcast %shift_left3A_885 : i32 to vector<16xi32>
      %shift_left3A_887 = arith.shli %gather3A_884, %shift_left3A_886 : vector<16xi32>
      %add3A_888 = arith.addi %shift_left3A_887, %and3A_68 : vector<16xi32>
      %swap3A_889 = arith.index_cast %mul3A_870 : i32 to index
      %swap3A_890 = tpu.vector_load %arg12[%swap3A_889] {strides = array<i32>} : memref<8000xi32, #tpu.memory_space<vmem>>, vector<16xi32>,
      tpu.vector_store %arg12[%swap3A_889], %add3A_888 {strides = array<i32>} : memref<8000xi32, #tpu.memory_space<vmem>>, vector<16xi32>,
    }
    %scan3A_415 = arith.constant 500 : i32
    %dma_start3A_416 = arith.constant 0 : i32
    %dma_start3A_417 = tpu.memref_slice %arg9[%dma_start3A_416] : memref<40960xf32, #tpu.memory_space<vmem_shared>> -> memref<40960xf32, #tpu.memory_space<vmem_shared>>
    tpu.enqueue_indirect_dma source(%arg14 : memref<8000xf32, #tpu.memory_space<vmem>>) target(%dma_start3A_417 : memref<40960xf32, #tpu.memory_space<vmem_shared>>) offsets(%arg12 : memref<8000xi32, #tpu.memory_space<vmem>>) semaphore(%arg31 : memref<!tpu.dma_semaphore, #tpu.memory_space<semaphore_mem>>) {add = true}
    %mul3A_418 = arith.constant 20000 : i32
    %mul3A_419 = arith.muli %arg1, %mul3A_418 : i32
    %add3A_420 = arith.constant 8000 : i32
    %add3A_421 = arith.addi %mul3A_419, %add3A_420 : i32
    %dma_start3A_422 = tpu.memref_slice %arg3[%add3A_421] : memref<320000xi32, #tpu.memory_space<hbm>> -> memref<2000xi32, #tpu.memory_space<hbm>>
    %dma_start3A_423 = tpu.memref_slice %arg3[%add3A_421] : memref<320000xi32, #tpu.memory_space<hbm>> -> memref<2000xi32, #tpu.memory_space<hbm>>
    tpu.enqueue_dma source(%dma_start3A_423 : memref<2000xi32, #tpu.memory_space<hbm>>) target(%arg20 : memref<2000xi32, #tpu.memory_space<vmem>>) target_semaphore(%arg33 : memref<!tpu.dma_semaphore, #tpu.memory_space<semaphore_mem>>)
    %mul3A_424 = arith.constant 20000 : i32
    %mul3A_425 = arith.muli %arg1, %mul3A_424 : i32
    %add3A_426 = arith.constant 8000 : i32
    %add3A_427 = arith.addi %mul3A_425, %add3A_426 : i32
    %dma_start3A_428 = tpu.memref_slice %arg2[%add3A_427] : memref<320000xi32, #tpu.memory_space<hbm>> -> memref<2000xi32, #tpu.memory_space<hbm>>
    %dma_start3A_429 = tpu.memref_slice %arg2[%add3A_427] : memref<320000xi32, #tpu.memory_space<hbm>> -> memref<2000xi32, #tpu.memory_space<hbm>>
    tpu.enqueue_dma source(%dma_start3A_429 : memref<2000xi32, #tpu.memory_space<hbm>>) target(%arg22 : memref<2000xi32, #tpu.memory_space<vmem>>) target_semaphore(%arg35 : memref<!tpu.dma_semaphore, #tpu.memory_space<semaphore_mem>>)
    %dma_wait3A_430 = arith.constant 0 : i32
    %dma_wait3A_431 = tpu.memref_slice %arg9[%dma_wait3A_430] : memref<40960xf32, #tpu.memory_space<vmem_shared>> -> memref<40960xf32, #tpu.memory_space<vmem_shared>>
    tpu.wait_indirect_dma semaphore(%arg32 : memref<!tpu.dma_semaphore, #tpu.memory_space<semaphore_mem>>) src(%arg15 : memref<8000xf32, #tpu.memory_space<vmem>>) dst(%dma_wait3A_431 : memref<40960xf32, #tpu.memory_space<vmem_shared>>)
    %dma_wait3A_432 = tpu.memref_slice %arg3[%add3A_396] : memref<320000xi32, #tpu.memory_space<hbm>> -> memref<2000xi32, #tpu.memory_space<hbm>>
    %dma_wait3A_433 = tpu.memref_slice %arg3[%add3A_396] : memref<320000xi32, #tpu.memory_space<hbm>> -> memref<2000xi32, #tpu.memory_space<hbm>>
    tpu.wait_dma2 semaphore(%arg34 : memref<!tpu.dma_semaphore, #tpu.memory_space<semaphore_mem>>) src(%dma_wait3A_433 : memref<2000xi32, #tpu.memory_space<hbm>>) dst(%arg21 : memref<2000xi32, #tpu.memory_space<vmem>>)
    %dma_wait3A_434 = tpu.memref_slice %arg2[%add3A_402] : memref<320000xi32, #tpu.memory_space<hbm>> -> memref<2000xi32, #tpu.memory_space<hbm>>
    %dma_wait3A_435 = tpu.memref_slice %arg2[%add3A_402] : memref<320000xi32, #tpu.memory_space<hbm>> -> memref<2000xi32, #tpu.memory_space<hbm>>
    tpu.wait_dma2 semaphore(%arg36 : memref<!tpu.dma_semaphore, #tpu.memory_space<semaphore_mem>>) src(%dma_wait3A_435 : memref<2000xi32, #tpu.memory_space<hbm>>) dst(%arg23 : memref<2000xi32, #tpu.memory_space<vmem>>)
    %scan3A_436 = arith.constant 0 : i32
    %scan3A_437 = arith.constant 500 : i32
    %scan3A_438 = arith.addi %scan3A_436, %scan3A_437 : i32
    %scan3A_439 = arith.constant 1 : i32
    scf.for %scan3A_868 = %scan3A_436 to %scan3A_438 step %scan3A_439  : i32 {
      %mul3A_869 = arith.constant 16 : i32
      %mul3A_870 = arith.muli %scan3A_868, %mul3A_869 : i32
      %mul3A_871 = arith.constant 4 : i32
      %mul3A_872 = arith.muli %scan3A_868, %mul3A_871 : i32
      %add3A_873 = vector.broadcast %mul3A_872 : i32 to vector<16xi32>
      %add3A_874 = arith.addi %shift_right_arithmetic3A_66, %add3A_873 : vector<16xi32>
      %gather3A = tpu.vector_load_idx %arg21[%add3A_874] : memref<2000xi32, #tpu.memory_space<vmem>>[vector<16xi32>], vector<16xi32>,
      %shift_left3A = arith.constant 2 : i32
      %shift_left3A_875 = vector.broadcast %shift_left3A : i32 to vector<16xi32>
      %shift_left3A_876 = arith.shli %gather3A, %shift_left3A_875 : vector<16xi32>
      %add3A_877 = arith.addi %shift_left3A_876, %and3A_68 : vector<16xi32>
      %gather3A_878 = tpu.vector_load_idx %arg11[%add3A_877] : memref<40960xf32, #tpu.memory_space<vmem>>[vector<16xi32>], vector<16xf32>,
      %swap3A = arith.index_cast %mul3A_870 : i32 to index
      %swap3A_879 = tpu.vector_load %arg15[%swap3A] {strides = array<i32>} : memref<8000xf32, #tpu.memory_space<vmem>>, vector<16xf32>,
      tpu.vector_store %arg15[%swap3A], %gather3A_878 {strides = array<i32>} : memref<8000xf32, #tpu.memory_space<vmem>>, vector<16xf32>,
      %mul3A_880 = arith.constant 4 : i32
      %mul3A_881 = arith.muli %scan3A_868, %mul3A_880 : i32
      %add3A_882 = vector.broadcast %mul3A_881 : i32 to vector<16xi32>
      %add3A_883 = arith.addi %shift_right_arithmetic3A_66, %add3A_882 : vector<16xi32>
      %gather3A_884 = tpu.vector_load_idx %arg23[%add3A_883] : memref<2000xi32, #tpu.memory_space<vmem>>[vector<16xi32>], vector<16xi32>,
      %shift_left3A_885 = arith.constant 2 : i32
      %shift_left3A_886 = vector.broadcast %shift_left3A_885 : i32 to vector<16xi32>
      %shift_left3A_887 = arith.shli %gather3A_884, %shift_left3A_886 : vector<16xi32>
      %add3A_888 = arith.addi %shift_left3A_887, %and3A_68 : vector<16xi32>
      %swap3A_889 = arith.index_cast %mul3A_870 : i32 to index
      %swap3A_890 = tpu.vector_load %arg13[%swap3A_889] {strides = array<i32>} : memref<8000xi32, #tpu.memory_space<vmem>>, vector<16xi32>,
      tpu.vector_store %arg13[%swap3A_889], %add3A_888 {strides = array<i32>} : memref<8000xi32, #tpu.memory_space<vmem>>, vector<16xi32>,
    }
    %scan3A_440 = arith.constant 500 : i32
    %dma_start3A_441 = arith.constant 0 : i32
    %dma_start3A_442 = tpu.memref_slice %arg9[%dma_start3A_441] : memref<40960xf32, #tpu.memory_space<vmem_shared>> -> memref<40960xf32, #tpu.memory_space<vmem_shared>>
    tpu.enqueue_indirect_dma source(%arg15 : memref<8000xf32, #tpu.memory_space<vmem>>) target(%dma_start3A_442 : memref<40960xf32, #tpu.memory_space<vmem_shared>>) offsets(%arg13 : memref<8000xi32, #tpu.memory_space<vmem>>) semaphore(%arg32 : memref<!tpu.dma_semaphore, #tpu.memory_space<semaphore_mem>>) {add = true}
    %mul3A_443 = arith.constant 20000 : i32
    %mul3A_444 = arith.muli %arg1, %mul3A_443 : i32
    %add3A_445 = arith.constant 10000 : i32
    %add3A_446 = arith.addi %mul3A_444, %add3A_445 : i32
    %dma_start3A_447 = tpu.memref_slice %arg3[%add3A_446] : memref<320000xi32, #tpu.memory_space<hbm>> -> memref<2000xi32, #tpu.memory_space<hbm>>
    %dma_start3A_448 = tpu.memref_slice %arg3[%add3A_446] : memref<320000xi32, #tpu.memory_space<hbm>> -> memref<2000xi32, #tpu.memory_space<hbm>>
    tpu.enqueue_dma source(%dma_start3A_448 : memref<2000xi32, #tpu.memory_space<hbm>>) target(%arg21 : memref<2000xi32, #tpu.memory_space<vmem>>) target_semaphore(%arg34 : memref<!tpu.dma_semaphore, #tpu.memory_space<semaphore_mem>>)
    %mul3A_449 = arith.constant 20000 : i32
    %mul3A_450 = arith.muli %arg1, %mul3A_449 : i32
    %add3A_451 = arith.constant 10000 : i32
    %add3A_452 = arith.addi %mul3A_450, %add3A_451 : i32
    %dma_start3A_453 = tpu.memref_slice %arg2[%add3A_452] : memref<320000xi32, #tpu.memory_space<hbm>> -> memref<2000xi32, #tpu.memory_space<hbm>>
    %dma_start3A_454 = tpu.memref_slice %arg2[%add3A_452] : memref<320000xi32, #tpu.memory_space<hbm>> -> memref<2000xi32, #tpu.memory_space<hbm>>
    tpu.enqueue_dma source(%dma_start3A_454 : memref<2000xi32, #tpu.memory_space<hbm>>) target(%arg23 : memref<2000xi32, #tpu.memory_space<vmem>>) target_semaphore(%arg36 : memref<!tpu.dma_semaphore, #tpu.memory_space<semaphore_mem>>)
    %dma_wait3A_455 = arith.constant 0 : i32
    %dma_wait3A_456 = tpu.memref_slice %arg9[%dma_wait3A_455] : memref<40960xf32, #tpu.memory_space<vmem_shared>> -> memref<40960xf32, #tpu.memory_space<vmem_shared>>
    tpu.wait_indirect_dma semaphore(%arg31 : memref<!tpu.dma_semaphore, #tpu.memory_space<semaphore_mem>>) src(%arg14 : memref<8000xf32, #tpu.memory_space<vmem>>) dst(%dma_wait3A_456 : memref<40960xf32, #tpu.memory_space<vmem_shared>>)
    %dma_wait3A_457 = tpu.memref_slice %arg3[%add3A_421] : memref<320000xi32, #tpu.memory_space<hbm>> -> memref<2000xi32, #tpu.memory_space<hbm>>
    %dma_wait3A_458 = tpu.memref_slice %arg3[%add3A_421] : memref<320000xi32, #tpu.memory_space<hbm>> -> memref<2000xi32, #tpu.memory_space<hbm>>
    tpu.wait_dma2 semaphore(%arg33 : memref<!tpu.dma_semaphore, #tpu.memory_space<semaphore_mem>>) src(%dma_wait3A_458 : memref<2000xi32, #tpu.memory_space<hbm>>) dst(%arg20 : memref<2000xi32, #tpu.memory_space<vmem>>)
    %dma_wait3A_459 = tpu.memref_slice %arg2[%add3A_427] : memref<320000xi32, #tpu.memory_space<hbm>> -> memref<2000xi32, #tpu.memory_space<hbm>>
    %dma_wait3A_460 = tpu.memref_slice %arg2[%add3A_427] : memref<320000xi32, #tpu.memory_space<hbm>> -> memref<2000xi32, #tpu.memory_space<hbm>>
    tpu.wait_dma2 semaphore(%arg35 : memref<!tpu.dma_semaphore, #tpu.memory_space<semaphore_mem>>) src(%dma_wait3A_460 : memref<2000xi32, #tpu.memory_space<hbm>>) dst(%arg22 : memref<2000xi32, #tpu.memory_space<vmem>>)
    %scan3A_461 = arith.constant 0 : i32
    %scan3A_462 = arith.constant 500 : i32
    %scan3A_463 = arith.addi %scan3A_461, %scan3A_462 : i32
    %scan3A_464 = arith.constant 1 : i32
    scf.for %scan3A_868 = %scan3A_461 to %scan3A_463 step %scan3A_464  : i32 {
      %mul3A_869 = arith.constant 16 : i32
      %mul3A_870 = arith.muli %scan3A_868, %mul3A_869 : i32
      %mul3A_871 = arith.constant 4 : i32
      %mul3A_872 = arith.muli %scan3A_868, %mul3A_871 : i32
      %add3A_873 = vector.broadcast %mul3A_872 : i32 to vector<16xi32>
      %add3A_874 = arith.addi %shift_right_arithmetic3A_66, %add3A_873 : vector<16xi32>
      %gather3A = tpu.vector_load_idx %arg20[%add3A_874] : memref<2000xi32, #tpu.memory_space<vmem>>[vector<16xi32>], vector<16xi32>,
      %shift_left3A = arith.constant 2 : i32
      %shift_left3A_875 = vector.broadcast %shift_left3A : i32 to vector<16xi32>
      %shift_left3A_876 = arith.shli %gather3A, %shift_left3A_875 : vector<16xi32>
      %add3A_877 = arith.addi %shift_left3A_876, %and3A_68 : vector<16xi32>
      %gather3A_878 = tpu.vector_load_idx %arg11[%add3A_877] : memref<40960xf32, #tpu.memory_space<vmem>>[vector<16xi32>], vector<16xf32>,
      %swap3A = arith.index_cast %mul3A_870 : i32 to index
      %swap3A_879 = tpu.vector_load %arg14[%swap3A] {strides = array<i32>} : memref<8000xf32, #tpu.memory_space<vmem>>, vector<16xf32>,
      tpu.vector_store %arg14[%swap3A], %gather3A_878 {strides = array<i32>} : memref<8000xf32, #tpu.memory_space<vmem>>, vector<16xf32>,
      %mul3A_880 = arith.constant 4 : i32
      %mul3A_881 = arith.muli %scan3A_868, %mul3A_880 : i32
      %add3A_882 = vector.broadcast %mul3A_881 : i32 to vector<16xi32>
      %add3A_883 = arith.addi %shift_right_arithmetic3A_66, %add3A_882 : vector<16xi32>
      %gather3A_884 = tpu.vector_load_idx %arg22[%add3A_883] : memref<2000xi32, #tpu.memory_space<vmem>>[vector<16xi32>], vector<16xi32>,
      %shift_left3A_885 = arith.constant 2 : i32
      %shift_left3A_886 = vector.broadcast %shift_left3A_885 : i32 to vector<16xi32>
      %shift_left3A_887 = arith.shli %gather3A_884, %shift_left3A_886 : vector<16xi32>
      %add3A_888 = arith.addi %shift_left3A_887, %and3A_68 : vector<16xi32>
      %swap3A_889 = arith.index_cast %mul3A_870 : i32 to index
      %swap3A_890 = tpu.vector_load %arg12[%swap3A_889] {strides = array<i32>} : memref<8000xi32, #tpu.memory_space<vmem>>, vector<16xi32>,
      tpu.vector_store %arg12[%swap3A_889], %add3A_888 {strides = array<i32>} : memref<8000xi32, #tpu.memory_space<vmem>>, vector<16xi32>,
    }
    %scan3A_465 = arith.constant 500 : i32
    %dma_start3A_466 = arith.constant 0 : i32
    %dma_start3A_467 = tpu.memref_slice %arg9[%dma_start3A_466] : memref<40960xf32, #tpu.memory_space<vmem_shared>> -> memref<40960xf32, #tpu.memory_space<vmem_shared>>
    tpu.enqueue_indirect_dma source(%arg14 : memref<8000xf32, #tpu.memory_space<vmem>>) target(%dma_start3A_467 : memref<40960xf32, #tpu.memory_space<vmem_shared>>) offsets(%arg12 : memref<8000xi32, #tpu.memory_space<vmem>>) semaphore(%arg31 : memref<!tpu.dma_semaphore, #tpu.memory_space<semaphore_mem>>) {add = true}
    %mul3A_468 = arith.constant 20000 : i32
    %mul3A_469 = arith.muli %arg1, %mul3A_468 : i32
    %add3A_470 = arith.constant 12000 : i32
    %add3A_471 = arith.addi %mul3A_469, %add3A_470 : i32
    %dma_start3A_472 = tpu.memref_slice %arg3[%add3A_471] : memref<320000xi32, #tpu.memory_space<hbm>> -> memref<2000xi32, #tpu.memory_space<hbm>>
    %dma_start3A_473 = tpu.memref_slice %arg3[%add3A_471] : memref<320000xi32, #tpu.memory_space<hbm>> -> memref<2000xi32, #tpu.memory_space<hbm>>
    tpu.enqueue_dma source(%dma_start3A_473 : memref<2000xi32, #tpu.memory_space<hbm>>) target(%arg20 : memref<2000xi32, #tpu.memory_space<vmem>>) target_semaphore(%arg33 : memref<!tpu.dma_semaphore, #tpu.memory_space<semaphore_mem>>)
    %mul3A_474 = arith.constant 20000 : i32
    %mul3A_475 = arith.muli %arg1, %mul3A_474 : i32
    %add3A_476 = arith.constant 12000 : i32
    %add3A_477 = arith.addi %mul3A_475, %add3A_476 : i32
    %dma_start3A_478 = tpu.memref_slice %arg2[%add3A_477] : memref<320000xi32, #tpu.memory_space<hbm>> -> memref<2000xi32, #tpu.memory_space<hbm>>
    %dma_start3A_479 = tpu.memref_slice %arg2[%add3A_477] : memref<320000xi32, #tpu.memory_space<hbm>> -> memref<2000xi32, #tpu.memory_space<hbm>>
    tpu.enqueue_dma source(%dma_start3A_479 : memref<2000xi32, #tpu.memory_space<hbm>>) target(%arg22 : memref<2000xi32, #tpu.memory_space<vmem>>) target_semaphore(%arg35 : memref<!tpu.dma_semaphore, #tpu.memory_space<semaphore_mem>>)
    %dma_wait3A_480 = arith.constant 0 : i32
    %dma_wait3A_481 = tpu.memref_slice %arg9[%dma_wait3A_480] : memref<40960xf32, #tpu.memory_space<vmem_shared>> -> memref<40960xf32, #tpu.memory_space<vmem_shared>>
    tpu.wait_indirect_dma semaphore(%arg32 : memref<!tpu.dma_semaphore, #tpu.memory_space<semaphore_mem>>) src(%arg15 : memref<8000xf32, #tpu.memory_space<vmem>>) dst(%dma_wait3A_481 : memref<40960xf32, #tpu.memory_space<vmem_shared>>)
    %dma_wait3A_482 = tpu.memref_slice %arg3[%add3A_446] : memref<320000xi32, #tpu.memory_space<hbm>> -> memref<2000xi32, #tpu.memory_space<hbm>>
    %dma_wait3A_483 = tpu.memref_slice %arg3[%add3A_446] : memref<320000xi32, #tpu.memory_space<hbm>> -> memref<2000xi32, #tpu.memory_space<hbm>>
    tpu.wait_dma2 semaphore(%arg34 : memref<!tpu.dma_semaphore, #tpu.memory_space<semaphore_mem>>) src(%dma_wait3A_483 : memref<2000xi32, #tpu.memory_space<hbm>>) dst(%arg21 : memref<2000xi32, #tpu.memory_space<vmem>>)
    %dma_wait3A_484 = tpu.memref_slice %arg2[%add3A_452] : memref<320000xi32, #tpu.memory_space<hbm>> -> memref<2000xi32, #tpu.memory_space<hbm>>
    %dma_wait3A_485 = tpu.memref_slice %arg2[%add3A_452] : memref<320000xi32, #tpu.memory_space<hbm>> -> memref<2000xi32, #tpu.memory_space<hbm>>
    tpu.wait_dma2 semaphore(%arg36 : memref<!tpu.dma_semaphore, #tpu.memory_space<semaphore_mem>>) src(%dma_wait3A_485 : memref<2000xi32, #tpu.memory_space<hbm>>) dst(%arg23 : memref<2000xi32, #tpu.memory_space<vmem>>)
    %scan3A_486 = arith.constant 0 : i32
    %scan3A_487 = arith.constant 500 : i32
    %scan3A_488 = arith.addi %scan3A_486, %scan3A_487 : i32
    %scan3A_489 = arith.constant 1 : i32
    scf.for %scan3A_868 = %scan3A_486 to %scan3A_488 step %scan3A_489  : i32 {
      %mul3A_869 = arith.constant 16 : i32
      %mul3A_870 = arith.muli %scan3A_868, %mul3A_869 : i32
      %mul3A_871 = arith.constant 4 : i32
      %mul3A_872 = arith.muli %scan3A_868, %mul3A_871 : i32
      %add3A_873 = vector.broadcast %mul3A_872 : i32 to vector<16xi32>
      %add3A_874 = arith.addi %shift_right_arithmetic3A_66, %add3A_873 : vector<16xi32>
      %gather3A = tpu.vector_load_idx %arg21[%add3A_874] : memref<2000xi32, #tpu.memory_space<vmem>>[vector<16xi32>], vector<16xi32>,
      %shift_left3A = arith.constant 2 : i32
      %shift_left3A_875 = vector.broadcast %shift_left3A : i32 to vector<16xi32>
      %shift_left3A_876 = arith.shli %gather3A, %shift_left3A_875 : vector<16xi32>
      %add3A_877 = arith.addi %shift_left3A_876, %and3A_68 : vector<16xi32>
      %gather3A_878 = tpu.vector_load_idx %arg11[%add3A_877] : memref<40960xf32, #tpu.memory_space<vmem>>[vector<16xi32>], vector<16xf32>,
      %swap3A = arith.index_cast %mul3A_870 : i32 to index
      %swap3A_879 = tpu.vector_load %arg15[%swap3A] {strides = array<i32>} : memref<8000xf32, #tpu.memory_space<vmem>>, vector<16xf32>,
      tpu.vector_store %arg15[%swap3A], %gather3A_878 {strides = array<i32>} : memref<8000xf32, #tpu.memory_space<vmem>>, vector<16xf32>,
      %mul3A_880 = arith.constant 4 : i32
      %mul3A_881 = arith.muli %scan3A_868, %mul3A_880 : i32
      %add3A_882 = vector.broadcast %mul3A_881 : i32 to vector<16xi32>
      %add3A_883 = arith.addi %shift_right_arithmetic3A_66, %add3A_882 : vector<16xi32>
      %gather3A_884 = tpu.vector_load_idx %arg23[%add3A_883] : memref<2000xi32, #tpu.memory_space<vmem>>[vector<16xi32>], vector<16xi32>,
      %shift_left3A_885 = arith.constant 2 : i32
      %shift_left3A_886 = vector.broadcast %shift_left3A_885 : i32 to vector<16xi32>
      %shift_left3A_887 = arith.shli %gather3A_884, %shift_left3A_886 : vector<16xi32>
      %add3A_888 = arith.addi %shift_left3A_887, %and3A_68 : vector<16xi32>
      %swap3A_889 = arith.index_cast %mul3A_870 : i32 to index
      %swap3A_890 = tpu.vector_load %arg13[%swap3A_889] {strides = array<i32>} : memref<8000xi32, #tpu.memory_space<vmem>>, vector<16xi32>,
      tpu.vector_store %arg13[%swap3A_889], %add3A_888 {strides = array<i32>} : memref<8000xi32, #tpu.memory_space<vmem>>, vector<16xi32>,
    }
    %scan3A_490 = arith.constant 500 : i32
    %dma_start3A_491 = arith.constant 0 : i32
    %dma_start3A_492 = tpu.memref_slice %arg9[%dma_start3A_491] : memref<40960xf32, #tpu.memory_space<vmem_shared>> -> memref<40960xf32, #tpu.memory_space<vmem_shared>>
    tpu.enqueue_indirect_dma source(%arg15 : memref<8000xf32, #tpu.memory_space<vmem>>) target(%dma_start3A_492 : memref<40960xf32, #tpu.memory_space<vmem_shared>>) offsets(%arg13 : memref<8000xi32, #tpu.memory_space<vmem>>) semaphore(%arg32 : memref<!tpu.dma_semaphore, #tpu.memory_space<semaphore_mem>>) {add = true}
    %mul3A_493 = arith.constant 20000 : i32
    %mul3A_494 = arith.muli %arg1, %mul3A_493 : i32
    %add3A_495 = arith.constant 14000 : i32
    %add3A_496 = arith.addi %mul3A_494, %add3A_495 : i32
    %dma_start3A_497 = tpu.memref_slice %arg3[%add3A_496] : memref<320000xi32, #tpu.memory_space<hbm>> -> memref<2000xi32, #tpu.memory_space<hbm>>
    %dma_start3A_498 = tpu.memref_slice %arg3[%add3A_496] : memref<320000xi32, #tpu.memory_space<hbm>> -> memref<2000xi32, #tpu.memory_space<hbm>>
    tpu.enqueue_dma source(%dma_start3A_498 : memref<2000xi32, #tpu.memory_space<hbm>>) target(%arg21 : memref<2000xi32, #tpu.memory_space<vmem>>) target_semaphore(%arg34 : memref<!tpu.dma_semaphore, #tpu.memory_space<semaphore_mem>>)
    %mul3A_499 = arith.constant 20000 : i32
    %mul3A_500 = arith.muli %arg1, %mul3A_499 : i32
    %add3A_501 = arith.constant 14000 : i32
    %add3A_502 = arith.addi %mul3A_500, %add3A_501 : i32
    %dma_start3A_503 = tpu.memref_slice %arg2[%add3A_502] : memref<320000xi32, #tpu.memory_space<hbm>> -> memref<2000xi32, #tpu.memory_space<hbm>>
    %dma_start3A_504 = tpu.memref_slice %arg2[%add3A_502] : memref<320000xi32, #tpu.memory_space<hbm>> -> memref<2000xi32, #tpu.memory_space<hbm>>
    tpu.enqueue_dma source(%dma_start3A_504 : memref<2000xi32, #tpu.memory_space<hbm>>) target(%arg23 : memref<2000xi32, #tpu.memory_space<vmem>>) target_semaphore(%arg36 : memref<!tpu.dma_semaphore, #tpu.memory_space<semaphore_mem>>)
    %dma_wait3A_505 = arith.constant 0 : i32
    %dma_wait3A_506 = tpu.memref_slice %arg9[%dma_wait3A_505] : memref<40960xf32, #tpu.memory_space<vmem_shared>> -> memref<40960xf32, #tpu.memory_space<vmem_shared>>
    tpu.wait_indirect_dma semaphore(%arg31 : memref<!tpu.dma_semaphore, #tpu.memory_space<semaphore_mem>>) src(%arg14 : memref<8000xf32, #tpu.memory_space<vmem>>) dst(%dma_wait3A_506 : memref<40960xf32, #tpu.memory_space<vmem_shared>>)
    %dma_wait3A_507 = tpu.memref_slice %arg3[%add3A_471] : memref<320000xi32, #tpu.memory_space<hbm>> -> memref<2000xi32, #tpu.memory_space<hbm>>
    %dma_wait3A_508 = tpu.memref_slice %arg3[%add3A_471] : memref<320000xi32, #tpu.memory_space<hbm>> -> memref<2000xi32, #tpu.memory_space<hbm>>
    tpu.wait_dma2 semaphore(%arg33 : memref<!tpu.dma_semaphore, #tpu.memory_space<semaphore_mem>>) src(%dma_wait3A_508 : memref<2000xi32, #tpu.memory_space<hbm>>) dst(%arg20 : memref<2000xi32, #tpu.memory_space<vmem>>)
    %dma_wait3A_509 = tpu.memref_slice %arg2[%add3A_477] : memref<320000xi32, #tpu.memory_space<hbm>> -> memref<2000xi32, #tpu.memory_space<hbm>>
    %dma_wait3A_510 = tpu.memref_slice %arg2[%add3A_477] : memref<320000xi32, #tpu.memory_space<hbm>> -> memref<2000xi32, #tpu.memory_space<hbm>>
    tpu.wait_dma2 semaphore(%arg35 : memref<!tpu.dma_semaphore, #tpu.memory_space<semaphore_mem>>) src(%dma_wait3A_510 : memref<2000xi32, #tpu.memory_space<hbm>>) dst(%arg22 : memref<2000xi32, #tpu.memory_space<vmem>>)
    %scan3A_511 = arith.constant 0 : i32
    %scan3A_512 = arith.constant 500 : i32
    %scan3A_513 = arith.addi %scan3A_511, %scan3A_512 : i32
    %scan3A_514 = arith.constant 1 : i32
    scf.for %scan3A_868 = %scan3A_511 to %scan3A_513 step %scan3A_514  : i32 {
      %mul3A_869 = arith.constant 16 : i32
      %mul3A_870 = arith.muli %scan3A_868, %mul3A_869 : i32
      %mul3A_871 = arith.constant 4 : i32
      %mul3A_872 = arith.muli %scan3A_868, %mul3A_871 : i32
      %add3A_873 = vector.broadcast %mul3A_872 : i32 to vector<16xi32>
      %add3A_874 = arith.addi %shift_right_arithmetic3A_66, %add3A_873 : vector<16xi32>
      %gather3A = tpu.vector_load_idx %arg20[%add3A_874] : memref<2000xi32, #tpu.memory_space<vmem>>[vector<16xi32>], vector<16xi32>,
      %shift_left3A = arith.constant 2 : i32
      %shift_left3A_875 = vector.broadcast %shift_left3A : i32 to vector<16xi32>
      %shift_left3A_876 = arith.shli %gather3A, %shift_left3A_875 : vector<16xi32>
      %add3A_877 = arith.addi %shift_left3A_876, %and3A_68 : vector<16xi32>
      %gather3A_878 = tpu.vector_load_idx %arg11[%add3A_877] : memref<40960xf32, #tpu.memory_space<vmem>>[vector<16xi32>], vector<16xf32>,
      %swap3A = arith.index_cast %mul3A_870 : i32 to index
      %swap3A_879 = tpu.vector_load %arg14[%swap3A] {strides = array<i32>} : memref<8000xf32, #tpu.memory_space<vmem>>, vector<16xf32>,
      tpu.vector_store %arg14[%swap3A], %gather3A_878 {strides = array<i32>} : memref<8000xf32, #tpu.memory_space<vmem>>, vector<16xf32>,
      %mul3A_880 = arith.constant 4 : i32
      %mul3A_881 = arith.muli %scan3A_868, %mul3A_880 : i32
      %add3A_882 = vector.broadcast %mul3A_881 : i32 to vector<16xi32>
      %add3A_883 = arith.addi %shift_right_arithmetic3A_66, %add3A_882 : vector<16xi32>
      %gather3A_884 = tpu.vector_load_idx %arg22[%add3A_883] : memref<2000xi32, #tpu.memory_space<vmem>>[vector<16xi32>], vector<16xi32>,
      %shift_left3A_885 = arith.constant 2 : i32
      %shift_left3A_886 = vector.broadcast %shift_left3A_885 : i32 to vector<16xi32>
      %shift_left3A_887 = arith.shli %gather3A_884, %shift_left3A_886 : vector<16xi32>
      %add3A_888 = arith.addi %shift_left3A_887, %and3A_68 : vector<16xi32>
      %swap3A_889 = arith.index_cast %mul3A_870 : i32 to index
      %swap3A_890 = tpu.vector_load %arg12[%swap3A_889] {strides = array<i32>} : memref<8000xi32, #tpu.memory_space<vmem>>, vector<16xi32>,
      tpu.vector_store %arg12[%swap3A_889], %add3A_888 {strides = array<i32>} : memref<8000xi32, #tpu.memory_space<vmem>>, vector<16xi32>,
    }
    %scan3A_515 = arith.constant 500 : i32
    %dma_start3A_516 = arith.constant 0 : i32
    %dma_start3A_517 = tpu.memref_slice %arg9[%dma_start3A_516] : memref<40960xf32, #tpu.memory_space<vmem_shared>> -> memref<40960xf32, #tpu.memory_space<vmem_shared>>
    tpu.enqueue_indirect_dma source(%arg14 : memref<8000xf32, #tpu.memory_space<vmem>>) target(%dma_start3A_517 : memref<40960xf32, #tpu.memory_space<vmem_shared>>) offsets(%arg12 : memref<8000xi32, #tpu.memory_space<vmem>>) semaphore(%arg31 : memref<!tpu.dma_semaphore, #tpu.memory_space<semaphore_mem>>) {add = true}
    %mul3A_518 = arith.constant 20000 : i32
    %mul3A_519 = arith.muli %arg1, %mul3A_518 : i32
    %add3A_520 = arith.constant 16000 : i32
    %add3A_521 = arith.addi %mul3A_519, %add3A_520 : i32
    %dma_start3A_522 = tpu.memref_slice %arg3[%add3A_521] : memref<320000xi32, #tpu.memory_space<hbm>> -> memref<2000xi32, #tpu.memory_space<hbm>>
    %dma_start3A_523 = tpu.memref_slice %arg3[%add3A_521] : memref<320000xi32, #tpu.memory_space<hbm>> -> memref<2000xi32, #tpu.memory_space<hbm>>
    tpu.enqueue_dma source(%dma_start3A_523 : memref<2000xi32, #tpu.memory_space<hbm>>) target(%arg20 : memref<2000xi32, #tpu.memory_space<vmem>>) target_semaphore(%arg33 : memref<!tpu.dma_semaphore, #tpu.memory_space<semaphore_mem>>)
    %mul3A_524 = arith.constant 20000 : i32
    %mul3A_525 = arith.muli %arg1, %mul3A_524 : i32
    %add3A_526 = arith.constant 16000 : i32
    %add3A_527 = arith.addi %mul3A_525, %add3A_526 : i32
    %dma_start3A_528 = tpu.memref_slice %arg2[%add3A_527] : memref<320000xi32, #tpu.memory_space<hbm>> -> memref<2000xi32, #tpu.memory_space<hbm>>
    %dma_start3A_529 = tpu.memref_slice %arg2[%add3A_527] : memref<320000xi32, #tpu.memory_space<hbm>> -> memref<2000xi32, #tpu.memory_space<hbm>>
    tpu.enqueue_dma source(%dma_start3A_529 : memref<2000xi32, #tpu.memory_space<hbm>>) target(%arg22 : memref<2000xi32, #tpu.memory_space<vmem>>) target_semaphore(%arg35 : memref<!tpu.dma_semaphore, #tpu.memory_space<semaphore_mem>>)
    %dma_wait3A_530 = arith.constant 0 : i32
    %dma_wait3A_531 = tpu.memref_slice %arg9[%dma_wait3A_530] : memref<40960xf32, #tpu.memory_space<vmem_shared>> -> memref<40960xf32, #tpu.memory_space<vmem_shared>>
    tpu.wait_indirect_dma semaphore(%arg32 : memref<!tpu.dma_semaphore, #tpu.memory_space<semaphore_mem>>) src(%arg15 : memref<8000xf32, #tpu.memory_space<vmem>>) dst(%dma_wait3A_531 : memref<40960xf32, #tpu.memory_space<vmem_shared>>)
    %dma_wait3A_532 = tpu.memref_slice %arg3[%add3A_496] : memref<320000xi32, #tpu.memory_space<hbm>> -> memref<2000xi32, #tpu.memory_space<hbm>>
    %dma_wait3A_533 = tpu.memref_slice %arg3[%add3A_496] : memref<320000xi32, #tpu.memory_space<hbm>> -> memref<2000xi32, #tpu.memory_space<hbm>>
    tpu.wait_dma2 semaphore(%arg34 : memref<!tpu.dma_semaphore, #tpu.memory_space<semaphore_mem>>) src(%dma_wait3A_533 : memref<2000xi32, #tpu.memory_space<hbm>>) dst(%arg21 : memref<2000xi32, #tpu.memory_space<vmem>>)
    %dma_wait3A_534 = tpu.memref_slice %arg2[%add3A_502] : memref<320000xi32, #tpu.memory_space<hbm>> -> memref<2000xi32, #tpu.memory_space<hbm>>
    %dma_wait3A_535 = tpu.memref_slice %arg2[%add3A_502] : memref<320000xi32, #tpu.memory_space<hbm>> -> memref<2000xi32, #tpu.memory_space<hbm>>
    tpu.wait_dma2 semaphore(%arg36 : memref<!tpu.dma_semaphore, #tpu.memory_space<semaphore_mem>>) src(%dma_wait3A_535 : memref<2000xi32, #tpu.memory_space<hbm>>) dst(%arg23 : memref<2000xi32, #tpu.memory_space<vmem>>)
    %scan3A_536 = arith.constant 0 : i32
    %scan3A_537 = arith.constant 500 : i32
    %scan3A_538 = arith.addi %scan3A_536, %scan3A_537 : i32
    %scan3A_539 = arith.constant 1 : i32
    scf.for %scan3A_868 = %scan3A_536 to %scan3A_538 step %scan3A_539  : i32 {
      %mul3A_869 = arith.constant 16 : i32
      %mul3A_870 = arith.muli %scan3A_868, %mul3A_869 : i32
      %mul3A_871 = arith.constant 4 : i32
      %mul3A_872 = arith.muli %scan3A_868, %mul3A_871 : i32
      %add3A_873 = vector.broadcast %mul3A_872 : i32 to vector<16xi32>
      %add3A_874 = arith.addi %shift_right_arithmetic3A_66, %add3A_873 : vector<16xi32>
      %gather3A = tpu.vector_load_idx %arg21[%add3A_874] : memref<2000xi32, #tpu.memory_space<vmem>>[vector<16xi32>], vector<16xi32>,
      %shift_left3A = arith.constant 2 : i32
      %shift_left3A_875 = vector.broadcast %shift_left3A : i32 to vector<16xi32>
      %shift_left3A_876 = arith.shli %gather3A, %shift_left3A_875 : vector<16xi32>
      %add3A_877 = arith.addi %shift_left3A_876, %and3A_68 : vector<16xi32>
      %gather3A_878 = tpu.vector_load_idx %arg11[%add3A_877] : memref<40960xf32, #tpu.memory_space<vmem>>[vector<16xi32>], vector<16xf32>,
      %swap3A = arith.index_cast %mul3A_870 : i32 to index
      %swap3A_879 = tpu.vector_load %arg15[%swap3A] {strides = array<i32>} : memref<8000xf32, #tpu.memory_space<vmem>>, vector<16xf32>,
      tpu.vector_store %arg15[%swap3A], %gather3A_878 {strides = array<i32>} : memref<8000xf32, #tpu.memory_space<vmem>>, vector<16xf32>,
      %mul3A_880 = arith.constant 4 : i32
      %mul3A_881 = arith.muli %scan3A_868, %mul3A_880 : i32
      %add3A_882 = vector.broadcast %mul3A_881 : i32 to vector<16xi32>
      %add3A_883 = arith.addi %shift_right_arithmetic3A_66, %add3A_882 : vector<16xi32>
      %gather3A_884 = tpu.vector_load_idx %arg23[%add3A_883] : memref<2000xi32, #tpu.memory_space<vmem>>[vector<16xi32>], vector<16xi32>,
      %shift_left3A_885 = arith.constant 2 : i32
      %shift_left3A_886 = vector.broadcast %shift_left3A_885 : i32 to vector<16xi32>
      %shift_left3A_887 = arith.shli %gather3A_884, %shift_left3A_886 : vector<16xi32>
      %add3A_888 = arith.addi %shift_left3A_887, %and3A_68 : vector<16xi32>
      %swap3A_889 = arith.index_cast %mul3A_870 : i32 to index
      %swap3A_890 = tpu.vector_load %arg13[%swap3A_889] {strides = array<i32>} : memref<8000xi32, #tpu.memory_space<vmem>>, vector<16xi32>,
      tpu.vector_store %arg13[%swap3A_889], %add3A_888 {strides = array<i32>} : memref<8000xi32, #tpu.memory_space<vmem>>, vector<16xi32>,
    }
    %scan3A_540 = arith.constant 500 : i32
    %dma_start3A_541 = arith.constant 0 : i32
    %dma_start3A_542 = tpu.memref_slice %arg9[%dma_start3A_541] : memref<40960xf32, #tpu.memory_space<vmem_shared>> -> memref<40960xf32, #tpu.memory_space<vmem_shared>>
    tpu.enqueue_indirect_dma source(%arg15 : memref<8000xf32, #tpu.memory_space<vmem>>) target(%dma_start3A_542 : memref<40960xf32, #tpu.memory_space<vmem_shared>>) offsets(%arg13 : memref<8000xi32, #tpu.memory_space<vmem>>) semaphore(%arg32 : memref<!tpu.dma_semaphore, #tpu.memory_space<semaphore_mem>>) {add = true}
    %mul3A_543 = arith.constant 20000 : i32
    %mul3A_544 = arith.muli %arg1, %mul3A_543 : i32
    %add3A_545 = arith.constant 18000 : i32
    %add3A_546 = arith.addi %mul3A_544, %add3A_545 : i32
    %dma_start3A_547 = tpu.memref_slice %arg3[%add3A_546] : memref<320000xi32, #tpu.memory_space<hbm>> -> memref<2000xi32, #tpu.memory_space<hbm>>
    %dma_start3A_548 = tpu.memref_slice %arg3[%add3A_546] : memref<320000xi32, #tpu.memory_space<hbm>> -> memref<2000xi32, #tpu.memory_space<hbm>>
    tpu.enqueue_dma source(%dma_start3A_548 : memref<2000xi32, #tpu.memory_space<hbm>>) target(%arg21 : memref<2000xi32, #tpu.memory_space<vmem>>) target_semaphore(%arg34 : memref<!tpu.dma_semaphore, #tpu.memory_space<semaphore_mem>>)
    %mul3A_549 = arith.constant 20000 : i32
    %mul3A_550 = arith.muli %arg1, %mul3A_549 : i32
    %add3A_551 = arith.constant 18000 : i32
    %add3A_552 = arith.addi %mul3A_550, %add3A_551 : i32
    %dma_start3A_553 = tpu.memref_slice %arg2[%add3A_552] : memref<320000xi32, #tpu.memory_space<hbm>> -> memref<2000xi32, #tpu.memory_space<hbm>>
    %dma_start3A_554 = tpu.memref_slice %arg2[%add3A_552] : memref<320000xi32, #tpu.memory_space<hbm>> -> memref<2000xi32, #tpu.memory_space<hbm>>
    tpu.enqueue_dma source(%dma_start3A_554 : memref<2000xi32, #tpu.memory_space<hbm>>) target(%arg23 : memref<2000xi32, #tpu.memory_space<vmem>>) target_semaphore(%arg36 : memref<!tpu.dma_semaphore, #tpu.memory_space<semaphore_mem>>)
    %dma_wait3A_555 = arith.constant 0 : i32
    %dma_wait3A_556 = tpu.memref_slice %arg9[%dma_wait3A_555] : memref<40960xf32, #tpu.memory_space<vmem_shared>> -> memref<40960xf32, #tpu.memory_space<vmem_shared>>
    tpu.wait_indirect_dma semaphore(%arg31 : memref<!tpu.dma_semaphore, #tpu.memory_space<semaphore_mem>>) src(%arg14 : memref<8000xf32, #tpu.memory_space<vmem>>) dst(%dma_wait3A_556 : memref<40960xf32, #tpu.memory_space<vmem_shared>>)
    %dma_wait3A_557 = tpu.memref_slice %arg3[%add3A_521] : memref<320000xi32, #tpu.memory_space<hbm>> -> memref<2000xi32, #tpu.memory_space<hbm>>
    %dma_wait3A_558 = tpu.memref_slice %arg3[%add3A_521] : memref<320000xi32, #tpu.memory_space<hbm>> -> memref<2000xi32, #tpu.memory_space<hbm>>
    tpu.wait_dma2 semaphore(%arg33 : memref<!tpu.dma_semaphore, #tpu.memory_space<semaphore_mem>>) src(%dma_wait3A_558 : memref<2000xi32, #tpu.memory_space<hbm>>) dst(%arg20 : memref<2000xi32, #tpu.memory_space<vmem>>)
    %dma_wait3A_559 = tpu.memref_slice %arg2[%add3A_527] : memref<320000xi32, #tpu.memory_space<hbm>> -> memref<2000xi32, #tpu.memory_space<hbm>>
    %dma_wait3A_560 = tpu.memref_slice %arg2[%add3A_527] : memref<320000xi32, #tpu.memory_space<hbm>> -> memref<2000xi32, #tpu.memory_space<hbm>>
    tpu.wait_dma2 semaphore(%arg35 : memref<!tpu.dma_semaphore, #tpu.memory_space<semaphore_mem>>) src(%dma_wait3A_560 : memref<2000xi32, #tpu.memory_space<hbm>>) dst(%arg22 : memref<2000xi32, #tpu.memory_space<vmem>>)
    %scan3A_561 = arith.constant 0 : i32
    %scan3A_562 = arith.constant 500 : i32
    %scan3A_563 = arith.addi %scan3A_561, %scan3A_562 : i32
    %scan3A_564 = arith.constant 1 : i32
    scf.for %scan3A_868 = %scan3A_561 to %scan3A_563 step %scan3A_564  : i32 {
      %mul3A_869 = arith.constant 16 : i32
      %mul3A_870 = arith.muli %scan3A_868, %mul3A_869 : i32
      %mul3A_871 = arith.constant 4 : i32
      %mul3A_872 = arith.muli %scan3A_868, %mul3A_871 : i32
      %add3A_873 = vector.broadcast %mul3A_872 : i32 to vector<16xi32>
      %add3A_874 = arith.addi %shift_right_arithmetic3A_66, %add3A_873 : vector<16xi32>
      %gather3A = tpu.vector_load_idx %arg20[%add3A_874] : memref<2000xi32, #tpu.memory_space<vmem>>[vector<16xi32>], vector<16xi32>,
      %shift_left3A = arith.constant 2 : i32
      %shift_left3A_875 = vector.broadcast %shift_left3A : i32 to vector<16xi32>
      %shift_left3A_876 = arith.shli %gather3A, %shift_left3A_875 : vector<16xi32>
      %add3A_877 = arith.addi %shift_left3A_876, %and3A_68 : vector<16xi32>
      %gather3A_878 = tpu.vector_load_idx %arg11[%add3A_877] : memref<40960xf32, #tpu.memory_space<vmem>>[vector<16xi32>], vector<16xf32>,
      %swap3A = arith.index_cast %mul3A_870 : i32 to index
      %swap3A_879 = tpu.vector_load %arg14[%swap3A] {strides = array<i32>} : memref<8000xf32, #tpu.memory_space<vmem>>, vector<16xf32>,
      tpu.vector_store %arg14[%swap3A], %gather3A_878 {strides = array<i32>} : memref<8000xf32, #tpu.memory_space<vmem>>, vector<16xf32>,
      %mul3A_880 = arith.constant 4 : i32
      %mul3A_881 = arith.muli %scan3A_868, %mul3A_880 : i32
      %add3A_882 = vector.broadcast %mul3A_881 : i32 to vector<16xi32>
      %add3A_883 = arith.addi %shift_right_arithmetic3A_66, %add3A_882 : vector<16xi32>
      %gather3A_884 = tpu.vector_load_idx %arg22[%add3A_883] : memref<2000xi32, #tpu.memory_space<vmem>>[vector<16xi32>], vector<16xi32>,
      %shift_left3A_885 = arith.constant 2 : i32
      %shift_left3A_886 = vector.broadcast %shift_left3A_885 : i32 to vector<16xi32>
      %shift_left3A_887 = arith.shli %gather3A_884, %shift_left3A_886 : vector<16xi32>
      %add3A_888 = arith.addi %shift_left3A_887, %and3A_68 : vector<16xi32>
      %swap3A_889 = arith.index_cast %mul3A_870 : i32 to index
      %swap3A_890 = tpu.vector_load %arg12[%swap3A_889] {strides = array<i32>} : memref<8000xi32, #tpu.memory_space<vmem>>, vector<16xi32>,
      tpu.vector_store %arg12[%swap3A_889], %add3A_888 {strides = array<i32>} : memref<8000xi32, #tpu.memory_space<vmem>>, vector<16xi32>,
    }
    %scan3A_565 = arith.constant 500 : i32
    %dma_start3A_566 = arith.constant 0 : i32
    %dma_start3A_567 = tpu.memref_slice %arg9[%dma_start3A_566] : memref<40960xf32, #tpu.memory_space<vmem_shared>> -> memref<40960xf32, #tpu.memory_space<vmem_shared>>
    tpu.enqueue_indirect_dma source(%arg14 : memref<8000xf32, #tpu.memory_space<vmem>>) target(%dma_start3A_567 : memref<40960xf32, #tpu.memory_space<vmem_shared>>) offsets(%arg12 : memref<8000xi32, #tpu.memory_space<vmem>>) semaphore(%arg31 : memref<!tpu.dma_semaphore, #tpu.memory_space<semaphore_mem>>) {add = true}
    %dma_wait3A_568 = arith.constant 0 : i32
    %dma_wait3A_569 = tpu.memref_slice %arg9[%dma_wait3A_568] : memref<40960xf32, #tpu.memory_space<vmem_shared>> -> memref<40960xf32, #tpu.memory_space<vmem_shared>>
    tpu.wait_indirect_dma semaphore(%arg32 : memref<!tpu.dma_semaphore, #tpu.memory_space<semaphore_mem>>) src(%arg15 : memref<8000xf32, #tpu.memory_space<vmem>>) dst(%dma_wait3A_569 : memref<40960xf32, #tpu.memory_space<vmem_shared>>)
    %dma_wait3A_570 = tpu.memref_slice %arg3[%add3A_546] : memref<320000xi32, #tpu.memory_space<hbm>> -> memref<2000xi32, #tpu.memory_space<hbm>>
    %dma_wait3A_571 = tpu.memref_slice %arg3[%add3A_546] : memref<320000xi32, #tpu.memory_space<hbm>> -> memref<2000xi32, #tpu.memory_space<hbm>>
    tpu.wait_dma2 semaphore(%arg34 : memref<!tpu.dma_semaphore, #tpu.memory_space<semaphore_mem>>) src(%dma_wait3A_571 : memref<2000xi32, #tpu.memory_space<hbm>>) dst(%arg21 : memref<2000xi32, #tpu.memory_space<vmem>>)
    %dma_wait3A_572 = tpu.memref_slice %arg2[%add3A_552] : memref<320000xi32, #tpu.memory_space<hbm>> -> memref<2000xi32, #tpu.memory_space<hbm>>
    %dma_wait3A_573 = tpu.memref_slice %arg2[%add3A_552] : memref<320000xi32, #tpu.memory_space<hbm>> -> memref<2000xi32, #tpu.memory_space<hbm>>
    tpu.wait_dma2 semaphore(%arg36 : memref<!tpu.dma_semaphore, #tpu.memory_space<semaphore_mem>>) src(%dma_wait3A_573 : memref<2000xi32, #tpu.memory_space<hbm>>) dst(%arg23 : memref<2000xi32, #tpu.memory_space<vmem>>)
    %scan3A_574 = arith.constant 0 : i32
    %scan3A_575 = arith.constant 500 : i32
    %scan3A_576 = arith.addi %scan3A_574, %scan3A_575 : i32
    %scan3A_577 = arith.constant 1 : i32
    scf.for %scan3A_868 = %scan3A_574 to %scan3A_576 step %scan3A_577  : i32 {
      %mul3A_869 = arith.constant 16 : i32
      %mul3A_870 = arith.muli %scan3A_868, %mul3A_869 : i32
      %mul3A_871 = arith.constant 4 : i32
      %mul3A_872 = arith.muli %scan3A_868, %mul3A_871 : i32
      %add3A_873 = vector.broadcast %mul3A_872 : i32 to vector<16xi32>
      %add3A_874 = arith.addi %shift_right_arithmetic3A_66, %add3A_873 : vector<16xi32>
      %gather3A = tpu.vector_load_idx %arg21[%add3A_874] : memref<2000xi32, #tpu.memory_space<vmem>>[vector<16xi32>], vector<16xi32>,
      %shift_left3A = arith.constant 2 : i32
      %shift_left3A_875 = vector.broadcast %shift_left3A : i32 to vector<16xi32>
      %shift_left3A_876 = arith.shli %gather3A, %shift_left3A_875 : vector<16xi32>
      %add3A_877 = arith.addi %shift_left3A_876, %and3A_68 : vector<16xi32>
      %gather3A_878 = tpu.vector_load_idx %arg11[%add3A_877] : memref<40960xf32, #tpu.memory_space<vmem>>[vector<16xi32>], vector<16xf32>,
      %swap3A = arith.index_cast %mul3A_870 : i32 to index
      %swap3A_879 = tpu.vector_load %arg15[%swap3A] {strides = array<i32>} : memref<8000xf32, #tpu.memory_space<vmem>>, vector<16xf32>,
      tpu.vector_store %arg15[%swap3A], %gather3A_878 {strides = array<i32>} : memref<8000xf32, #tpu.memory_space<vmem>>, vector<16xf32>,
      %mul3A_880 = arith.constant 4 : i32
      %mul3A_881 = arith.muli %scan3A_868, %mul3A_880 : i32
      %add3A_882 = vector.broadcast %mul3A_881 : i32 to vector<16xi32>
      %add3A_883 = arith.addi %shift_right_arithmetic3A_66, %add3A_882 : vector<16xi32>
      %gather3A_884 = tpu.vector_load_idx %arg23[%add3A_883] : memref<2000xi32, #tpu.memory_space<vmem>>[vector<16xi32>], vector<16xi32>,
      %shift_left3A_885 = arith.constant 2 : i32
      %shift_left3A_886 = vector.broadcast %shift_left3A_885 : i32 to vector<16xi32>
      %shift_left3A_887 = arith.shli %gather3A_884, %shift_left3A_886 : vector<16xi32>
      %add3A_888 = arith.addi %shift_left3A_887, %and3A_68 : vector<16xi32>
      %swap3A_889 = arith.index_cast %mul3A_870 : i32 to index
      %swap3A_890 = tpu.vector_load %arg13[%swap3A_889] {strides = array<i32>} : memref<8000xi32, #tpu.memory_space<vmem>>, vector<16xi32>,
      tpu.vector_store %arg13[%swap3A_889], %add3A_888 {strides = array<i32>} : memref<8000xi32, #tpu.memory_space<vmem>>, vector<16xi32>,
    }
    %scan3A_578 = arith.constant 500 : i32
    %dma_start3A_579 = arith.constant 0 : i32
    %dma_start3A_580 = tpu.memref_slice %arg9[%dma_start3A_579] : memref<40960xf32, #tpu.memory_space<vmem_shared>> -> memref<40960xf32, #tpu.memory_space<vmem_shared>>
    tpu.enqueue_indirect_dma source(%arg15 : memref<8000xf32, #tpu.memory_space<vmem>>) target(%dma_start3A_580 : memref<40960xf32, #tpu.memory_space<vmem_shared>>) offsets(%arg13 : memref<8000xi32, #tpu.memory_space<vmem>>) semaphore(%arg32 : memref<!tpu.dma_semaphore, #tpu.memory_space<semaphore_mem>>) {add = true}
    %dma_wait3A_581 = arith.constant 0 : i32
    %dma_wait3A_582 = tpu.memref_slice %arg9[%dma_wait3A_581] : memref<40960xf32, #tpu.memory_space<vmem_shared>> -> memref<40960xf32, #tpu.memory_space<vmem_shared>>
    tpu.wait_indirect_dma semaphore(%arg31 : memref<!tpu.dma_semaphore, #tpu.memory_space<semaphore_mem>>) src(%arg14 : memref<8000xf32, #tpu.memory_space<vmem>>) dst(%dma_wait3A_582 : memref<40960xf32, #tpu.memory_space<vmem_shared>>)
    %dma_wait3A_583 = arith.constant 0 : i32
    %dma_wait3A_584 = tpu.memref_slice %arg9[%dma_wait3A_583] : memref<40960xf32, #tpu.memory_space<vmem_shared>> -> memref<40960xf32, #tpu.memory_space<vmem_shared>>
    tpu.wait_indirect_dma semaphore(%arg32 : memref<!tpu.dma_semaphore, #tpu.memory_space<semaphore_mem>>) src(%arg15 : memref<8000xf32, #tpu.memory_space<vmem>>) dst(%dma_wait3A_584 : memref<40960xf32, #tpu.memory_space<vmem_shared>>)
    %barrier3A_585 = arith.constant 0 : index
    tpu.barrier barrier_id(%barrier3A_585)
    "tpu.region"() ({
      %run_scoped3A = tpu.sem_alloc : memref<!tpu.dma_semaphore, #tpu.memory_space<semaphore_mem>>
      %dma_start3A_868 = tpu.memref_slice %arg9[%mul3A_0] : memref<40960xf32, #tpu.memory_space<vmem_shared>> -> memref<2560xf32, #tpu.memory_space<vmem_shared>>
      %dma_start3A_869 = tpu.memref_slice %arg9[%mul3A_0] : memref<40960xf32, #tpu.memory_space<vmem_shared>> -> memref<2560xf32, #tpu.memory_space<vmem_shared>>
      tpu.enqueue_dma source(%dma_start3A_869 : memref<2560xf32, #tpu.memory_space<vmem_shared>>) target(%arg27 : memref<2560xf32, #tpu.memory_space<vmem>>) target_semaphore(%run_scoped3A : memref<!tpu.dma_semaphore, #tpu.memory_space<semaphore_mem>>)
      %dma_wait3A_870 = tpu.memref_slice %arg9[%mul3A_0] : memref<40960xf32, #tpu.memory_space<vmem_shared>> -> memref<2560xf32, #tpu.memory_space<vmem_shared>>
      %dma_wait3A_871 = tpu.memref_slice %arg9[%mul3A_0] : memref<40960xf32, #tpu.memory_space<vmem_shared>> -> memref<2560xf32, #tpu.memory_space<vmem_shared>>
      tpu.wait_dma2 semaphore(%run_scoped3A : memref<!tpu.dma_semaphore, #tpu.memory_space<semaphore_mem>>) src(%dma_wait3A_871 : memref<2560xf32, #tpu.memory_space<vmem_shared>>) dst(%arg27 : memref<2560xf32, #tpu.memory_space<vmem>>)
      tpu.yield
    }) : () -> ()
    %scan3A_586 = arith.constant 0 : i32
    %scan3A_587 = arith.constant 160 : i32
    %scan3A_588 = arith.addi %scan3A_586, %scan3A_587 : i32
    %scan3A_589 = arith.constant 1 : i32
    scf.for %scan3A_868 = %scan3A_586 to %scan3A_588 step %scan3A_589  : i32 {
      %mul3A_869 = arith.constant 16 : i32
      %mul3A_870 = arith.muli %scan3A_868, %mul3A_869 : i32
      %mul3A_871 = arith.constant 16 : i32
      %mul3A_872 = arith.muli %scan3A_868, %mul3A_871 : i32
      %add3A_873 = vector.broadcast %mul3A_872 : i32 to vector<16xi32>
      %add3A_874 = arith.addi %iota3A, %add3A_873 : vector<16xi32>
      %shift_right_arithmetic3A_875 = arith.constant 2 : i32
      %shift_right_arithmetic3A_876 = vector.broadcast %shift_right_arithmetic3A_875 : i32 to vector<16xi32>
      %shift_right_arithmetic3A_877 = arith.shrsi %add3A_874, %shift_right_arithmetic3A_876 : vector<16xi32>
      %gather3A = tpu.vector_load_idx %arg29[%shift_right_arithmetic3A_877] : memref<640xf32, #tpu.memory_space<vmem>>[vector<16xi32>], vector<16xf32>,
      %and3A_878 = arith.constant 3 : i32
      %and3A_879 = vector.broadcast %and3A_878 : i32 to vector<16xi32>
      %and3A_880 = arith.andi %add3A_874, %and3A_879 : vector<16xi32>
      %add3A_881 = arith.constant 52 : i32
      %add3A_882 = vector.broadcast %add3A_881 : i32 to vector<16xi32>
      %add3A_883 = arith.addi %add3A_882, %and3A_880 : vector<16xi32>
      %gather3A_884 = tpu.vector_load_idx %arg30[%add3A_883] : memref<64xf32, #tpu.memory_space<vmem>>[vector<16xi32>], vector<16xf32>,
      %get3A = arith.index_cast %mul3A_870 : i32 to index
      %get3A_885 = tpu.vector_load %arg27[%get3A] {strides = array<i32>} : memref<2560xf32, #tpu.memory_space<vmem>>, vector<16xf32>,
      %get3A_886 = arith.index_cast %mul3A_870 : i32 to index
      %get3A_887 = tpu.vector_load %arg26[%get3A_886] {strides = array<i32>} : memref<2560xf32, #tpu.memory_space<vmem>>, vector<16xf32>,
      %add3A_888 = arith.addf %get3A_885, %get3A_887 : vector<16xf32>
      %mul3A_889 = arith.mulf %gather3A, %add3A_888 : vector<16xf32>
      %add3A_890 = arith.addf %mul3A_889, %gather3A_884 : vector<16xf32>
      %mul3A_891 = arith.constant 2.000000e+00 : f32
      %mul3A_892 = vector.broadcast %mul3A_891 : f32 to vector<16xf32>
      %mul3A_893 = arith.mulf %mul3A_892, %add3A_890 : vector<16xf32>
      %exp3A = math.exp %mul3A_893 : vector<16xf32>
      %add3A_894 = arith.constant 1.000000e+00 : f32
      %add3A_895 = vector.broadcast %add3A_894 : f32 to vector<16xf32>
      %add3A_896 = arith.addf %exp3A, %add3A_895 : vector<16xf32>
      %div3A = arith.constant 2.000000e+00 : f32
      %div3A_897 = vector.broadcast %div3A : f32 to vector<16xf32>
      %div3A_898 = arith.divf %div3A_897, %add3A_896 : vector<16xf32>
      %sub3A = arith.constant 1.000000e+00 : f32
      %sub3A_899 = vector.broadcast %sub3A : f32 to vector<16xf32>
      %sub3A_900 = arith.subf %sub3A_899, %div3A_898 : vector<16xf32>
      %swap3A = arith.index_cast %mul3A_870 : i32 to index
      %swap3A_901 = tpu.vector_load %arg28[%swap3A] {strides = array<i32>} : memref<2560xf32, #tpu.memory_space<vmem>>, vector<16xf32>,
      tpu.vector_store %arg28[%swap3A], %sub3A_900 {strides = array<i32>} : memref<2560xf32, #tpu.memory_space<vmem>>, vector<16xf32>,
    }
    %scan3A_590 = arith.constant 160 : i32
    %scan3A_591 = arith.constant 0 : i32
    %scan3A_592 = arith.constant 160 : i32
    %scan3A_593 = arith.addi %scan3A_591, %scan3A_592 : i32
    %scan3A_594 = arith.constant 1 : i32
    scf.for %scan3A_868 = %scan3A_591 to %scan3A_593 step %scan3A_594  : i32 {
      %mul3A_869 = arith.constant 16 : i32
      %mul3A_870 = arith.muli %scan3A_868, %mul3A_869 : i32
      %mul3A_871 = arith.constant 16 : i32
      %mul3A_872 = arith.muli %scan3A_868, %mul3A_871 : i32
      %add3A_873 = vector.broadcast %mul3A_872 : i32 to vector<16xi32>
      %add3A_874 = arith.addi %iota3A, %add3A_873 : vector<16xi32>
      %shift_right_arithmetic3A_875 = arith.constant 2 : i32
      %shift_right_arithmetic3A_876 = vector.broadcast %shift_right_arithmetic3A_875 : i32 to vector<16xi32>
      %shift_right_arithmetic3A_877 = arith.shrsi %add3A_874, %shift_right_arithmetic3A_876 : vector<16xi32>
      %shift_left3A = arith.constant 2 : i32
      %shift_left3A_878 = vector.broadcast %shift_left3A : i32 to vector<16xi32>
      %shift_left3A_879 = arith.shli %shift_right_arithmetic3A_877, %shift_left3A_878 : vector<16xi32>
      %and3A_880 = arith.constant 3 : i32
      %and3A_881 = vector.broadcast %and3A_880 : i32 to vector<16xi32>
      %and3A_882 = arith.andi %add3A_874, %and3A_881 : vector<16xi32>
      %broadcast_in_dim3A = arith.constant 0.000000e+00 : f32
      %broadcast_in_dim3A_883 = vector.broadcast %broadcast_in_dim3A : f32 to vector<16xf32>
      %add3A_884 = arith.constant 0 : i32
      %add3A_885 = vector.broadcast %add3A_884 : i32 to vector<16xi32>
      %add3A_886 = arith.addi %shift_left3A_879, %add3A_885 : vector<16xi32>
      %gather3A = tpu.vector_load_idx %arg28[%add3A_886] : memref<2560xf32, #tpu.memory_space<vmem>>[vector<16xi32>], vector<16xf32>,
      %add3A_887 = arith.constant 16 : i32
      %add3A_888 = vector.broadcast %add3A_887 : i32 to vector<16xi32>
      %add3A_889 = arith.addi %add3A_888, %and3A_882 : vector<16xi32>
      %gather3A_890 = tpu.vector_load_idx %arg30[%add3A_889] : memref<64xf32, #tpu.memory_space<vmem>>[vector<16xi32>], vector<16xf32>,
      %mul3A_891 = arith.mulf %gather3A, %gather3A_890 : vector<16xf32>
      %add3A_892 = arith.addf %broadcast_in_dim3A_883, %mul3A_891 : vector<16xf32>
      %add3A_893 = arith.constant 1 : i32
      %add3A_894 = vector.broadcast %add3A_893 : i32 to vector<16xi32>
      %add3A_895 = arith.addi %shift_left3A_879, %add3A_894 : vector<16xi32>
      %gather3A_896 = tpu.vector_load_idx %arg28[%add3A_895] : memref<2560xf32, #tpu.memory_space<vmem>>[vector<16xi32>], vector<16xf32>,
      %add3A_897 = arith.constant 20 : i32
      %add3A_898 = vector.broadcast %add3A_897 : i32 to vector<16xi32>
      %add3A_899 = arith.addi %add3A_898, %and3A_882 : vector<16xi32>
      %gather3A_900 = tpu.vector_load_idx %arg30[%add3A_899] : memref<64xf32, #tpu.memory_space<vmem>>[vector<16xi32>], vector<16xf32>,
      %mul3A_901 = arith.mulf %gather3A_896, %gather3A_900 : vector<16xf32>
      %add3A_902 = arith.addf %add3A_892, %mul3A_901 : vector<16xf32>
      %add3A_903 = arith.constant 2 : i32
      %add3A_904 = vector.broadcast %add3A_903 : i32 to vector<16xi32>
      %add3A_905 = arith.addi %shift_left3A_879, %add3A_904 : vector<16xi32>
      %gather3A_906 = tpu.vector_load_idx %arg28[%add3A_905] : memref<2560xf32, #tpu.memory_space<vmem>>[vector<16xi32>], vector<16xf32>,
      %add3A_907 = arith.constant 24 : i32
      %add3A_908 = vector.broadcast %add3A_907 : i32 to vector<16xi32>
      %add3A_909 = arith.addi %add3A_908, %and3A_882 : vector<16xi32>
      %gather3A_910 = tpu.vector_load_idx %arg30[%add3A_909] : memref<64xf32, #tpu.memory_space<vmem>>[vector<16xi32>], vector<16xf32>,
      %mul3A_911 = arith.mulf %gather3A_906, %gather3A_910 : vector<16xf32>
      %add3A_912 = arith.addf %add3A_902, %mul3A_911 : vector<16xf32>
      %add3A_913 = arith.constant 3 : i32
      %add3A_914 = vector.broadcast %add3A_913 : i32 to vector<16xi32>
      %add3A_915 = arith.addi %shift_left3A_879, %add3A_914 : vector<16xi32>
      %gather3A_916 = tpu.vector_load_idx %arg28[%add3A_915] : memref<2560xf32, #tpu.memory_space<vmem>>[vector<16xi32>], vector<16xf32>,
      %add3A_917 = arith.constant 28 : i32
      %add3A_918 = vector.broadcast %add3A_917 : i32 to vector<16xi32>
      %add3A_919 = arith.addi %add3A_918, %and3A_882 : vector<16xi32>
      %gather3A_920 = tpu.vector_load_idx %arg30[%add3A_919] : memref<64xf32, #tpu.memory_space<vmem>>[vector<16xi32>], vector<16xf32>,
      %mul3A_921 = arith.mulf %gather3A_916, %gather3A_920 : vector<16xf32>
      %add3A_922 = arith.addf %add3A_912, %mul3A_921 : vector<16xf32>
      %shift_right_arithmetic3A_923 = arith.constant 2 : i32
      %shift_right_arithmetic3A_924 = vector.broadcast %shift_right_arithmetic3A_923 : i32 to vector<16xi32>
      %shift_right_arithmetic3A_925 = arith.shrsi %add3A_874, %shift_right_arithmetic3A_924 : vector<16xi32>
      %gather3A_926 = tpu.vector_load_idx %arg29[%shift_right_arithmetic3A_925] : memref<640xf32, #tpu.memory_space<vmem>>[vector<16xi32>], vector<16xf32>,
      %mul3A_927 = arith.mulf %add3A_922, %gather3A_926 : vector<16xf32>
      %swap3A = arith.index_cast %mul3A_870 : i32 to index
      %swap3A_928 = tpu.vector_load %arg26[%swap3A] {strides = array<i32>} : memref<2560xf32, #tpu.memory_space<vmem>>, vector<16xf32>,
      tpu.vector_store %arg26[%swap3A], %mul3A_927 {strides = array<i32>} : memref<2560xf32, #tpu.memory_space<vmem>>, vector<16xf32>,
    }
    %scan3A_595 = arith.constant 160 : i32
    "tpu.region"() ({
      %run_scoped3A = tpu.sem_alloc : memref<!tpu.dma_semaphore, #tpu.memory_space<semaphore_mem>>
      %dma_start3A_868 = tpu.memref_slice %arg8[%mul3A_0] : memref<40960xf32, #tpu.memory_space<vmem_shared>> -> memref<2560xf32, #tpu.memory_space<vmem_shared>>
      %dma_start3A_869 = tpu.memref_slice %arg8[%mul3A_0] : memref<40960xf32, #tpu.memory_space<vmem_shared>> -> memref<2560xf32, #tpu.memory_space<vmem_shared>>
      tpu.enqueue_dma source(%arg26 : memref<2560xf32, #tpu.memory_space<vmem>>) target(%dma_start3A_869 : memref<2560xf32, #tpu.memory_space<vmem_shared>>) target_semaphore(%run_scoped3A : memref<!tpu.dma_semaphore, #tpu.memory_space<semaphore_mem>>)
      %dma_wait3A_870 = tpu.memref_slice %arg8[%mul3A_0] : memref<40960xf32, #tpu.memory_space<vmem_shared>> -> memref<2560xf32, #tpu.memory_space<vmem_shared>>
      %dma_wait3A_871 = tpu.memref_slice %arg8[%mul3A_0] : memref<40960xf32, #tpu.memory_space<vmem_shared>> -> memref<2560xf32, #tpu.memory_space<vmem_shared>>
      tpu.wait_dma2 semaphore(%run_scoped3A : memref<!tpu.dma_semaphore, #tpu.memory_space<semaphore_mem>>) src(%arg26 : memref<2560xf32, #tpu.memory_space<vmem>>) dst(%dma_wait3A_871 : memref<2560xf32, #tpu.memory_space<vmem_shared>>)
      tpu.yield
    }) : () -> ()
    "tpu.region"() ({
      %run_scoped3A = tpu.sem_alloc : memref<!tpu.dma_semaphore, #tpu.memory_space<semaphore_mem>>
      %dma_start3A_868 = tpu.memref_slice %arg9[%mul3A_0] : memref<40960xf32, #tpu.memory_space<vmem_shared>> -> memref<2560xf32, #tpu.memory_space<vmem_shared>>
      %dma_start3A_869 = tpu.memref_slice %arg9[%mul3A_0] : memref<40960xf32, #tpu.memory_space<vmem_shared>> -> memref<2560xf32, #tpu.memory_space<vmem_shared>>
      tpu.enqueue_dma source(%arg25 : memref<2560xf32, #tpu.memory_space<vmem>>) target(%dma_start3A_869 : memref<2560xf32, #tpu.memory_space<vmem_shared>>) target_semaphore(%run_scoped3A : memref<!tpu.dma_semaphore, #tpu.memory_space<semaphore_mem>>)
      %dma_wait3A_870 = tpu.memref_slice %arg9[%mul3A_0] : memref<40960xf32, #tpu.memory_space<vmem_shared>> -> memref<2560xf32, #tpu.memory_space<vmem_shared>>
      %dma_wait3A_871 = tpu.memref_slice %arg9[%mul3A_0] : memref<40960xf32, #tpu.memory_space<vmem_shared>> -> memref<2560xf32, #tpu.memory_space<vmem_shared>>
      tpu.wait_dma2 semaphore(%run_scoped3A : memref<!tpu.dma_semaphore, #tpu.memory_space<semaphore_mem>>) src(%arg25 : memref<2560xf32, #tpu.memory_space<vmem>>) dst(%dma_wait3A_871 : memref<2560xf32, #tpu.memory_space<vmem_shared>>)
      tpu.yield
    }) : () -> ()
    %barrier3A_596 = arith.constant 0 : index
    tpu.barrier barrier_id(%barrier3A_596)
    "tpu.region"() ({
      %run_scoped3A = tpu.sem_alloc : memref<!tpu.dma_semaphore, #tpu.memory_space<semaphore_mem>>
      tpu.enqueue_dma source(%arg8 : memref<40960xf32, #tpu.memory_space<vmem_shared>>) target(%arg11 : memref<40960xf32, #tpu.memory_space<vmem>>) target_semaphore(%run_scoped3A : memref<!tpu.dma_semaphore, #tpu.memory_space<semaphore_mem>>)
      tpu.wait_dma2 semaphore(%run_scoped3A : memref<!tpu.dma_semaphore, #tpu.memory_space<semaphore_mem>>) src(%arg8 : memref<40960xf32, #tpu.memory_space<vmem_shared>>) dst(%arg11 : memref<40960xf32, #tpu.memory_space<vmem>>)
      tpu.yield
    }) : () -> ()
    %mul3A_597 = arith.constant 20000 : i32
    %mul3A_598 = arith.muli %arg1, %mul3A_597 : i32
    %add3A_599 = arith.constant 0 : i32
    %add3A_600 = arith.addi %mul3A_598, %add3A_599 : i32
    %dma_start3A_601 = tpu.memref_slice %arg3[%add3A_600] : memref<320000xi32, #tpu.memory_space<hbm>> -> memref<2000xi32, #tpu.memory_space<hbm>>
    %dma_start3A_602 = tpu.memref_slice %arg3[%add3A_600] : memref<320000xi32, #tpu.memory_space<hbm>> -> memref<2000xi32, #tpu.memory_space<hbm>>
    tpu.enqueue_dma source(%dma_start3A_602 : memref<2000xi32, #tpu.memory_space<hbm>>) target(%arg20 : memref<2000xi32, #tpu.memory_space<vmem>>) target_semaphore(%arg33 : memref<!tpu.dma_semaphore, #tpu.memory_space<semaphore_mem>>)
    %mul3A_603 = arith.constant 20000 : i32
    %mul3A_604 = arith.muli %arg1, %mul3A_603 : i32
    %add3A_605 = arith.constant 0 : i32
    %add3A_606 = arith.addi %mul3A_604, %add3A_605 : i32
    %dma_start3A_607 = tpu.memref_slice %arg2[%add3A_606] : memref<320000xi32, #tpu.memory_space<hbm>> -> memref<2000xi32, #tpu.memory_space<hbm>>
    %dma_start3A_608 = tpu.memref_slice %arg2[%add3A_606] : memref<320000xi32, #tpu.memory_space<hbm>> -> memref<2000xi32, #tpu.memory_space<hbm>>
    tpu.enqueue_dma source(%dma_start3A_608 : memref<2000xi32, #tpu.memory_space<hbm>>) target(%arg22 : memref<2000xi32, #tpu.memory_space<vmem>>) target_semaphore(%arg35 : memref<!tpu.dma_semaphore, #tpu.memory_space<semaphore_mem>>)
    %mul3A_609 = arith.constant 20000 : i32
    %mul3A_610 = arith.muli %arg1, %mul3A_609 : i32
    %add3A_611 = arith.constant 2000 : i32
    %add3A_612 = arith.addi %mul3A_610, %add3A_611 : i32
    %dma_start3A_613 = tpu.memref_slice %arg3[%add3A_612] : memref<320000xi32, #tpu.memory_space<hbm>> -> memref<2000xi32, #tpu.memory_space<hbm>>
    %dma_start3A_614 = tpu.memref_slice %arg3[%add3A_612] : memref<320000xi32, #tpu.memory_space<hbm>> -> memref<2000xi32, #tpu.memory_space<hbm>>
    tpu.enqueue_dma source(%dma_start3A_614 : memref<2000xi32, #tpu.memory_space<hbm>>) target(%arg21 : memref<2000xi32, #tpu.memory_space<vmem>>) target_semaphore(%arg34 : memref<!tpu.dma_semaphore, #tpu.memory_space<semaphore_mem>>)
    %mul3A_615 = arith.constant 20000 : i32
    %mul3A_616 = arith.muli %arg1, %mul3A_615 : i32
    %add3A_617 = arith.constant 2000 : i32
    %add3A_618 = arith.addi %mul3A_616, %add3A_617 : i32
    %dma_start3A_619 = tpu.memref_slice %arg2[%add3A_618] : memref<320000xi32, #tpu.memory_space<hbm>> -> memref<2000xi32, #tpu.memory_space<hbm>>
    %dma_start3A_620 = tpu.memref_slice %arg2[%add3A_618] : memref<320000xi32, #tpu.memory_space<hbm>> -> memref<2000xi32, #tpu.memory_space<hbm>>
    tpu.enqueue_dma source(%dma_start3A_620 : memref<2000xi32, #tpu.memory_space<hbm>>) target(%arg23 : memref<2000xi32, #tpu.memory_space<vmem>>) target_semaphore(%arg36 : memref<!tpu.dma_semaphore, #tpu.memory_space<semaphore_mem>>)
    %dma_wait3A_621 = tpu.memref_slice %arg3[%add3A_600] : memref<320000xi32, #tpu.memory_space<hbm>> -> memref<2000xi32, #tpu.memory_space<hbm>>
    %dma_wait3A_622 = tpu.memref_slice %arg3[%add3A_600] : memref<320000xi32, #tpu.memory_space<hbm>> -> memref<2000xi32, #tpu.memory_space<hbm>>
    tpu.wait_dma2 semaphore(%arg33 : memref<!tpu.dma_semaphore, #tpu.memory_space<semaphore_mem>>) src(%dma_wait3A_622 : memref<2000xi32, #tpu.memory_space<hbm>>) dst(%arg20 : memref<2000xi32, #tpu.memory_space<vmem>>)
    %dma_wait3A_623 = tpu.memref_slice %arg2[%add3A_606] : memref<320000xi32, #tpu.memory_space<hbm>> -> memref<2000xi32, #tpu.memory_space<hbm>>
    %dma_wait3A_624 = tpu.memref_slice %arg2[%add3A_606] : memref<320000xi32, #tpu.memory_space<hbm>> -> memref<2000xi32, #tpu.memory_space<hbm>>
    tpu.wait_dma2 semaphore(%arg35 : memref<!tpu.dma_semaphore, #tpu.memory_space<semaphore_mem>>) src(%dma_wait3A_624 : memref<2000xi32, #tpu.memory_space<hbm>>) dst(%arg22 : memref<2000xi32, #tpu.memory_space<vmem>>)
    %scan3A_625 = arith.constant 0 : i32
    %scan3A_626 = arith.constant 250 : i32
    %scan3A_627 = arith.addi %scan3A_625, %scan3A_626 : i32
    %scan3A_628 = arith.constant 1 : i32
    scf.for %scan3A_868 = %scan3A_625 to %scan3A_627 step %scan3A_628  : i32 {
      %mul3A_869 = arith.constant 16 : i32
      %mul3A_870 = arith.muli %scan3A_868, %mul3A_869 : i32
      %mul3A_871 = arith.constant 8 : i32
      %mul3A_872 = arith.muli %scan3A_868, %mul3A_871 : i32
      %add3A_873 = vector.broadcast %mul3A_872 : i32 to vector<16xi32>
      %add3A_874 = arith.addi %shift_right_arithmetic3A_71, %add3A_873 : vector<16xi32>
      %gather3A = tpu.vector_load_idx %arg20[%add3A_874] : memref<2000xi32, #tpu.memory_space<vmem>>[vector<16xi32>], vector<16xi32>,
      %shift_left3A = arith.constant 2 : i32
      %shift_left3A_875 = vector.broadcast %shift_left3A : i32 to vector<16xi32>
      %shift_left3A_876 = arith.shli %gather3A, %shift_left3A_875 : vector<16xi32>
      %add3A_877 = arith.addi %shift_left3A_876, %and3A_74 : vector<16xi32>
      %gather3A_878 = tpu.vector_load_idx %arg11[%add3A_877] : memref<40960xf32, #tpu.memory_space<vmem>>[vector<16xi32>], vector<16xf32>,
      %swap3A = arith.index_cast %mul3A_870 : i32 to index
      %swap3A_879 = tpu.vector_load %arg18[%swap3A] {strides = array<i32>} : memref<4000xf32, #tpu.memory_space<vmem>>, vector<16xf32>,
      tpu.vector_store %arg18[%swap3A], %gather3A_878 {strides = array<i32>} : memref<4000xf32, #tpu.memory_space<vmem>>, vector<16xf32>,
      %mul3A_880 = arith.constant 8 : i32
      %mul3A_881 = arith.muli %scan3A_868, %mul3A_880 : i32
      %add3A_882 = vector.broadcast %mul3A_881 : i32 to vector<16xi32>
      %add3A_883 = arith.addi %shift_right_arithmetic3A_71, %add3A_882 : vector<16xi32>
      %gather3A_884 = tpu.vector_load_idx %arg22[%add3A_883] : memref<2000xi32, #tpu.memory_space<vmem>>[vector<16xi32>], vector<16xi32>,
      %shift_left3A_885 = arith.constant 2 : i32
      %shift_left3A_886 = vector.broadcast %shift_left3A_885 : i32 to vector<16xi32>
      %shift_left3A_887 = arith.shli %gather3A_884, %shift_left3A_886 : vector<16xi32>
      %add3A_888 = arith.addi %shift_left3A_887, %and3A_74 : vector<16xi32>
      %swap3A_889 = arith.index_cast %mul3A_870 : i32 to index
      %swap3A_890 = tpu.vector_load %arg16[%swap3A_889] {strides = array<i32>} : memref<4000xi32, #tpu.memory_space<vmem>>, vector<16xi32>,
      tpu.vector_store %arg16[%swap3A_889], %add3A_888 {strides = array<i32>} : memref<4000xi32, #tpu.memory_space<vmem>>, vector<16xi32>,
    }
    %scan3A_629 = arith.constant 250 : i32
    %dma_start3A_630 = arith.constant 0 : i32
    %dma_start3A_631 = tpu.memref_slice %arg9[%dma_start3A_630] : memref<40960xf32, #tpu.memory_space<vmem_shared>> -> memref<40960xf32, #tpu.memory_space<vmem_shared>>
    tpu.enqueue_indirect_dma source(%arg18 : memref<4000xf32, #tpu.memory_space<vmem>>) target(%dma_start3A_631 : memref<40960xf32, #tpu.memory_space<vmem_shared>>) offsets(%arg16 : memref<4000xi32, #tpu.memory_space<vmem>>) semaphore(%arg31 : memref<!tpu.dma_semaphore, #tpu.memory_space<semaphore_mem>>) {add = true}
    %mul3A_632 = arith.constant 20000 : i32
    %mul3A_633 = arith.muli %arg1, %mul3A_632 : i32
    %add3A_634 = arith.constant 4000 : i32
    %add3A_635 = arith.addi %mul3A_633, %add3A_634 : i32
    %dma_start3A_636 = tpu.memref_slice %arg3[%add3A_635] : memref<320000xi32, #tpu.memory_space<hbm>> -> memref<2000xi32, #tpu.memory_space<hbm>>
    %dma_start3A_637 = tpu.memref_slice %arg3[%add3A_635] : memref<320000xi32, #tpu.memory_space<hbm>> -> memref<2000xi32, #tpu.memory_space<hbm>>
    tpu.enqueue_dma source(%dma_start3A_637 : memref<2000xi32, #tpu.memory_space<hbm>>) target(%arg20 : memref<2000xi32, #tpu.memory_space<vmem>>) target_semaphore(%arg33 : memref<!tpu.dma_semaphore, #tpu.memory_space<semaphore_mem>>)
    %mul3A_638 = arith.constant 20000 : i32
    %mul3A_639 = arith.muli %arg1, %mul3A_638 : i32
    %add3A_640 = arith.constant 4000 : i32
    %add3A_641 = arith.addi %mul3A_639, %add3A_640 : i32
    %dma_start3A_642 = tpu.memref_slice %arg2[%add3A_641] : memref<320000xi32, #tpu.memory_space<hbm>> -> memref<2000xi32, #tpu.memory_space<hbm>>
    %dma_start3A_643 = tpu.memref_slice %arg2[%add3A_641] : memref<320000xi32, #tpu.memory_space<hbm>> -> memref<2000xi32, #tpu.memory_space<hbm>>
    tpu.enqueue_dma source(%dma_start3A_643 : memref<2000xi32, #tpu.memory_space<hbm>>) target(%arg22 : memref<2000xi32, #tpu.memory_space<vmem>>) target_semaphore(%arg35 : memref<!tpu.dma_semaphore, #tpu.memory_space<semaphore_mem>>)
    %dma_wait3A_644 = tpu.memref_slice %arg3[%add3A_612] : memref<320000xi32, #tpu.memory_space<hbm>> -> memref<2000xi32, #tpu.memory_space<hbm>>
    %dma_wait3A_645 = tpu.memref_slice %arg3[%add3A_612] : memref<320000xi32, #tpu.memory_space<hbm>> -> memref<2000xi32, #tpu.memory_space<hbm>>
    tpu.wait_dma2 semaphore(%arg34 : memref<!tpu.dma_semaphore, #tpu.memory_space<semaphore_mem>>) src(%dma_wait3A_645 : memref<2000xi32, #tpu.memory_space<hbm>>) dst(%arg21 : memref<2000xi32, #tpu.memory_space<vmem>>)
    %dma_wait3A_646 = tpu.memref_slice %arg2[%add3A_618] : memref<320000xi32, #tpu.memory_space<hbm>> -> memref<2000xi32, #tpu.memory_space<hbm>>
    %dma_wait3A_647 = tpu.memref_slice %arg2[%add3A_618] : memref<320000xi32, #tpu.memory_space<hbm>> -> memref<2000xi32, #tpu.memory_space<hbm>>
    tpu.wait_dma2 semaphore(%arg36 : memref<!tpu.dma_semaphore, #tpu.memory_space<semaphore_mem>>) src(%dma_wait3A_647 : memref<2000xi32, #tpu.memory_space<hbm>>) dst(%arg23 : memref<2000xi32, #tpu.memory_space<vmem>>)
    %scan3A_648 = arith.constant 0 : i32
    %scan3A_649 = arith.constant 250 : i32
    %scan3A_650 = arith.addi %scan3A_648, %scan3A_649 : i32
    %scan3A_651 = arith.constant 1 : i32
    scf.for %scan3A_868 = %scan3A_648 to %scan3A_650 step %scan3A_651  : i32 {
      %mul3A_869 = arith.constant 16 : i32
      %mul3A_870 = arith.muli %scan3A_868, %mul3A_869 : i32
      %mul3A_871 = arith.constant 8 : i32
      %mul3A_872 = arith.muli %scan3A_868, %mul3A_871 : i32
      %add3A_873 = vector.broadcast %mul3A_872 : i32 to vector<16xi32>
      %add3A_874 = arith.addi %shift_right_arithmetic3A_71, %add3A_873 : vector<16xi32>
      %gather3A = tpu.vector_load_idx %arg21[%add3A_874] : memref<2000xi32, #tpu.memory_space<vmem>>[vector<16xi32>], vector<16xi32>,
      %shift_left3A = arith.constant 2 : i32
      %shift_left3A_875 = vector.broadcast %shift_left3A : i32 to vector<16xi32>
      %shift_left3A_876 = arith.shli %gather3A, %shift_left3A_875 : vector<16xi32>
      %add3A_877 = arith.addi %shift_left3A_876, %and3A_74 : vector<16xi32>
      %gather3A_878 = tpu.vector_load_idx %arg11[%add3A_877] : memref<40960xf32, #tpu.memory_space<vmem>>[vector<16xi32>], vector<16xf32>,
      %swap3A = arith.index_cast %mul3A_870 : i32 to index
      %swap3A_879 = tpu.vector_load %arg19[%swap3A] {strides = array<i32>} : memref<4000xf32, #tpu.memory_space<vmem>>, vector<16xf32>,
      tpu.vector_store %arg19[%swap3A], %gather3A_878 {strides = array<i32>} : memref<4000xf32, #tpu.memory_space<vmem>>, vector<16xf32>,
      %mul3A_880 = arith.constant 8 : i32
      %mul3A_881 = arith.muli %scan3A_868, %mul3A_880 : i32
      %add3A_882 = vector.broadcast %mul3A_881 : i32 to vector<16xi32>
      %add3A_883 = arith.addi %shift_right_arithmetic3A_71, %add3A_882 : vector<16xi32>
      %gather3A_884 = tpu.vector_load_idx %arg23[%add3A_883] : memref<2000xi32, #tpu.memory_space<vmem>>[vector<16xi32>], vector<16xi32>,
      %shift_left3A_885 = arith.constant 2 : i32
      %shift_left3A_886 = vector.broadcast %shift_left3A_885 : i32 to vector<16xi32>
      %shift_left3A_887 = arith.shli %gather3A_884, %shift_left3A_886 : vector<16xi32>
      %add3A_888 = arith.addi %shift_left3A_887, %and3A_74 : vector<16xi32>
      %swap3A_889 = arith.index_cast %mul3A_870 : i32 to index
      %swap3A_890 = tpu.vector_load %arg17[%swap3A_889] {strides = array<i32>} : memref<4000xi32, #tpu.memory_space<vmem>>, vector<16xi32>,
      tpu.vector_store %arg17[%swap3A_889], %add3A_888 {strides = array<i32>} : memref<4000xi32, #tpu.memory_space<vmem>>, vector<16xi32>,
    }
    %scan3A_652 = arith.constant 250 : i32
    %dma_start3A_653 = arith.constant 0 : i32
    %dma_start3A_654 = tpu.memref_slice %arg9[%dma_start3A_653] : memref<40960xf32, #tpu.memory_space<vmem_shared>> -> memref<40960xf32, #tpu.memory_space<vmem_shared>>
    tpu.enqueue_indirect_dma source(%arg19 : memref<4000xf32, #tpu.memory_space<vmem>>) target(%dma_start3A_654 : memref<40960xf32, #tpu.memory_space<vmem_shared>>) offsets(%arg17 : memref<4000xi32, #tpu.memory_space<vmem>>) semaphore(%arg32 : memref<!tpu.dma_semaphore, #tpu.memory_space<semaphore_mem>>) {add = true}
    %mul3A_655 = arith.constant 20000 : i32
    %mul3A_656 = arith.muli %arg1, %mul3A_655 : i32
    %add3A_657 = arith.constant 6000 : i32
    %add3A_658 = arith.addi %mul3A_656, %add3A_657 : i32
    %dma_start3A_659 = tpu.memref_slice %arg3[%add3A_658] : memref<320000xi32, #tpu.memory_space<hbm>> -> memref<2000xi32, #tpu.memory_space<hbm>>
    %dma_start3A_660 = tpu.memref_slice %arg3[%add3A_658] : memref<320000xi32, #tpu.memory_space<hbm>> -> memref<2000xi32, #tpu.memory_space<hbm>>
    tpu.enqueue_dma source(%dma_start3A_660 : memref<2000xi32, #tpu.memory_space<hbm>>) target(%arg21 : memref<2000xi32, #tpu.memory_space<vmem>>) target_semaphore(%arg34 : memref<!tpu.dma_semaphore, #tpu.memory_space<semaphore_mem>>)
    %mul3A_661 = arith.constant 20000 : i32
    %mul3A_662 = arith.muli %arg1, %mul3A_661 : i32
    %add3A_663 = arith.constant 6000 : i32
    %add3A_664 = arith.addi %mul3A_662, %add3A_663 : i32
    %dma_start3A_665 = tpu.memref_slice %arg2[%add3A_664] : memref<320000xi32, #tpu.memory_space<hbm>> -> memref<2000xi32, #tpu.memory_space<hbm>>
    %dma_start3A_666 = tpu.memref_slice %arg2[%add3A_664] : memref<320000xi32, #tpu.memory_space<hbm>> -> memref<2000xi32, #tpu.memory_space<hbm>>
    tpu.enqueue_dma source(%dma_start3A_666 : memref<2000xi32, #tpu.memory_space<hbm>>) target(%arg23 : memref<2000xi32, #tpu.memory_space<vmem>>) target_semaphore(%arg36 : memref<!tpu.dma_semaphore, #tpu.memory_space<semaphore_mem>>)
    %dma_wait3A_667 = arith.constant 0 : i32
    %dma_wait3A_668 = tpu.memref_slice %arg9[%dma_wait3A_667] : memref<40960xf32, #tpu.memory_space<vmem_shared>> -> memref<40960xf32, #tpu.memory_space<vmem_shared>>
    tpu.wait_indirect_dma semaphore(%arg31 : memref<!tpu.dma_semaphore, #tpu.memory_space<semaphore_mem>>) src(%arg18 : memref<4000xf32, #tpu.memory_space<vmem>>) dst(%dma_wait3A_668 : memref<40960xf32, #tpu.memory_space<vmem_shared>>)
    %dma_wait3A_669 = tpu.memref_slice %arg3[%add3A_635] : memref<320000xi32, #tpu.memory_space<hbm>> -> memref<2000xi32, #tpu.memory_space<hbm>>
    %dma_wait3A_670 = tpu.memref_slice %arg3[%add3A_635] : memref<320000xi32, #tpu.memory_space<hbm>> -> memref<2000xi32, #tpu.memory_space<hbm>>
    tpu.wait_dma2 semaphore(%arg33 : memref<!tpu.dma_semaphore, #tpu.memory_space<semaphore_mem>>) src(%dma_wait3A_670 : memref<2000xi32, #tpu.memory_space<hbm>>) dst(%arg20 : memref<2000xi32, #tpu.memory_space<vmem>>)
    %dma_wait3A_671 = tpu.memref_slice %arg2[%add3A_641] : memref<320000xi32, #tpu.memory_space<hbm>> -> memref<2000xi32, #tpu.memory_space<hbm>>
    %dma_wait3A_672 = tpu.memref_slice %arg2[%add3A_641] : memref<320000xi32, #tpu.memory_space<hbm>> -> memref<2000xi32, #tpu.memory_space<hbm>>
    tpu.wait_dma2 semaphore(%arg35 : memref<!tpu.dma_semaphore, #tpu.memory_space<semaphore_mem>>) src(%dma_wait3A_672 : memref<2000xi32, #tpu.memory_space<hbm>>) dst(%arg22 : memref<2000xi32, #tpu.memory_space<vmem>>)
    %scan3A_673 = arith.constant 0 : i32
    %scan3A_674 = arith.constant 250 : i32
    %scan3A_675 = arith.addi %scan3A_673, %scan3A_674 : i32
    %scan3A_676 = arith.constant 1 : i32
    scf.for %scan3A_868 = %scan3A_673 to %scan3A_675 step %scan3A_676  : i32 {
      %mul3A_869 = arith.constant 16 : i32
      %mul3A_870 = arith.muli %scan3A_868, %mul3A_869 : i32
      %mul3A_871 = arith.constant 8 : i32
      %mul3A_872 = arith.muli %scan3A_868, %mul3A_871 : i32
      %add3A_873 = vector.broadcast %mul3A_872 : i32 to vector<16xi32>
      %add3A_874 = arith.addi %shift_right_arithmetic3A_71, %add3A_873 : vector<16xi32>
      %gather3A = tpu.vector_load_idx %arg20[%add3A_874] : memref<2000xi32, #tpu.memory_space<vmem>>[vector<16xi32>], vector<16xi32>,
      %shift_left3A = arith.constant 2 : i32
      %shift_left3A_875 = vector.broadcast %shift_left3A : i32 to vector<16xi32>
      %shift_left3A_876 = arith.shli %gather3A, %shift_left3A_875 : vector<16xi32>
      %add3A_877 = arith.addi %shift_left3A_876, %and3A_74 : vector<16xi32>
      %gather3A_878 = tpu.vector_load_idx %arg11[%add3A_877] : memref<40960xf32, #tpu.memory_space<vmem>>[vector<16xi32>], vector<16xf32>,
      %swap3A = arith.index_cast %mul3A_870 : i32 to index
      %swap3A_879 = tpu.vector_load %arg18[%swap3A] {strides = array<i32>} : memref<4000xf32, #tpu.memory_space<vmem>>, vector<16xf32>,
      tpu.vector_store %arg18[%swap3A], %gather3A_878 {strides = array<i32>} : memref<4000xf32, #tpu.memory_space<vmem>>, vector<16xf32>,
      %mul3A_880 = arith.constant 8 : i32
      %mul3A_881 = arith.muli %scan3A_868, %mul3A_880 : i32
      %add3A_882 = vector.broadcast %mul3A_881 : i32 to vector<16xi32>
      %add3A_883 = arith.addi %shift_right_arithmetic3A_71, %add3A_882 : vector<16xi32>
      %gather3A_884 = tpu.vector_load_idx %arg22[%add3A_883] : memref<2000xi32, #tpu.memory_space<vmem>>[vector<16xi32>], vector<16xi32>,
      %shift_left3A_885 = arith.constant 2 : i32
      %shift_left3A_886 = vector.broadcast %shift_left3A_885 : i32 to vector<16xi32>
      %shift_left3A_887 = arith.shli %gather3A_884, %shift_left3A_886 : vector<16xi32>
      %add3A_888 = arith.addi %shift_left3A_887, %and3A_74 : vector<16xi32>
      %swap3A_889 = arith.index_cast %mul3A_870 : i32 to index
      %swap3A_890 = tpu.vector_load %arg16[%swap3A_889] {strides = array<i32>} : memref<4000xi32, #tpu.memory_space<vmem>>, vector<16xi32>,
      tpu.vector_store %arg16[%swap3A_889], %add3A_888 {strides = array<i32>} : memref<4000xi32, #tpu.memory_space<vmem>>, vector<16xi32>,
    }
    %scan3A_677 = arith.constant 250 : i32
    %dma_start3A_678 = arith.constant 0 : i32
    %dma_start3A_679 = tpu.memref_slice %arg9[%dma_start3A_678] : memref<40960xf32, #tpu.memory_space<vmem_shared>> -> memref<40960xf32, #tpu.memory_space<vmem_shared>>
    tpu.enqueue_indirect_dma source(%arg18 : memref<4000xf32, #tpu.memory_space<vmem>>) target(%dma_start3A_679 : memref<40960xf32, #tpu.memory_space<vmem_shared>>) offsets(%arg16 : memref<4000xi32, #tpu.memory_space<vmem>>) semaphore(%arg31 : memref<!tpu.dma_semaphore, #tpu.memory_space<semaphore_mem>>) {add = true}
    %mul3A_680 = arith.constant 20000 : i32
    %mul3A_681 = arith.muli %arg1, %mul3A_680 : i32
    %add3A_682 = arith.constant 8000 : i32
    %add3A_683 = arith.addi %mul3A_681, %add3A_682 : i32
    %dma_start3A_684 = tpu.memref_slice %arg3[%add3A_683] : memref<320000xi32, #tpu.memory_space<hbm>> -> memref<2000xi32, #tpu.memory_space<hbm>>
    %dma_start3A_685 = tpu.memref_slice %arg3[%add3A_683] : memref<320000xi32, #tpu.memory_space<hbm>> -> memref<2000xi32, #tpu.memory_space<hbm>>
    tpu.enqueue_dma source(%dma_start3A_685 : memref<2000xi32, #tpu.memory_space<hbm>>) target(%arg20 : memref<2000xi32, #tpu.memory_space<vmem>>) target_semaphore(%arg33 : memref<!tpu.dma_semaphore, #tpu.memory_space<semaphore_mem>>)
    %mul3A_686 = arith.constant 20000 : i32
    %mul3A_687 = arith.muli %arg1, %mul3A_686 : i32
    %add3A_688 = arith.constant 8000 : i32
    %add3A_689 = arith.addi %mul3A_687, %add3A_688 : i32
    %dma_start3A_690 = tpu.memref_slice %arg2[%add3A_689] : memref<320000xi32, #tpu.memory_space<hbm>> -> memref<2000xi32, #tpu.memory_space<hbm>>
    %dma_start3A_691 = tpu.memref_slice %arg2[%add3A_689] : memref<320000xi32, #tpu.memory_space<hbm>> -> memref<2000xi32, #tpu.memory_space<hbm>>
    tpu.enqueue_dma source(%dma_start3A_691 : memref<2000xi32, #tpu.memory_space<hbm>>) target(%arg22 : memref<2000xi32, #tpu.memory_space<vmem>>) target_semaphore(%arg35 : memref<!tpu.dma_semaphore, #tpu.memory_space<semaphore_mem>>)
    %dma_wait3A_692 = arith.constant 0 : i32
    %dma_wait3A_693 = tpu.memref_slice %arg9[%dma_wait3A_692] : memref<40960xf32, #tpu.memory_space<vmem_shared>> -> memref<40960xf32, #tpu.memory_space<vmem_shared>>
    tpu.wait_indirect_dma semaphore(%arg32 : memref<!tpu.dma_semaphore, #tpu.memory_space<semaphore_mem>>) src(%arg19 : memref<4000xf32, #tpu.memory_space<vmem>>) dst(%dma_wait3A_693 : memref<40960xf32, #tpu.memory_space<vmem_shared>>)
    %dma_wait3A_694 = tpu.memref_slice %arg3[%add3A_658] : memref<320000xi32, #tpu.memory_space<hbm>> -> memref<2000xi32, #tpu.memory_space<hbm>>
    %dma_wait3A_695 = tpu.memref_slice %arg3[%add3A_658] : memref<320000xi32, #tpu.memory_space<hbm>> -> memref<2000xi32, #tpu.memory_space<hbm>>
    tpu.wait_dma2 semaphore(%arg34 : memref<!tpu.dma_semaphore, #tpu.memory_space<semaphore_mem>>) src(%dma_wait3A_695 : memref<2000xi32, #tpu.memory_space<hbm>>) dst(%arg21 : memref<2000xi32, #tpu.memory_space<vmem>>)
    %dma_wait3A_696 = tpu.memref_slice %arg2[%add3A_664] : memref<320000xi32, #tpu.memory_space<hbm>> -> memref<2000xi32, #tpu.memory_space<hbm>>
    %dma_wait3A_697 = tpu.memref_slice %arg2[%add3A_664] : memref<320000xi32, #tpu.memory_space<hbm>> -> memref<2000xi32, #tpu.memory_space<hbm>>
    tpu.wait_dma2 semaphore(%arg36 : memref<!tpu.dma_semaphore, #tpu.memory_space<semaphore_mem>>) src(%dma_wait3A_697 : memref<2000xi32, #tpu.memory_space<hbm>>) dst(%arg23 : memref<2000xi32, #tpu.memory_space<vmem>>)
    %scan3A_698 = arith.constant 0 : i32
    %scan3A_699 = arith.constant 250 : i32
    %scan3A_700 = arith.addi %scan3A_698, %scan3A_699 : i32
    %scan3A_701 = arith.constant 1 : i32
    scf.for %scan3A_868 = %scan3A_698 to %scan3A_700 step %scan3A_701  : i32 {
      %mul3A_869 = arith.constant 16 : i32
      %mul3A_870 = arith.muli %scan3A_868, %mul3A_869 : i32
      %mul3A_871 = arith.constant 8 : i32
      %mul3A_872 = arith.muli %scan3A_868, %mul3A_871 : i32
      %add3A_873 = vector.broadcast %mul3A_872 : i32 to vector<16xi32>
      %add3A_874 = arith.addi %shift_right_arithmetic3A_71, %add3A_873 : vector<16xi32>
      %gather3A = tpu.vector_load_idx %arg21[%add3A_874] : memref<2000xi32, #tpu.memory_space<vmem>>[vector<16xi32>], vector<16xi32>,
      %shift_left3A = arith.constant 2 : i32
      %shift_left3A_875 = vector.broadcast %shift_left3A : i32 to vector<16xi32>
      %shift_left3A_876 = arith.shli %gather3A, %shift_left3A_875 : vector<16xi32>
      %add3A_877 = arith.addi %shift_left3A_876, %and3A_74 : vector<16xi32>
      %gather3A_878 = tpu.vector_load_idx %arg11[%add3A_877] : memref<40960xf32, #tpu.memory_space<vmem>>[vector<16xi32>], vector<16xf32>,
      %swap3A = arith.index_cast %mul3A_870 : i32 to index
      %swap3A_879 = tpu.vector_load %arg19[%swap3A] {strides = array<i32>} : memref<4000xf32, #tpu.memory_space<vmem>>, vector<16xf32>,
      tpu.vector_store %arg19[%swap3A], %gather3A_878 {strides = array<i32>} : memref<4000xf32, #tpu.memory_space<vmem>>, vector<16xf32>,
      %mul3A_880 = arith.constant 8 : i32
      %mul3A_881 = arith.muli %scan3A_868, %mul3A_880 : i32
      %add3A_882 = vector.broadcast %mul3A_881 : i32 to vector<16xi32>
      %add3A_883 = arith.addi %shift_right_arithmetic3A_71, %add3A_882 : vector<16xi32>
      %gather3A_884 = tpu.vector_load_idx %arg23[%add3A_883] : memref<2000xi32, #tpu.memory_space<vmem>>[vector<16xi32>], vector<16xi32>,
      %shift_left3A_885 = arith.constant 2 : i32
      %shift_left3A_886 = vector.broadcast %shift_left3A_885 : i32 to vector<16xi32>
      %shift_left3A_887 = arith.shli %gather3A_884, %shift_left3A_886 : vector<16xi32>
      %add3A_888 = arith.addi %shift_left3A_887, %and3A_74 : vector<16xi32>
      %swap3A_889 = arith.index_cast %mul3A_870 : i32 to index
      %swap3A_890 = tpu.vector_load %arg17[%swap3A_889] {strides = array<i32>} : memref<4000xi32, #tpu.memory_space<vmem>>, vector<16xi32>,
      tpu.vector_store %arg17[%swap3A_889], %add3A_888 {strides = array<i32>} : memref<4000xi32, #tpu.memory_space<vmem>>, vector<16xi32>,
    }
    %scan3A_702 = arith.constant 250 : i32
    %dma_start3A_703 = arith.constant 0 : i32
    %dma_start3A_704 = tpu.memref_slice %arg9[%dma_start3A_703] : memref<40960xf32, #tpu.memory_space<vmem_shared>> -> memref<40960xf32, #tpu.memory_space<vmem_shared>>
    tpu.enqueue_indirect_dma source(%arg19 : memref<4000xf32, #tpu.memory_space<vmem>>) target(%dma_start3A_704 : memref<40960xf32, #tpu.memory_space<vmem_shared>>) offsets(%arg17 : memref<4000xi32, #tpu.memory_space<vmem>>) semaphore(%arg32 : memref<!tpu.dma_semaphore, #tpu.memory_space<semaphore_mem>>) {add = true}
    %mul3A_705 = arith.constant 20000 : i32
    %mul3A_706 = arith.muli %arg1, %mul3A_705 : i32
    %add3A_707 = arith.constant 10000 : i32
    %add3A_708 = arith.addi %mul3A_706, %add3A_707 : i32
    %dma_start3A_709 = tpu.memref_slice %arg3[%add3A_708] : memref<320000xi32, #tpu.memory_space<hbm>> -> memref<2000xi32, #tpu.memory_space<hbm>>
    %dma_start3A_710 = tpu.memref_slice %arg3[%add3A_708] : memref<320000xi32, #tpu.memory_space<hbm>> -> memref<2000xi32, #tpu.memory_space<hbm>>
    tpu.enqueue_dma source(%dma_start3A_710 : memref<2000xi32, #tpu.memory_space<hbm>>) target(%arg21 : memref<2000xi32, #tpu.memory_space<vmem>>) target_semaphore(%arg34 : memref<!tpu.dma_semaphore, #tpu.memory_space<semaphore_mem>>)
    %mul3A_711 = arith.constant 20000 : i32
    %mul3A_712 = arith.muli %arg1, %mul3A_711 : i32
    %add3A_713 = arith.constant 10000 : i32
    %add3A_714 = arith.addi %mul3A_712, %add3A_713 : i32
    %dma_start3A_715 = tpu.memref_slice %arg2[%add3A_714] : memref<320000xi32, #tpu.memory_space<hbm>> -> memref<2000xi32, #tpu.memory_space<hbm>>
    %dma_start3A_716 = tpu.memref_slice %arg2[%add3A_714] : memref<320000xi32, #tpu.memory_space<hbm>> -> memref<2000xi32, #tpu.memory_space<hbm>>
    tpu.enqueue_dma source(%dma_start3A_716 : memref<2000xi32, #tpu.memory_space<hbm>>) target(%arg23 : memref<2000xi32, #tpu.memory_space<vmem>>) target_semaphore(%arg36 : memref<!tpu.dma_semaphore, #tpu.memory_space<semaphore_mem>>)
    %dma_wait3A_717 = arith.constant 0 : i32
    %dma_wait3A_718 = tpu.memref_slice %arg9[%dma_wait3A_717] : memref<40960xf32, #tpu.memory_space<vmem_shared>> -> memref<40960xf32, #tpu.memory_space<vmem_shared>>
    tpu.wait_indirect_dma semaphore(%arg31 : memref<!tpu.dma_semaphore, #tpu.memory_space<semaphore_mem>>) src(%arg18 : memref<4000xf32, #tpu.memory_space<vmem>>) dst(%dma_wait3A_718 : memref<40960xf32, #tpu.memory_space<vmem_shared>>)
    %dma_wait3A_719 = tpu.memref_slice %arg3[%add3A_683] : memref<320000xi32, #tpu.memory_space<hbm>> -> memref<2000xi32, #tpu.memory_space<hbm>>
    %dma_wait3A_720 = tpu.memref_slice %arg3[%add3A_683] : memref<320000xi32, #tpu.memory_space<hbm>> -> memref<2000xi32, #tpu.memory_space<hbm>>
    tpu.wait_dma2 semaphore(%arg33 : memref<!tpu.dma_semaphore, #tpu.memory_space<semaphore_mem>>) src(%dma_wait3A_720 : memref<2000xi32, #tpu.memory_space<hbm>>) dst(%arg20 : memref<2000xi32, #tpu.memory_space<vmem>>)
    %dma_wait3A_721 = tpu.memref_slice %arg2[%add3A_689] : memref<320000xi32, #tpu.memory_space<hbm>> -> memref<2000xi32, #tpu.memory_space<hbm>>
    %dma_wait3A_722 = tpu.memref_slice %arg2[%add3A_689] : memref<320000xi32, #tpu.memory_space<hbm>> -> memref<2000xi32, #tpu.memory_space<hbm>>
    tpu.wait_dma2 semaphore(%arg35 : memref<!tpu.dma_semaphore, #tpu.memory_space<semaphore_mem>>) src(%dma_wait3A_722 : memref<2000xi32, #tpu.memory_space<hbm>>) dst(%arg22 : memref<2000xi32, #tpu.memory_space<vmem>>)
    %scan3A_723 = arith.constant 0 : i32
    %scan3A_724 = arith.constant 250 : i32
    %scan3A_725 = arith.addi %scan3A_723, %scan3A_724 : i32
    %scan3A_726 = arith.constant 1 : i32
    scf.for %scan3A_868 = %scan3A_723 to %scan3A_725 step %scan3A_726  : i32 {
      %mul3A_869 = arith.constant 16 : i32
      %mul3A_870 = arith.muli %scan3A_868, %mul3A_869 : i32
      %mul3A_871 = arith.constant 8 : i32
      %mul3A_872 = arith.muli %scan3A_868, %mul3A_871 : i32
      %add3A_873 = vector.broadcast %mul3A_872 : i32 to vector<16xi32>
      %add3A_874 = arith.addi %shift_right_arithmetic3A_71, %add3A_873 : vector<16xi32>
      %gather3A = tpu.vector_load_idx %arg20[%add3A_874] : memref<2000xi32, #tpu.memory_space<vmem>>[vector<16xi32>], vector<16xi32>,
      %shift_left3A = arith.constant 2 : i32
      %shift_left3A_875 = vector.broadcast %shift_left3A : i32 to vector<16xi32>
      %shift_left3A_876 = arith.shli %gather3A, %shift_left3A_875 : vector<16xi32>
      %add3A_877 = arith.addi %shift_left3A_876, %and3A_74 : vector<16xi32>
      %gather3A_878 = tpu.vector_load_idx %arg11[%add3A_877] : memref<40960xf32, #tpu.memory_space<vmem>>[vector<16xi32>], vector<16xf32>,
      %swap3A = arith.index_cast %mul3A_870 : i32 to index
      %swap3A_879 = tpu.vector_load %arg18[%swap3A] {strides = array<i32>} : memref<4000xf32, #tpu.memory_space<vmem>>, vector<16xf32>,
      tpu.vector_store %arg18[%swap3A], %gather3A_878 {strides = array<i32>} : memref<4000xf32, #tpu.memory_space<vmem>>, vector<16xf32>,
      %mul3A_880 = arith.constant 8 : i32
      %mul3A_881 = arith.muli %scan3A_868, %mul3A_880 : i32
      %add3A_882 = vector.broadcast %mul3A_881 : i32 to vector<16xi32>
      %add3A_883 = arith.addi %shift_right_arithmetic3A_71, %add3A_882 : vector<16xi32>
      %gather3A_884 = tpu.vector_load_idx %arg22[%add3A_883] : memref<2000xi32, #tpu.memory_space<vmem>>[vector<16xi32>], vector<16xi32>,
      %shift_left3A_885 = arith.constant 2 : i32
      %shift_left3A_886 = vector.broadcast %shift_left3A_885 : i32 to vector<16xi32>
      %shift_left3A_887 = arith.shli %gather3A_884, %shift_left3A_886 : vector<16xi32>
      %add3A_888 = arith.addi %shift_left3A_887, %and3A_74 : vector<16xi32>
      %swap3A_889 = arith.index_cast %mul3A_870 : i32 to index
      %swap3A_890 = tpu.vector_load %arg16[%swap3A_889] {strides = array<i32>} : memref<4000xi32, #tpu.memory_space<vmem>>, vector<16xi32>,
      tpu.vector_store %arg16[%swap3A_889], %add3A_888 {strides = array<i32>} : memref<4000xi32, #tpu.memory_space<vmem>>, vector<16xi32>,
    }
    %scan3A_727 = arith.constant 250 : i32
    %dma_start3A_728 = arith.constant 0 : i32
    %dma_start3A_729 = tpu.memref_slice %arg9[%dma_start3A_728] : memref<40960xf32, #tpu.memory_space<vmem_shared>> -> memref<40960xf32, #tpu.memory_space<vmem_shared>>
    tpu.enqueue_indirect_dma source(%arg18 : memref<4000xf32, #tpu.memory_space<vmem>>) target(%dma_start3A_729 : memref<40960xf32, #tpu.memory_space<vmem_shared>>) offsets(%arg16 : memref<4000xi32, #tpu.memory_space<vmem>>) semaphore(%arg31 : memref<!tpu.dma_semaphore, #tpu.memory_space<semaphore_mem>>) {add = true}
    %mul3A_730 = arith.constant 20000 : i32
    %mul3A_731 = arith.muli %arg1, %mul3A_730 : i32
    %add3A_732 = arith.constant 12000 : i32
    %add3A_733 = arith.addi %mul3A_731, %add3A_732 : i32
    %dma_start3A_734 = tpu.memref_slice %arg3[%add3A_733] : memref<320000xi32, #tpu.memory_space<hbm>> -> memref<2000xi32, #tpu.memory_space<hbm>>
    %dma_start3A_735 = tpu.memref_slice %arg3[%add3A_733] : memref<320000xi32, #tpu.memory_space<hbm>> -> memref<2000xi32, #tpu.memory_space<hbm>>
    tpu.enqueue_dma source(%dma_start3A_735 : memref<2000xi32, #tpu.memory_space<hbm>>) target(%arg20 : memref<2000xi32, #tpu.memory_space<vmem>>) target_semaphore(%arg33 : memref<!tpu.dma_semaphore, #tpu.memory_space<semaphore_mem>>)
    %mul3A_736 = arith.constant 20000 : i32
    %mul3A_737 = arith.muli %arg1, %mul3A_736 : i32
    %add3A_738 = arith.constant 12000 : i32
    %add3A_739 = arith.addi %mul3A_737, %add3A_738 : i32
    %dma_start3A_740 = tpu.memref_slice %arg2[%add3A_739] : memref<320000xi32, #tpu.memory_space<hbm>> -> memref<2000xi32, #tpu.memory_space<hbm>>
    %dma_start3A_741 = tpu.memref_slice %arg2[%add3A_739] : memref<320000xi32, #tpu.memory_space<hbm>> -> memref<2000xi32, #tpu.memory_space<hbm>>
    tpu.enqueue_dma source(%dma_start3A_741 : memref<2000xi32, #tpu.memory_space<hbm>>) target(%arg22 : memref<2000xi32, #tpu.memory_space<vmem>>) target_semaphore(%arg35 : memref<!tpu.dma_semaphore, #tpu.memory_space<semaphore_mem>>)
    %dma_wait3A_742 = arith.constant 0 : i32
    %dma_wait3A_743 = tpu.memref_slice %arg9[%dma_wait3A_742] : memref<40960xf32, #tpu.memory_space<vmem_shared>> -> memref<40960xf32, #tpu.memory_space<vmem_shared>>
    tpu.wait_indirect_dma semaphore(%arg32 : memref<!tpu.dma_semaphore, #tpu.memory_space<semaphore_mem>>) src(%arg19 : memref<4000xf32, #tpu.memory_space<vmem>>) dst(%dma_wait3A_743 : memref<40960xf32, #tpu.memory_space<vmem_shared>>)
    %dma_wait3A_744 = tpu.memref_slice %arg3[%add3A_708] : memref<320000xi32, #tpu.memory_space<hbm>> -> memref<2000xi32, #tpu.memory_space<hbm>>
    %dma_wait3A_745 = tpu.memref_slice %arg3[%add3A_708] : memref<320000xi32, #tpu.memory_space<hbm>> -> memref<2000xi32, #tpu.memory_space<hbm>>
    tpu.wait_dma2 semaphore(%arg34 : memref<!tpu.dma_semaphore, #tpu.memory_space<semaphore_mem>>) src(%dma_wait3A_745 : memref<2000xi32, #tpu.memory_space<hbm>>) dst(%arg21 : memref<2000xi32, #tpu.memory_space<vmem>>)
    %dma_wait3A_746 = tpu.memref_slice %arg2[%add3A_714] : memref<320000xi32, #tpu.memory_space<hbm>> -> memref<2000xi32, #tpu.memory_space<hbm>>
    %dma_wait3A_747 = tpu.memref_slice %arg2[%add3A_714] : memref<320000xi32, #tpu.memory_space<hbm>> -> memref<2000xi32, #tpu.memory_space<hbm>>
    tpu.wait_dma2 semaphore(%arg36 : memref<!tpu.dma_semaphore, #tpu.memory_space<semaphore_mem>>) src(%dma_wait3A_747 : memref<2000xi32, #tpu.memory_space<hbm>>) dst(%arg23 : memref<2000xi32, #tpu.memory_space<vmem>>)
    %scan3A_748 = arith.constant 0 : i32
    %scan3A_749 = arith.constant 250 : i32
    %scan3A_750 = arith.addi %scan3A_748, %scan3A_749 : i32
    %scan3A_751 = arith.constant 1 : i32
    scf.for %scan3A_868 = %scan3A_748 to %scan3A_750 step %scan3A_751  : i32 {
      %mul3A_869 = arith.constant 16 : i32
      %mul3A_870 = arith.muli %scan3A_868, %mul3A_869 : i32
      %mul3A_871 = arith.constant 8 : i32
      %mul3A_872 = arith.muli %scan3A_868, %mul3A_871 : i32
      %add3A_873 = vector.broadcast %mul3A_872 : i32 to vector<16xi32>
      %add3A_874 = arith.addi %shift_right_arithmetic3A_71, %add3A_873 : vector<16xi32>
      %gather3A = tpu.vector_load_idx %arg21[%add3A_874] : memref<2000xi32, #tpu.memory_space<vmem>>[vector<16xi32>], vector<16xi32>,
      %shift_left3A = arith.constant 2 : i32
      %shift_left3A_875 = vector.broadcast %shift_left3A : i32 to vector<16xi32>
      %shift_left3A_876 = arith.shli %gather3A, %shift_left3A_875 : vector<16xi32>
      %add3A_877 = arith.addi %shift_left3A_876, %and3A_74 : vector<16xi32>
      %gather3A_878 = tpu.vector_load_idx %arg11[%add3A_877] : memref<40960xf32, #tpu.memory_space<vmem>>[vector<16xi32>], vector<16xf32>,
      %swap3A = arith.index_cast %mul3A_870 : i32 to index
      %swap3A_879 = tpu.vector_load %arg19[%swap3A] {strides = array<i32>} : memref<4000xf32, #tpu.memory_space<vmem>>, vector<16xf32>,
      tpu.vector_store %arg19[%swap3A], %gather3A_878 {strides = array<i32>} : memref<4000xf32, #tpu.memory_space<vmem>>, vector<16xf32>,
      %mul3A_880 = arith.constant 8 : i32
      %mul3A_881 = arith.muli %scan3A_868, %mul3A_880 : i32
      %add3A_882 = vector.broadcast %mul3A_881 : i32 to vector<16xi32>
      %add3A_883 = arith.addi %shift_right_arithmetic3A_71, %add3A_882 : vector<16xi32>
      %gather3A_884 = tpu.vector_load_idx %arg23[%add3A_883] : memref<2000xi32, #tpu.memory_space<vmem>>[vector<16xi32>], vector<16xi32>,
      %shift_left3A_885 = arith.constant 2 : i32
      %shift_left3A_886 = vector.broadcast %shift_left3A_885 : i32 to vector<16xi32>
      %shift_left3A_887 = arith.shli %gather3A_884, %shift_left3A_886 : vector<16xi32>
      %add3A_888 = arith.addi %shift_left3A_887, %and3A_74 : vector<16xi32>
      %swap3A_889 = arith.index_cast %mul3A_870 : i32 to index
      %swap3A_890 = tpu.vector_load %arg17[%swap3A_889] {strides = array<i32>} : memref<4000xi32, #tpu.memory_space<vmem>>, vector<16xi32>,
      tpu.vector_store %arg17[%swap3A_889], %add3A_888 {strides = array<i32>} : memref<4000xi32, #tpu.memory_space<vmem>>, vector<16xi32>,
    }
    %scan3A_752 = arith.constant 250 : i32
    %dma_start3A_753 = arith.constant 0 : i32
    %dma_start3A_754 = tpu.memref_slice %arg9[%dma_start3A_753] : memref<40960xf32, #tpu.memory_space<vmem_shared>> -> memref<40960xf32, #tpu.memory_space<vmem_shared>>
    tpu.enqueue_indirect_dma source(%arg19 : memref<4000xf32, #tpu.memory_space<vmem>>) target(%dma_start3A_754 : memref<40960xf32, #tpu.memory_space<vmem_shared>>) offsets(%arg17 : memref<4000xi32, #tpu.memory_space<vmem>>) semaphore(%arg32 : memref<!tpu.dma_semaphore, #tpu.memory_space<semaphore_mem>>) {add = true}
    %mul3A_755 = arith.constant 20000 : i32
    %mul3A_756 = arith.muli %arg1, %mul3A_755 : i32
    %add3A_757 = arith.constant 14000 : i32
    %add3A_758 = arith.addi %mul3A_756, %add3A_757 : i32
    %dma_start3A_759 = tpu.memref_slice %arg3[%add3A_758] : memref<320000xi32, #tpu.memory_space<hbm>> -> memref<2000xi32, #tpu.memory_space<hbm>>
    %dma_start3A_760 = tpu.memref_slice %arg3[%add3A_758] : memref<320000xi32, #tpu.memory_space<hbm>> -> memref<2000xi32, #tpu.memory_space<hbm>>
    tpu.enqueue_dma source(%dma_start3A_760 : memref<2000xi32, #tpu.memory_space<hbm>>) target(%arg21 : memref<2000xi32, #tpu.memory_space<vmem>>) target_semaphore(%arg34 : memref<!tpu.dma_semaphore, #tpu.memory_space<semaphore_mem>>)
    %mul3A_761 = arith.constant 20000 : i32
    %mul3A_762 = arith.muli %arg1, %mul3A_761 : i32
    %add3A_763 = arith.constant 14000 : i32
    %add3A_764 = arith.addi %mul3A_762, %add3A_763 : i32
    %dma_start3A_765 = tpu.memref_slice %arg2[%add3A_764] : memref<320000xi32, #tpu.memory_space<hbm>> -> memref<2000xi32, #tpu.memory_space<hbm>>
    %dma_start3A_766 = tpu.memref_slice %arg2[%add3A_764] : memref<320000xi32, #tpu.memory_space<hbm>> -> memref<2000xi32, #tpu.memory_space<hbm>>
    tpu.enqueue_dma source(%dma_start3A_766 : memref<2000xi32, #tpu.memory_space<hbm>>) target(%arg23 : memref<2000xi32, #tpu.memory_space<vmem>>) target_semaphore(%arg36 : memref<!tpu.dma_semaphore, #tpu.memory_space<semaphore_mem>>)
    %dma_wait3A_767 = arith.constant 0 : i32
    %dma_wait3A_768 = tpu.memref_slice %arg9[%dma_wait3A_767] : memref<40960xf32, #tpu.memory_space<vmem_shared>> -> memref<40960xf32, #tpu.memory_space<vmem_shared>>
    tpu.wait_indirect_dma semaphore(%arg31 : memref<!tpu.dma_semaphore, #tpu.memory_space<semaphore_mem>>) src(%arg18 : memref<4000xf32, #tpu.memory_space<vmem>>) dst(%dma_wait3A_768 : memref<40960xf32, #tpu.memory_space<vmem_shared>>)
    %dma_wait3A_769 = tpu.memref_slice %arg3[%add3A_733] : memref<320000xi32, #tpu.memory_space<hbm>> -> memref<2000xi32, #tpu.memory_space<hbm>>
    %dma_wait3A_770 = tpu.memref_slice %arg3[%add3A_733] : memref<320000xi32, #tpu.memory_space<hbm>> -> memref<2000xi32, #tpu.memory_space<hbm>>
    tpu.wait_dma2 semaphore(%arg33 : memref<!tpu.dma_semaphore, #tpu.memory_space<semaphore_mem>>) src(%dma_wait3A_770 : memref<2000xi32, #tpu.memory_space<hbm>>) dst(%arg20 : memref<2000xi32, #tpu.memory_space<vmem>>)
    %dma_wait3A_771 = tpu.memref_slice %arg2[%add3A_739] : memref<320000xi32, #tpu.memory_space<hbm>> -> memref<2000xi32, #tpu.memory_space<hbm>>
    %dma_wait3A_772 = tpu.memref_slice %arg2[%add3A_739] : memref<320000xi32, #tpu.memory_space<hbm>> -> memref<2000xi32, #tpu.memory_space<hbm>>
    tpu.wait_dma2 semaphore(%arg35 : memref<!tpu.dma_semaphore, #tpu.memory_space<semaphore_mem>>) src(%dma_wait3A_772 : memref<2000xi32, #tpu.memory_space<hbm>>) dst(%arg22 : memref<2000xi32, #tpu.memory_space<vmem>>)
    %scan3A_773 = arith.constant 0 : i32
    %scan3A_774 = arith.constant 250 : i32
    %scan3A_775 = arith.addi %scan3A_773, %scan3A_774 : i32
    %scan3A_776 = arith.constant 1 : i32
    scf.for %scan3A_868 = %scan3A_773 to %scan3A_775 step %scan3A_776  : i32 {
      %mul3A_869 = arith.constant 16 : i32
      %mul3A_870 = arith.muli %scan3A_868, %mul3A_869 : i32
      %mul3A_871 = arith.constant 8 : i32
      %mul3A_872 = arith.muli %scan3A_868, %mul3A_871 : i32
      %add3A_873 = vector.broadcast %mul3A_872 : i32 to vector<16xi32>
      %add3A_874 = arith.addi %shift_right_arithmetic3A_71, %add3A_873 : vector<16xi32>
      %gather3A = tpu.vector_load_idx %arg20[%add3A_874] : memref<2000xi32, #tpu.memory_space<vmem>>[vector<16xi32>], vector<16xi32>,
      %shift_left3A = arith.constant 2 : i32
      %shift_left3A_875 = vector.broadcast %shift_left3A : i32 to vector<16xi32>
      %shift_left3A_876 = arith.shli %gather3A, %shift_left3A_875 : vector<16xi32>
      %add3A_877 = arith.addi %shift_left3A_876, %and3A_74 : vector<16xi32>
      %gather3A_878 = tpu.vector_load_idx %arg11[%add3A_877] : memref<40960xf32, #tpu.memory_space<vmem>>[vector<16xi32>], vector<16xf32>,
      %swap3A = arith.index_cast %mul3A_870 : i32 to index
      %swap3A_879 = tpu.vector_load %arg18[%swap3A] {strides = array<i32>} : memref<4000xf32, #tpu.memory_space<vmem>>, vector<16xf32>,
      tpu.vector_store %arg18[%swap3A], %gather3A_878 {strides = array<i32>} : memref<4000xf32, #tpu.memory_space<vmem>>, vector<16xf32>,
      %mul3A_880 = arith.constant 8 : i32
      %mul3A_881 = arith.muli %scan3A_868, %mul3A_880 : i32
      %add3A_882 = vector.broadcast %mul3A_881 : i32 to vector<16xi32>
      %add3A_883 = arith.addi %shift_right_arithmetic3A_71, %add3A_882 : vector<16xi32>
      %gather3A_884 = tpu.vector_load_idx %arg22[%add3A_883] : memref<2000xi32, #tpu.memory_space<vmem>>[vector<16xi32>], vector<16xi32>,
      %shift_left3A_885 = arith.constant 2 : i32
      %shift_left3A_886 = vector.broadcast %shift_left3A_885 : i32 to vector<16xi32>
      %shift_left3A_887 = arith.shli %gather3A_884, %shift_left3A_886 : vector<16xi32>
      %add3A_888 = arith.addi %shift_left3A_887, %and3A_74 : vector<16xi32>
      %swap3A_889 = arith.index_cast %mul3A_870 : i32 to index
      %swap3A_890 = tpu.vector_load %arg16[%swap3A_889] {strides = array<i32>} : memref<4000xi32, #tpu.memory_space<vmem>>, vector<16xi32>,
      tpu.vector_store %arg16[%swap3A_889], %add3A_888 {strides = array<i32>} : memref<4000xi32, #tpu.memory_space<vmem>>, vector<16xi32>,
    }
    %scan3A_777 = arith.constant 250 : i32
    %dma_start3A_778 = arith.constant 0 : i32
    %dma_start3A_779 = tpu.memref_slice %arg9[%dma_start3A_778] : memref<40960xf32, #tpu.memory_space<vmem_shared>> -> memref<40960xf32, #tpu.memory_space<vmem_shared>>
    tpu.enqueue_indirect_dma source(%arg18 : memref<4000xf32, #tpu.memory_space<vmem>>) target(%dma_start3A_779 : memref<40960xf32, #tpu.memory_space<vmem_shared>>) offsets(%arg16 : memref<4000xi32, #tpu.memory_space<vmem>>) semaphore(%arg31 : memref<!tpu.dma_semaphore, #tpu.memory_space<semaphore_mem>>) {add = true}
    %mul3A_780 = arith.constant 20000 : i32
    %mul3A_781 = arith.muli %arg1, %mul3A_780 : i32
    %add3A_782 = arith.constant 16000 : i32
    %add3A_783 = arith.addi %mul3A_781, %add3A_782 : i32
    %dma_start3A_784 = tpu.memref_slice %arg3[%add3A_783] : memref<320000xi32, #tpu.memory_space<hbm>> -> memref<2000xi32, #tpu.memory_space<hbm>>
    %dma_start3A_785 = tpu.memref_slice %arg3[%add3A_783] : memref<320000xi32, #tpu.memory_space<hbm>> -> memref<2000xi32, #tpu.memory_space<hbm>>
    tpu.enqueue_dma source(%dma_start3A_785 : memref<2000xi32, #tpu.memory_space<hbm>>) target(%arg20 : memref<2000xi32, #tpu.memory_space<vmem>>) target_semaphore(%arg33 : memref<!tpu.dma_semaphore, #tpu.memory_space<semaphore_mem>>)
    %mul3A_786 = arith.constant 20000 : i32
    %mul3A_787 = arith.muli %arg1, %mul3A_786 : i32
    %add3A_788 = arith.constant 16000 : i32
    %add3A_789 = arith.addi %mul3A_787, %add3A_788 : i32
    %dma_start3A_790 = tpu.memref_slice %arg2[%add3A_789] : memref<320000xi32, #tpu.memory_space<hbm>> -> memref<2000xi32, #tpu.memory_space<hbm>>
    %dma_start3A_791 = tpu.memref_slice %arg2[%add3A_789] : memref<320000xi32, #tpu.memory_space<hbm>> -> memref<2000xi32, #tpu.memory_space<hbm>>
    tpu.enqueue_dma source(%dma_start3A_791 : memref<2000xi32, #tpu.memory_space<hbm>>) target(%arg22 : memref<2000xi32, #tpu.memory_space<vmem>>) target_semaphore(%arg35 : memref<!tpu.dma_semaphore, #tpu.memory_space<semaphore_mem>>)
    %dma_wait3A_792 = arith.constant 0 : i32
    %dma_wait3A_793 = tpu.memref_slice %arg9[%dma_wait3A_792] : memref<40960xf32, #tpu.memory_space<vmem_shared>> -> memref<40960xf32, #tpu.memory_space<vmem_shared>>
    tpu.wait_indirect_dma semaphore(%arg32 : memref<!tpu.dma_semaphore, #tpu.memory_space<semaphore_mem>>) src(%arg19 : memref<4000xf32, #tpu.memory_space<vmem>>) dst(%dma_wait3A_793 : memref<40960xf32, #tpu.memory_space<vmem_shared>>)
    %dma_wait3A_794 = tpu.memref_slice %arg3[%add3A_758] : memref<320000xi32, #tpu.memory_space<hbm>> -> memref<2000xi32, #tpu.memory_space<hbm>>
    %dma_wait3A_795 = tpu.memref_slice %arg3[%add3A_758] : memref<320000xi32, #tpu.memory_space<hbm>> -> memref<2000xi32, #tpu.memory_space<hbm>>
    tpu.wait_dma2 semaphore(%arg34 : memref<!tpu.dma_semaphore, #tpu.memory_space<semaphore_mem>>) src(%dma_wait3A_795 : memref<2000xi32, #tpu.memory_space<hbm>>) dst(%arg21 : memref<2000xi32, #tpu.memory_space<vmem>>)
    %dma_wait3A_796 = tpu.memref_slice %arg2[%add3A_764] : memref<320000xi32, #tpu.memory_space<hbm>> -> memref<2000xi32, #tpu.memory_space<hbm>>
    %dma_wait3A_797 = tpu.memref_slice %arg2[%add3A_764] : memref<320000xi32, #tpu.memory_space<hbm>> -> memref<2000xi32, #tpu.memory_space<hbm>>
    tpu.wait_dma2 semaphore(%arg36 : memref<!tpu.dma_semaphore, #tpu.memory_space<semaphore_mem>>) src(%dma_wait3A_797 : memref<2000xi32, #tpu.memory_space<hbm>>) dst(%arg23 : memref<2000xi32, #tpu.memory_space<vmem>>)
    %scan3A_798 = arith.constant 0 : i32
    %scan3A_799 = arith.constant 250 : i32
    %scan3A_800 = arith.addi %scan3A_798, %scan3A_799 : i32
    %scan3A_801 = arith.constant 1 : i32
    scf.for %scan3A_868 = %scan3A_798 to %scan3A_800 step %scan3A_801  : i32 {
      %mul3A_869 = arith.constant 16 : i32
      %mul3A_870 = arith.muli %scan3A_868, %mul3A_869 : i32
      %mul3A_871 = arith.constant 8 : i32
      %mul3A_872 = arith.muli %scan3A_868, %mul3A_871 : i32
      %add3A_873 = vector.broadcast %mul3A_872 : i32 to vector<16xi32>
      %add3A_874 = arith.addi %shift_right_arithmetic3A_71, %add3A_873 : vector<16xi32>
      %gather3A = tpu.vector_load_idx %arg21[%add3A_874] : memref<2000xi32, #tpu.memory_space<vmem>>[vector<16xi32>], vector<16xi32>,
      %shift_left3A = arith.constant 2 : i32
      %shift_left3A_875 = vector.broadcast %shift_left3A : i32 to vector<16xi32>
      %shift_left3A_876 = arith.shli %gather3A, %shift_left3A_875 : vector<16xi32>
      %add3A_877 = arith.addi %shift_left3A_876, %and3A_74 : vector<16xi32>
      %gather3A_878 = tpu.vector_load_idx %arg11[%add3A_877] : memref<40960xf32, #tpu.memory_space<vmem>>[vector<16xi32>], vector<16xf32>,
      %swap3A = arith.index_cast %mul3A_870 : i32 to index
      %swap3A_879 = tpu.vector_load %arg19[%swap3A] {strides = array<i32>} : memref<4000xf32, #tpu.memory_space<vmem>>, vector<16xf32>,
      tpu.vector_store %arg19[%swap3A], %gather3A_878 {strides = array<i32>} : memref<4000xf32, #tpu.memory_space<vmem>>, vector<16xf32>,
      %mul3A_880 = arith.constant 8 : i32
      %mul3A_881 = arith.muli %scan3A_868, %mul3A_880 : i32
      %add3A_882 = vector.broadcast %mul3A_881 : i32 to vector<16xi32>
      %add3A_883 = arith.addi %shift_right_arithmetic3A_71, %add3A_882 : vector<16xi32>
      %gather3A_884 = tpu.vector_load_idx %arg23[%add3A_883] : memref<2000xi32, #tpu.memory_space<vmem>>[vector<16xi32>], vector<16xi32>,
      %shift_left3A_885 = arith.constant 2 : i32
      %shift_left3A_886 = vector.broadcast %shift_left3A_885 : i32 to vector<16xi32>
      %shift_left3A_887 = arith.shli %gather3A_884, %shift_left3A_886 : vector<16xi32>
      %add3A_888 = arith.addi %shift_left3A_887, %and3A_74 : vector<16xi32>
      %swap3A_889 = arith.index_cast %mul3A_870 : i32 to index
      %swap3A_890 = tpu.vector_load %arg17[%swap3A_889] {strides = array<i32>} : memref<4000xi32, #tpu.memory_space<vmem>>, vector<16xi32>,
      tpu.vector_store %arg17[%swap3A_889], %add3A_888 {strides = array<i32>} : memref<4000xi32, #tpu.memory_space<vmem>>, vector<16xi32>,
    }
    %scan3A_802 = arith.constant 250 : i32
    %dma_start3A_803 = arith.constant 0 : i32
    %dma_start3A_804 = tpu.memref_slice %arg9[%dma_start3A_803] : memref<40960xf32, #tpu.memory_space<vmem_shared>> -> memref<40960xf32, #tpu.memory_space<vmem_shared>>
    tpu.enqueue_indirect_dma source(%arg19 : memref<4000xf32, #tpu.memory_space<vmem>>) target(%dma_start3A_804 : memref<40960xf32, #tpu.memory_space<vmem_shared>>) offsets(%arg17 : memref<4000xi32, #tpu.memory_space<vmem>>) semaphore(%arg32 : memref<!tpu.dma_semaphore, #tpu.memory_space<semaphore_mem>>) {add = true}
    %mul3A_805 = arith.constant 20000 : i32
    %mul3A_806 = arith.muli %arg1, %mul3A_805 : i32
    %add3A_807 = arith.constant 18000 : i32
    %add3A_808 = arith.addi %mul3A_806, %add3A_807 : i32
    %dma_start3A_809 = tpu.memref_slice %arg3[%add3A_808] : memref<320000xi32, #tpu.memory_space<hbm>> -> memref<2000xi32, #tpu.memory_space<hbm>>
    %dma_start3A_810 = tpu.memref_slice %arg3[%add3A_808] : memref<320000xi32, #tpu.memory_space<hbm>> -> memref<2000xi32, #tpu.memory_space<hbm>>
    tpu.enqueue_dma source(%dma_start3A_810 : memref<2000xi32, #tpu.memory_space<hbm>>) target(%arg21 : memref<2000xi32, #tpu.memory_space<vmem>>) target_semaphore(%arg34 : memref<!tpu.dma_semaphore, #tpu.memory_space<semaphore_mem>>)
    %mul3A_811 = arith.constant 20000 : i32
    %mul3A_812 = arith.muli %arg1, %mul3A_811 : i32
    %add3A_813 = arith.constant 18000 : i32
    %add3A_814 = arith.addi %mul3A_812, %add3A_813 : i32
    %dma_start3A_815 = tpu.memref_slice %arg2[%add3A_814] : memref<320000xi32, #tpu.memory_space<hbm>> -> memref<2000xi32, #tpu.memory_space<hbm>>
    %dma_start3A_816 = tpu.memref_slice %arg2[%add3A_814] : memref<320000xi32, #tpu.memory_space<hbm>> -> memref<2000xi32, #tpu.memory_space<hbm>>
    tpu.enqueue_dma source(%dma_start3A_816 : memref<2000xi32, #tpu.memory_space<hbm>>) target(%arg23 : memref<2000xi32, #tpu.memory_space<vmem>>) target_semaphore(%arg36 : memref<!tpu.dma_semaphore, #tpu.memory_space<semaphore_mem>>)
    %dma_wait3A_817 = arith.constant 0 : i32
    %dma_wait3A_818 = tpu.memref_slice %arg9[%dma_wait3A_817] : memref<40960xf32, #tpu.memory_space<vmem_shared>> -> memref<40960xf32, #tpu.memory_space<vmem_shared>>
    tpu.wait_indirect_dma semaphore(%arg31 : memref<!tpu.dma_semaphore, #tpu.memory_space<semaphore_mem>>) src(%arg18 : memref<4000xf32, #tpu.memory_space<vmem>>) dst(%dma_wait3A_818 : memref<40960xf32, #tpu.memory_space<vmem_shared>>)
    %dma_wait3A_819 = tpu.memref_slice %arg3[%add3A_783] : memref<320000xi32, #tpu.memory_space<hbm>> -> memref<2000xi32, #tpu.memory_space<hbm>>
    %dma_wait3A_820 = tpu.memref_slice %arg3[%add3A_783] : memref<320000xi32, #tpu.memory_space<hbm>> -> memref<2000xi32, #tpu.memory_space<hbm>>
    tpu.wait_dma2 semaphore(%arg33 : memref<!tpu.dma_semaphore, #tpu.memory_space<semaphore_mem>>) src(%dma_wait3A_820 : memref<2000xi32, #tpu.memory_space<hbm>>) dst(%arg20 : memref<2000xi32, #tpu.memory_space<vmem>>)
    %dma_wait3A_821 = tpu.memref_slice %arg2[%add3A_789] : memref<320000xi32, #tpu.memory_space<hbm>> -> memref<2000xi32, #tpu.memory_space<hbm>>
    %dma_wait3A_822 = tpu.memref_slice %arg2[%add3A_789] : memref<320000xi32, #tpu.memory_space<hbm>> -> memref<2000xi32, #tpu.memory_space<hbm>>
    tpu.wait_dma2 semaphore(%arg35 : memref<!tpu.dma_semaphore, #tpu.memory_space<semaphore_mem>>) src(%dma_wait3A_822 : memref<2000xi32, #tpu.memory_space<hbm>>) dst(%arg22 : memref<2000xi32, #tpu.memory_space<vmem>>)
    %scan3A_823 = arith.constant 0 : i32
    %scan3A_824 = arith.constant 250 : i32
    %scan3A_825 = arith.addi %scan3A_823, %scan3A_824 : i32
    %scan3A_826 = arith.constant 1 : i32
    scf.for %scan3A_868 = %scan3A_823 to %scan3A_825 step %scan3A_826  : i32 {
      %mul3A_869 = arith.constant 16 : i32
      %mul3A_870 = arith.muli %scan3A_868, %mul3A_869 : i32
      %mul3A_871 = arith.constant 8 : i32
      %mul3A_872 = arith.muli %scan3A_868, %mul3A_871 : i32
      %add3A_873 = vector.broadcast %mul3A_872 : i32 to vector<16xi32>
      %add3A_874 = arith.addi %shift_right_arithmetic3A_71, %add3A_873 : vector<16xi32>
      %gather3A = tpu.vector_load_idx %arg20[%add3A_874] : memref<2000xi32, #tpu.memory_space<vmem>>[vector<16xi32>], vector<16xi32>,
      %shift_left3A = arith.constant 2 : i32
      %shift_left3A_875 = vector.broadcast %shift_left3A : i32 to vector<16xi32>
      %shift_left3A_876 = arith.shli %gather3A, %shift_left3A_875 : vector<16xi32>
      %add3A_877 = arith.addi %shift_left3A_876, %and3A_74 : vector<16xi32>
      %gather3A_878 = tpu.vector_load_idx %arg11[%add3A_877] : memref<40960xf32, #tpu.memory_space<vmem>>[vector<16xi32>], vector<16xf32>,
      %swap3A = arith.index_cast %mul3A_870 : i32 to index
      %swap3A_879 = tpu.vector_load %arg18[%swap3A] {strides = array<i32>} : memref<4000xf32, #tpu.memory_space<vmem>>, vector<16xf32>,
      tpu.vector_store %arg18[%swap3A], %gather3A_878 {strides = array<i32>} : memref<4000xf32, #tpu.memory_space<vmem>>, vector<16xf32>,
      %mul3A_880 = arith.constant 8 : i32
      %mul3A_881 = arith.muli %scan3A_868, %mul3A_880 : i32
      %add3A_882 = vector.broadcast %mul3A_881 : i32 to vector<16xi32>
      %add3A_883 = arith.addi %shift_right_arithmetic3A_71, %add3A_882 : vector<16xi32>
      %gather3A_884 = tpu.vector_load_idx %arg22[%add3A_883] : memref<2000xi32, #tpu.memory_space<vmem>>[vector<16xi32>], vector<16xi32>,
      %shift_left3A_885 = arith.constant 2 : i32
      %shift_left3A_886 = vector.broadcast %shift_left3A_885 : i32 to vector<16xi32>
      %shift_left3A_887 = arith.shli %gather3A_884, %shift_left3A_886 : vector<16xi32>
      %add3A_888 = arith.addi %shift_left3A_887, %and3A_74 : vector<16xi32>
      %swap3A_889 = arith.index_cast %mul3A_870 : i32 to index
      %swap3A_890 = tpu.vector_load %arg16[%swap3A_889] {strides = array<i32>} : memref<4000xi32, #tpu.memory_space<vmem>>, vector<16xi32>,
      tpu.vector_store %arg16[%swap3A_889], %add3A_888 {strides = array<i32>} : memref<4000xi32, #tpu.memory_space<vmem>>, vector<16xi32>,
    }
    %scan3A_827 = arith.constant 250 : i32
    %dma_start3A_828 = arith.constant 0 : i32
    %dma_start3A_829 = tpu.memref_slice %arg9[%dma_start3A_828] : memref<40960xf32, #tpu.memory_space<vmem_shared>> -> memref<40960xf32, #tpu.memory_space<vmem_shared>>
    tpu.enqueue_indirect_dma source(%arg18 : memref<4000xf32, #tpu.memory_space<vmem>>) target(%dma_start3A_829 : memref<40960xf32, #tpu.memory_space<vmem_shared>>) offsets(%arg16 : memref<4000xi32, #tpu.memory_space<vmem>>) semaphore(%arg31 : memref<!tpu.dma_semaphore, #tpu.memory_space<semaphore_mem>>) {add = true}
    %dma_wait3A_830 = arith.constant 0 : i32
    %dma_wait3A_831 = tpu.memref_slice %arg9[%dma_wait3A_830] : memref<40960xf32, #tpu.memory_space<vmem_shared>> -> memref<40960xf32, #tpu.memory_space<vmem_shared>>
    tpu.wait_indirect_dma semaphore(%arg32 : memref<!tpu.dma_semaphore, #tpu.memory_space<semaphore_mem>>) src(%arg19 : memref<4000xf32, #tpu.memory_space<vmem>>) dst(%dma_wait3A_831 : memref<40960xf32, #tpu.memory_space<vmem_shared>>)
    %dma_wait3A_832 = tpu.memref_slice %arg3[%add3A_808] : memref<320000xi32, #tpu.memory_space<hbm>> -> memref<2000xi32, #tpu.memory_space<hbm>>
    %dma_wait3A_833 = tpu.memref_slice %arg3[%add3A_808] : memref<320000xi32, #tpu.memory_space<hbm>> -> memref<2000xi32, #tpu.memory_space<hbm>>
    tpu.wait_dma2 semaphore(%arg34 : memref<!tpu.dma_semaphore, #tpu.memory_space<semaphore_mem>>) src(%dma_wait3A_833 : memref<2000xi32, #tpu.memory_space<hbm>>) dst(%arg21 : memref<2000xi32, #tpu.memory_space<vmem>>)
    %dma_wait3A_834 = tpu.memref_slice %arg2[%add3A_814] : memref<320000xi32, #tpu.memory_space<hbm>> -> memref<2000xi32, #tpu.memory_space<hbm>>
    %dma_wait3A_835 = tpu.memref_slice %arg2[%add3A_814] : memref<320000xi32, #tpu.memory_space<hbm>> -> memref<2000xi32, #tpu.memory_space<hbm>>
    tpu.wait_dma2 semaphore(%arg36 : memref<!tpu.dma_semaphore, #tpu.memory_space<semaphore_mem>>) src(%dma_wait3A_835 : memref<2000xi32, #tpu.memory_space<hbm>>) dst(%arg23 : memref<2000xi32, #tpu.memory_space<vmem>>)
    %scan3A_836 = arith.constant 0 : i32
    %scan3A_837 = arith.constant 250 : i32
    %scan3A_838 = arith.addi %scan3A_836, %scan3A_837 : i32
    %scan3A_839 = arith.constant 1 : i32
    scf.for %scan3A_868 = %scan3A_836 to %scan3A_838 step %scan3A_839  : i32 {
      %mul3A_869 = arith.constant 16 : i32
      %mul3A_870 = arith.muli %scan3A_868, %mul3A_869 : i32
      %mul3A_871 = arith.constant 8 : i32
      %mul3A_872 = arith.muli %scan3A_868, %mul3A_871 : i32
      %add3A_873 = vector.broadcast %mul3A_872 : i32 to vector<16xi32>
      %add3A_874 = arith.addi %shift_right_arithmetic3A_71, %add3A_873 : vector<16xi32>
      %gather3A = tpu.vector_load_idx %arg21[%add3A_874] : memref<2000xi32, #tpu.memory_space<vmem>>[vector<16xi32>], vector<16xi32>,
      %shift_left3A = arith.constant 2 : i32
      %shift_left3A_875 = vector.broadcast %shift_left3A : i32 to vector<16xi32>
      %shift_left3A_876 = arith.shli %gather3A, %shift_left3A_875 : vector<16xi32>
      %add3A_877 = arith.addi %shift_left3A_876, %and3A_74 : vector<16xi32>
      %gather3A_878 = tpu.vector_load_idx %arg11[%add3A_877] : memref<40960xf32, #tpu.memory_space<vmem>>[vector<16xi32>], vector<16xf32>,
      %swap3A = arith.index_cast %mul3A_870 : i32 to index
      %swap3A_879 = tpu.vector_load %arg19[%swap3A] {strides = array<i32>} : memref<4000xf32, #tpu.memory_space<vmem>>, vector<16xf32>,
      tpu.vector_store %arg19[%swap3A], %gather3A_878 {strides = array<i32>} : memref<4000xf32, #tpu.memory_space<vmem>>, vector<16xf32>,
      %mul3A_880 = arith.constant 8 : i32
      %mul3A_881 = arith.muli %scan3A_868, %mul3A_880 : i32
      %add3A_882 = vector.broadcast %mul3A_881 : i32 to vector<16xi32>
      %add3A_883 = arith.addi %shift_right_arithmetic3A_71, %add3A_882 : vector<16xi32>
      %gather3A_884 = tpu.vector_load_idx %arg23[%add3A_883] : memref<2000xi32, #tpu.memory_space<vmem>>[vector<16xi32>], vector<16xi32>,
      %shift_left3A_885 = arith.constant 2 : i32
      %shift_left3A_886 = vector.broadcast %shift_left3A_885 : i32 to vector<16xi32>
      %shift_left3A_887 = arith.shli %gather3A_884, %shift_left3A_886 : vector<16xi32>
      %add3A_888 = arith.addi %shift_left3A_887, %and3A_74 : vector<16xi32>
      %swap3A_889 = arith.index_cast %mul3A_870 : i32 to index
      %swap3A_890 = tpu.vector_load %arg17[%swap3A_889] {strides = array<i32>} : memref<4000xi32, #tpu.memory_space<vmem>>, vector<16xi32>,
      tpu.vector_store %arg17[%swap3A_889], %add3A_888 {strides = array<i32>} : memref<4000xi32, #tpu.memory_space<vmem>>, vector<16xi32>,
    }
    %scan3A_840 = arith.constant 250 : i32
    %dma_start3A_841 = arith.constant 0 : i32
    %dma_start3A_842 = tpu.memref_slice %arg9[%dma_start3A_841] : memref<40960xf32, #tpu.memory_space<vmem_shared>> -> memref<40960xf32, #tpu.memory_space<vmem_shared>>
    tpu.enqueue_indirect_dma source(%arg19 : memref<4000xf32, #tpu.memory_space<vmem>>) target(%dma_start3A_842 : memref<40960xf32, #tpu.memory_space<vmem_shared>>) offsets(%arg17 : memref<4000xi32, #tpu.memory_space<vmem>>) semaphore(%arg32 : memref<!tpu.dma_semaphore, #tpu.memory_space<semaphore_mem>>) {add = true}
    %dma_wait3A_843 = arith.constant 0 : i32
    %dma_wait3A_844 = tpu.memref_slice %arg9[%dma_wait3A_843] : memref<40960xf32, #tpu.memory_space<vmem_shared>> -> memref<40960xf32, #tpu.memory_space<vmem_shared>>
    tpu.wait_indirect_dma semaphore(%arg31 : memref<!tpu.dma_semaphore, #tpu.memory_space<semaphore_mem>>) src(%arg18 : memref<4000xf32, #tpu.memory_space<vmem>>) dst(%dma_wait3A_844 : memref<40960xf32, #tpu.memory_space<vmem_shared>>)
    %dma_wait3A_845 = arith.constant 0 : i32
    %dma_wait3A_846 = tpu.memref_slice %arg9[%dma_wait3A_845] : memref<40960xf32, #tpu.memory_space<vmem_shared>> -> memref<40960xf32, #tpu.memory_space<vmem_shared>>
    tpu.wait_indirect_dma semaphore(%arg32 : memref<!tpu.dma_semaphore, #tpu.memory_space<semaphore_mem>>) src(%arg19 : memref<4000xf32, #tpu.memory_space<vmem>>) dst(%dma_wait3A_846 : memref<40960xf32, #tpu.memory_space<vmem_shared>>)
    %barrier3A_847 = arith.constant 0 : index
    tpu.barrier barrier_id(%barrier3A_847)
    "tpu.region"() ({
      %run_scoped3A = tpu.sem_alloc : memref<!tpu.dma_semaphore, #tpu.memory_space<semaphore_mem>>
      %dma_start3A_868 = tpu.memref_slice %arg9[%mul3A_0] : memref<40960xf32, #tpu.memory_space<vmem_shared>> -> memref<2560xf32, #tpu.memory_space<vmem_shared>>
      %dma_start3A_869 = tpu.memref_slice %arg9[%mul3A_0] : memref<40960xf32, #tpu.memory_space<vmem_shared>> -> memref<2560xf32, #tpu.memory_space<vmem_shared>>
      tpu.enqueue_dma source(%dma_start3A_869 : memref<2560xf32, #tpu.memory_space<vmem_shared>>) target(%arg27 : memref<2560xf32, #tpu.memory_space<vmem>>) target_semaphore(%run_scoped3A : memref<!tpu.dma_semaphore, #tpu.memory_space<semaphore_mem>>)
      %dma_wait3A_870 = tpu.memref_slice %arg9[%mul3A_0] : memref<40960xf32, #tpu.memory_space<vmem_shared>> -> memref<2560xf32, #tpu.memory_space<vmem_shared>>
      %dma_wait3A_871 = tpu.memref_slice %arg9[%mul3A_0] : memref<40960xf32, #tpu.memory_space<vmem_shared>> -> memref<2560xf32, #tpu.memory_space<vmem_shared>>
      tpu.wait_dma2 semaphore(%run_scoped3A : memref<!tpu.dma_semaphore, #tpu.memory_space<semaphore_mem>>) src(%dma_wait3A_871 : memref<2560xf32, #tpu.memory_space<vmem_shared>>) dst(%arg27 : memref<2560xf32, #tpu.memory_space<vmem>>)
      tpu.yield
    }) : () -> ()
    %scan3A_848 = arith.constant 0 : i32
    %scan3A_849 = arith.constant 160 : i32
    %scan3A_850 = arith.addi %scan3A_848, %scan3A_849 : i32
    %scan3A_851 = arith.constant 1 : i32
    scf.for %scan3A_868 = %scan3A_848 to %scan3A_850 step %scan3A_851  : i32 {
      %mul3A_869 = arith.constant 16 : i32
      %mul3A_870 = arith.muli %scan3A_868, %mul3A_869 : i32
      %mul3A_871 = arith.constant 16 : i32
      %mul3A_872 = arith.muli %scan3A_868, %mul3A_871 : i32
      %add3A_873 = vector.broadcast %mul3A_872 : i32 to vector<16xi32>
      %add3A_874 = arith.addi %iota3A, %add3A_873 : vector<16xi32>
      %shift_right_arithmetic3A_875 = arith.constant 2 : i32
      %shift_right_arithmetic3A_876 = vector.broadcast %shift_right_arithmetic3A_875 : i32 to vector<16xi32>
      %shift_right_arithmetic3A_877 = arith.shrsi %add3A_874, %shift_right_arithmetic3A_876 : vector<16xi32>
      %gather3A = tpu.vector_load_idx %arg29[%shift_right_arithmetic3A_877] : memref<640xf32, #tpu.memory_space<vmem>>[vector<16xi32>], vector<16xf32>,
      %and3A_878 = arith.constant 3 : i32
      %and3A_879 = vector.broadcast %and3A_878 : i32 to vector<16xi32>
      %and3A_880 = arith.andi %add3A_874, %and3A_879 : vector<16xi32>
      %add3A_881 = arith.constant 56 : i32
      %add3A_882 = vector.broadcast %add3A_881 : i32 to vector<16xi32>
      %add3A_883 = arith.addi %add3A_882, %and3A_880 : vector<16xi32>
      %gather3A_884 = tpu.vector_load_idx %arg30[%add3A_883] : memref<64xf32, #tpu.memory_space<vmem>>[vector<16xi32>], vector<16xf32>,
      %get3A = arith.index_cast %mul3A_870 : i32 to index
      %get3A_885 = tpu.vector_load %arg27[%get3A] {strides = array<i32>} : memref<2560xf32, #tpu.memory_space<vmem>>, vector<16xf32>,
      %get3A_886 = arith.index_cast %mul3A_870 : i32 to index
      %get3A_887 = tpu.vector_load %arg26[%get3A_886] {strides = array<i32>} : memref<2560xf32, #tpu.memory_space<vmem>>, vector<16xf32>,
      %add3A_888 = arith.addf %get3A_885, %get3A_887 : vector<16xf32>
      %mul3A_889 = arith.mulf %gather3A, %add3A_888 : vector<16xf32>
      %add3A_890 = arith.addf %mul3A_889, %gather3A_884 : vector<16xf32>
      %mul3A_891 = arith.constant 2.000000e+00 : f32
      %mul3A_892 = vector.broadcast %mul3A_891 : f32 to vector<16xf32>
      %mul3A_893 = arith.mulf %mul3A_892, %add3A_890 : vector<16xf32>
      %exp3A = math.exp %mul3A_893 : vector<16xf32>
      %add3A_894 = arith.constant 1.000000e+00 : f32
      %add3A_895 = vector.broadcast %add3A_894 : f32 to vector<16xf32>
      %add3A_896 = arith.addf %exp3A, %add3A_895 : vector<16xf32>
      %div3A = arith.constant 2.000000e+00 : f32
      %div3A_897 = vector.broadcast %div3A : f32 to vector<16xf32>
      %div3A_898 = arith.divf %div3A_897, %add3A_896 : vector<16xf32>
      %sub3A = arith.constant 1.000000e+00 : f32
      %sub3A_899 = vector.broadcast %sub3A : f32 to vector<16xf32>
      %sub3A_900 = arith.subf %sub3A_899, %div3A_898 : vector<16xf32>
      %swap3A = arith.index_cast %mul3A_870 : i32 to index
      %swap3A_901 = tpu.vector_load %arg28[%swap3A] {strides = array<i32>} : memref<2560xf32, #tpu.memory_space<vmem>>, vector<16xf32>,
      tpu.vector_store %arg28[%swap3A], %sub3A_900 {strides = array<i32>} : memref<2560xf32, #tpu.memory_space<vmem>>, vector<16xf32>,
    }
    %scan3A_852 = arith.constant 160 : i32
    %scan3A_853 = arith.constant 0 : i32
    %scan3A_854 = arith.constant 160 : i32
    %scan3A_855 = arith.addi %scan3A_853, %scan3A_854 : i32
    %scan3A_856 = arith.constant 1 : i32
    scf.for %scan3A_868 = %scan3A_853 to %scan3A_855 step %scan3A_856  : i32 {
      %mul3A_869 = arith.constant 16 : i32
      %mul3A_870 = arith.muli %scan3A_868, %mul3A_869 : i32
      %mul3A_871 = arith.constant 16 : i32
      %mul3A_872 = arith.muli %scan3A_868, %mul3A_871 : i32
      %add3A_873 = vector.broadcast %mul3A_872 : i32 to vector<16xi32>
      %add3A_874 = arith.addi %iota3A, %add3A_873 : vector<16xi32>
      %shift_right_arithmetic3A_875 = arith.constant 2 : i32
      %shift_right_arithmetic3A_876 = vector.broadcast %shift_right_arithmetic3A_875 : i32 to vector<16xi32>
      %shift_right_arithmetic3A_877 = arith.shrsi %add3A_874, %shift_right_arithmetic3A_876 : vector<16xi32>
      %shift_left3A = arith.constant 2 : i32
      %shift_left3A_878 = vector.broadcast %shift_left3A : i32 to vector<16xi32>
      %shift_left3A_879 = arith.shli %shift_right_arithmetic3A_877, %shift_left3A_878 : vector<16xi32>
      %and3A_880 = arith.constant 3 : i32
      %and3A_881 = vector.broadcast %and3A_880 : i32 to vector<16xi32>
      %and3A_882 = arith.andi %add3A_874, %and3A_881 : vector<16xi32>
      %add3A_883 = arith.constant 60 : i32
      %add3A_884 = vector.broadcast %add3A_883 : i32 to vector<16xi32>
      %add3A_885 = arith.addi %add3A_884, %and3A_882 : vector<16xi32>
      %gather3A = tpu.vector_load_idx %arg30[%add3A_885] : memref<64xf32, #tpu.memory_space<vmem>>[vector<16xi32>], vector<16xf32>,
      %add3A_886 = arith.constant 0 : i32
      %add3A_887 = vector.broadcast %add3A_886 : i32 to vector<16xi32>
      %add3A_888 = arith.addi %shift_left3A_879, %add3A_887 : vector<16xi32>
      %gather3A_889 = tpu.vector_load_idx %arg28[%add3A_888] : memref<2560xf32, #tpu.memory_space<vmem>>[vector<16xi32>], vector<16xf32>,
      %add3A_890 = arith.constant 32 : i32
      %add3A_891 = vector.broadcast %add3A_890 : i32 to vector<16xi32>
      %add3A_892 = arith.addi %add3A_891, %and3A_882 : vector<16xi32>
      %gather3A_893 = tpu.vector_load_idx %arg30[%add3A_892] : memref<64xf32, #tpu.memory_space<vmem>>[vector<16xi32>], vector<16xf32>,
      %mul3A_894 = arith.mulf %gather3A_889, %gather3A_893 : vector<16xf32>
      %add3A_895 = arith.addf %gather3A, %mul3A_894 : vector<16xf32>
      %add3A_896 = arith.constant 1 : i32
      %add3A_897 = vector.broadcast %add3A_896 : i32 to vector<16xi32>
      %add3A_898 = arith.addi %shift_left3A_879, %add3A_897 : vector<16xi32>
      %gather3A_899 = tpu.vector_load_idx %arg28[%add3A_898] : memref<2560xf32, #tpu.memory_space<vmem>>[vector<16xi32>], vector<16xf32>,
      %add3A_900 = arith.constant 36 : i32
      %add3A_901 = vector.broadcast %add3A_900 : i32 to vector<16xi32>
      %add3A_902 = arith.addi %add3A_901, %and3A_882 : vector<16xi32>
      %gather3A_903 = tpu.vector_load_idx %arg30[%add3A_902] : memref<64xf32, #tpu.memory_space<vmem>>[vector<16xi32>], vector<16xf32>,
      %mul3A_904 = arith.mulf %gather3A_899, %gather3A_903 : vector<16xf32>
      %add3A_905 = arith.addf %add3A_895, %mul3A_904 : vector<16xf32>
      %add3A_906 = arith.constant 2 : i32
      %add3A_907 = vector.broadcast %add3A_906 : i32 to vector<16xi32>
      %add3A_908 = arith.addi %shift_left3A_879, %add3A_907 : vector<16xi32>
      %gather3A_909 = tpu.vector_load_idx %arg28[%add3A_908] : memref<2560xf32, #tpu.memory_space<vmem>>[vector<16xi32>], vector<16xf32>,
      %add3A_910 = arith.constant 40 : i32
      %add3A_911 = vector.broadcast %add3A_910 : i32 to vector<16xi32>
      %add3A_912 = arith.addi %add3A_911, %and3A_882 : vector<16xi32>
      %gather3A_913 = tpu.vector_load_idx %arg30[%add3A_912] : memref<64xf32, #tpu.memory_space<vmem>>[vector<16xi32>], vector<16xf32>,
      %mul3A_914 = arith.mulf %gather3A_909, %gather3A_913 : vector<16xf32>
      %add3A_915 = arith.addf %add3A_905, %mul3A_914 : vector<16xf32>
      %add3A_916 = arith.constant 3 : i32
      %add3A_917 = vector.broadcast %add3A_916 : i32 to vector<16xi32>
      %add3A_918 = arith.addi %shift_left3A_879, %add3A_917 : vector<16xi32>
      %gather3A_919 = tpu.vector_load_idx %arg28[%add3A_918] : memref<2560xf32, #tpu.memory_space<vmem>>[vector<16xi32>], vector<16xf32>,
      %add3A_920 = arith.constant 44 : i32
      %add3A_921 = vector.broadcast %add3A_920 : i32 to vector<16xi32>
      %add3A_922 = arith.addi %add3A_921, %and3A_882 : vector<16xi32>
      %gather3A_923 = tpu.vector_load_idx %arg30[%add3A_922] : memref<64xf32, #tpu.memory_space<vmem>>[vector<16xi32>], vector<16xf32>,
      %mul3A_924 = arith.mulf %gather3A_919, %gather3A_923 : vector<16xf32>
      %add3A_925 = arith.addf %add3A_915, %mul3A_924 : vector<16xf32>
      %swap3A = arith.index_cast %mul3A_870 : i32 to index
      %swap3A_926 = tpu.vector_load %arg27[%swap3A] {strides = array<i32>} : memref<2560xf32, #tpu.memory_space<vmem>>, vector<16xf32>,
      tpu.vector_store %arg27[%swap3A], %add3A_925 {strides = array<i32>} : memref<2560xf32, #tpu.memory_space<vmem>>, vector<16xf32>,
    }
    %scan3A_857 = arith.constant 160 : i32
    "tpu.region"() ({
      %run_scoped3A = tpu.sem_alloc : memref<!tpu.dma_semaphore, #tpu.memory_space<semaphore_mem>>
      %dma_start3A_868 = tpu.memref_slice %arg6[%mul3A_0] : memref<40960xf32, #tpu.memory_space<hbm>> -> memref<2560xf32, #tpu.memory_space<hbm>>
      %dma_start3A_869 = tpu.memref_slice %arg6[%mul3A_0] : memref<40960xf32, #tpu.memory_space<hbm>> -> memref<2560xf32, #tpu.memory_space<hbm>>
      tpu.enqueue_dma source(%arg27 : memref<2560xf32, #tpu.memory_space<vmem>>) target(%dma_start3A_869 : memref<2560xf32, #tpu.memory_space<hbm>>) target_semaphore(%run_scoped3A : memref<!tpu.dma_semaphore, #tpu.memory_space<semaphore_mem>>)
      %dma_wait3A_870 = tpu.memref_slice %arg6[%mul3A_0] : memref<40960xf32, #tpu.memory_space<hbm>> -> memref<2560xf32, #tpu.memory_space<hbm>>
      %dma_wait3A_871 = tpu.memref_slice %arg6[%mul3A_0] : memref<40960xf32, #tpu.memory_space<hbm>> -> memref<2560xf32, #tpu.memory_space<hbm>>
      tpu.wait_dma2 semaphore(%run_scoped3A : memref<!tpu.dma_semaphore, #tpu.memory_space<semaphore_mem>>) src(%arg27 : memref<2560xf32, #tpu.memory_space<vmem>>) dst(%dma_wait3A_871 : memref<2560xf32, #tpu.memory_space<hbm>>)
      tpu.yield
    }) : () -> ()
    %scan3A_858 = arith.constant 0 : i32
    %scan3A_859 = arith.constant 80 : i32
    %scan3A_860 = arith.addi %scan3A_858, %scan3A_859 : i32
    %scan3A_861 = arith.constant 1 : i32
    scf.for %scan3A_868 = %scan3A_858 to %scan3A_860 step %scan3A_861  : i32 {
      %mul3A_869 = arith.constant 16 : i32
      %mul3A_870 = arith.muli %scan3A_868, %mul3A_869 : i32
      %mul3A_871 = arith.constant 16 : i32
      %mul3A_872 = arith.muli %scan3A_868, %mul3A_871 : i32
      %add3A_873 = vector.broadcast %mul3A_872 : i32 to vector<16xi32>
      %add3A_874 = arith.addi %iota3A, %add3A_873 : vector<16xi32>
      %shift_right_arithmetic3A_875 = arith.constant 1 : i32
      %shift_right_arithmetic3A_876 = vector.broadcast %shift_right_arithmetic3A_875 : i32 to vector<16xi32>
      %shift_right_arithmetic3A_877 = arith.shrsi %add3A_874, %shift_right_arithmetic3A_876 : vector<16xi32>
      %shift_left3A = arith.constant 2 : i32
      %shift_left3A_878 = vector.broadcast %shift_left3A : i32 to vector<16xi32>
      %shift_left3A_879 = arith.shli %shift_right_arithmetic3A_877, %shift_left3A_878 : vector<16xi32>
      %and3A_880 = arith.constant 1 : i32
      %and3A_881 = vector.broadcast %and3A_880 : i32 to vector<16xi32>
      %and3A_882 = arith.andi %add3A_874, %and3A_881 : vector<16xi32>
      %add3A_883 = arith.addi %shift_left3A_879, %and3A_882 : vector<16xi32>
      %gather3A = tpu.vector_load_idx %arg28[%add3A_883] : memref<2560xf32, #tpu.memory_space<vmem>>[vector<16xi32>], vector<16xf32>,
      %swap3A = arith.index_cast %mul3A_870 : i32 to index
      %swap3A_884 = tpu.vector_load %arg26[%swap3A] {strides = array<i32>} : memref<2560xf32, #tpu.memory_space<vmem>>, vector<16xf32>,
      tpu.vector_store %arg26[%swap3A], %gather3A {strides = array<i32>} : memref<2560xf32, #tpu.memory_space<vmem>>, vector<16xf32>,
    }
    %scan3A_862 = arith.constant 80 : i32
    %mul3A_863 = arith.constant 640 : i32
    %mul3A_864 = arith.muli %arg1, %mul3A_863 : i32
    %mul3A_865 = arith.constant 2 : i32
    %mul3A_866 = arith.muli %mul3A_864, %mul3A_865 : i32
    "tpu.region"() ({
      %run_scoped3A = tpu.sem_alloc : memref<!tpu.dma_semaphore, #tpu.memory_space<semaphore_mem>>
      %dma_start3A_868 = arith.constant 0 : i32
      %dma_start3A_869 = tpu.memref_slice %arg26[%dma_start3A_868] : memref<2560xf32, #tpu.memory_space<vmem>> -> memref<1280xf32, #tpu.memory_space<vmem>>
      %dma_start3A_870 = tpu.memref_slice %arg7[%mul3A_866] : memref<20480xf32, #tpu.memory_space<hbm>> -> memref<1280xf32, #tpu.memory_space<hbm>>
      %dma_start3A_871 = tpu.memref_slice %arg7[%mul3A_866] : memref<20480xf32, #tpu.memory_space<hbm>> -> memref<1280xf32, #tpu.memory_space<hbm>>
      %dma_start3A_872 = arith.constant 0 : i32
      %dma_start3A_873 = tpu.memref_slice %arg26[%dma_start3A_872] : memref<2560xf32, #tpu.memory_space<vmem>> -> memref<1280xf32, #tpu.memory_space<vmem>>
      tpu.enqueue_dma source(%dma_start3A_873 : memref<1280xf32, #tpu.memory_space<vmem>>) target(%dma_start3A_871 : memref<1280xf32, #tpu.memory_space<hbm>>) target_semaphore(%run_scoped3A : memref<!tpu.dma_semaphore, #tpu.memory_space<semaphore_mem>>)
      %dma_wait3A_874 = arith.constant 0 : i32
      %dma_wait3A_875 = tpu.memref_slice %arg26[%dma_wait3A_874] : memref<2560xf32, #tpu.memory_space<vmem>> -> memref<1280xf32, #tpu.memory_space<vmem>>
      %dma_wait3A_876 = tpu.memref_slice %arg7[%mul3A_866] : memref<20480xf32, #tpu.memory_space<hbm>> -> memref<1280xf32, #tpu.memory_space<hbm>>
      %dma_wait3A_877 = tpu.memref_slice %arg7[%mul3A_866] : memref<20480xf32, #tpu.memory_space<hbm>> -> memref<1280xf32, #tpu.memory_space<hbm>>
      %dma_wait3A_878 = arith.constant 0 : i32
      %dma_wait3A_879 = tpu.memref_slice %arg26[%dma_wait3A_878] : memref<2560xf32, #tpu.memory_space<vmem>> -> memref<1280xf32, #tpu.memory_space<vmem>>
      tpu.wait_dma2 semaphore(%run_scoped3A : memref<!tpu.dma_semaphore, #tpu.memory_space<semaphore_mem>>) src(%dma_wait3A_879 : memref<1280xf32, #tpu.memory_space<vmem>>) dst(%dma_wait3A_877 : memref<1280xf32, #tpu.memory_space<hbm>>)
      tpu.yield
    }) : () -> ()
    %barrier3A_867 = arith.constant 0 : index
    tpu.barrier barrier_id(%barrier3A_867)
    return
  }
}

module attributes {stable_mosaic.version = 14 : i64} {
  func.func @_mm_body(%arg0: memref<10000x128xf32, #tpu.memory_space<vmem>>, %arg1: memref<128x4xf32, #tpu.memory_space<vmem>>, %arg2: memref<10000x4xf32, #tpu.memory_space<vmem>>) attributes {dimension_semantics = [], scalar_prefetch = 0 : i64, scratch_operands = 0 : i64, tpu.core_type = #tpu.core_type<tc>} {
    %get3A = arith.constant 0 : index
    %get3A_0 = arith.constant 0 : index
    %get3A_1 = vector.load %arg0[%get3A, %get3A_0] : memref<10000x128xf32, #tpu.memory_space<vmem>>, vector<10000x128xf32>
    %get3A_2 = arith.constant 0 : index
    %get3A_3 = arith.constant 0 : index
    %get3A_4 = vector.load %arg1[%get3A_2, %get3A_3] : memref<128x4xf32, #tpu.memory_space<vmem>>, vector<128x4xf32>
    %dot_general3A = arith.constant dense<0.000000e+00> : vector<10000x4xf32>
    %dot_general3A_5 = tpu.matmul %get3A_1, %get3A_4, %dot_general3A {dimension_numbers = #tpu.dot_dimension_numbers<[1], [0], [0], [1], [0, 0, 1, 1], [], []>, transpose_lhs_hint = false} : vector<10000x128xf32>, vector<128x4xf32>, vector<10000x4xf32> -> vector<10000x4xf32>
    %swap3A = arith.constant 0 : index
    %swap3A_6 = arith.constant 0 : index
    %swap3A_7 = vector.load %arg2[%swap3A, %swap3A_6] : memref<10000x4xf32, #tpu.memory_space<vmem>>, vector<10000x4xf32>
    tpu.vector_store %arg2[%swap3A, %swap3A_6], %dot_general3A_5 {strides = array<i32>} : memref<10000x4xf32, #tpu.memory_space<vmem>>, vector<10000x4xf32>,
    return
  }
}

</mosaic_0001>

<sc_bundles>
// kernel: kernel.4.cloned.1.call-start
scs
__scs_entry_jumppad:
0x0: {  	(pc) =	sbr.rel $0x88, $3  }
0x1: {  	(tag) =	ssettag $0x0;
	lr =	simm.s32 $0x1  }
0x2: {  	[smem:$0x3F97] =	sst lr;
	_ =	strace $0xD0000000  }
0x3: {  	_ = 	snop  }
0x4: {  	_ = 	snop  }
0x5: {  	_ = 	snop  }
0x6: {  	_ = 	snop  }
0x7: {  	_ = 	snop  }
__scs_overlays_trampoline_lowered:
0x8: {  	[smem:$0x3FA6] =	sst s0  }
0x9: {  	[smem:$0x3FA7] =	sst s1  }
0xa: {  	[smem:$0x3FA8] =	sst s2  }
0xb: {  	[smem:$0x3FA9] =	sst s3  }
0xc: {  	[smem:$0x3FAA] =	sst s4  }
0xd: {  	[smem:$0x3FAB] =	sst s5  }
0xe: {  	[smem:$0x3FAC] =	sst s6  }
0xf: {  	[smem:$0x3FAD] =	sst s7  }
0x10: {  	[smem:$0x3FAE] =	sst s8  }
0x11: {  	[smem:$0x3FAF] =	sst s9;
	s0 =	simm.s32 @!p0 $0x0  }
0x12: {  	s1 =	sld [smem:$0x3F95];
	s0 =	simm.s32 @p0 $0x1  }
0x13: {  	[smem:$0x3FB0] =	sst s0;
	s0 =	simm.s32 @!p1 $0x0  }
0x14: {  	s2 =	sld [smem:$0x3F94];
	s0 =	simm.s32 @p1 $0x1  }
0x15: {  	[smem:$0x3FB1] =	sst s0;
	s0 =	simm.s32 @!p2 $0x0  }
0x16: {  	s3 =	sld [smem:$0x3FDB];
	s0 =	simm.s32 @p2 $0x1  }
0x17: {  	s4 =	simm.s32 $0x1BF5;
	[smem:$0x3FB3] =	sst s0  }
0x18: {  	s0 =	sld [smem:$0x3F96];
	_ =	swait.ge [sflag:s4], $0x0  }
0x19: {  	s7 =	sld [smem:$0x3F97]  }
0x1a: {  	s8 =	sadd.s32 $0xFFFFE003, lr  }
0x1b: {  	s9 =	sadd.s32 $0xFFFFFEF7, lr;
	s5 =	simm.s32 $0xFFFFFFFF;
	p2 =	slt.u32 s8, $0xFFFFF086  }
0x1c: {  	p1 =	slt.u32 s9, $0xF7A;
	s5 =	simm.s32 @!p2 $0x0  }
0x1d: {  	s5 =	simm.s32 @p1 $0x1;
	p0 =	seq.s32 s7, s2  }
0x1e: {  	s7 =	smul.u32 @!p0 $0xF7A, s2;
	p2 =	seq.s32 @!p0 s5, $0x0  }
0x1f: {  	s9 =	smul.u32 $0xF7A, s1;
	s8 =	simm.s32 @!p0 $0x1BF5;
	p2 =	por !p2, p0  }
0x20: {  	[sflag:s8] =	ssyncset.s32 @!p0 $0xFFFFF086;
	s6 =	sadd.s32 @!p0 s3, s7;
	s7 =	simm.s32 @!p0 $0x108  }
0x21: {  	s3 =	sadd.s32 s3, s9;
	s6 =	sadd.s32 @!p0 $0x88, s6;
	s7 =	simm.s32 @p2 $0x1082  }
0x22: {  	[simem:s7], [sflag:s8] =	dma.local @!p0 [hbm:s6], $0xF7A  }
0x23: {  	s9 =	sor.u32 $0xD0000000, s2;
	s6 =	simm.s32 $0x108;
	_ =	swait.ge @!p0 [sflag:s8], $0x0  }
0x24: {  	s3 =	sadd.s32 $0x88, s3;
	s6 =	simm.s32 @!p1 $0x1082;
	[sflag:s4] =	ssyncset.s32 $0xFFFFF086  }
0x25: {  	[simem:s6], [sflag:s4] =	dma.local [hbm:s3], $0xF7A  }
0x26: {  	[smem:$0x3F97] =	sst s1;
	(tag) =	ssettag s2;
	_ =	strace s9  }
0x27: {  	s1 =	sld [smem:$0x3FA7]  }
0x28: {  	s2 =	sld [smem:$0x3FA8]  }
0x29: {  	s4 =	sld [smem:$0x3FAA]  }
0x2a: {  	p0 =	seq.s32 s5, $0x0;
	s5 =	sld [smem:$0x3FAB]  }
0x2b: {  	s6 =	sld [smem:$0x3FAC]  }
0x2c: {  	s7 =	sld [smem:$0x3FAD]  }
0x2d: {  	s3 =	simm.s32 $0x108;
	s8 =	sld [smem:$0x3FAE]  }
0x2e: {  	s3 =	simm.s32 @!p0 $0x1082;
	s9 =	sld [smem:$0x3FAF]  }
0x2f: {  	lr =	sadd.s32 s0, s3;
	s0 =	sld [smem:$0x3FA6]  }
0x30: {  	s3 =	sld [smem:$0x3FA9]  }
0x31: {  	[smem:$0x3FB2] =	sst s10  }
0x32: {  	s10 =	sld [smem:$0x3FB0];
	_ =	sdelay $0x3  }
0x33: {  	p0 =	seq.s32 s10, $0x1;
	s10 =	sld [smem:$0x3FB2];
	_ =	sdelay $0x3  }
0x34: {  	[smem:$0x3FB2] =	sst s10  }
0x35: {  	s10 =	sld [smem:$0x3FB1];
	_ =	sdelay $0x3  }
0x36: {  	p1 =	seq.s32 s10, $0x1;
	s10 =	sld [smem:$0x3FB2];
	_ =	sdelay $0x3  }
0x37: {  	[smem:$0x3FB2] =	sst s10  }
0x38: {  	s10 =	sld [smem:$0x3FB3]  }
0x39: {  	_ = 	snop;
	(pc) =	sbr.ind lr, $3  }
0x3a: {  	_ = 	snop  }
0x3b: {  	_ = 	snop  }
0x3c: {  	p2 =	seq.s32 s10, $0x1;
	s10 =	sld [smem:$0x3FB2]  }
0x3d: {  	_ =	shalt  }
0x3e: {  	_ =	shalt  }
0x3f: {  	_ =	shalt  }
0x40: {  	_ =	shalt  }
0x41: {  	_ =	shalt  }
0x42: {  	_ =	shalt  }
0x43: {  	_ =	shalt  }
0x44: {  	_ =	shalt  }
0x45: {  	_ =	shalt  }
0x46: {  	_ =	shalt  }
0x47: {  	_ =	shalt  }
0x48: {  	_ =	shalt  }
0x49: {  	_ =	shalt  }
0x4a: {  	_ =	shalt  }
0x4b: {  	_ =	shalt  }
0x4c: {  	_ =	shalt  }
0x4d: {  	_ =	shalt  }
0x4e: {  	_ =	shalt  }
0x4f: {  	_ =	shalt  }
0x50: {  	_ =	shalt  }
0x51: {  	_ =	shalt  }
0x52: {  	_ =	shalt  }
0x53: {  	_ =	shalt  }
0x54: {  	_ =	shalt  }
0x55: {  	_ =	shalt  }
0x56: {  	_ =	shalt  }
0x57: {  	_ =	shalt  }
0x58: {  	_ =	shalt  }
0x59: {  	_ =	shalt  }
0x5a: {  	_ =	shalt  }
0x5b: {  	_ =	shalt  }
0x5c: {  	_ =	shalt  }
0x5d: {  	_ =	shalt  }
0x5e: {  	_ =	shalt  }
0x5f: {  	_ =	shalt  }
0x60: {  	_ =	shalt  }
0x61: {  	_ =	shalt  }
0x62: {  	_ =	shalt  }
0x63: {  	_ =	shalt  }
0x64: {  	_ =	shalt  }
0x65: {  	_ =	shalt  }
0x66: {  	_ =	shalt  }
0x67: {  	_ =	shalt  }
0x68: {  	_ =	shalt  }
0x69: {  	_ =	shalt  }
0x6a: {  	_ =	shalt  }
0x6b: {  	_ =	shalt  }
0x6c: {  	_ =	shalt  }
0x6d: {  	_ =	shalt  }
0x6e: {  	_ =	shalt  }
0x6f: {  	_ =	shalt  }
0x70: {  	_ =	shalt  }
0x71: {  	_ =	shalt  }
0x72: {  	_ =	shalt  }
0x73: {  	_ =	shalt  }
0x74: {  	_ =	shalt  }
0x75: {  	_ =	shalt  }
0x76: {  	_ =	shalt  }
0x77: {  	_ =	shalt  }
0x78: {  	_ =	shalt  }
0x79: {  	_ =	shalt  }
0x7a: {  	_ =	shalt  }
0x7b: {  	_ =	shalt  }
0x7c: {  	_ =	shalt  }
0x7d: {  	_ =	shalt  }
0x7e: {  	_ =	shalt  }
0x7f: {  	_ =	shalt  }
0x80: {  	_ =	shalt  }
0x81: {  	_ =	shalt  }
0x82: {  	_ =	shalt  }
0x83: {  	_ =	shalt  }
0x84: {  	_ =	shalt  }
0x85: {  	_ =	shalt  }
0x86: {  	_ =	shalt  }
0x87: {  	_ =	shalt  }
.Lfunc_end0:
.L_simem_size_0:
called_computation_lowered:
.L_overlay_start_0:
0x88: {  	s0 =	sld [smem:$0x3FD9]  }
0x89: {  	s1 =	sld [smem:$0x3FFE];
	_ =	sdelay $0x3  }
0x8a: {  	s0 =	sadd.s32 s1, s0  }
0x8b: {  	[smem:$0x3FBE] =	sst s0  }
0x8c: {  	_ = 	snop  }
0x8d: {  	s0 =	sld [smem:$0x3FD0];
	_ =	sdelay $0x2  }
0x8e: {  	s13 =	simm.s32 $0xA;
	s2 =	simm.s32 $0x10  }
0x8f: {  	[smem:s2], [sflag:s13] =	dma.local [hbm:s0], $0x1  }
0x90: {  	_ =	swait.eq [sflag:s13], $0x1  }
0x91: {  	[sflag:s13] =	ssyncset.done $0x0  }
0x92: {  	[sflag:s13] =	ssyncadd.s32 $0xFFFFFFFF  }
0x93: {  	s14 =	sld [smem:$0x11];
	(tm) =	ssettm $0x1  }
0x94: {  	s15 =	sld [smem:$0x3FFB];
	_ =	sdelay $0x3  }
0x95: {  	_ =	strace s15  }
0x96: {  	s1 =	sld [smem:$0x3FFC];
	_ =	sdelay $0x3  }
0x97: {  	_ =	strace s1  }
0x98: {  	s1 =	sld [smem:$0x3FFD];
	_ =	sdelay $0x3  }
0x99: {  	_ =	strace s1  }
0x9a: {  	_ =	strace $0x8FFFFFFF  }
0x9b: {  	s16 =	sld [smem:$0x3FDB];
	_ =	sdelay $0x1  }
0x9c: {  	s17 =	simm.s32 $_scs_section_size  }
0x9d: {  	s3 =	simm.s32 $_size__tile_overlayer_lowered;
	s4 =	simm.s32 $_tile_overlayer_lowered  }
0x9e: {  	s20 =	simm.s32 $0x1BFF;
	s19 =	sshll.u32 s4, $0x1;
	s1 =	sadd.s32 s17, s16  }
0x9f: {  	s5 =	simm.s32 $0x0;
	s18 =	sshll.u32 s3, $0x1;
	s3 =	sadd.s32 s19, s1  }
0xa0: {  	[timem:s5], [sflag:s20] =	dma.local [hbm:s3], s18  }
0xa1: {  	_ =	swait.ge [sflag:s20], s18  }
0xa2: {  	s2 =	ssub.s32 $0x0, s18;
	[sflag:s20] =	ssyncset.done $0x0  }
0xa3: {  	[sflag:s20] =	ssyncadd.s32 s2;
	_ =	sdelay $0x1  }
0xa4: {  	s21 =	simm.s32 $0x1B8B  }
0xa5: {  	_ =	swait.ge [sflag:s21], $0x1  }
0xa6: {  	[sflag:s21] =	ssyncset.done $0x0  }
0xa7: {  	s23 =	simm.s32 $0x1B8E;
	s22 =	sld [smem:$0x3FFE];
	[sflag:s21] =	ssyncadd.s32 $0xFFFFFFFF  }
0xa8: {  	s24 =	simm.s32 $execute0_lowered;
	[smem:$0x3FD2] =	sst s23  }
0xa9: {  	s3 =	sshll.u32 s24, $0x1;
	_ =	strace $0x80000046;
	[dreg:$0x1] =	wrdreg $0xFFFFFFFF  }
0xaa: {  	s25 =	simm.s32 $_size_execute0_lowered;
	s1 =	sadd.s32 s1, s3;
	[dreg:$0x0] =	wrdreg $0x0  }
0xab: {  	s3 =	sshll.u32 s25, $0x1;
	[dreg:$0x2] =	wrdreg s1  }
0xac: {  	[dreg:$0x3] =	wrdreg s3  }
0xad: {  	[dreg:$0x4] =	wrdreg $0xC0  }
0xae: {  	_ =	task [dreg:s5], $0x5FFFF  }
0xaf: {  	[dreg:$0x1] =	wrdreg $0xFFFFFFFF  }
0xb0: {  	[dreg:$0x0] =	wrdreg $0x60  }
0xb1: {  	[dreg:$0x2] =	wrdreg s22  }
0xb2: {  	[dreg:$0x3] =	wrdreg s14  }
0xb3: {  	[dreg:$0x4] =	wrdreg $0x14000  }
0xb4: {  	[dreg:$0x5] =	wrdreg $0xA000  }
0xb5: {  	[dreg:$0x6] =	wrdreg $0x0  }
0xb6: {  	[dreg:$0x7] =	wrdreg $0x9  }
0xb7: {  	_ =	task.clear_ibuf [dreg:s5], $0x8FFFF;
	_ =	strace $0x90000046  }
0xb8: {  	s26 =	simm.s32 $0x9;
	_ =	strace $0x80000048  }
0xb9: {  	_ =	swait.ge [sflag:s26], $0x1  }
0xba: {  	[sflag:s26] =	ssyncadd.s32 $0xFFFFFFFF  }
0xbb: {  	_ =	strace $0x90000048  }
0xbc: {  	_ =	sfence  }
0xbd: {  	s28 =	sld [smem:$0x0];
	_ =	sdelay $0x1  }
0xbe: {  	s29 =	srdreg.scid  }
0xbf: {  	s30 =	sshll.u32 s29, $0xD;
	s31 =	sshrl.u32 s29, $0x2  }
0xc0: {  	s2 =	sand.u32 $0x4000, s30;
	s1 =	sand.u32 $0x1, s29;
	s0 =	sadd.s32 s31, s28  }
0xc1: {  	s1 =	sor.u32 s2, s1;
	s0 =	sshll.u32 s0, $0x11  }
0xc2: {  	s0 =	sor.u32 s0, s1  }
0xc3: {  	s0 =	sadd.s32 $0x8F2B, s0  }
0xc4: {  	[sflag:s0] =	ssyncadd.remote.s32 $0x1  }
0xc5: {  	_ =	sfence.sel $0xFFFF  }
0xc6: {  	[dreg:$0x0] =	wrdreg $0xFFFFFFFF;
	(pc) =	sbr.abs _section_cstart, $3  }
0xc7: {  	[dreg:$0x1] =	wrdreg $0xFFFFFFFF  }
0xc8: {  	_ =	task.clear_ibuf [dreg:s5], $0x2FFFF;
	_ =	strace $0x9FFFFFFF  }
0xc9: {  	(tm) =	ssettm $0x7FFFFFFF  }
tec
execute0_lowered:
.L_overlay_start_1:
0x0: {  	(tag) =	ssettag $0x1  }
0x1: {  	s4 =	rddreg [dreg:$0x0]  }
0x2: {  	s1 =	rddreg [dreg:$0x1]  }
0x3: {  	s0 =	rddreg [dreg:$0x2]  }
0x4: {  	s5 =	rddreg [dreg:$0x3];
	s3 =	simm.s32 $0x0  }
0x5: {  	[smem:$0x7FF] =	sst s3;
	s2 =	sadd.s32 $0xB200, s4  }
0x6: {  	s29 =	sadd.s32 $0x1400, s4;
	s23 =	sadd.s32 $0x15000, s4;
	s6 =	sadd.s32 $0x16400, s4  }
0x7: {  	s4 =	sadd.s32 $0x17800, s4;
	_ =	strace $0x80000047;
	[dreg:$0x7] =	wrdreg s6  }
0x8: {  	s8 =	stileid.u32;
	v0 =	vimm.f32 $1.000000000e+00;
	[dreg:$0x6] =	wrdreg s4  }
.LBB2_1:
0x9: {  	p0 =	sne.s32 s3, $0x1F00  }
.Ltmp0:
0xa: {  	_ = 	snop;
	(pc) =	sbr.rel @p0 .LBB2_1-.Ltmp0, $3  }
0xb: {  	_ =	sdelay $0x1  }
0xc: {  	s4 =	sshra.s32 s3, $0x2  }
0xd: {  	s3 =	sadd.s32 $0x40, s3;
	[tilespmem:s4+$0x19480] =	vst v0  }
0xe: {  	v0 =	vimm.f32 $0.0e+00;
	s3 =	simm.s32 $0x40;
	s4 =	simm.s32 $0x0  }
.LBB2_3:
0xf: {  	p0 =	sne.s32 s3, $0x27C0;
	[tilespmem:s4+$0x19C80] =	vst v0;
	s4 =	smov.u32 s3;
	s3 =	sadd.s32 $0x40, s3  }
.Ltmp1:
0x10: {  	(pc) =	sbr.rel @p0 .LBB2_3-.Ltmp1, $2  }
0x11: {  	_ =	sdelay $0x2  }
0x12: {  	s4 =	sshra.s32 s4, $0x2  }
0x13: {  	[tilespmem:s4+$0x19C80] =	vst v0;
	s4 =	simm.s32 $0x0;
	s3 =	simm.s32 $0x1C700  }
0x14: {  	[tilespmem:s3], [sflag:$0x7] =	stream.linear.gather [hbm4b:s1+s4], $0x80, $0x38;
	[tilespmem:$0x1C780] =	vst v63  }
0x15: {  	s18 =	smul.u32 $0xA00, s8;
	s1 =	simm.s32 $0x7  }
0x16: {  	_ =	swait.ge [sflag:s1], $0x80  }
0x17: {  	s13 =	sshrl.u32 s18, $0x2;
	[sflag:s1] =	ssyncset.done $0x0  }
0x18: {  	s7 =	simm.s32 $0x19C80;
	s3 =	sadd.s32 s13, s0;
	[sflag:s1] =	ssyncadd.s32 $0xFFFFFF80  }
0x19: {  	[spmem:s3] =	stream.linear.scatter [tilespmem:s7], [sflag:$0x7], $0x280, $0x38;
	[tilespmem:$0x1C780] =	vst v63  }
0x1a: {  	_ =	swait.ge [sflag:s1], $0x280  }
0x1b: {  	[sflag:s1] =	ssyncset.done $0x0  }
0x1c: {  	s6 =	sadd.s32 s18, s5;
	[sflag:s1] =	ssyncadd.s32 $0xFFFFFD80  }
0x1d: {  	[spmem:s6] =	stream.linear.scatter [tilespmem:s7], [sflag:$0x7], $0xA00, $0x38;
	[tilespmem:$0x1C780] =	vst v63  }
0x1e: {  	s14 =	smul.u32 $0x4E20, s8;
	_ =	swait.ge [sflag:s1], $0xA00  }
0x1f: {  	[sflag:s1] =	ssyncset.done $0x0  }
0x20: {  	s19 =	sshrl.u32 s14, $0x3;
	[sflag:s1] =	ssyncadd.s32 $0xFFFFF600  }
0x21: {  	s15 =	simm.s32 $0x17480;
	s16 =	sadd.s32 s2, s19;
	[bflag:$0x0] =	sbarrier.arrive $0xFFFF  }
0x22: {  	[tilespmem:s15], [sflag:$0x7] =	stream.linear.gather [hbm4b:s16+s4], $0x7D0, $0x38;
	[tilespmem:$0x1C780] =	vst v63  }
0x23: {  	_ =	swait.ge [sflag:s1], $0x7D0  }
0x24: {  	[sflag:s1] =	ssyncset.done $0x0  }
0x25: {  	s8 =	simm.s32 $0x19480;
	s7 =	simm.s32 $0x7D0;
	[sflag:s1] =	ssyncadd.s32 $0xFFFFF830  }
0x26: {  	[spmem:s0] =	stream.indirect.scatter.add.f32 [tilespmem:s8], [sflag:$0x7], $0x1, s15, s7, $0xb8;
	[tilespmem:$0x1C780] =	vst v63  }
0x27: {  	_ =	swait.ge [sflag:s1], $0x7D0  }
0x28: {  	s31 =	sadd.s32 $0xFA, s19;
	[sflag:s1] =	ssyncset.done $0x0  }
0x29: {  	s17 =	sadd.s32 s2, s31;
	[sflag:s1] =	ssyncadd.s32 $0xFFFFF830  }
0x2a: {  	[tilespmem:s15], [sflag:$0x7] =	stream.linear.gather [hbm4b:s17+s4], $0x7D0, $0x38;
	[tilespmem:$0x1C780] =	vst v63  }
0x2b: {  	_ =	swait.ge [sflag:s1], $0x7D0  }
0x2c: {  	[sflag:s1] =	ssyncset.done $0x0  }
0x2d: {  	[sflag:s1] =	ssyncadd.s32 $0xFFFFF830  }
0x2e: {  	[spmem:s0] =	stream.indirect.scatter.add.f32 [tilespmem:s8], [sflag:$0x7], $0x1, s15, s7, $0xb8;
	[tilespmem:$0x1C780] =	vst v63  }
0x2f: {  	_ =	swait.ge [sflag:s1], $0x7D0  }
0x30: {  	s20 =	sadd.s32 $0x1F4, s19;
	[sflag:s1] =	ssyncset.done $0x0  }
0x31: {  	s14 =	sadd.s32 s2, s20;
	[sflag:s1] =	ssyncadd.s32 $0xFFFFF830  }
0x32: {  	[tilespmem:s15], [sflag:$0x7] =	stream.linear.gather [hbm4b:s14+s4], $0x7D0, $0x38;
	[tilespmem:$0x1C780] =	vst v63  }
0x33: {  	_ =	swait.ge [sflag:s1], $0x7D0  }
0x34: {  	[sflag:s1] =	ssyncset.done $0x0  }
0x35: {  	[sflag:s1] =	ssyncadd.s32 $0xFFFFF830  }
0x36: {  	[spmem:s0] =	stream.indirect.scatter.add.f32 [tilespmem:s8], [sflag:$0x7], $0x1, s15, s7, $0xb8;
	[tilespmem:$0x1C780] =	vst v63  }
0x37: {  	_ =	swait.ge [sflag:s1], $0x7D0  }
0x38: {  	s21 =	sadd.s32 $0x2EE, s19;
	[sflag:s1] =	ssyncset.done $0x0  }
0x39: {  	s13 =	sadd.s32 s2, s21;
	[sflag:s1] =	ssyncadd.s32 $0xFFFFF830  }
0x3a: {  	[tilespmem:s15], [sflag:$0x7] =	stream.linear.gather [hbm4b:s13+s4], $0x7D0, $0x38;
	[tilespmem:$0x1C780] =	vst v63  }
0x3b: {  	_ =	swait.ge [sflag:s1], $0x7D0  }
0x3c: {  	[sflag:s1] =	ssyncset.done $0x0  }
0x3d: {  	[sflag:s1] =	ssyncadd.s32 $0xFFFFF830  }
0x3e: {  	[spmem:s0] =	stream.indirect.scatter.add.f32 [tilespmem:s8], [sflag:$0x7], $0x1, s15, s7, $0xb8;
	[tilespmem:$0x1C780] =	vst v63  }
0x3f: {  	_ =	swait.ge [sflag:s1], $0x7D0  }
0x40: {  	s22 =	sadd.s32 $0x3E8, s19;
	[sflag:s1] =	ssyncset.done $0x0  }
0x41: {  	s12 =	sadd.s32 s2, s22;
	[sflag:s1] =	ssyncadd.s32 $0xFFFFF830  }
0x42: {  	[tilespmem:s15], [sflag:$0x7] =	stream.linear.gather [hbm4b:s12+s4], $0x7D0, $0x38;
	[tilespmem:$0x1C780] =	vst v63  }
0x43: {  	_ =	swait.ge [sflag:s1], $0x7D0  }
0x44: {  	[sflag:s1] =	ssyncset.done $0x0  }
0x45: {  	[sflag:s1] =	ssyncadd.s32 $0xFFFFF830  }
0x46: {  	[spmem:s0] =	stream.indirect.scatter.add.f32 [tilespmem:s8], [sflag:$0x7], $0x1, s15, s7, $0xb8;
	[tilespmem:$0x1C780] =	vst v63  }
0x47: {  	_ =	swait.ge [sflag:s1], $0x7D0  }
0x48: {  	s24 =	sadd.s32 $0x4E2, s19;
	[sflag:s1] =	ssyncset.done $0x0  }
0x49: {  	s11 =	sadd.s32 s2, s24;
	[sflag:s1] =	ssyncadd.s32 $0xFFFFF830  }
0x4a: {  	[tilespmem:s15], [sflag:$0x7] =	stream.linear.gather [hbm4b:s11+s4], $0x7D0, $0x38;
	[tilespmem:$0x1C780] =	vst v63  }
0x4b: {  	_ =	swait.ge [sflag:s1], $0x7D0  }
0x4c: {  	[sflag:s1] =	ssyncset.done $0x0  }
0x4d: {  	[sflag:s1] =	ssyncadd.s32 $0xFFFFF830  }
0x4e: {  	[spmem:s0] =	stream.indirect.scatter.add.f32 [tilespmem:s8], [sflag:$0x7], $0x1, s15, s7, $0xb8;
	[tilespmem:$0x1C780] =	vst v63  }
0x4f: {  	_ =	swait.ge [sflag:s1], $0x7D0  }
0x50: {  	s25 =	sadd.s32 $0x5DC, s19;
	[sflag:s1] =	ssyncset.done $0x0  }
0x51: {  	s10 =	sadd.s32 s2, s25;
	[sflag:s1] =	ssyncadd.s32 $0xFFFFF830  }
0x52: {  	[tilespmem:s15], [sflag:$0x7] =	stream.linear.gather [hbm4b:s10+s4], $0x7D0, $0x38;
	[tilespmem:$0x1C780] =	vst v63  }
0x53: {  	_ =	swait.ge [sflag:s1], $0x7D0  }
0x54: {  	[sflag:s1] =	ssyncset.done $0x0  }
0x55: {  	[sflag:s1] =	ssyncadd.s32 $0xFFFFF830  }
0x56: {  	[spmem:s0] =	stream.indirect.scatter.add.f32 [tilespmem:s8], [sflag:$0x7], $0x1, s15, s7, $0xb8;
	[tilespmem:$0x1C780] =	vst v63  }
0x57: {  	_ =	swait.ge [sflag:s1], $0x7D0  }
0x58: {  	s26 =	sadd.s32 $0x6D6, s19;
	[sflag:s1] =	ssyncset.done $0x0  }
0x59: {  	s9 =	sadd.s32 s2, s26;
	[sflag:s1] =	ssyncadd.s32 $0xFFFFF830  }
0x5a: {  	[tilespmem:s15], [sflag:$0x7] =	stream.linear.gather [hbm4b:s9+s4], $0x7D0, $0x38;
	[tilespmem:$0x1C780] =	vst v63  }
0x5b: {  	_ =	swait.ge [sflag:s1], $0x7D0  }
0x5c: {  	[sflag:s1] =	ssyncset.done $0x0  }
0x5d: {  	[sflag:s1] =	ssyncadd.s32 $0xFFFFF830  }
0x5e: {  	[spmem:s0] =	stream.indirect.scatter.add.f32 [tilespmem:s8], [sflag:$0x7], $0x1, s15, s7, $0xb8;
	[tilespmem:$0x1C780] =	vst v63  }
0x5f: {  	s28 =	sadd.s32 $0x7D0, s19;
	_ =	swait.ge [sflag:s1], $0x7D0  }
0x60: {  	s30 =	sadd.s32 s2, s28;
	[sflag:s1] =	ssyncset.done $0x0  }
0x61: {  	[dreg:$0xa] =	wrdreg s30;
	[sflag:s1] =	ssyncadd.s32 $0xFFFFF830  }
0x62: {  	[tilespmem:s15], [sflag:$0x7] =	stream.linear.gather [hbm4b:s30+s4], $0x7D0, $0x38;
	[tilespmem:$0x1C780] =	vst v63  }
0x63: {  	_ =	swait.ge [sflag:s1], $0x7D0  }
0x64: {  	[sflag:s1] =	ssyncset.done $0x0  }
0x65: {  	[sflag:s1] =	ssyncadd.s32 $0xFFFFF830  }
0x66: {  	[spmem:s0] =	stream.indirect.scatter.add.f32 [tilespmem:s8], [sflag:$0x7], $0x1, s15, s7, $0xb8;
	[tilespmem:$0x1C780] =	vst v63  }
0x67: {  	s30 =	sadd.s32 $0x8CA, s19;
	_ =	swait.ge [sflag:s1], $0x7D0  }
0x68: {  	s2 =	sadd.s32 s2, s30;
	[sflag:s1] =	ssyncset.done $0x0  }
0x69: {  	[dreg:$0x9] =	wrdreg s2;
	[sflag:s1] =	ssyncadd.s32 $0xFFFFF830  }
0x6a: {  	[tilespmem:s15], [sflag:$0x7] =	stream.linear.gather [hbm4b:s2+s4], $0x7D0, $0x38;
	[tilespmem:$0x1C780] =	vst v63  }
0x6b: {  	_ =	swait.ge [sflag:s1], $0x7D0  }
0x6c: {  	[sflag:s1] =	ssyncset.done $0x0  }
0x6d: {  	[sflag:s1] =	ssyncadd.s32 $0xFFFFF830  }
0x6e: {  	[spmem:s0] =	stream.indirect.scatter.add.f32 [tilespmem:s8], [sflag:$0x7], $0x1, s15, s7, $0xb8;
	[tilespmem:$0x1C780] =	vst v63  }
0x6f: {  	_ =	swait.ge [sflag:s1], $0x7D0  }
0x70: {  	[sflag:s1] =	ssyncset.done $0x0  }
0x71: {  	[sflag:s1] =	ssyncadd.s32 $0xFFFFF830  }
0x72: {  	s15 =	simm.s32 $0x1C480;
	[bflag:$0x0] =	sbarrier.arrive $0xFFFF  }
0x73: {  	[tilespmem:s15], [sflag:$0x7] =	stream.linear.gather [spmem:s3], $0x280, $0x38;
	[tilespmem:$0x1C780] =	vst v63  }
0x74: {  	_ =	swait.ge [sflag:s1], $0x280  }
0x75: {  	[sflag:s1] =	ssyncset.done $0x0  }
0x76: {  	s0 =	simm.s32 $0x0;
	[sflag:s1] =	ssyncadd.s32 $0xFFFFFD80;
	s1 =	simm.s32 $0x40  }
.LBB2_5:
0x77: {  	p0 =	sne.s32 s1, $0x9C0;
	v0 =	vld [tilespmem:s0+$0x1C480];
	_ =	sdelay $0x4  }
0x78: {  	v0 =	vadd.f32 $1.000000000e+00, v0;
	_ =	sdelay $0x1  }
0x79: {  	v1 =	vshra.s32 v0, $0x1;
	v0 =	vmul.f32 $5.000000000e-01, v0  }
0x7a: {  	v1 =	vsub.s32 $0x5F3759DF, v1  }
0x7b: {  	v2 =	vmul.f32 v1, v0;
	_ =	sdelay $0x1  }
0x7c: {  	v2 =	vmul.f32 v1, v2;
	_ =	sdelay $0x1  }
0x7d: {  	v2 =	vsub.f32 $1.500000000e+00, v2;
	_ =	sdelay $0x1  }
0x7e: {  	v1 =	vmul.f32 v1, v2;
	_ =	sdelay $0x1  }
0x7f: {  	v2 =	vmul.f32 v1, v0;
	_ =	sdelay $0x1  }
0x80: {  	v2 =	vmul.f32 v2, v1;
	_ =	sdelay $0x1  }
0x81: {  	v2 =	vsub.f32 $1.500000000e+00, v2;
	_ =	sdelay $0x1  }
0x82: {  	v1 =	vmul.f32 v2, v1;
	_ =	sdelay $0x1  }
0x83: {  	v2 =	vmul.f32 v1, v0;
	_ =	sdelay $0x1  }
0x84: {  	v2 =	vmul.f32 v2, v1;
	_ =	sdelay $0x1  }
0x85: {  	v2 =	vsub.f32 $1.500000000e+00, v2;
	_ =	sdelay $0x1  }
0x86: {  	v1 =	vmul.f32 v2, v1;
	_ =	sdelay $0x1  }
0x87: {  	v0 =	vmul.f32 v1, v0;
	_ =	sdelay $0x1  }
0x88: {  	v0 =	vmul.f32 v0, v1;
	_ =	sdelay $0x1  }
.Ltmp2:
0x89: {  	v0 =	vsub.f32 $1.500000000e+00, v0;
	(pc) =	sbr.rel @p0 .LBB2_5-.Ltmp2, $3  }
0x8a: {  	_ = 	snop  }
0x8b: {  	v0 =	vmul.f32 v0, v1;
	_ =	sdelay $0x1  }
0x8c: {  	[tilespmem:s0+$0x1C480] =	vst v0;
	s0 =	sshra.s32 s1, $0x2;
	s1 =	sadd.s32 $0x40, s1  }
0x8d: {  	v0 =	vld [tilespmem:s0+$0x1C480];
	_ =	sdelay $0x4  }
0x8e: {  	v0 =	vadd.f32 $1.000000000e+00, v0;
	_ =	sdelay $0x1  }
0x8f: {  	v1 =	vshra.s32 v0, $0x1;
	v0 =	vmul.f32 $5.000000000e-01, v0  }
0x90: {  	v1 =	vsub.s32 $0x5F3759DF, v1  }
0x91: {  	v2 =	vmul.f32 v1, v0;
	_ =	sdelay $0x1  }
0x92: {  	v2 =	vmul.f32 v1, v2;
	_ =	sdelay $0x1  }
0x93: {  	v2 =	vsub.f32 $1.500000000e+00, v2;
	_ =	sdelay $0x1  }
0x94: {  	v1 =	vmul.f32 v1, v2;
	_ =	sdelay $0x1  }
0x95: {  	v2 =	vmul.f32 v1, v0;
	_ =	sdelay $0x1  }
0x96: {  	v2 =	vmul.f32 v2, v1;
	_ =	sdelay $0x1  }
0x97: {  	v2 =	vsub.f32 $1.500000000e+00, v2;
	_ =	sdelay $0x1  }
0x98: {  	v1 =	vmul.f32 v2, v1;
	_ =	sdelay $0x1  }
0x99: {  	v2 =	vmul.f32 v1, v0;
	_ =	sdelay $0x1  }
0x9a: {  	v2 =	vmul.f32 v2, v1;
	_ =	sdelay $0x1  }
0x9b: {  	v2 =	vsub.f32 $1.500000000e+00, v2;
	_ =	sdelay $0x1  }
0x9c: {  	v1 =	vmul.f32 v2, v1;
	_ =	sdelay $0x1  }
0x9d: {  	v0 =	vmul.f32 v1, v0;
	_ =	sdelay $0x1  }
0x9e: {  	v0 =	vmul.f32 v0, v1;
	_ =	sdelay $0x1  }
0x9f: {  	v0 =	vsub.f32 $1.500000000e+00, v0;
	_ =	sdelay $0x1  }
0xa0: {  	v1 =	vmul.f32 v0, v1  }
0xa1: {  	s2 =	sshrl.u32 s18, $0x3;
	s1 =	simm.s32 $0x0;
	s15 =	simm.s32 $0x7;
	v0 =	vlaneseq.u32  }
0xa2: {  	[dreg:$0x8] =	wrdreg s2;
	s2 =	sadd.s32 s23, s2;
	[tilespmem:s0+$0x1C480] =	vst v1;
	s0 =	simm.s32 $0x1A680;
	v1 =	vor.u32 s1, v0  }
0xa3: {  	[tilespmem:s0], [sflag:$0x7] =	stream.linear.gather [hbm4b:s2+s1], $0xA00, $0x38;
	v1 =	vshrl.u32 v1, $0x2;
	[tilespmem:$0x1C780] =	vst v63  }
0xa4: {  	_ =	swait.ge [sflag:s15], $0xA00  }
0xa5: {  	[sflag:s15] =	ssyncset.done $0x0  }
0xa6: {  	[sflag:s15] =	ssyncadd.s32 $0xFFFFF600  }
0xa7: {  	s1 =	simm.s32 $0x1C480;
	v2 =	vld [tilespmem:s0+$0x0]  }
0xa8: {  	v1 =	vld.idx.msk [tilespmem:v1+s1+$0x0], $0xffff  }
0xa9: {  	s23 =	simm.s32 $0x10  }
0xaa: {  	v3 =	vor.u32 s23, v0;
	s2 =	simm.s32 $0x20  }
.LBB2_7:
0xab: {  	p0 =	sne.s32 s2, $0x9F0;
	v3 =	vshrl.u32 v3, $0x2;
	_ =	sdelay $0x1  }
0xac: {  	v1 =	vmul.f32 v2, v1;
	_ =	sdelay $0x1  }
.Ltmp3:
0xad: {  	[tilespmem:s0+$0x0] =	vst v1;
	(pc) =	sbr.rel @p0 .LBB2_7-.Ltmp3, $3  }
0xae: {  	s0 =	sadd.s32 $0x10, s0;
	v1 =	vld.idx.msk [tilespmem:v3+s1+$0x0], $0xffff  }
0xaf: {  	v2 =	vld [tilespmem:s0+$0x0];
	_ =	sdelay $0x1  }
0xb0: {  	v3 =	vor.u32 s2, v0;
	s2 =	sadd.s32 $0x10, s2  }
0xb1: {  	v0 =	vshrl.u32 v3, $0x2;
	_ =	sdelay $0x1  }
0xb2: {  	v1 =	vmul.f32 v2, v1;
	_ =	sdelay $0x1  }
0xb3: {  	[tilespmem:s0+$0x0] =	vst v1  }
0xb4: {  	s3 =	sadd.s32 $0x10, s0;
	v0 =	vld.idx.msk [tilespmem:v0+s1+$0x0], $0xffff  }
0xb5: {  	v1 =	vld [tilespmem:s3+$0x0];
	_ =	sdelay $0x4  }
0xb6: {  	v0 =	vmul.f32 v1, v0  }
0xb7: {  	s2 =	rddreg [dreg:$0x4]  }
0xb8: {  	s4 =	simm.s32 $0x1A680;
	s7 =	simm.s32 $0x7;
	s23 =	sadd.s32 s18, s2;
	[tilespmem:s3+$0x0] =	vst v0  }
0xb9: {  	[spmem:s23] =	stream.linear.scatter [tilespmem:s4], [sflag:$0x7], $0xA00, $0x38;
	[tilespmem:$0x1C780] =	vst v63  }
0xba: {  	_ =	swait.ge [sflag:s7], $0xA00  }
0xbb: {  	[sflag:s7] =	ssyncset.done $0x0  }
0xbc: {  	[sflag:s7] =	ssyncadd.s32 $0xFFFFF600  }
0xbd: {  	s0 =	simm.s32 $0x1680;
	[bflag:$0x0] =	sbarrier.arrive $0xFFFF  }
0xbe: {  	[tilespmem:s0], [sflag:$0x7] =	stream.linear.gather [spmem:s2], $0xA000, $0x38;
	[tilespmem:$0x1C780] =	vst v63  }
0xbf: {  	_ =	swait.ge [sflag:s7], $0xA000  }
0xc0: {  	s18 =	sadd.s32 s29, s19;
	[sflag:s7] =	ssyncset.done $0x0  }
0xc1: {  	s3 =	simm.s32 $0x0;
	s2 =	simm.s32 $0x17480;
	[sflag:s7] =	ssyncadd.s32 $0xFFFF6000  }
0xc2: {  	[tilespmem:s2], [sflag:$0x3] =	stream.linear.gather [hbm4b:s18+s3], $0x7D0, $0x38;
	[tilespmem:$0x1C780] =	vst v63  }
0xc3: {  	s1 =	simm.s32 $0x18480  }
0xc4: {  	[tilespmem:s1], [sflag:$0x5] =	stream.linear.gather [hbm4b:s16+s3], $0x7D0, $0x38;
	[tilespmem:$0x1C780] =	vst v63  }
0xc5: {  	s19 =	sadd.s32 s29, s31;
	s4 =	simm.s32 $0x17C80  }
0xc6: {  	[tilespmem:s4], [sflag:$0x4] =	stream.linear.gather [hbm4b:s19+s3], $0x7D0, $0x38;
	[tilespmem:$0x1C780] =	vst v63  }
0xc7: {  	s8 =	simm.s32 $0x18C80;
	s15 =	simm.s32 $0x3  }
0xc8: {  	v0 =	vlaneseq.u32;
	[tilespmem:s8], [sflag:$0x6] =	stream.linear.gather [hbm4b:s17+s3], $0x7D0, $0x38;
	[tilespmem:$0x1C780] =	vst v63  }
0xc9: {  	v1 =	vshrl.u32 v0, $0x2;
	_ =	swait.ge [sflag:s15], $0x7D0  }
0xca: {  	v2 =	vor.u32 s3, v1;
	[sflag:s15] =	ssyncset.done $0x0  }
0xcb: {  	s31 =	simm.s32 $0x5;
	[sflag:s15] =	ssyncadd.s32 $0xFFFFF830  }
0xcc: {  	_ =	swait.ge [sflag:s31], $0x7D0  }
0xcd: {  	[sflag:s31] =	ssyncset.done $0x0  }
0xce: {  	[sflag:s31] =	ssyncadd.s32 $0xFFFFF830  }
0xcf: {  	v3 =	vld.idx.msk [tilespmem:v2+s2+$0x0], $0xffff;
	_ =	sdelay $0x4  }
0xd0: {  	v0 =	vand.u32 $0x3, v0;
	v3 =	vshll.u32 v3, $0x2  }
0xd1: {  	v3 =	vor.u32 v0, v3;
	_ =	sdelay $0x4  }
0xd2: {  	v3 =	vld.idx.msk [tilespmem:v3+s0+$0x0], $0xffff;
	_ =	sdelay $0x3  }
0xd3: {  	s3 =	simm.s32 $0xF580  }
0xd4: {  	[tilespmem:s3+$0x0] =	vst v3  }
0xd5: {  	v2 =	vld.idx.msk [tilespmem:v2+s1+$0x0], $0xffff;
	_ =	sdelay $0x3  }
0xd6: {  	s8 =	simm.s32 $0x4  }
0xd7: {  	v3 =	vshll.u32 v2, $0x2;
	v2 =	vor.u32 s8, v1;
	_ =	sdelay $0x1  }
0xd8: {  	s7 =	simm.s32 $0x8;
	s4 =	simm.s32 $0xB680;
	v3 =	vor.u32 v0, v3  }
.LBB2_9:
0xd9: {  	s3 =	sadd.s32 $0x10, s3  }
0xda: {  	[tilespmem:s4+$0x0] =	vst v3;
	s4 =	sadd.s32 $0x10, s4;
	s8 =	smov.u32 s7;
	s15 =	sadd.s32 $0x4, s7  }
0xdb: {  	p0 =	sne.s32 s7, $0x7CC;
	v3 =	vld.idx.msk [tilespmem:v2+s2+$0x0], $0xffff;
	_ =	sdelay $0x5  }
0xdc: {  	v3 =	vshll.u32 v3, $0x2  }
0xdd: {  	v3 =	vor.u32 v0, v3;
	_ =	sdelay $0x4  }
0xde: {  	v3 =	vld.idx.msk [tilespmem:v3+s0+$0x0], $0xffff;
	_ =	sdelay $0x5  }
0xdf: {  	[tilespmem:s3+$0x0] =	vst v3  }
0xe0: {  	v3 =	vld.idx.msk [tilespmem:v2+s1+$0x0], $0xffff;
	_ =	sdelay $0x2  }
.Ltmp4:
0xe1: {  	(pc) =	sbr.rel @p0 .LBB2_9-.Ltmp4, $3  }
0xe2: {  	v2 =	vor.u32 s8, v1;
	_ =	sdelay $0x1  }
0xe3: {  	v3 =	vshll.u32 v3, $0x2  }
0xe4: {  	s7 =	smov.u32 s15;
	v3 =	vor.u32 v0, v3  }
0xe5: {  	_ =	sdelay $0x2  }
0xe6: {  	[tilespmem:s4+$0x0] =	vst v3  }
0xe7: {  	v1 =	vld.idx.msk [tilespmem:v2+s2+$0x0], $0xffff;
	_ =	sdelay $0x4  }
0xe8: {  	v1 =	vshll.u32 v1, $0x2  }
0xe9: {  	v1 =	vor.u32 v0, v1;
	_ =	sdelay $0x4  }
0xea: {  	v1 =	vld.idx.msk [tilespmem:v1+s0+$0x0], $0xffff;
	_ =	sdelay $0x3  }
0xeb: {  	s15 =	sadd.s32 $0x10, s3  }
0xec: {  	[tilespmem:s15+$0x0] =	vst v1  }
0xed: {  	v1 =	vld.idx.msk [tilespmem:v2+s1+$0x0], $0xffff;
	_ =	sdelay $0x4  }
0xee: {  	v1 =	vshll.u32 v1, $0x2  }
0xef: {  	s31 =	sadd.s32 $0x10, s4;
	v0 =	vor.u32 v0, v1  }
0xf0: {  	s3 =	simm.s32 $0xF580;
	s2 =	simm.s32 $0xB680;
	s1 =	simm.s32 $0x1F40;
	[tilespmem:s31+$0x0] =	vst v0  }
0xf1: {  	[spmem:s5] =	stream.indirect.scatter.add.f32 [tilespmem:s3], [sflag:$0x1], $0x1, s2, s1, $0xb8;
	[tilespmem:$0x1C780] =	vst v63  }
0xf2: {  	s20 =	sadd.s32 s29, s20;
	s4 =	simm.s32 $0x0;
	s7 =	simm.s32 $0x17480  }
0xf3: {  	[tilespmem:s7], [sflag:$0x3] =	stream.linear.gather [hbm4b:s20+s4], $0x7D0, $0x38;
	[tilespmem:$0x1C780] =	vst v63  }
0xf4: {  	s8 =	simm.s32 $0x18480;
	s15 =	simm.s32 $0x4  }
0xf5: {  	v0 =	vlaneseq.u32;
	[tilespmem:s8], [sflag:$0x5] =	stream.linear.gather [hbm4b:s14+s4], $0x7D0, $0x38;
	[tilespmem:$0x1C780] =	vst v63  }
0xf6: {  	v1 =	vshrl.u32 v0, $0x2;
	_ =	swait.ge [sflag:s15], $0x7D0  }
0xf7: {  	v2 =	vor.u32 s4, v1;
	[sflag:s15] =	ssyncset.done $0x0  }
0xf8: {  	s31 =	simm.s32 $0x6;
	[sflag:s15] =	ssyncadd.s32 $0xFFFFF830  }
0xf9: {  	_ =	swait.ge [sflag:s31], $0x7D0  }
0xfa: {  	[sflag:s31] =	ssyncset.done $0x0  }
0xfb: {  	s0 =	simm.s32 $0x17C80;
	[sflag:s31] =	ssyncadd.s32 $0xFFFFF830  }
0xfc: {  	v3 =	vld.idx.msk [tilespmem:v2+s0+$0x0], $0xffff;
	_ =	sdelay $0x4  }
0xfd: {  	v0 =	vand.u32 $0x3, v0;
	v3 =	vshll.u32 v3, $0x2  }
0xfe: {  	v3 =	vor.u32 v0, v3;
	_ =	sdelay $0x3  }
0xff: {  	s1 =	simm.s32 $0x1680  }
0x100: {  	v3 =	vld.idx.msk [tilespmem:v3+s1+$0x0], $0xffff;
	_ =	sdelay $0x3  }
0x101: {  	s3 =	simm.s32 $0x11500  }
0x102: {  	s2 =	simm.s32 $0x18C80;
	[tilespmem:s3+$0x0] =	vst v3  }
0x103: {  	v2 =	vld.idx.msk [tilespmem:v2+s2+$0x0], $0xffff;
	_ =	sdelay $0x3  }
0x104: {  	s8 =	simm.s32 $0x4  }
0x105: {  	v3 =	vshll.u32 v2, $0x2;
	v2 =	vor.u32 s8, v1;
	_ =	sdelay $0x1  }
0x106: {  	s7 =	simm.s32 $0x8;
	s4 =	simm.s32 $0xD600;
	v3 =	vor.u32 v0, v3  }
.LBB2_11:
0x107: {  	s3 =	sadd.s32 $0x10, s3  }
0x108: {  	[tilespmem:s4+$0x0] =	vst v3;
	s4 =	sadd.s32 $0x10, s4;
	s8 =	smov.u32 s7;
	s15 =	sadd.s32 $0x4, s7  }
0x109: {  	p0 =	sne.s32 s7, $0x7CC;
	v3 =	vld.idx.msk [tilespmem:v2+s0+$0x0], $0xffff;
	_ =	sdelay $0x5  }
0x10a: {  	v3 =	vshll.u32 v3, $0x2  }
0x10b: {  	v3 =	vor.u32 v0, v3;
	_ =	sdelay $0x4  }
0x10c: {  	v3 =	vld.idx.msk [tilespmem:v3+s1+$0x0], $0xffff;
	_ =	sdelay $0x5  }
0x10d: {  	[tilespmem:s3+$0x0] =	vst v3  }
0x10e: {  	v3 =	vld.idx.msk [tilespmem:v2+s2+$0x0], $0xffff;
	_ =	sdelay $0x2  }
.Ltmp5:
0x10f: {  	(pc) =	sbr.rel @p0 .LBB2_11-.Ltmp5, $3  }
0x110: {  	v2 =	vor.u32 s8, v1;
	_ =	sdelay $0x1  }
0x111: {  	v3 =	vshll.u32 v3, $0x2  }
0x112: {  	s7 =	smov.u32 s15;
	v3 =	vor.u32 v0, v3  }
0x113: {  	_ =	sdelay $0x2  }
0x114: {  	[tilespmem:s4+$0x0] =	vst v3  }
0x115: {  	v1 =	vld.idx.msk [tilespmem:v2+s0+$0x0], $0xffff;
	_ =	sdelay $0x4  }
0x116: {  	v1 =	vshll.u32 v1, $0x2  }
0x117: {  	v1 =	vor.u32 v0, v1;
	_ =	sdelay $0x4  }
0x118: {  	v1 =	vld.idx.msk [tilespmem:v1+s1+$0x0], $0xffff;
	_ =	sdelay $0x3  }
0x119: {  	s3 =	sadd.s32 $0x10, s3  }
0x11a: {  	[tilespmem:s3+$0x0] =	vst v1  }
0x11b: {  	v1 =	vld.idx.msk [tilespmem:v2+s2+$0x0], $0xffff;
	_ =	sdelay $0x4  }
0x11c: {  	v1 =	vshll.u32 v1, $0x2  }
0x11d: {  	s7 =	sadd.s32 $0x10, s4;
	v0 =	vor.u32 v0, v1  }
0x11e: {  	s8 =	simm.s32 $0x1F40;
	s15 =	simm.s32 $0xD600;
	s31 =	simm.s32 $0x11500;
	[tilespmem:s7+$0x0] =	vst v0  }
0x11f: {  	[spmem:s5] =	stream.indirect.scatter.add.f32 [tilespmem:s31], [sflag:$0x2], $0x1, s15, s8, $0xb8;
	[tilespmem:$0x1C780] =	vst v63  }
0x120: {  	s21 =	sadd.s32 s29, s21;
	s4 =	simm.s32 $0x17C80;
	s3 =	simm.s32 $0x0  }
0x121: {  	[tilespmem:s4], [sflag:$0x4] =	stream.linear.gather [hbm4b:s21+s3], $0x7D0, $0x38;
	[tilespmem:$0x1C780] =	vst v63  }
0x122: {  	s7 =	simm.s32 $0x18C80;
	s8 =	simm.s32 $0x1  }
0x123: {  	[tilespmem:s7], [sflag:$0x6] =	stream.linear.gather [hbm4b:s13+s3], $0x7D0, $0x38;
	[tilespmem:$0x1C780] =	vst v63  }
0x124: {  	_ =	swait.ge [sflag:s8], $0x1F40  }
0x125: {  	[sflag:s8] =	ssyncset.done $0x0  }
0x126: {  	v0 =	vlaneseq.u32;
	s15 =	simm.s32 $0x3;
	[sflag:s8] =	ssyncadd.s32 $0xFFFFE0C0  }
0x127: {  	v1 =	vshrl.u32 v0, $0x2;
	_ =	swait.ge [sflag:s15], $0x7D0  }
0x128: {  	v2 =	vor.u32 s3, v1;
	[sflag:s15] =	ssyncset.done $0x0  }
0x129: {  	s31 =	simm.s32 $0x5;
	[sflag:s15] =	ssyncadd.s32 $0xFFFFF830  }
0x12a: {  	_ =	swait.ge [sflag:s31], $0x7D0  }
0x12b: {  	[sflag:s31] =	ssyncset.done $0x0  }
0x12c: {  	s0 =	simm.s32 $0x17480;
	[sflag:s31] =	ssyncadd.s32 $0xFFFFF830  }
0x12d: {  	v3 =	vld.idx.msk [tilespmem:v2+s0+$0x0], $0xffff;
	_ =	sdelay $0x4  }
0x12e: {  	v0 =	vand.u32 $0x3, v0;
	v3 =	vshll.u32 v3, $0x2  }
0x12f: {  	v3 =	vor.u32 v0, v3;
	_ =	sdelay $0x3  }
0x130: {  	s1 =	simm.s32 $0x1680  }
0x131: {  	v3 =	vld.idx.msk [tilespmem:v3+s1+$0x0], $0xffff;
	_ =	sdelay $0x3  }
0x132: {  	s3 =	simm.s32 $0xF580  }
0x133: {  	s2 =	simm.s32 $0x18480;
	[tilespmem:s3+$0x0] =	vst v3  }
0x134: {  	v2 =	vld.idx.msk [tilespmem:v2+s2+$0x0], $0xffff;
	_ =	sdelay $0x3  }
0x135: {  	s8 =	simm.s32 $0x4  }
0x136: {  	v3 =	vshll.u32 v2, $0x2;
	v2 =	vor.u32 s8, v1;
	_ =	sdelay $0x1  }
0x137: {  	s4 =	simm.s32 $0xB680;
	s7 =	simm.s32 $0x8;
	v3 =	vor.u32 v0, v3  }
.LBB2_13:
0x138: {  	s3 =	sadd.s32 $0x10, s3  }
0x139: {  	[tilespmem:s4+$0x0] =	vst v3;
	s4 =	sadd.s32 $0x10, s4;
	s8 =	smov.u32 s7;
	s15 =	sadd.s32 $0x4, s7  }
0x13a: {  	p0 =	sne.s32 s7, $0x7CC;
	v3 =	vld.idx.msk [tilespmem:v2+s0+$0x0], $0xffff;
	_ =	sdelay $0x5  }
0x13b: {  	v3 =	vshll.u32 v3, $0x2  }
0x13c: {  	v3 =	vor.u32 v0, v3;
	_ =	sdelay $0x4  }
0x13d: {  	v3 =	vld.idx.msk [tilespmem:v3+s1+$0x0], $0xffff;
	_ =	sdelay $0x5  }
0x13e: {  	[tilespmem:s3+$0x0] =	vst v3  }
0x13f: {  	v3 =	vld.idx.msk [tilespmem:v2+s2+$0x0], $0xffff;
	_ =	sdelay $0x2  }
.Ltmp6:
0x140: {  	(pc) =	sbr.rel @p0 .LBB2_13-.Ltmp6, $3  }
0x141: {  	v2 =	vor.u32 s8, v1;
	_ =	sdelay $0x1  }
0x142: {  	v3 =	vshll.u32 v3, $0x2  }
0x143: {  	s7 =	smov.u32 s15;
	v3 =	vor.u32 v0, v3  }
0x144: {  	_ =	sdelay $0x2  }
0x145: {  	[tilespmem:s4+$0x0] =	vst v3  }
0x146: {  	v1 =	vld.idx.msk [tilespmem:v2+s0+$0x0], $0xffff;
	_ =	sdelay $0x4  }
0x147: {  	v1 =	vshll.u32 v1, $0x2  }
0x148: {  	v1 =	vor.u32 v0, v1;
	_ =	sdelay $0x4  }
0x149: {  	v1 =	vld.idx.msk [tilespmem:v1+s1+$0x0], $0xffff;
	_ =	sdelay $0x3  }
0x14a: {  	s3 =	sadd.s32 $0x10, s3  }
0x14b: {  	[tilespmem:s3+$0x0] =	vst v1  }
0x14c: {  	v1 =	vld.idx.msk [tilespmem:v2+s2+$0x0], $0xffff;
	_ =	sdelay $0x4  }
0x14d: {  	v1 =	vshll.u32 v1, $0x2  }
0x14e: {  	s7 =	sadd.s32 $0x10, s4;
	v0 =	vor.u32 v0, v1  }
0x14f: {  	s8 =	simm.s32 $0x1F40;
	s15 =	simm.s32 $0xB680;
	s31 =	simm.s32 $0xF580;
	[tilespmem:s7+$0x0] =	vst v0  }
0x150: {  	[spmem:s5] =	stream.indirect.scatter.add.f32 [tilespmem:s31], [sflag:$0x1], $0x1, s15, s8, $0xb8;
	[tilespmem:$0x1C780] =	vst v63  }
0x151: {  	s22 =	sadd.s32 s29, s22;
	s4 =	simm.s32 $0x17480;
	s3 =	simm.s32 $0x0  }
0x152: {  	[tilespmem:s4], [sflag:$0x3] =	stream.linear.gather [hbm4b:s22+s3], $0x7D0, $0x38;
	[tilespmem:$0x1C780] =	vst v63  }
0x153: {  	s7 =	simm.s32 $0x18480;
	s8 =	simm.s32 $0x2  }
0x154: {  	[tilespmem:s7], [sflag:$0x5] =	stream.linear.gather [hbm4b:s12+s3], $0x7D0, $0x38;
	[tilespmem:$0x1C780] =	vst v63  }
0x155: {  	_ =	swait.ge [sflag:s8], $0x1F40  }
0x156: {  	[sflag:s8] =	ssyncset.done $0x0  }
0x157: {  	v0 =	vlaneseq.u32;
	s15 =	simm.s32 $0x4;
	[sflag:s8] =	ssyncadd.s32 $0xFFFFE0C0  }
0x158: {  	v1 =	vshrl.u32 v0, $0x2;
	_ =	swait.ge [sflag:s15], $0x7D0  }
0x159: {  	v2 =	vor.u32 s3, v1;
	[sflag:s15] =	ssyncset.done $0x0  }
0x15a: {  	s31 =	simm.s32 $0x6;
	[sflag:s15] =	ssyncadd.s32 $0xFFFFF830  }
0x15b: {  	_ =	swait.ge [sflag:s31], $0x7D0  }
0x15c: {  	[sflag:s31] =	ssyncset.done $0x0  }
0x15d: {  	s0 =	simm.s32 $0x17C80;
	[sflag:s31] =	ssyncadd.s32 $0xFFFFF830  }
0x15e: {  	v3 =	vld.idx.msk [tilespmem:v2+s0+$0x0], $0xffff;
	_ =	sdelay $0x4  }
0x15f: {  	v0 =	vand.u32 $0x3, v0;
	v3 =	vshll.u32 v3, $0x2  }
0x160: {  	v3 =	vor.u32 v0, v3;
	_ =	sdelay $0x3  }
0x161: {  	s1 =	simm.s32 $0x1680  }
0x162: {  	v3 =	vld.idx.msk [tilespmem:v3+s1+$0x0], $0xffff;
	_ =	sdelay $0x3  }
0x163: {  	s3 =	simm.s32 $0x11500  }
0x164: {  	s2 =	simm.s32 $0x18C80;
	[tilespmem:s3+$0x0] =	vst v3  }
0x165: {  	v2 =	vld.idx.msk [tilespmem:v2+s2+$0x0], $0xffff;
	_ =	sdelay $0x3  }
0x166: {  	s8 =	simm.s32 $0x4  }
0x167: {  	v3 =	vshll.u32 v2, $0x2;
	v2 =	vor.u32 s8, v1;
	_ =	sdelay $0x1  }
0x168: {  	s4 =	simm.s32 $0xD600;
	s7 =	simm.s32 $0x8;
	v3 =	vor.u32 v0, v3  }
.LBB2_15:
0x169: {  	s3 =	sadd.s32 $0x10, s3  }
0x16a: {  	[tilespmem:s4+$0x0] =	vst v3;
	s4 =	sadd.s32 $0x10, s4;
	s8 =	smov.u32 s7;
	s15 =	sadd.s32 $0x4, s7  }
0x16b: {  	p0 =	sne.s32 s7, $0x7CC;
	v3 =	vld.idx.msk [tilespmem:v2+s0+$0x0], $0xffff;
	_ =	sdelay $0x5  }
0x16c: {  	v3 =	vshll.u32 v3, $0x2  }
0x16d: {  	v3 =	vor.u32 v0, v3;
	_ =	sdelay $0x4  }
0x16e: {  	v3 =	vld.idx.msk [tilespmem:v3+s1+$0x0], $0xffff;
	_ =	sdelay $0x5  }
0x16f: {  	[tilespmem:s3+$0x0] =	vst v3  }
0x170: {  	v3 =	vld.idx.msk [tilespmem:v2+s2+$0x0], $0xffff;
	_ =	sdelay $0x2  }
.Ltmp7:
0x171: {  	(pc) =	sbr.rel @p0 .LBB2_15-.Ltmp7, $3  }
0x172: {  	v2 =	vor.u32 s8, v1;
	_ =	sdelay $0x1  }
0x173: {  	v3 =	vshll.u32 v3, $0x2  }
0x174: {  	s7 =	smov.u32 s15;
	v3 =	vor.u32 v0, v3  }
0x175: {  	_ =	sdelay $0x2  }
0x176: {  	[tilespmem:s4+$0x0] =	vst v3  }
0x177: {  	v1 =	vld.idx.msk [tilespmem:v2+s0+$0x0], $0xffff;
	_ =	sdelay $0x4  }
0x178: {  	v1 =	vshll.u32 v1, $0x2  }
0x179: {  	v1 =	vor.u32 v0, v1;
	_ =	sdelay $0x4  }
0x17a: {  	v1 =	vld.idx.msk [tilespmem:v1+s1+$0x0], $0xffff;
	_ =	sdelay $0x3  }
0x17b: {  	s3 =	sadd.s32 $0x10, s3  }
0x17c: {  	[tilespmem:s3+$0x0] =	vst v1  }
0x17d: {  	v1 =	vld.idx.msk [tilespmem:v2+s2+$0x0], $0xffff;
	_ =	sdelay $0x4  }
0x17e: {  	v1 =	vshll.u32 v1, $0x2  }
0x17f: {  	s7 =	sadd.s32 $0x10, s4;
	v0 =	vor.u32 v0, v1  }
0x180: {  	s8 =	simm.s32 $0x1F40;
	s15 =	simm.s32 $0xD600;
	s31 =	simm.s32 $0x11500;
	[tilespmem:s7+$0x0] =	vst v0  }
0x181: {  	[spmem:s5] =	stream.indirect.scatter.add.f32 [tilespmem:s31], [sflag:$0x2], $0x1, s15, s8, $0xb8;
	[tilespmem:$0x1C780] =	vst v63  }
0x182: {  	s24 =	sadd.s32 s29, s24;
	s4 =	simm.s32 $0x17C80;
	s3 =	simm.s32 $0x0  }
0x183: {  	[tilespmem:s4], [sflag:$0x4] =	stream.linear.gather [hbm4b:s24+s3], $0x7D0, $0x38;
	[tilespmem:$0x1C780] =	vst v63  }
0x184: {  	s7 =	simm.s32 $0x18C80;
	s8 =	simm.s32 $0x1  }
0x185: {  	[tilespmem:s7], [sflag:$0x6] =	stream.linear.gather [hbm4b:s11+s3], $0x7D0, $0x38;
	[tilespmem:$0x1C780] =	vst v63  }
0x186: {  	_ =	swait.ge [sflag:s8], $0x1F40  }
0x187: {  	[sflag:s8] =	ssyncset.done $0x0  }
0x188: {  	v0 =	vlaneseq.u32;
	s15 =	simm.s32 $0x3;
	[sflag:s8] =	ssyncadd.s32 $0xFFFFE0C0  }
0x189: {  	v1 =	vshrl.u32 v0, $0x2;
	_ =	swait.ge [sflag:s15], $0x7D0  }
0x18a: {  	v2 =	vor.u32 s3, v1;
	[sflag:s15] =	ssyncset.done $0x0  }
0x18b: {  	s31 =	simm.s32 $0x5;
	[sflag:s15] =	ssyncadd.s32 $0xFFFFF830  }
0x18c: {  	_ =	swait.ge [sflag:s31], $0x7D0  }
0x18d: {  	[sflag:s31] =	ssyncset.done $0x0  }
0x18e: {  	s0 =	simm.s32 $0x17480;
	[sflag:s31] =	ssyncadd.s32 $0xFFFFF830  }
0x18f: {  	v3 =	vld.idx.msk [tilespmem:v2+s0+$0x0], $0xffff;
	_ =	sdelay $0x4  }
0x190: {  	v0 =	vand.u32 $0x3, v0;
	v3 =	vshll.u32 v3, $0x2  }
0x191: {  	v3 =	vor.u32 v0, v3;
	_ =	sdelay $0x3  }
0x192: {  	s1 =	simm.s32 $0x1680  }
0x193: {  	v3 =	vld.idx.msk [tilespmem:v3+s1+$0x0], $0xffff;
	_ =	sdelay $0x3  }
0x194: {  	s3 =	simm.s32 $0xF580  }
0x195: {  	s2 =	simm.s32 $0x18480;
	[tilespmem:s3+$0x0] =	vst v3  }
0x196: {  	v2 =	vld.idx.msk [tilespmem:v2+s2+$0x0], $0xffff;
	_ =	sdelay $0x3  }
0x197: {  	s8 =	simm.s32 $0x4  }
0x198: {  	v3 =	vshll.u32 v2, $0x2;
	v2 =	vor.u32 s8, v1;
	_ =	sdelay $0x1  }
0x199: {  	s4 =	simm.s32 $0xB680;
	s7 =	simm.s32 $0x8;
	v3 =	vor.u32 v0, v3  }
.LBB2_17:
0x19a: {  	s3 =	sadd.s32 $0x10, s3  }
0x19b: {  	[tilespmem:s4+$0x0] =	vst v3;
	s4 =	sadd.s32 $0x10, s4;
	s8 =	smov.u32 s7;
	s15 =	sadd.s32 $0x4, s7  }
0x19c: {  	p0 =	sne.s32 s7, $0x7CC;
	v3 =	vld.idx.msk [tilespmem:v2+s0+$0x0], $0xffff;
	_ =	sdelay $0x5  }
0x19d: {  	v3 =	vshll.u32 v3, $0x2  }
0x19e: {  	v3 =	vor.u32 v0, v3;
	_ =	sdelay $0x4  }
0x19f: {  	v3 =	vld.idx.msk [tilespmem:v3+s1+$0x0], $0xffff;
	_ =	sdelay $0x5  }
0x1a0: {  	[tilespmem:s3+$0x0] =	vst v3  }
0x1a1: {  	v3 =	vld.idx.msk [tilespmem:v2+s2+$0x0], $0xffff;
	_ =	sdelay $0x2  }
.Ltmp8:
0x1a2: {  	(pc) =	sbr.rel @p0 .LBB2_17-.Ltmp8, $3  }
0x1a3: {  	v2 =	vor.u32 s8, v1;
	_ =	sdelay $0x1  }
0x1a4: {  	v3 =	vshll.u32 v3, $0x2  }
0x1a5: {  	s7 =	smov.u32 s15;
	v3 =	vor.u32 v0, v3  }
0x1a6: {  	_ =	sdelay $0x2  }
0x1a7: {  	[tilespmem:s4+$0x0] =	vst v3  }
0x1a8: {  	v1 =	vld.idx.msk [tilespmem:v2+s0+$0x0], $0xffff;
	_ =	sdelay $0x4  }
0x1a9: {  	v1 =	vshll.u32 v1, $0x2  }
0x1aa: {  	v1 =	vor.u32 v0, v1;
	_ =	sdelay $0x4  }
0x1ab: {  	v1 =	vld.idx.msk [tilespmem:v1+s1+$0x0], $0xffff;
	_ =	sdelay $0x3  }
0x1ac: {  	s3 =	sadd.s32 $0x10, s3  }
0x1ad: {  	[tilespmem:s3+$0x0] =	vst v1  }
0x1ae: {  	v1 =	vld.idx.msk [tilespmem:v2+s2+$0x0], $0xffff;
	_ =	sdelay $0x4  }
0x1af: {  	v1 =	vshll.u32 v1, $0x2  }
0x1b0: {  	s7 =	sadd.s32 $0x10, s4;
	v0 =	vor.u32 v0, v1  }
0x1b1: {  	s8 =	simm.s32 $0x1F40;
	s15 =	simm.s32 $0xB680;
	s31 =	simm.s32 $0xF580;
	[tilespmem:s7+$0x0] =	vst v0  }
0x1b2: {  	[spmem:s5] =	stream.indirect.scatter.add.f32 [tilespmem:s31], [sflag:$0x1], $0x1, s15, s8, $0xb8;
	[tilespmem:$0x1C780] =	vst v63  }
0x1b3: {  	s25 =	sadd.s32 s29, s25;
	s4 =	simm.s32 $0x17480;
	s3 =	simm.s32 $0x0  }
0x1b4: {  	[tilespmem:s4], [sflag:$0x3] =	stream.linear.gather [hbm4b:s25+s3], $0x7D0, $0x38;
	[tilespmem:$0x1C780] =	vst v63  }
0x1b5: {  	s7 =	simm.s32 $0x18480;
	s8 =	simm.s32 $0x2  }
0x1b6: {  	[tilespmem:s7], [sflag:$0x5] =	stream.linear.gather [hbm4b:s10+s3], $0x7D0, $0x38;
	[tilespmem:$0x1C780] =	vst v63  }
0x1b7: {  	_ =	swait.ge [sflag:s8], $0x1F40  }
0x1b8: {  	[sflag:s8] =	ssyncset.done $0x0  }
0x1b9: {  	v0 =	vlaneseq.u32;
	s15 =	simm.s32 $0x4;
	[sflag:s8] =	ssyncadd.s32 $0xFFFFE0C0  }
0x1ba: {  	v1 =	vshrl.u32 v0, $0x2;
	_ =	swait.ge [sflag:s15], $0x7D0  }
0x1bb: {  	v2 =	vor.u32 s3, v1;
	[sflag:s15] =	ssyncset.done $0x0  }
0x1bc: {  	s31 =	simm.s32 $0x6;
	[sflag:s15] =	ssyncadd.s32 $0xFFFFF830  }
0x1bd: {  	_ =	swait.ge [sflag:s31], $0x7D0  }
0x1be: {  	[sflag:s31] =	ssyncset.done $0x0  }
0x1bf: {  	s0 =	simm.s32 $0x17C80;
	[sflag:s31] =	ssyncadd.s32 $0xFFFFF830  }
0x1c0: {  	v3 =	vld.idx.msk [tilespmem:v2+s0+$0x0], $0xffff;
	_ =	sdelay $0x4  }
0x1c1: {  	v0 =	vand.u32 $0x3, v0;
	v3 =	vshll.u32 v3, $0x2  }
0x1c2: {  	v3 =	vor.u32 v0, v3;
	_ =	sdelay $0x3  }
0x1c3: {  	s1 =	simm.s32 $0x1680  }
0x1c4: {  	v3 =	vld.idx.msk [tilespmem:v3+s1+$0x0], $0xffff;
	_ =	sdelay $0x3  }
0x1c5: {  	s3 =	simm.s32 $0x11500  }
0x1c6: {  	s2 =	simm.s32 $0x18C80;
	[tilespmem:s3+$0x0] =	vst v3  }
0x1c7: {  	v2 =	vld.idx.msk [tilespmem:v2+s2+$0x0], $0xffff;
	_ =	sdelay $0x3  }
0x1c8: {  	s8 =	simm.s32 $0x4  }
0x1c9: {  	v3 =	vshll.u32 v2, $0x2;
	v2 =	vor.u32 s8, v1;
	_ =	sdelay $0x1  }
0x1ca: {  	s4 =	simm.s32 $0xD600;
	s7 =	simm.s32 $0x8;
	v3 =	vor.u32 v0, v3  }
.LBB2_19:
0x1cb: {  	s3 =	sadd.s32 $0x10, s3  }
0x1cc: {  	[tilespmem:s4+$0x0] =	vst v3;
	s4 =	sadd.s32 $0x10, s4;
	s8 =	smov.u32 s7;
	s15 =	sadd.s32 $0x4, s7  }
0x1cd: {  	p0 =	sne.s32 s7, $0x7CC;
	v3 =	vld.idx.msk [tilespmem:v2+s0+$0x0], $0xffff;
	_ =	sdelay $0x5  }
0x1ce: {  	v3 =	vshll.u32 v3, $0x2  }
0x1cf: {  	v3 =	vor.u32 v0, v3;
	_ =	sdelay $0x4  }
0x1d0: {  	v3 =	vld.idx.msk [tilespmem:v3+s1+$0x0], $0xffff;
	_ =	sdelay $0x5  }
0x1d1: {  	[tilespmem:s3+$0x0] =	vst v3  }
0x1d2: {  	v3 =	vld.idx.msk [tilespmem:v2+s2+$0x0], $0xffff;
	_ =	sdelay $0x2  }
.Ltmp9:
0x1d3: {  	(pc) =	sbr.rel @p0 .LBB2_19-.Ltmp9, $3  }
0x1d4: {  	v2 =	vor.u32 s8, v1;
	_ =	sdelay $0x1  }
0x1d5: {  	v3 =	vshll.u32 v3, $0x2  }
0x1d6: {  	s7 =	smov.u32 s15;
	v3 =	vor.u32 v0, v3  }
0x1d7: {  	_ =	sdelay $0x2  }
0x1d8: {  	[tilespmem:s4+$0x0] =	vst v3  }
0x1d9: {  	v1 =	vld.idx.msk [tilespmem:v2+s0+$0x0], $0xffff;
	_ =	sdelay $0x4  }
0x1da: {  	v1 =	vshll.u32 v1, $0x2  }
0x1db: {  	v1 =	vor.u32 v0, v1;
	_ =	sdelay $0x4  }
0x1dc: {  	v1 =	vld.idx.msk [tilespmem:v1+s1+$0x0], $0xffff;
	_ =	sdelay $0x3  }
0x1dd: {  	s3 =	sadd.s32 $0x10, s3  }
0x1de: {  	[tilespmem:s3+$0x0] =	vst v1  }
0x1df: {  	v1 =	vld.idx.msk [tilespmem:v2+s2+$0x0], $0xffff;
	_ =	sdelay $0x4  }
0x1e0: {  	v1 =	vshll.u32 v1, $0x2  }
0x1e1: {  	s7 =	sadd.s32 $0x10, s4;
	v0 =	vor.u32 v0, v1  }
0x1e2: {  	s8 =	simm.s32 $0x1F40;
	s15 =	simm.s32 $0xD600;
	s31 =	simm.s32 $0x11500;
	[tilespmem:s7+$0x0] =	vst v0  }
0x1e3: {  	[spmem:s5] =	stream.indirect.scatter.add.f32 [tilespmem:s31], [sflag:$0x2], $0x1, s15, s8, $0xb8;
	[tilespmem:$0x1C780] =	vst v63  }
0x1e4: {  	s26 =	sadd.s32 s29, s26;
	s4 =	simm.s32 $0x17C80;
	s3 =	simm.s32 $0x0  }
0x1e5: {  	[tilespmem:s4], [sflag:$0x4] =	stream.linear.gather [hbm4b:s26+s3], $0x7D0, $0x38;
	[tilespmem:$0x1C780] =	vst v63  }
0x1e6: {  	s7 =	simm.s32 $0x18C80;
	s8 =	simm.s32 $0x1  }
0x1e7: {  	[tilespmem:s7], [sflag:$0x6] =	stream.linear.gather [hbm4b:s9+s3], $0x7D0, $0x38;
	[tilespmem:$0x1C780] =	vst v63  }
0x1e8: {  	_ =	swait.ge [sflag:s8], $0x1F40  }
0x1e9: {  	[sflag:s8] =	ssyncset.done $0x0  }
0x1ea: {  	v0 =	vlaneseq.u32;
	s15 =	simm.s32 $0x3;
	[sflag:s8] =	ssyncadd.s32 $0xFFFFE0C0  }
0x1eb: {  	v1 =	vshrl.u32 v0, $0x2;
	_ =	swait.ge [sflag:s15], $0x7D0  }
0x1ec: {  	v2 =	vor.u32 s3, v1;
	[sflag:s15] =	ssyncset.done $0x0  }
0x1ed: {  	s31 =	simm.s32 $0x5;
	[sflag:s15] =	ssyncadd.s32 $0xFFFFF830  }
0x1ee: {  	_ =	swait.ge [sflag:s31], $0x7D0  }
0x1ef: {  	[sflag:s31] =	ssyncset.done $0x0  }
0x1f0: {  	s0 =	simm.s32 $0x17480;
	[sflag:s31] =	ssyncadd.s32 $0xFFFFF830  }
0x1f1: {  	v3 =	vld.idx.msk [tilespmem:v2+s0+$0x0], $0xffff;
	_ =	sdelay $0x4  }
0x1f2: {  	v0 =	vand.u32 $0x3, v0;
	v3 =	vshll.u32 v3, $0x2  }
0x1f3: {  	v3 =	vor.u32 v0, v3;
	_ =	sdelay $0x3  }
0x1f4: {  	s1 =	simm.s32 $0x1680  }
0x1f5: {  	v3 =	vld.idx.msk [tilespmem:v3+s1+$0x0], $0xffff;
	_ =	sdelay $0x3  }
0x1f6: {  	s3 =	simm.s32 $0xF580  }
0x1f7: {  	s2 =	simm.s32 $0x18480;
	[tilespmem:s3+$0x0] =	vst v3  }
0x1f8: {  	v2 =	vld.idx.msk [tilespmem:v2+s2+$0x0], $0xffff;
	_ =	sdelay $0x3  }
0x1f9: {  	s8 =	simm.s32 $0x4  }
0x1fa: {  	v3 =	vshll.u32 v2, $0x2;
	v2 =	vor.u32 s8, v1;
	_ =	sdelay $0x1  }
0x1fb: {  	s4 =	simm.s32 $0xB680;
	s7 =	simm.s32 $0x8;
	v3 =	vor.u32 v0, v3  }
.LBB2_21:
0x1fc: {  	s3 =	sadd.s32 $0x10, s3  }
0x1fd: {  	[tilespmem:s4+$0x0] =	vst v3;
	s4 =	sadd.s32 $0x10, s4;
	s8 =	smov.u32 s7;
	s15 =	sadd.s32 $0x4, s7  }
0x1fe: {  	p0 =	sne.s32 s7, $0x7CC;
	v3 =	vld.idx.msk [tilespmem:v2+s0+$0x0], $0xffff;
	_ =	sdelay $0x5  }
0x1ff: {  	v3 =	vshll.u32 v3, $0x2  }
0x200: {  	v3 =	vor.u32 v0, v3;
	_ =	sdelay $0x4  }
0x201: {  	v3 =	vld.idx.msk [tilespmem:v3+s1+$0x0], $0xffff;
	_ =	sdelay $0x5  }
0x202: {  	[tilespmem:s3+$0x0] =	vst v3  }
0x203: {  	v3 =	vld.idx.msk [tilespmem:v2+s2+$0x0], $0xffff;
	_ =	sdelay $0x2  }
.Ltmp10:
0x204: {  	(pc) =	sbr.rel @p0 .LBB2_21-.Ltmp10, $3  }
0x205: {  	v2 =	vor.u32 s8, v1;
	_ =	sdelay $0x1  }
0x206: {  	v3 =	vshll.u32 v3, $0x2  }
0x207: {  	s7 =	smov.u32 s15;
	v3 =	vor.u32 v0, v3  }
0x208: {  	_ =	sdelay $0x2  }
0x209: {  	[tilespmem:s4+$0x0] =	vst v3  }
0x20a: {  	v1 =	vld.idx.msk [tilespmem:v2+s0+$0x0], $0xffff;
	_ =	sdelay $0x4  }
0x20b: {  	v1 =	vshll.u32 v1, $0x2  }
0x20c: {  	v1 =	vor.u32 v0, v1;
	_ =	sdelay $0x4  }
0x20d: {  	v1 =	vld.idx.msk [tilespmem:v1+s1+$0x0], $0xffff;
	_ =	sdelay $0x3  }
0x20e: {  	s3 =	sadd.s32 $0x10, s3  }
0x20f: {  	[tilespmem:s3+$0x0] =	vst v1  }
0x210: {  	v1 =	vld.idx.msk [tilespmem:v2+s2+$0x0], $0xffff;
	_ =	sdelay $0x4  }
0x211: {  	v1 =	vshll.u32 v1, $0x2  }
0x212: {  	s4 =	sadd.s32 $0x10, s4;
	v0 =	vor.u32 v0, v1  }
0x213: {  	s7 =	simm.s32 $0x1F40;
	s8 =	simm.s32 $0xB680;
	s15 =	simm.s32 $0xF580;
	[tilespmem:s4+$0x0] =	vst v0  }
0x214: {  	[spmem:s5] =	stream.indirect.scatter.add.f32 [tilespmem:s15], [sflag:$0x1], $0x1, s8, s7, $0xb8;
	[tilespmem:$0x1C780] =	vst v63  }
0x215: {  	s28 =	sadd.s32 s29, s28;
	s31 =	simm.s32 $0x0;
	s3 =	simm.s32 $0x17480  }
0x216: {  	[tilespmem:s3], [sflag:$0x3] =	stream.linear.gather [hbm4b:s28+s31], $0x7D0, $0x38;
	[tilespmem:$0x1C780] =	vst v63  }
0x217: {  	s4 =	simm.s32 $0x18480;
	s7 =	rddreg [dreg:$0xa];
	s8 =	simm.s32 $0x2  }
0x218: {  	[tilespmem:s4], [sflag:$0x5] =	stream.linear.gather [hbm4b:s7+s31], $0x7D0, $0x38;
	[tilespmem:$0x1C780] =	vst v63  }
0x219: {  	_ =	swait.ge [sflag:s8], $0x1F40  }
0x21a: {  	[sflag:s8] =	ssyncset.done $0x0  }
0x21b: {  	v0 =	vlaneseq.u32;
	s15 =	simm.s32 $0x4;
	[sflag:s8] =	ssyncadd.s32 $0xFFFFE0C0  }
0x21c: {  	v1 =	vshrl.u32 v0, $0x2;
	_ =	swait.ge [sflag:s15], $0x7D0  }
0x21d: {  	v2 =	vor.u32 s31, v1;
	[sflag:s15] =	ssyncset.done $0x0  }
0x21e: {  	s31 =	simm.s32 $0x6;
	[sflag:s15] =	ssyncadd.s32 $0xFFFFF830  }
0x21f: {  	_ =	swait.ge [sflag:s31], $0x7D0  }
0x220: {  	[sflag:s31] =	ssyncset.done $0x0  }
0x221: {  	s0 =	simm.s32 $0x17C80;
	[sflag:s31] =	ssyncadd.s32 $0xFFFFF830  }
0x222: {  	v3 =	vld.idx.msk [tilespmem:v2+s0+$0x0], $0xffff;
	_ =	sdelay $0x4  }
0x223: {  	v0 =	vand.u32 $0x3, v0;
	v3 =	vshll.u32 v3, $0x2  }
0x224: {  	v3 =	vor.u32 v0, v3;
	_ =	sdelay $0x3  }
0x225: {  	s1 =	simm.s32 $0x1680  }
0x226: {  	v3 =	vld.idx.msk [tilespmem:v3+s1+$0x0], $0xffff;
	_ =	sdelay $0x3  }
0x227: {  	s3 =	simm.s32 $0x11500  }
0x228: {  	s2 =	simm.s32 $0x18C80;
	[tilespmem:s3+$0x0] =	vst v3  }
0x229: {  	v2 =	vld.idx.msk [tilespmem:v2+s2+$0x0], $0xffff;
	_ =	sdelay $0x3  }
0x22a: {  	s8 =	simm.s32 $0x4  }
0x22b: {  	v3 =	vshll.u32 v2, $0x2;
	v2 =	vor.u32 s8, v1;
	_ =	sdelay $0x1  }
0x22c: {  	s4 =	simm.s32 $0xD600;
	s7 =	simm.s32 $0x8;
	v3 =	vor.u32 v0, v3  }
.LBB2_23:
0x22d: {  	s3 =	sadd.s32 $0x10, s3  }
0x22e: {  	[tilespmem:s4+$0x0] =	vst v3;
	s4 =	sadd.s32 $0x10, s4;
	s8 =	smov.u32 s7;
	s15 =	sadd.s32 $0x4, s7  }
0x22f: {  	p0 =	sne.s32 s7, $0x7CC;
	v3 =	vld.idx.msk [tilespmem:v2+s0+$0x0], $0xffff;
	_ =	sdelay $0x5  }
0x230: {  	v3 =	vshll.u32 v3, $0x2  }
0x231: {  	v3 =	vor.u32 v0, v3;
	_ =	sdelay $0x4  }
0x232: {  	v3 =	vld.idx.msk [tilespmem:v3+s1+$0x0], $0xffff;
	_ =	sdelay $0x5  }
0x233: {  	[tilespmem:s3+$0x0] =	vst v3  }
0x234: {  	v3 =	vld.idx.msk [tilespmem:v2+s2+$0x0], $0xffff;
	_ =	sdelay $0x2  }
.Ltmp11:
0x235: {  	(pc) =	sbr.rel @p0 .LBB2_23-.Ltmp11, $3  }
0x236: {  	v2 =	vor.u32 s8, v1;
	_ =	sdelay $0x1  }
0x237: {  	v3 =	vshll.u32 v3, $0x2  }
0x238: {  	s7 =	smov.u32 s15;
	v3 =	vor.u32 v0, v3  }
0x239: {  	_ =	sdelay $0x2  }
0x23a: {  	[tilespmem:s4+$0x0] =	vst v3  }
0x23b: {  	v1 =	vld.idx.msk [tilespmem:v2+s0+$0x0], $0xffff;
	_ =	sdelay $0x4  }
0x23c: {  	v1 =	vshll.u32 v1, $0x2  }
0x23d: {  	v1 =	vor.u32 v0, v1;
	_ =	sdelay $0x4  }
0x23e: {  	v1 =	vld.idx.msk [tilespmem:v1+s1+$0x0], $0xffff;
	_ =	sdelay $0x3  }
0x23f: {  	s3 =	sadd.s32 $0x10, s3  }
0x240: {  	[tilespmem:s3+$0x0] =	vst v1  }
0x241: {  	v1 =	vld.idx.msk [tilespmem:v2+s2+$0x0], $0xffff;
	_ =	sdelay $0x4  }
0x242: {  	v1 =	vshll.u32 v1, $0x2  }
0x243: {  	s7 =	sadd.s32 $0x10, s4;
	v0 =	vor.u32 v0, v1  }
0x244: {  	s8 =	simm.s32 $0x1F40;
	s15 =	simm.s32 $0xD600;
	s31 =	simm.s32 $0x11500;
	[tilespmem:s7+$0x0] =	vst v0  }
0x245: {  	[spmem:s5] =	stream.indirect.scatter.add.f32 [tilespmem:s31], [sflag:$0x2], $0x1, s15, s8, $0xb8;
	[tilespmem:$0x1C780] =	vst v63  }
0x246: {  	s29 =	sadd.s32 s29, s30;
	s4 =	simm.s32 $0x17C80;
	s3 =	simm.s32 $0x0  }
0x247: {  	[tilespmem:s4], [sflag:$0x4] =	stream.linear.gather [hbm4b:s29+s3], $0x7D0, $0x38;
	[tilespmem:$0x1C780] =	vst v63  }
0x248: {  	s7 =	simm.s32 $0x18C80;
	s8 =	rddreg [dreg:$0x9];
	s15 =	simm.s32 $0x1  }
0x249: {  	[tilespmem:s7], [sflag:$0x6] =	stream.linear.gather [hbm4b:s8+s3], $0x7D0, $0x38;
	[tilespmem:$0x1C780] =	vst v63  }
0x24a: {  	_ =	swait.ge [sflag:s15], $0x1F40  }
0x24b: {  	[sflag:s15] =	ssyncset.done $0x0  }
0x24c: {  	s30 =	simm.s32 $0x3;
	v0 =	vlaneseq.u32;
	[sflag:s15] =	ssyncadd.s32 $0xFFFFE0C0  }
0x24d: {  	v1 =	vshrl.u32 v0, $0x2;
	_ =	swait.ge [sflag:s30], $0x7D0  }
0x24e: {  	v2 =	vor.u32 s3, v1;
	[sflag:s30] =	ssyncset.done $0x0  }
0x24f: {  	s31 =	simm.s32 $0x5;
	[sflag:s30] =	ssyncadd.s32 $0xFFFFF830  }
0x250: {  	_ =	swait.ge [sflag:s31], $0x7D0  }
0x251: {  	[sflag:s31] =	ssyncset.done $0x0  }
0x252: {  	s0 =	simm.s32 $0x17480;
	[sflag:s31] =	ssyncadd.s32 $0xFFFFF830  }
0x253: {  	v3 =	vld.idx.msk [tilespmem:v2+s0+$0x0], $0xffff;
	_ =	sdelay $0x4  }
0x254: {  	v0 =	vand.u32 $0x3, v0;
	v3 =	vshll.u32 v3, $0x2  }
0x255: {  	v3 =	vor.u32 v0, v3;
	_ =	sdelay $0x3  }
0x256: {  	s1 =	simm.s32 $0x1680  }
0x257: {  	v3 =	vld.idx.msk [tilespmem:v3+s1+$0x0], $0xffff;
	_ =	sdelay $0x3  }
0x258: {  	s3 =	simm.s32 $0xF580  }
0x259: {  	s2 =	simm.s32 $0x18480;
	[tilespmem:s3+$0x0] =	vst v3  }
0x25a: {  	v2 =	vld.idx.msk [tilespmem:v2+s2+$0x0], $0xffff;
	_ =	sdelay $0x3  }
0x25b: {  	s8 =	simm.s32 $0x4  }
0x25c: {  	v3 =	vshll.u32 v2, $0x2;
	v2 =	vor.u32 s8, v1;
	_ =	sdelay $0x1  }
0x25d: {  	s4 =	simm.s32 $0xB680;
	s7 =	simm.s32 $0x8;
	v3 =	vor.u32 v0, v3  }
.LBB2_25:
0x25e: {  	s3 =	sadd.s32 $0x10, s3  }
0x25f: {  	[tilespmem:s4+$0x0] =	vst v3;
	s4 =	sadd.s32 $0x10, s4;
	s8 =	smov.u32 s7;
	s15 =	sadd.s32 $0x4, s7  }
0x260: {  	p0 =	sne.s32 s7, $0x7CC;
	v3 =	vld.idx.msk [tilespmem:v2+s0+$0x0], $0xffff;
	_ =	sdelay $0x5  }
0x261: {  	v3 =	vshll.u32 v3, $0x2  }
0x262: {  	v3 =	vor.u32 v0, v3;
	_ =	sdelay $0x4  }
0x263: {  	v3 =	vld.idx.msk [tilespmem:v3+s1+$0x0], $0xffff;
	_ =	sdelay $0x5  }
0x264: {  	[tilespmem:s3+$0x0] =	vst v3  }
0x265: {  	v3 =	vld.idx.msk [tilespmem:v2+s2+$0x0], $0xffff;
	_ =	sdelay $0x2  }
.Ltmp12:
0x266: {  	(pc) =	sbr.rel @p0 .LBB2_25-.Ltmp12, $3  }
0x267: {  	v2 =	vor.u32 s8, v1;
	_ =	sdelay $0x1  }
0x268: {  	v3 =	vshll.u32 v3, $0x2  }
0x269: {  	s7 =	smov.u32 s15;
	v3 =	vor.u32 v0, v3  }
0x26a: {  	_ =	sdelay $0x2  }
0x26b: {  	[tilespmem:s4+$0x0] =	vst v3  }
0x26c: {  	v1 =	vld.idx.msk [tilespmem:v2+s0+$0x0], $0xffff;
	_ =	sdelay $0x4  }
0x26d: {  	v1 =	vshll.u32 v1, $0x2  }
0x26e: {  	v1 =	vor.u32 v0, v1;
	_ =	sdelay $0x4  }
0x26f: {  	v1 =	vld.idx.msk [tilespmem:v1+s1+$0x0], $0xffff;
	_ =	sdelay $0x3  }
0x270: {  	s1 =	sadd.s32 $0x10, s3  }
0x271: {  	[tilespmem:s1+$0x0] =	vst v1  }
0x272: {  	v1 =	vld.idx.msk [tilespmem:v2+s2+$0x0], $0xffff;
	_ =	sdelay $0x4  }
0x273: {  	v1 =	vshll.u32 v1, $0x2  }
0x274: {  	s7 =	simm.s32 $0xF580;
	s2 =	sadd.s32 $0x10, s4;
	v0 =	vor.u32 v0, v1  }
0x275: {  	s8 =	simm.s32 $0x2;
	s3 =	simm.s32 $0x1F40;
	s4 =	simm.s32 $0xB680;
	[tilespmem:s2+$0x0] =	vst v0  }
0x276: {  	[spmem:s5] =	stream.indirect.scatter.add.f32 [tilespmem:s7], [sflag:$0x1], $0x1, s4, s3, $0xb8;
	[tilespmem:$0x1C780] =	vst v63  }
0x277: {  	_ =	swait.ge [sflag:s8], $0x1F40  }
0x278: {  	[sflag:s8] =	ssyncset.done $0x0  }
0x279: {  	s15 =	simm.s32 $0x4;
	v0 =	vlaneseq.u32;
	[sflag:s8] =	ssyncadd.s32 $0xFFFFE0C0  }
0x27a: {  	s30 =	simm.s32 $0x0;
	v1 =	vshrl.u32 v0, $0x2;
	_ =	swait.ge [sflag:s15], $0x7D0  }
0x27b: {  	v2 =	vor.u32 s30, v1;
	[sflag:s15] =	ssyncset.done $0x0  }
0x27c: {  	s31 =	simm.s32 $0x6;
	[sflag:s15] =	ssyncadd.s32 $0xFFFFF830  }
0x27d: {  	_ =	swait.ge [sflag:s31], $0x7D0  }
0x27e: {  	[sflag:s31] =	ssyncset.done $0x0  }
0x27f: {  	s0 =	simm.s32 $0x17C80;
	[sflag:s31] =	ssyncadd.s32 $0xFFFFF830  }
0x280: {  	v3 =	vld.idx.msk [tilespmem:v2+s0+$0x0], $0xffff;
	_ =	sdelay $0x4  }
0x281: {  	v0 =	vand.u32 $0x3, v0;
	v3 =	vshll.u32 v3, $0x2  }
0x282: {  	v3 =	vor.u32 v0, v3;
	_ =	sdelay $0x3  }
0x283: {  	s1 =	simm.s32 $0x1680  }
0x284: {  	v3 =	vld.idx.msk [tilespmem:v3+s1+$0x0], $0xffff;
	_ =	sdelay $0x3  }
0x285: {  	s3 =	simm.s32 $0x11500  }
0x286: {  	s2 =	simm.s32 $0x18C80;
	[tilespmem:s3+$0x0] =	vst v3  }
0x287: {  	v2 =	vld.idx.msk [tilespmem:v2+s2+$0x0], $0xffff;
	_ =	sdelay $0x3  }
0x288: {  	s8 =	simm.s32 $0x4  }
0x289: {  	v3 =	vshll.u32 v2, $0x2;
	v2 =	vor.u32 s8, v1;
	_ =	sdelay $0x1  }
0x28a: {  	s4 =	simm.s32 $0xD600;
	s7 =	simm.s32 $0x8;
	v3 =	vor.u32 v0, v3  }
.LBB2_27:
0x28b: {  	s3 =	sadd.s32 $0x10, s3  }
0x28c: {  	[tilespmem:s4+$0x0] =	vst v3;
	s4 =	sadd.s32 $0x10, s4;
	s8 =	smov.u32 s7;
	s15 =	sadd.s32 $0x4, s7  }
0x28d: {  	p0 =	sne.s32 s7, $0x7CC;
	v3 =	vld.idx.msk [tilespmem:v2+s0+$0x0], $0xffff;
	_ =	sdelay $0x5  }
0x28e: {  	v3 =	vshll.u32 v3, $0x2  }
0x28f: {  	v3 =	vor.u32 v0, v3;
	_ =	sdelay $0x4  }
0x290: {  	v3 =	vld.idx.msk [tilespmem:v3+s1+$0x0], $0xffff;
	_ =	sdelay $0x5  }
0x291: {  	[tilespmem:s3+$0x0] =	vst v3  }
0x292: {  	v3 =	vld.idx.msk [tilespmem:v2+s2+$0x0], $0xffff;
	_ =	sdelay $0x2  }
.Ltmp13:
0x293: {  	(pc) =	sbr.rel @p0 .LBB2_27-.Ltmp13, $3  }
0x294: {  	v2 =	vor.u32 s8, v1;
	_ =	sdelay $0x1  }
0x295: {  	v3 =	vshll.u32 v3, $0x2  }
0x296: {  	s7 =	smov.u32 s15;
	v3 =	vor.u32 v0, v3  }
0x297: {  	_ =	sdelay $0x2  }
0x298: {  	[tilespmem:s4+$0x0] =	vst v3  }
0x299: {  	v1 =	vld.idx.msk [tilespmem:v2+s0+$0x0], $0xffff;
	_ =	sdelay $0x4  }
0x29a: {  	v1 =	vshll.u32 v1, $0x2  }
0x29b: {  	v1 =	vor.u32 v0, v1;
	_ =	sdelay $0x4  }
0x29c: {  	v1 =	vld.idx.msk [tilespmem:v1+s1+$0x0], $0xffff;
	_ =	sdelay $0x3  }
0x29d: {  	s8 =	sadd.s32 $0x10, s3  }
0x29e: {  	[tilespmem:s8+$0x0] =	vst v1  }
0x29f: {  	v1 =	vld.idx.msk [tilespmem:v2+s2+$0x0], $0xffff;
	_ =	sdelay $0x4  }
0x2a0: {  	v1 =	vshll.u32 v1, $0x2  }
0x2a1: {  	s15 =	sadd.s32 $0x10, s4;
	s3 =	simm.s32 $0x11500;
	v0 =	vor.u32 v0, v1  }
0x2a2: {  	s4 =	simm.s32 $0x1;
	s1 =	simm.s32 $0x1F40;
	s2 =	simm.s32 $0xD600;
	[tilespmem:s15+$0x0] =	vst v0  }
0x2a3: {  	[spmem:s5] =	stream.indirect.scatter.add.f32 [tilespmem:s3], [sflag:$0x2], $0x1, s2, s1, $0xb8;
	[tilespmem:$0x1C780] =	vst v63  }
0x2a4: {  	_ =	swait.ge [sflag:s4], $0x1F40  }
0x2a5: {  	[sflag:s4] =	ssyncset.done $0x0  }
0x2a6: {  	s7 =	simm.s32 $0x2;
	[sflag:s4] =	ssyncadd.s32 $0xFFFFE0C0  }
0x2a7: {  	_ =	swait.ge [sflag:s7], $0x1F40  }
0x2a8: {  	[sflag:s7] =	ssyncset.done $0x0  }
0x2a9: {  	s8 =	simm.s32 $0x1B080;
	[sflag:s7] =	ssyncadd.s32 $0xFFFFE0C0  }
0x2aa: {  	s15 =	simm.s32 $0x7;
	s2 =	simm.s32 $0x0;
	[bflag:$0x0] =	sbarrier.arrive $0xFFFF  }
0x2ab: {  	v1 =	vlaneseq.u32;
	[tilespmem:s8], [sflag:$0x7] =	stream.linear.gather [spmem:s6], $0xA00, $0x38;
	[tilespmem:$0x1C780] =	vst v63  }
0x2ac: {  	v0 =	vor.u32 s2, v1;
	_ =	swait.ge [sflag:s15], $0xA00  }
0x2ad: {  	v2 =	vshrl.u32 v0, $0x2;
	[sflag:s15] =	ssyncset.done $0x0  }
0x2ae: {  	v0 =	vand.u32 $0x3, v1;
	[sflag:s15] =	ssyncadd.s32 $0xFFFFF600  }
0x2af: {  	s30 =	simm.s32 $0x1A680;
	v0 =	vor.u32 $0x30, v0;
	v3 =	vld [tilespmem:s8+$0x0]  }
0x2b0: {  	v4 =	vld [tilespmem:s30+$0x0]  }
0x2b1: {  	s1 =	simm.s32 $0x1C480  }
0x2b2: {  	v2 =	vld.idx.msk [tilespmem:v2+s1+$0x0], $0xffff  }
0x2b3: {  	s3 =	simm.s32 $0x1C700  }
0x2b4: {  	v5 =	vld.idx.msk [tilespmem:v0+s3+$0x0], $0xffff  }
0x2b5: {  	v3 =	vadd.f32 v4, v3;
	_ =	sdelay $0x1  }
0x2b6: {  	v2 =	vmul.f32 v3, v2;
	_ =	sdelay $0x1  }
0x2b7: {  	v2 =	vadd.f32 v2, v5;
	_ =	sdelay $0x1  }
0x2b8: {  	v2 =	vadd.f32 v2, v2;
	_ =	sdelay $0x1  }
0x2b9: {  	v2 =	vmul.f32 $1.442695020e+00, v2;
	_ =	sdelay $0x1  }
0x2ba: {  	(erf) = vpow2.f32 v2;
	_ =	sdelay $0x8  }
0x2bb: {  	v2 =	vpop (erf)  }
0x2bc: {  	v2 =	vadd.f32 $1.000000000e+00, v2;
	_ =	sdelay $0x1  }
0x2bd: {  	(erf) = vrcp.f32 v2;
	_ =	sdelay $0x8  }
0x2be: {  	v2 =	vpop (erf)  }
0x2bf: {  	v2 =	vadd.f32 v2, v2  }
0x2c0: {  	s0 =	simm.s32 $0x10  }
0x2c1: {  	v3 =	vor.u32 s0, v1;
	v2 =	vsub.f32 $1.000000000e+00, v2  }
0x2c2: {  	s15 =	simm.s32 $0x1BA80;
	v3 =	vshrl.u32 v3, $0x2  }
0x2c3: {  	s4 =	simm.s32 $0x1B090;
	[tilespmem:s15+$0x0] =	vst v2  }
0x2c4: {  	s7 =	simm.s32 $0x1A690;
	v2 =	vld [tilespmem:s4+$0x0]  }
0x2c5: {  	v4 =	vld [tilespmem:s7+$0x0];
	_ =	sdelay $0x1  }
0x2c6: {  	v3 =	vld.idx.msk [tilespmem:v3+s1+$0x0], $0xffff;
	_ =	sdelay $0x1  }
0x2c7: {  	v5 =	vld.idx.msk [tilespmem:v0+s3+$0x0], $0xffff  }
0x2c8: {  	v2 =	vadd.f32 v4, v2;
	_ =	sdelay $0x1  }
0x2c9: {  	v2 =	vmul.f32 v2, v3;
	_ =	sdelay $0x1  }
0x2ca: {  	v2 =	vadd.f32 v2, v5;
	_ =	sdelay $0x1  }
0x2cb: {  	v2 =	vadd.f32 v2, v2;
	_ =	sdelay $0x1  }
0x2cc: {  	v2 =	vmul.f32 $1.442695020e+00, v2;
	_ =	sdelay $0x1  }
0x2cd: {  	(erf) = vpow2.f32 v2;
	_ =	sdelay $0x8  }
0x2ce: {  	v2 =	vpop (erf)  }
0x2cf: {  	v2 =	vadd.f32 $1.000000000e+00, v2;
	_ =	sdelay $0x1  }
0x2d0: {  	(erf) = vrcp.f32 v2;
	_ =	sdelay $0x8  }
0x2d1: {  	v2 =	vpop (erf)  }
0x2d2: {  	s31 =	simm.s32 $0x20;
	v2 =	vadd.f32 v2, v2  }
0x2d3: {  	s8 =	simm.s32 $0x30;
	v3 =	vor.u32 s31, v1  }
.LBB2_29:
0x2d4: {  	p0 =	sne.s32 s8, $0x9F0;
	v3 =	vshrl.u32 v3, $0x2;
	v2 =	vsub.f32 $1.000000000e+00, v2  }
0x2d5: {  	s15 =	sadd.s32 $0x10, s15  }
0x2d6: {  	s4 =	sadd.s32 $0x10, s4;
	[tilespmem:s15+$0x0] =	vst v2  }
0x2d7: {  	s7 =	sadd.s32 $0x10, s7;
	v2 =	vld [tilespmem:s4+$0x0]  }
0x2d8: {  	v4 =	vld [tilespmem:s7+$0x0]  }
0x2d9: {  	v3 =	vld.idx.msk [tilespmem:v3+s1+$0x0], $0xffff;
	_ =	sdelay $0x1  }
0x2da: {  	v5 =	vld.idx.msk [tilespmem:v0+s3+$0x0], $0xffff;
	_ =	sdelay $0x1  }
0x2db: {  	v2 =	vadd.f32 v4, v2;
	_ =	sdelay $0x1  }
0x2dc: {  	v2 =	vmul.f32 v2, v3;
	_ =	sdelay $0x1  }
0x2dd: {  	v2 =	vadd.f32 v2, v5;
	_ =	sdelay $0x1  }
0x2de: {  	v2 =	vadd.f32 v2, v2;
	_ =	sdelay $0x1  }
0x2df: {  	v2 =	vmul.f32 $1.442695020e+00, v2;
	_ =	sdelay $0x1  }
0x2e0: {  	(erf) = vpow2.f32 v2;
	_ =	sdelay $0x8  }
0x2e1: {  	v2 =	vpop (erf)  }
0x2e2: {  	v2 =	vadd.f32 $1.000000000e+00, v2;
	_ =	sdelay $0x1  }
0x2e3: {  	(erf) = vrcp.f32 v2;
	_ =	sdelay $0x6  }
.Ltmp14:
0x2e4: {  	(pc) =	sbr.rel @p0 .LBB2_29-.Ltmp14, $4  }
0x2e5: {  	_ = 	snop  }
0x2e6: {  	v2 =	vpop (erf)  }
0x2e7: {  	v2 =	vadd.f32 v2, v2  }
0x2e8: {  	v3 =	vor.u32 s8, v1;
	s8 =	sadd.s32 $0x10, s8  }
0x2e9: {  	v1 =	vsub.f32 $1.000000000e+00, v2  }
0x2ea: {  	v2 =	vshrl.u32 v3, $0x2;
	s8 =	sadd.s32 $0x10, s15  }
0x2eb: {  	s4 =	sadd.s32 $0x10, s4;
	[tilespmem:s8+$0x0] =	vst v1  }
0x2ec: {  	s7 =	sadd.s32 $0x10, s7;
	v1 =	vld [tilespmem:s4+$0x0]  }
0x2ed: {  	v3 =	vld [tilespmem:s7+$0x0];
	_ =	sdelay $0x1  }
0x2ee: {  	v2 =	vld.idx.msk [tilespmem:v2+s1+$0x0], $0xffff;
	_ =	sdelay $0x1  }
0x2ef: {  	v0 =	vld.idx.msk [tilespmem:v0+s3+$0x0], $0xffff  }
0x2f0: {  	v1 =	vadd.f32 v3, v1;
	_ =	sdelay $0x1  }
0x2f1: {  	v1 =	vmul.f32 v1, v2;
	_ =	sdelay $0x1  }
0x2f2: {  	v0 =	vadd.f32 v1, v0;
	_ =	sdelay $0x1  }
0x2f3: {  	v0 =	vadd.f32 v0, v0;
	_ =	sdelay $0x1  }
0x2f4: {  	v0 =	vmul.f32 $1.442695020e+00, v0;
	_ =	sdelay $0x1  }
0x2f5: {  	(erf) = vpow2.f32 v0;
	_ =	sdelay $0x8  }
0x2f6: {  	v0 =	vpop (erf)  }
0x2f7: {  	v0 =	vadd.f32 $1.000000000e+00, v0;
	_ =	sdelay $0x1  }
0x2f8: {  	(erf) = vrcp.f32 v0;
	_ =	sdelay $0x5  }
0x2f9: {  	v2 =	vimm.s32 $0x76763232  }
0x2fa: {  	v2 =	vunpack.c.l.s4.s8 v2;
	v1 =	vlaneseq.u32;
	v0 =	vimm.s32 $0xFEFEBABA  }
0x2fb: {  	v4 =	vshrl.u32 v1, $0x1;
	v0 =	vunpack.c.l.s4.s8 v0  }
0x2fc: {  	v2 =	vunpack.c.0.s8.s32 v2;
	v4 =	vmul.u32 $0x2, v4;
	v3 =	vpop (erf)  }
0x2fd: {  	v8 =	vor.u32 s2, v1;
	v5 =	vunpack.c.0.s8.s32 v0;
	v3 =	vadd.f32 v3, v3  }
0x2fe: {  	v9 =	vand.u32 $0x7C, v8;
	v4 =	vor.u32 $0x1, v4  }
0x2ff: {  	v2 =	vcombine.low v2, v5;
	v6 =	vsub.f32 $1.000000000e+00, v3;
	v3 =	vmov s2  }
0x300: {  	v0 =	vand.u32 $0x3, v1;
	v5 =	vor.u32 s2, v4;
	v7 =	vand.u32 $0xF80, v3  }
0x301: {  	v3 =	vand.u32 $0xF, v2;
	v2 =	vand.u32 $0x7D, v5;
	v9 =	vor.u32 v7, v9  }
0x302: {  	v5 =	vshrl.u32 v1, $0x2;
	v10 =	vor.u32 v7, v2;
	v11 =	vor.u32 s2, v3  }
0x303: {  	s15 =	sadd.s32 $0x10, s8;
	v2 =	vor.u32 $0x4, v0;
	v12 =	vmul.u32 $0x4, v5;
	v5 =	vand.u32 $0x7E, v11  }
0x304: {  	s3 =	simm.s32 $0x1C700;
	[tilespmem:s15+$0x0] =	vst v6;
	v11 =	vor.u32 v7, v5  }
0x305: {  	s1 =	simm.s32 $0x1BA80;
	v5 =	vor.u32 $0x8, v0;
	v7 =	vor.u32 $0x3, v12;
	v12 =	vld.idx.msk [tilespmem:v0+s3+$0x0], $0xffff  }
0x306: {  	v13 =	vor.u32 s2, v7;
	v9 =	vld.idx.msk [tilespmem:v9+s1+$0x0], $0xffff  }
0x307: {  	v6 =	vor.u32 $0xC, v1;
	v10 =	vld.idx.msk [tilespmem:v10+s1+$0x0], $0xffff  }
0x308: {  	v14 =	vld.idx.msk [tilespmem:v2+s3+$0x0], $0xffff  }
0x309: {  	v11 =	vld.idx.msk [tilespmem:v11+s1+$0x0], $0xffff  }
0x30a: {  	v15 =	vld.idx.msk [tilespmem:v5+s3+$0x0], $0xffff  }
0x30b: {  	v8 =	vshrl.u32 v8, $0x2;
	v13 =	vld.idx.msk [tilespmem:v13+s1+$0x0], $0xffff;
	v9 =	vmul.f32 v12, v9  }
0x30c: {  	v12 =	vld.idx.msk [tilespmem:v6+s3+$0x0], $0xffff  }
0x30d: {  	v10 =	vmul.f32 v14, v10;
	v9 =	vadd.f32 $0.0e+00, v9;
	_ =	sdelay $0x1  }
0x30e: {  	s2 =	simm.s32 $0x1C480;
	v9 =	vadd.f32 v10, v9;
	v10 =	vmul.f32 v15, v11  }
0x30f: {  	v8 =	vld.idx.msk [tilespmem:v8+s2+$0x0], $0xffff  }
0x310: {  	v11 =	vmov s0;
	v9 =	vadd.f32 v10, v9;
	v10 =	vmul.f32 v12, v13  }
0x311: {  	v11 =	vand.u32 $0xF80, v11;
	v12 =	vor.u32 s0, v1  }
0x312: {  	v13 =	vor.u32 s0, v4;
	v14 =	vand.u32 $0x7C, v12;
	v9 =	vadd.f32 v10, v9  }
0x313: {  	v13 =	vand.u32 $0x7D, v13;
	v10 =	vor.u32 v11, v14  }
0x314: {  	v13 =	vor.u32 v11, v13;
	v8 =	vmul.f32 v9, v8  }
0x315: {  	v14 =	vor.u32 s0, v3  }
0x316: {  	v9 =	vand.u32 $0x7E, v14;
	[tilespmem:s30+$0x0] =	vst v8  }
0x317: {  	v9 =	vor.u32 v11, v9;
	v8 =	vld.idx.msk [tilespmem:v0+s3+$0x0], $0xffff  }
0x318: {  	v10 =	vld.idx.msk [tilespmem:v10+s1+$0x0], $0xffff  }
0x319: {  	v13 =	vld.idx.msk [tilespmem:v13+s1+$0x0], $0xffff  }
0x31a: {  	v11 =	vor.u32 s0, v7;
	v14 =	vld.idx.msk [tilespmem:v2+s3+$0x0], $0xffff  }
0x31b: {  	v15 =	vld.idx.msk [tilespmem:v5+s3+$0x0], $0xffff  }
0x31c: {  	v9 =	vld.idx.msk [tilespmem:v9+s1+$0x0], $0xffff  }
0x31d: {  	v8 =	vmul.f32 v8, v10  }
0x31e: {  	v12 =	vshrl.u32 v12, $0x2;
	v16 =	vld.idx.msk [tilespmem:v6+s3+$0x0], $0xffff  }
0x31f: {  	v11 =	vld.idx.msk [tilespmem:v11+s1+$0x0], $0xffff;
	v10 =	vmul.f32 v14, v13;
	v8 =	vadd.f32 $0.0e+00, v8;
	_ =	sdelay $0x1  }
0x320: {  	v9 =	vmul.f32 v15, v9;
	v8 =	vadd.f32 v10, v8;
	_ =	sdelay $0x1  }
0x321: {  	v10 =	vadd.f32 v9, v8;
	v9 =	vld.idx.msk [tilespmem:v12+s2+$0x0], $0xffff  }
0x322: {  	v11 =	vmul.f32 v16, v11  }
0x323: {  	s0 =	simm.s32 $0x30;
	v13 =	vmov s31;
	v8 =	vor.u32 s31, v1;
	v12 =	vor.u32 s31, v4  }
.LBB2_31:
0x324: {  	p0 =	sne.s32 s0, $0x9F0;
	v13 =	vand.u32 $0xF80, v13;
	v14 =	vand.u32 $0x7C, v8;
	v10 =	vadd.f32 v11, v10  }
0x325: {  	v12 =	vand.u32 $0x7D, v12;
	v11 =	vor.u32 v13, v14  }
0x326: {  	v12 =	vor.u32 v13, v12;
	v14 =	vor.u32 s31, v3;
	v9 =	vmul.f32 v10, v9  }
0x327: {  	s30 =	sadd.s32 $0x10, s30;
	v10 =	vand.u32 $0x7E, v14  }
0x328: {  	v10 =	vor.u32 v13, v10;
	[tilespmem:s30+$0x0] =	vst v9  }
0x329: {  	v9 =	vld.idx.msk [tilespmem:v0+s3+$0x0], $0xffff  }
0x32a: {  	v13 =	vor.u32 s31, v7;
	s31 =	smov.u32 s0;
	v11 =	vld.idx.msk [tilespmem:v11+s1+$0x0], $0xffff  }
0x32b: {  	v12 =	vld.idx.msk [tilespmem:v12+s1+$0x0], $0xffff  }
0x32c: {  	v14 =	vld.idx.msk [tilespmem:v2+s3+$0x0], $0xffff  }
0x32d: {  	v10 =	vld.idx.msk [tilespmem:v10+s1+$0x0], $0xffff  }
0x32e: {  	v15 =	vld.idx.msk [tilespmem:v5+s3+$0x0], $0xffff  }
0x32f: {  	v8 =	vshrl.u32 v8, $0x2;
	v13 =	vld.idx.msk [tilespmem:v13+s1+$0x0], $0xffff  }
0x330: {  	v9 =	vmul.f32 v9, v11;
	v11 =	vld.idx.msk [tilespmem:v6+s3+$0x0], $0xffff;
	_ =	sdelay $0x1  }
0x331: {  	v9 =	vadd.f32 $0.0e+00, v9;
	v12 =	vmul.f32 v14, v12  }
.Ltmp15:
0x332: {  	(pc) =	sbr.rel @p0 .LBB2_31-.Ltmp15, $3  }
0x333: {  	v12 =	vadd.f32 v12, v9;
	v10 =	vmul.f32 v15, v10;
	v9 =	vld.idx.msk [tilespmem:v8+s2+$0x0], $0xffff;
	_ =	sdelay $0x1  }
0x334: {  	v10 =	vadd.f32 v10, v12;
	v11 =	vmul.f32 v11, v13  }
0x335: {  	s0 =	sadd.s32 $0x10, s0;
	v8 =	vor.u32 s31, v1;
	v13 =	vmov s31;
	v12 =	vor.u32 s31, v4  }
0x336: {  	v1 =	vand.u32 $0xF80, v13;
	v4 =	vand.u32 $0x7C, v8;
	v10 =	vadd.f32 v11, v10  }
0x337: {  	v4 =	vor.u32 v1, v4  }
0x338: {  	v61 =	vand.u32 $0x7D, v12;
	v9 =	vmul.f32 v10, v9  }
0x339: {  	v3 =	vor.u32 s31, v3;
	s0 =	sadd.s32 $0x10, s30;
	v11 =	vor.u32 v1, v61  }
0x33a: {  	v3 =	vand.u32 $0x7E, v3;
	[tilespmem:s0+$0x0] =	vst v9  }
0x33b: {  	v1 =	vor.u32 v1, v3;
	v0 =	vld.idx.msk [tilespmem:v0+s3+$0x0], $0xffff  }
0x33c: {  	v3 =	vld.idx.msk [tilespmem:v4+s1+$0x0], $0xffff;
	v4 =	vor.u32 s31, v7  }
0x33d: {  	v2 =	vld.idx.msk [tilespmem:v2+s3+$0x0], $0xffff  }
0x33e: {  	v62 =	vld.idx.msk [tilespmem:v11+s1+$0x0], $0xffff  }
0x33f: {  	v5 =	vld.idx.msk [tilespmem:v5+s3+$0x0], $0xffff  }
0x340: {  	v1 =	vld.idx.msk [tilespmem:v1+s1+$0x0], $0xffff  }
0x341: {  	v63 =	vshrl.u32 v8, $0x2;
	v4 =	vld.idx.msk [tilespmem:v4+s1+$0x0], $0xffff;
	v0 =	vmul.f32 v0, v3  }
0x342: {  	v3 =	vld.idx.msk [tilespmem:v6+s3+$0x0], $0xffff  }
0x343: {  	v2 =	vmul.f32 v2, v62;
	v0 =	vadd.f32 $0.0e+00, v0;
	_ =	sdelay $0x1  }
0x344: {  	v1 =	vmul.f32 v5, v1;
	v0 =	vadd.f32 v2, v0  }
0x345: {  	v2 =	vld.idx.msk [tilespmem:v63+s2+$0x0], $0xffff  }
0x346: {  	v0 =	vadd.f32 v1, v0;
	v1 =	vmul.f32 v3, v4;
	_ =	sdelay $0x1  }
0x347: {  	v0 =	vadd.f32 v1, v0;
	_ =	sdelay $0x1  }
0x348: {  	v0 =	vmul.f32 v0, v2  }
0x349: {  	s0 =	sadd.s32 $0x10, s0  }
0x34a: {  	s3 =	simm.s32 $0x7;
	s2 =	simm.s32 $0x1A680;
	[tilespmem:s0+$0x0] =	vst v0  }
0x34b: {  	[spmem:s23] =	stream.linear.scatter [tilespmem:s2], [sflag:$0x7], $0xA00, $0x38;
	[tilespmem:$0x1C780] =	vst v63  }
0x34c: {  	_ =	swait.ge [sflag:s3], $0xA00  }
0x34d: {  	[sflag:s3] =	ssyncset.done $0x0  }
0x34e: {  	s4 =	simm.s32 $0x19C80;
	[sflag:s3] =	ssyncadd.s32 $0xFFFFF600  }
0x34f: {  	[spmem:s6] =	stream.linear.scatter [tilespmem:s4], [sflag:$0x7], $0xA00, $0x38;
	[tilespmem:$0x1C780] =	vst v63  }
0x350: {  	_ =	swait.ge [sflag:s3], $0xA00  }
0x351: {  	[sflag:s3] =	ssyncset.done $0x0  }
0x352: {  	[sflag:s3] =	ssyncadd.s32 $0xFFFFF600  }
0x353: {  	[bflag:$0x0] =	sbarrier.arrive $0xFFFF  }
0x354: {  	s0 =	simm.s32 $0x1680;
	s7 =	rddreg [dreg:$0x4]  }
0x355: {  	[tilespmem:s0], [sflag:$0x7] =	stream.linear.gather [spmem:s7], $0xA000, $0x38;
	[tilespmem:$0x1C780] =	vst v63  }
0x356: {  	_ =	swait.ge [sflag:s3], $0xA000  }
0x357: {  	[sflag:s3] =	ssyncset.done $0x0  }
0x358: {  	s8 =	simm.s32 $0x0;
	s2 =	simm.s32 $0x17480;
	[sflag:s3] =	ssyncadd.s32 $0xFFFF6000  }
0x359: {  	[tilespmem:s2], [sflag:$0x3] =	stream.linear.gather [hbm4b:s18+s8], $0x7D0, $0x38;
	[tilespmem:$0x1C780] =	vst v63  }
0x35a: {  	s1 =	simm.s32 $0x18480  }
0x35b: {  	[tilespmem:s1], [sflag:$0x5] =	stream.linear.gather [hbm4b:s16+s8], $0x7D0, $0x38;
	[tilespmem:$0x1C780] =	vst v63  }
0x35c: {  	s4 =	simm.s32 $0x17C80  }
0x35d: {  	[tilespmem:s4], [sflag:$0x4] =	stream.linear.gather [hbm4b:s19+s8], $0x7D0, $0x38;
	[tilespmem:$0x1C780] =	vst v63  }
0x35e: {  	s15 =	simm.s32 $0x18C80;
	s30 =	simm.s32 $0x3  }
0x35f: {  	v0 =	vlaneseq.u32;
	[tilespmem:s15], [sflag:$0x6] =	stream.linear.gather [hbm4b:s17+s8], $0x7D0, $0x38;
	[tilespmem:$0x1C780] =	vst v63  }
0x360: {  	v1 =	vshrl.u32 v0, $0x2;
	_ =	swait.ge [sflag:s30], $0x7D0  }
0x361: {  	v2 =	vor.u32 s8, v1;
	[sflag:s30] =	ssyncset.done $0x0  }
0x362: {  	s31 =	simm.s32 $0x5;
	[sflag:s30] =	ssyncadd.s32 $0xFFFFF830  }
0x363: {  	_ =	swait.ge [sflag:s31], $0x7D0  }
0x364: {  	[sflag:s31] =	ssyncset.done $0x0  }
0x365: {  	[sflag:s31] =	ssyncadd.s32 $0xFFFFF830  }
0x366: {  	v3 =	vld.idx.msk [tilespmem:v2+s2+$0x0], $0xffff;
	_ =	sdelay $0x4  }
0x367: {  	v0 =	vand.u32 $0x3, v0;
	v3 =	vshll.u32 v3, $0x2  }
0x368: {  	v3 =	vor.u32 v0, v3;
	_ =	sdelay $0x4  }
0x369: {  	v3 =	vld.idx.msk [tilespmem:v3+s0+$0x0], $0xffff;
	_ =	sdelay $0x3  }
0x36a: {  	s3 =	simm.s32 $0xF580  }
0x36b: {  	[tilespmem:s3+$0x0] =	vst v3  }
0x36c: {  	v2 =	vld.idx.msk [tilespmem:v2+s1+$0x0], $0xffff;
	_ =	sdelay $0x3  }
0x36d: {  	s8 =	simm.s32 $0x4  }
0x36e: {  	v3 =	vshll.u32 v2, $0x2;
	v2 =	vor.u32 s8, v1;
	_ =	sdelay $0x1  }
0x36f: {  	s7 =	simm.s32 $0x8;
	s4 =	simm.s32 $0xB680;
	v3 =	vor.u32 v0, v3  }
.LBB2_33:
0x370: {  	s3 =	sadd.s32 $0x10, s3  }
0x371: {  	[tilespmem:s4+$0x0] =	vst v3;
	s4 =	sadd.s32 $0x10, s4;
	s8 =	smov.u32 s7;
	s15 =	sadd.s32 $0x4, s7  }
0x372: {  	p0 =	sne.s32 s7, $0x7CC;
	v3 =	vld.idx.msk [tilespmem:v2+s2+$0x0], $0xffff;
	_ =	sdelay $0x5  }
0x373: {  	v3 =	vshll.u32 v3, $0x2  }
0x374: {  	v3 =	vor.u32 v0, v3;
	_ =	sdelay $0x4  }
0x375: {  	v3 =	vld.idx.msk [tilespmem:v3+s0+$0x0], $0xffff;
	_ =	sdelay $0x5  }
0x376: {  	[tilespmem:s3+$0x0] =	vst v3  }
0x377: {  	v3 =	vld.idx.msk [tilespmem:v2+s1+$0x0], $0xffff;
	_ =	sdelay $0x2  }
.Ltmp16:
0x378: {  	(pc) =	sbr.rel @p0 .LBB2_33-.Ltmp16, $3  }
0x379: {  	v2 =	vor.u32 s8, v1;
	_ =	sdelay $0x1  }
0x37a: {  	v3 =	vshll.u32 v3, $0x2  }
0x37b: {  	s7 =	smov.u32 s15;
	v3 =	vor.u32 v0, v3  }
0x37c: {  	_ =	sdelay $0x2  }
0x37d: {  	[tilespmem:s4+$0x0] =	vst v3  }
0x37e: {  	v1 =	vld.idx.msk [tilespmem:v2+s2+$0x0], $0xffff;
	_ =	sdelay $0x4  }
0x37f: {  	v1 =	vshll.u32 v1, $0x2  }
0x380: {  	v1 =	vor.u32 v0, v1;
	_ =	sdelay $0x4  }
0x381: {  	v1 =	vld.idx.msk [tilespmem:v1+s0+$0x0], $0xffff;
	_ =	sdelay $0x3  }
0x382: {  	s31 =	sadd.s32 $0x10, s3  }
0x383: {  	[tilespmem:s31+$0x0] =	vst v1  }
0x384: {  	v1 =	vld.idx.msk [tilespmem:v2+s1+$0x0], $0xffff;
	_ =	sdelay $0x4  }
0x385: {  	v1 =	vshll.u32 v1, $0x2  }
0x386: {  	s1 =	sadd.s32 $0x10, s4;
	v0 =	vor.u32 v0, v1  }
0x387: {  	s3 =	simm.s32 $0xB680;
	s2 =	simm.s32 $0x1F40;
	s4 =	simm.s32 $0xF580;
	[tilespmem:s1+$0x0] =	vst v0  }
0x388: {  	[spmem:s5] =	stream.indirect.scatter.add.f32 [tilespmem:s4], [sflag:$0x1], $0x1, s3, s2, $0xb8;
	[tilespmem:$0x1C780] =	vst v63  }
0x389: {  	s7 =	simm.s32 $0x0;
	s8 =	simm.s32 $0x17480  }
0x38a: {  	[tilespmem:s8], [sflag:$0x3] =	stream.linear.gather [hbm4b:s20+s7], $0x7D0, $0x38;
	[tilespmem:$0x1C780] =	vst v63  }
0x38b: {  	s15 =	simm.s32 $0x18480;
	s30 =	simm.s32 $0x4  }
0x38c: {  	v0 =	vlaneseq.u32;
	[tilespmem:s15], [sflag:$0x5] =	stream.linear.gather [hbm4b:s14+s7], $0x7D0, $0x38;
	[tilespmem:$0x1C780] =	vst v63  }
0x38d: {  	v1 =	vshrl.u32 v0, $0x2;
	_ =	swait.ge [sflag:s30], $0x7D0  }
0x38e: {  	v2 =	vor.u32 s7, v1;
	[sflag:s30] =	ssyncset.done $0x0  }
0x38f: {  	s31 =	simm.s32 $0x6;
	[sflag:s30] =	ssyncadd.s32 $0xFFFFF830  }
0x390: {  	_ =	swait.ge [sflag:s31], $0x7D0  }
0x391: {  	[sflag:s31] =	ssyncset.done $0x0  }
0x392: {  	s0 =	simm.s32 $0x17C80;
	[sflag:s31] =	ssyncadd.s32 $0xFFFFF830  }
0x393: {  	v3 =	vld.idx.msk [tilespmem:v2+s0+$0x0], $0xffff;
	_ =	sdelay $0x4  }
0x394: {  	v0 =	vand.u32 $0x3, v0;
	v3 =	vshll.u32 v3, $0x2  }
0x395: {  	v3 =	vor.u32 v0, v3;
	_ =	sdelay $0x3  }
0x396: {  	s1 =	simm.s32 $0x1680  }
0x397: {  	v3 =	vld.idx.msk [tilespmem:v3+s1+$0x0], $0xffff;
	_ =	sdelay $0x3  }
0x398: {  	s3 =	simm.s32 $0x11500  }
0x399: {  	s2 =	simm.s32 $0x18C80;
	[tilespmem:s3+$0x0] =	vst v3  }
0x39a: {  	v2 =	vld.idx.msk [tilespmem:v2+s2+$0x0], $0xffff;
	_ =	sdelay $0x3  }
0x39b: {  	s8 =	simm.s32 $0x4  }
0x39c: {  	v3 =	vshll.u32 v2, $0x2;
	v2 =	vor.u32 s8, v1;
	_ =	sdelay $0x1  }
0x39d: {  	s4 =	simm.s32 $0xD600;
	s7 =	simm.s32 $0x8;
	v3 =	vor.u32 v0, v3  }
.LBB2_35:
0x39e: {  	s3 =	sadd.s32 $0x10, s3  }
0x39f: {  	[tilespmem:s4+$0x0] =	vst v3;
	s4 =	sadd.s32 $0x10, s4;
	s8 =	smov.u32 s7;
	s15 =	sadd.s32 $0x4, s7  }
0x3a0: {  	p0 =	sne.s32 s7, $0x7CC;
	v3 =	vld.idx.msk [tilespmem:v2+s0+$0x0], $0xffff;
	_ =	sdelay $0x5  }
0x3a1: {  	v3 =	vshll.u32 v3, $0x2  }
0x3a2: {  	v3 =	vor.u32 v0, v3;
	_ =	sdelay $0x4  }
0x3a3: {  	v3 =	vld.idx.msk [tilespmem:v3+s1+$0x0], $0xffff;
	_ =	sdelay $0x5  }
0x3a4: {  	[tilespmem:s3+$0x0] =	vst v3  }
0x3a5: {  	v3 =	vld.idx.msk [tilespmem:v2+s2+$0x0], $0xffff;
	_ =	sdelay $0x2  }
.Ltmp17:
0x3a6: {  	(pc) =	sbr.rel @p0 .LBB2_35-.Ltmp17, $3  }
0x3a7: {  	v2 =	vor.u32 s8, v1;
	_ =	sdelay $0x1  }
0x3a8: {  	v3 =	vshll.u32 v3, $0x2  }
0x3a9: {  	s7 =	smov.u32 s15;
	v3 =	vor.u32 v0, v3  }
0x3aa: {  	_ =	sdelay $0x2  }
0x3ab: {  	[tilespmem:s4+$0x0] =	vst v3  }
0x3ac: {  	v1 =	vld.idx.msk [tilespmem:v2+s0+$0x0], $0xffff;
	_ =	sdelay $0x4  }
0x3ad: {  	v1 =	vshll.u32 v1, $0x2  }
0x3ae: {  	v1 =	vor.u32 v0, v1;
	_ =	sdelay $0x4  }
0x3af: {  	v1 =	vld.idx.msk [tilespmem:v1+s1+$0x0], $0xffff;
	_ =	sdelay $0x3  }
0x3b0: {  	s30 =	sadd.s32 $0x10, s3  }
0x3b1: {  	[tilespmem:s30+$0x0] =	vst v1  }
0x3b2: {  	v1 =	vld.idx.msk [tilespmem:v2+s2+$0x0], $0xffff;
	_ =	sdelay $0x4  }
0x3b3: {  	v1 =	vshll.u32 v1, $0x2  }
0x3b4: {  	s31 =	sadd.s32 $0x10, s4;
	v0 =	vor.u32 v0, v1  }
0x3b5: {  	s3 =	simm.s32 $0x11500;
	s1 =	simm.s32 $0x1F40;
	s2 =	simm.s32 $0xD600;
	[tilespmem:s31+$0x0] =	vst v0  }
0x3b6: {  	[spmem:s5] =	stream.indirect.scatter.add.f32 [tilespmem:s3], [sflag:$0x2], $0x1, s2, s1, $0xb8;
	[tilespmem:$0x1C780] =	vst v63  }
0x3b7: {  	s4 =	simm.s32 $0x0;
	s7 =	simm.s32 $0x17C80  }
0x3b8: {  	[tilespmem:s7], [sflag:$0x4] =	stream.linear.gather [hbm4b:s21+s4], $0x7D0, $0x38;
	[tilespmem:$0x1C780] =	vst v63  }
0x3b9: {  	s8 =	simm.s32 $0x18C80;
	s15 =	simm.s32 $0x1  }
0x3ba: {  	[tilespmem:s8], [sflag:$0x6] =	stream.linear.gather [hbm4b:s13+s4], $0x7D0, $0x38;
	[tilespmem:$0x1C780] =	vst v63  }
0x3bb: {  	_ =	swait.ge [sflag:s15], $0x1F40  }
0x3bc: {  	[sflag:s15] =	ssyncset.done $0x0  }
0x3bd: {  	s30 =	simm.s32 $0x3;
	v0 =	vlaneseq.u32;
	[sflag:s15] =	ssyncadd.s32 $0xFFFFE0C0  }
0x3be: {  	v1 =	vshrl.u32 v0, $0x2;
	_ =	swait.ge [sflag:s30], $0x7D0  }
0x3bf: {  	v2 =	vor.u32 s4, v1;
	[sflag:s30] =	ssyncset.done $0x0  }
0x3c0: {  	s31 =	simm.s32 $0x5;
	[sflag:s30] =	ssyncadd.s32 $0xFFFFF830  }
0x3c1: {  	_ =	swait.ge [sflag:s31], $0x7D0  }
0x3c2: {  	[sflag:s31] =	ssyncset.done $0x0  }
0x3c3: {  	s0 =	simm.s32 $0x17480;
	[sflag:s31] =	ssyncadd.s32 $0xFFFFF830  }
0x3c4: {  	v3 =	vld.idx.msk [tilespmem:v2+s0+$0x0], $0xffff;
	_ =	sdelay $0x4  }
0x3c5: {  	v0 =	vand.u32 $0x3, v0;
	v3 =	vshll.u32 v3, $0x2  }
0x3c6: {  	v3 =	vor.u32 v0, v3;
	_ =	sdelay $0x3  }
0x3c7: {  	s1 =	simm.s32 $0x1680  }
0x3c8: {  	v3 =	vld.idx.msk [tilespmem:v3+s1+$0x0], $0xffff;
	_ =	sdelay $0x3  }
0x3c9: {  	s3 =	simm.s32 $0xF580  }
0x3ca: {  	s2 =	simm.s32 $0x18480;
	[tilespmem:s3+$0x0] =	vst v3  }
0x3cb: {  	v2 =	vld.idx.msk [tilespmem:v2+s2+$0x0], $0xffff;
	_ =	sdelay $0x3  }
0x3cc: {  	s8 =	simm.s32 $0x4  }
0x3cd: {  	v3 =	vshll.u32 v2, $0x2;
	v2 =	vor.u32 s8, v1;
	_ =	sdelay $0x1  }
0x3ce: {  	s7 =	simm.s32 $0x8;
	s4 =	simm.s32 $0xB680;
	v3 =	vor.u32 v0, v3  }
.LBB2_37:
0x3cf: {  	s3 =	sadd.s32 $0x10, s3  }
0x3d0: {  	[tilespmem:s4+$0x0] =	vst v3;
	s4 =	sadd.s32 $0x10, s4;
	s8 =	smov.u32 s7;
	s15 =	sadd.s32 $0x4, s7  }
0x3d1: {  	p0 =	sne.s32 s7, $0x7CC;
	v3 =	vld.idx.msk [tilespmem:v2+s0+$0x0], $0xffff;
	_ =	sdelay $0x5  }
0x3d2: {  	v3 =	vshll.u32 v3, $0x2  }
0x3d3: {  	v3 =	vor.u32 v0, v3;
	_ =	sdelay $0x4  }
0x3d4: {  	v3 =	vld.idx.msk [tilespmem:v3+s1+$0x0], $0xffff;
	_ =	sdelay $0x5  }
0x3d5: {  	[tilespmem:s3+$0x0] =	vst v3  }
0x3d6: {  	v3 =	vld.idx.msk [tilespmem:v2+s2+$0x0], $0xffff;
	_ =	sdelay $0x2  }
.Ltmp18:
0x3d7: {  	(pc) =	sbr.rel @p0 .LBB2_37-.Ltmp18, $3  }
0x3d8: {  	v2 =	vor.u32 s8, v1;
	_ =	sdelay $0x1  }
0x3d9: {  	v3 =	vshll.u32 v3, $0x2  }
0x3da: {  	s7 =	smov.u32 s15;
	v3 =	vor.u32 v0, v3  }
0x3db: {  	_ =	sdelay $0x2  }
0x3dc: {  	[tilespmem:s4+$0x0] =	vst v3  }
0x3dd: {  	v1 =	vld.idx.msk [tilespmem:v2+s0+$0x0], $0xffff;
	_ =	sdelay $0x4  }
0x3de: {  	v1 =	vshll.u32 v1, $0x2  }
0x3df: {  	v1 =	vor.u32 v0, v1;
	_ =	sdelay $0x4  }
0x3e0: {  	v1 =	vld.idx.msk [tilespmem:v1+s1+$0x0], $0xffff;
	_ =	sdelay $0x3  }
0x3e1: {  	s30 =	sadd.s32 $0x10, s3  }
0x3e2: {  	[tilespmem:s30+$0x0] =	vst v1  }
0x3e3: {  	v1 =	vld.idx.msk [tilespmem:v2+s2+$0x0], $0xffff;
	_ =	sdelay $0x4  }
0x3e4: {  	v1 =	vshll.u32 v1, $0x2  }
0x3e5: {  	s31 =	sadd.s32 $0x10, s4;
	v0 =	vor.u32 v0, v1  }
0x3e6: {  	s3 =	simm.s32 $0xF580;
	s1 =	simm.s32 $0x1F40;
	s2 =	simm.s32 $0xB680;
	[tilespmem:s31+$0x0] =	vst v0  }
0x3e7: {  	[spmem:s5] =	stream.indirect.scatter.add.f32 [tilespmem:s3], [sflag:$0x1], $0x1, s2, s1, $0xb8;
	[tilespmem:$0x1C780] =	vst v63  }
0x3e8: {  	s4 =	simm.s32 $0x0;
	s7 =	simm.s32 $0x17480  }
0x3e9: {  	[tilespmem:s7], [sflag:$0x3] =	stream.linear.gather [hbm4b:s22+s4], $0x7D0, $0x38;
	[tilespmem:$0x1C780] =	vst v63  }
0x3ea: {  	s8 =	simm.s32 $0x18480;
	s15 =	simm.s32 $0x2  }
0x3eb: {  	[tilespmem:s8], [sflag:$0x5] =	stream.linear.gather [hbm4b:s12+s4], $0x7D0, $0x38;
	[tilespmem:$0x1C780] =	vst v63  }
0x3ec: {  	_ =	swait.ge [sflag:s15], $0x1F40  }
0x3ed: {  	[sflag:s15] =	ssyncset.done $0x0  }
0x3ee: {  	s30 =	simm.s32 $0x4;
	v0 =	vlaneseq.u32;
	[sflag:s15] =	ssyncadd.s32 $0xFFFFE0C0  }
0x3ef: {  	v1 =	vshrl.u32 v0, $0x2;
	_ =	swait.ge [sflag:s30], $0x7D0  }
0x3f0: {  	v2 =	vor.u32 s4, v1;
	[sflag:s30] =	ssyncset.done $0x0  }
0x3f1: {  	s31 =	simm.s32 $0x6;
	[sflag:s30] =	ssyncadd.s32 $0xFFFFF830  }
0x3f2: {  	_ =	swait.ge [sflag:s31], $0x7D0  }
0x3f3: {  	[sflag:s31] =	ssyncset.done $0x0  }
0x3f4: {  	s0 =	simm.s32 $0x17C80;
	[sflag:s31] =	ssyncadd.s32 $0xFFFFF830  }
0x3f5: {  	v3 =	vld.idx.msk [tilespmem:v2+s0+$0x0], $0xffff;
	_ =	sdelay $0x4  }
0x3f6: {  	v0 =	vand.u32 $0x3, v0;
	v3 =	vshll.u32 v3, $0x2  }
0x3f7: {  	v3 =	vor.u32 v0, v3;
	_ =	sdelay $0x3  }
0x3f8: {  	s1 =	simm.s32 $0x1680  }
0x3f9: {  	v3 =	vld.idx.msk [tilespmem:v3+s1+$0x0], $0xffff;
	_ =	sdelay $0x3  }
0x3fa: {  	s3 =	simm.s32 $0x11500  }
0x3fb: {  	s2 =	simm.s32 $0x18C80;
	[tilespmem:s3+$0x0] =	vst v3  }
0x3fc: {  	v2 =	vld.idx.msk [tilespmem:v2+s2+$0x0], $0xffff;
	_ =	sdelay $0x3  }
0x3fd: {  	s8 =	simm.s32 $0x4  }
0x3fe: {  	v3 =	vshll.u32 v2, $0x2;
	v2 =	vor.u32 s8, v1;
	_ =	sdelay $0x1  }
0x3ff: {  	s7 =	simm.s32 $0x8;
	s4 =	simm.s32 $0xD600;
	v3 =	vor.u32 v0, v3  }
.LBB2_39:
0x400: {  	s3 =	sadd.s32 $0x10, s3  }
0x401: {  	[tilespmem:s4+$0x0] =	vst v3;
	s4 =	sadd.s32 $0x10, s4;
	s8 =	smov.u32 s7;
	s15 =	sadd.s32 $0x4, s7  }
0x402: {  	p0 =	sne.s32 s7, $0x7CC;
	v3 =	vld.idx.msk [tilespmem:v2+s0+$0x0], $0xffff;
	_ =	sdelay $0x5  }
0x403: {  	v3 =	vshll.u32 v3, $0x2  }
0x404: {  	v3 =	vor.u32 v0, v3;
	_ =	sdelay $0x4  }
0x405: {  	v3 =	vld.idx.msk [tilespmem:v3+s1+$0x0], $0xffff;
	_ =	sdelay $0x5  }
0x406: {  	[tilespmem:s3+$0x0] =	vst v3  }
0x407: {  	v3 =	vld.idx.msk [tilespmem:v2+s2+$0x0], $0xffff;
	_ =	sdelay $0x2  }
.Ltmp19:
0x408: {  	(pc) =	sbr.rel @p0 .LBB2_39-.Ltmp19, $3  }
0x409: {  	v2 =	vor.u32 s8, v1;
	_ =	sdelay $0x1  }
0x40a: {  	v3 =	vshll.u32 v3, $0x2  }
0x40b: {  	s7 =	smov.u32 s15;
	v3 =	vor.u32 v0, v3  }
0x40c: {  	_ =	sdelay $0x2  }
0x40d: {  	[tilespmem:s4+$0x0] =	vst v3  }
0x40e: {  	v1 =	vld.idx.msk [tilespmem:v2+s0+$0x0], $0xffff;
	_ =	sdelay $0x4  }
0x40f: {  	v1 =	vshll.u32 v1, $0x2  }
0x410: {  	v1 =	vor.u32 v0, v1;
	_ =	sdelay $0x4  }
0x411: {  	v1 =	vld.idx.msk [tilespmem:v1+s1+$0x0], $0xffff;
	_ =	sdelay $0x3  }
0x412: {  	s30 =	sadd.s32 $0x10, s3  }
0x413: {  	[tilespmem:s30+$0x0] =	vst v1  }
0x414: {  	v1 =	vld.idx.msk [tilespmem:v2+s2+$0x0], $0xffff;
	_ =	sdelay $0x4  }
0x415: {  	v1 =	vshll.u32 v1, $0x2  }
0x416: {  	s31 =	sadd.s32 $0x10, s4;
	v0 =	vor.u32 v0, v1  }
0x417: {  	s3 =	simm.s32 $0x11500;
	s1 =	simm.s32 $0x1F40;
	s2 =	simm.s32 $0xD600;
	[tilespmem:s31+$0x0] =	vst v0  }
0x418: {  	[spmem:s5] =	stream.indirect.scatter.add.f32 [tilespmem:s3], [sflag:$0x2], $0x1, s2, s1, $0xb8;
	[tilespmem:$0x1C780] =	vst v63  }
0x419: {  	s4 =	simm.s32 $0x0;
	s7 =	simm.s32 $0x17C80  }
0x41a: {  	[tilespmem:s7], [sflag:$0x4] =	stream.linear.gather [hbm4b:s24+s4], $0x7D0, $0x38;
	[tilespmem:$0x1C780] =	vst v63  }
0x41b: {  	s8 =	simm.s32 $0x18C80;
	s15 =	simm.s32 $0x1  }
0x41c: {  	[tilespmem:s8], [sflag:$0x6] =	stream.linear.gather [hbm4b:s11+s4], $0x7D0, $0x38;
	[tilespmem:$0x1C780] =	vst v63  }
0x41d: {  	_ =	swait.ge [sflag:s15], $0x1F40  }
0x41e: {  	[sflag:s15] =	ssyncset.done $0x0  }
0x41f: {  	s30 =	simm.s32 $0x3;
	v0 =	vlaneseq.u32;
	[sflag:s15] =	ssyncadd.s32 $0xFFFFE0C0  }
0x420: {  	v1 =	vshrl.u32 v0, $0x2;
	_ =	swait.ge [sflag:s30], $0x7D0  }
0x421: {  	v2 =	vor.u32 s4, v1;
	[sflag:s30] =	ssyncset.done $0x0  }
0x422: {  	s31 =	simm.s32 $0x5;
	[sflag:s30] =	ssyncadd.s32 $0xFFFFF830  }
0x423: {  	_ =	swait.ge [sflag:s31], $0x7D0  }
0x424: {  	[sflag:s31] =	ssyncset.done $0x0  }
0x425: {  	s0 =	simm.s32 $0x17480;
	[sflag:s31] =	ssyncadd.s32 $0xFFFFF830  }
0x426: {  	v3 =	vld.idx.msk [tilespmem:v2+s0+$0x0], $0xffff;
	_ =	sdelay $0x4  }
0x427: {  	v0 =	vand.u32 $0x3, v0;
	v3 =	vshll.u32 v3, $0x2  }
0x428: {  	v3 =	vor.u32 v0, v3;
	_ =	sdelay $0x3  }
0x429: {  	s1 =	simm.s32 $0x1680  }
0x42a: {  	v3 =	vld.idx.msk [tilespmem:v3+s1+$0x0], $0xffff;
	_ =	sdelay $0x3  }
0x42b: {  	s3 =	simm.s32 $0xF580  }
0x42c: {  	s2 =	simm.s32 $0x18480;
	[tilespmem:s3+$0x0] =	vst v3  }
0x42d: {  	v2 =	vld.idx.msk [tilespmem:v2+s2+$0x0], $0xffff;
	_ =	sdelay $0x3  }
0x42e: {  	s8 =	simm.s32 $0x4  }
0x42f: {  	v3 =	vshll.u32 v2, $0x2;
	v2 =	vor.u32 s8, v1;
	_ =	sdelay $0x1  }
0x430: {  	s7 =	simm.s32 $0x8;
	s4 =	simm.s32 $0xB680;
	v3 =	vor.u32 v0, v3  }
.LBB2_41:
0x431: {  	s3 =	sadd.s32 $0x10, s3  }
0x432: {  	[tilespmem:s4+$0x0] =	vst v3;
	s4 =	sadd.s32 $0x10, s4;
	s8 =	smov.u32 s7;
	s15 =	sadd.s32 $0x4, s7  }
0x433: {  	p0 =	sne.s32 s7, $0x7CC;
	v3 =	vld.idx.msk [tilespmem:v2+s0+$0x0], $0xffff;
	_ =	sdelay $0x5  }
0x434: {  	v3 =	vshll.u32 v3, $0x2  }
0x435: {  	v3 =	vor.u32 v0, v3;
	_ =	sdelay $0x4  }
0x436: {  	v3 =	vld.idx.msk [tilespmem:v3+s1+$0x0], $0xffff;
	_ =	sdelay $0x5  }
0x437: {  	[tilespmem:s3+$0x0] =	vst v3  }
0x438: {  	v3 =	vld.idx.msk [tilespmem:v2+s2+$0x0], $0xffff;
	_ =	sdelay $0x2  }
.Ltmp20:
0x439: {  	(pc) =	sbr.rel @p0 .LBB2_41-.Ltmp20, $3  }
0x43a: {  	v2 =	vor.u32 s8, v1;
	_ =	sdelay $0x1  }
0x43b: {  	v3 =	vshll.u32 v3, $0x2  }
0x43c: {  	s7 =	smov.u32 s15;
	v3 =	vor.u32 v0, v3  }
0x43d: {  	_ =	sdelay $0x2  }
0x43e: {  	[tilespmem:s4+$0x0] =	vst v3  }
0x43f: {  	v1 =	vld.idx.msk [tilespmem:v2+s0+$0x0], $0xffff;
	_ =	sdelay $0x4  }
0x440: {  	v1 =	vshll.u32 v1, $0x2  }
0x441: {  	v1 =	vor.u32 v0, v1;
	_ =	sdelay $0x4  }
0x442: {  	v1 =	vld.idx.msk [tilespmem:v1+s1+$0x0], $0xffff;
	_ =	sdelay $0x3  }
0x443: {  	s30 =	sadd.s32 $0x10, s3  }
0x444: {  	[tilespmem:s30+$0x0] =	vst v1  }
0x445: {  	v1 =	vld.idx.msk [tilespmem:v2+s2+$0x0], $0xffff;
	_ =	sdelay $0x4  }
0x446: {  	v1 =	vshll.u32 v1, $0x2  }
0x447: {  	s31 =	sadd.s32 $0x10, s4;
	v0 =	vor.u32 v0, v1  }
0x448: {  	s3 =	simm.s32 $0xF580;
	s1 =	simm.s32 $0x1F40;
	s2 =	simm.s32 $0xB680;
	[tilespmem:s31+$0x0] =	vst v0  }
0x449: {  	[spmem:s5] =	stream.indirect.scatter.add.f32 [tilespmem:s3], [sflag:$0x1], $0x1, s2, s1, $0xb8;
	[tilespmem:$0x1C780] =	vst v63  }
0x44a: {  	s4 =	simm.s32 $0x0;
	s7 =	simm.s32 $0x17480  }
0x44b: {  	[tilespmem:s7], [sflag:$0x3] =	stream.linear.gather [hbm4b:s25+s4], $0x7D0, $0x38;
	[tilespmem:$0x1C780] =	vst v63  }
0x44c: {  	s8 =	simm.s32 $0x18480;
	s15 =	simm.s32 $0x2  }
0x44d: {  	[tilespmem:s8], [sflag:$0x5] =	stream.linear.gather [hbm4b:s10+s4], $0x7D0, $0x38;
	[tilespmem:$0x1C780] =	vst v63  }
0x44e: {  	_ =	swait.ge [sflag:s15], $0x1F40  }
0x44f: {  	[sflag:s15] =	ssyncset.done $0x0  }
0x450: {  	s30 =	simm.s32 $0x4;
	v0 =	vlaneseq.u32;
	[sflag:s15] =	ssyncadd.s32 $0xFFFFE0C0  }
0x451: {  	v1 =	vshrl.u32 v0, $0x2;
	_ =	swait.ge [sflag:s30], $0x7D0  }
0x452: {  	v2 =	vor.u32 s4, v1;
	[sflag:s30] =	ssyncset.done $0x0  }
0x453: {  	s31 =	simm.s32 $0x6;
	[sflag:s30] =	ssyncadd.s32 $0xFFFFF830  }
0x454: {  	_ =	swait.ge [sflag:s31], $0x7D0  }
0x455: {  	[sflag:s31] =	ssyncset.done $0x0  }
0x456: {  	s0 =	simm.s32 $0x17C80;
	[sflag:s31] =	ssyncadd.s32 $0xFFFFF830  }
0x457: {  	v3 =	vld.idx.msk [tilespmem:v2+s0+$0x0], $0xffff;
	_ =	sdelay $0x4  }
0x458: {  	v0 =	vand.u32 $0x3, v0;
	v3 =	vshll.u32 v3, $0x2  }
0x459: {  	v3 =	vor.u32 v0, v3;
	_ =	sdelay $0x3  }
0x45a: {  	s1 =	simm.s32 $0x1680  }
0x45b: {  	v3 =	vld.idx.msk [tilespmem:v3+s1+$0x0], $0xffff;
	_ =	sdelay $0x3  }
0x45c: {  	s3 =	simm.s32 $0x11500  }
0x45d: {  	s2 =	simm.s32 $0x18C80;
	[tilespmem:s3+$0x0] =	vst v3  }
0x45e: {  	v2 =	vld.idx.msk [tilespmem:v2+s2+$0x0], $0xffff;
	_ =	sdelay $0x3  }
0x45f: {  	s8 =	simm.s32 $0x4  }
0x460: {  	v3 =	vshll.u32 v2, $0x2;
	v2 =	vor.u32 s8, v1;
	_ =	sdelay $0x1  }
0x461: {  	s7 =	simm.s32 $0x8;
	s4 =	simm.s32 $0xD600;
	v3 =	vor.u32 v0, v3  }
.LBB2_43:
0x462: {  	s3 =	sadd.s32 $0x10, s3  }
0x463: {  	[tilespmem:s4+$0x0] =	vst v3;
	s4 =	sadd.s32 $0x10, s4;
	s8 =	smov.u32 s7;
	s15 =	sadd.s32 $0x4, s7  }
0x464: {  	p0 =	sne.s32 s7, $0x7CC;
	v3 =	vld.idx.msk [tilespmem:v2+s0+$0x0], $0xffff;
	_ =	sdelay $0x5  }
0x465: {  	v3 =	vshll.u32 v3, $0x2  }
0x466: {  	v3 =	vor.u32 v0, v3;
	_ =	sdelay $0x4  }
0x467: {  	v3 =	vld.idx.msk [tilespmem:v3+s1+$0x0], $0xffff;
	_ =	sdelay $0x5  }
0x468: {  	[tilespmem:s3+$0x0] =	vst v3  }
0x469: {  	v3 =	vld.idx.msk [tilespmem:v2+s2+$0x0], $0xffff;
	_ =	sdelay $0x2  }
.Ltmp21:
0x46a: {  	(pc) =	sbr.rel @p0 .LBB2_43-.Ltmp21, $3  }
0x46b: {  	v2 =	vor.u32 s8, v1;
	_ =	sdelay $0x1  }
0x46c: {  	v3 =	vshll.u32 v3, $0x2  }
0x46d: {  	s7 =	smov.u32 s15;
	v3 =	vor.u32 v0, v3  }
0x46e: {  	_ =	sdelay $0x2  }
0x46f: {  	[tilespmem:s4+$0x0] =	vst v3  }
0x470: {  	v1 =	vld.idx.msk [tilespmem:v2+s0+$0x0], $0xffff;
	_ =	sdelay $0x4  }
0x471: {  	v1 =	vshll.u32 v1, $0x2  }
0x472: {  	v1 =	vor.u32 v0, v1;
	_ =	sdelay $0x4  }
0x473: {  	v1 =	vld.idx.msk [tilespmem:v1+s1+$0x0], $0xffff;
	_ =	sdelay $0x3  }
0x474: {  	s30 =	sadd.s32 $0x10, s3  }
0x475: {  	[tilespmem:s30+$0x0] =	vst v1  }
0x476: {  	v1 =	vld.idx.msk [tilespmem:v2+s2+$0x0], $0xffff;
	_ =	sdelay $0x4  }
0x477: {  	v1 =	vshll.u32 v1, $0x2  }
0x478: {  	s31 =	sadd.s32 $0x10, s4;
	v0 =	vor.u32 v0, v1  }
0x479: {  	s3 =	simm.s32 $0x11500;
	s1 =	simm.s32 $0x1F40;
	s2 =	simm.s32 $0xD600;
	[tilespmem:s31+$0x0] =	vst v0  }
0x47a: {  	[spmem:s5] =	stream.indirect.scatter.add.f32 [tilespmem:s3], [sflag:$0x2], $0x1, s2, s1, $0xb8;
	[tilespmem:$0x1C780] =	vst v63  }
0x47b: {  	s4 =	simm.s32 $0x0;
	s7 =	simm.s32 $0x17C80  }
0x47c: {  	[tilespmem:s7], [sflag:$0x4] =	stream.linear.gather [hbm4b:s26+s4], $0x7D0, $0x38;
	[tilespmem:$0x1C780] =	vst v63  }
0x47d: {  	s8 =	simm.s32 $0x18C80;
	s15 =	simm.s32 $0x1  }
0x47e: {  	[tilespmem:s8], [sflag:$0x6] =	stream.linear.gather [hbm4b:s9+s4], $0x7D0, $0x38;
	[tilespmem:$0x1C780] =	vst v63  }
0x47f: {  	_ =	swait.ge [sflag:s15], $0x1F40  }
0x480: {  	[sflag:s15] =	ssyncset.done $0x0  }
0x481: {  	s30 =	simm.s32 $0x3;
	v0 =	vlaneseq.u32;
	[sflag:s15] =	ssyncadd.s32 $0xFFFFE0C0  }
0x482: {  	v1 =	vshrl.u32 v0, $0x2;
	_ =	swait.ge [sflag:s30], $0x7D0  }
0x483: {  	v2 =	vor.u32 s4, v1;
	[sflag:s30] =	ssyncset.done $0x0  }
0x484: {  	s31 =	simm.s32 $0x5;
	[sflag:s30] =	ssyncadd.s32 $0xFFFFF830  }
0x485: {  	_ =	swait.ge [sflag:s31], $0x7D0  }
0x486: {  	[sflag:s31] =	ssyncset.done $0x0  }
0x487: {  	s0 =	simm.s32 $0x17480;
	[sflag:s31] =	ssyncadd.s32 $0xFFFFF830  }
0x488: {  	v3 =	vld.idx.msk [tilespmem:v2+s0+$0x0], $0xffff;
	_ =	sdelay $0x4  }
0x489: {  	v0 =	vand.u32 $0x3, v0;
	v3 =	vshll.u32 v3, $0x2  }
0x48a: {  	v3 =	vor.u32 v0, v3;
	_ =	sdelay $0x3  }
0x48b: {  	s1 =	simm.s32 $0x1680  }
0x48c: {  	v3 =	vld.idx.msk [tilespmem:v3+s1+$0x0], $0xffff;
	_ =	sdelay $0x3  }
0x48d: {  	s3 =	simm.s32 $0xF580  }
0x48e: {  	s2 =	simm.s32 $0x18480;
	[tilespmem:s3+$0x0] =	vst v3  }
0x48f: {  	v2 =	vld.idx.msk [tilespmem:v2+s2+$0x0], $0xffff;
	_ =	sdelay $0x3  }
0x490: {  	s8 =	simm.s32 $0x4  }
0x491: {  	v3 =	vshll.u32 v2, $0x2;
	v2 =	vor.u32 s8, v1;
	_ =	sdelay $0x1  }
0x492: {  	s7 =	simm.s32 $0x8;
	s4 =	simm.s32 $0xB680;
	v3 =	vor.u32 v0, v3  }
.LBB2_45:
0x493: {  	s3 =	sadd.s32 $0x10, s3  }
0x494: {  	[tilespmem:s4+$0x0] =	vst v3;
	s4 =	sadd.s32 $0x10, s4;
	s8 =	smov.u32 s7;
	s15 =	sadd.s32 $0x4, s7  }
0x495: {  	p0 =	sne.s32 s7, $0x7CC;
	v3 =	vld.idx.msk [tilespmem:v2+s0+$0x0], $0xffff;
	_ =	sdelay $0x5  }
0x496: {  	v3 =	vshll.u32 v3, $0x2  }
0x497: {  	v3 =	vor.u32 v0, v3;
	_ =	sdelay $0x4  }
0x498: {  	v3 =	vld.idx.msk [tilespmem:v3+s1+$0x0], $0xffff;
	_ =	sdelay $0x5  }
0x499: {  	[tilespmem:s3+$0x0] =	vst v3  }
0x49a: {  	v3 =	vld.idx.msk [tilespmem:v2+s2+$0x0], $0xffff;
	_ =	sdelay $0x2  }
.Ltmp22:
0x49b: {  	(pc) =	sbr.rel @p0 .LBB2_45-.Ltmp22, $3  }
0x49c: {  	v2 =	vor.u32 s8, v1;
	_ =	sdelay $0x1  }
0x49d: {  	v3 =	vshll.u32 v3, $0x2  }
0x49e: {  	s7 =	smov.u32 s15;
	v3 =	vor.u32 v0, v3  }
0x49f: {  	_ =	sdelay $0x2  }
0x4a0: {  	[tilespmem:s4+$0x0] =	vst v3  }
0x4a1: {  	v1 =	vld.idx.msk [tilespmem:v2+s0+$0x0], $0xffff;
	_ =	sdelay $0x4  }
0x4a2: {  	v1 =	vshll.u32 v1, $0x2  }
0x4a3: {  	v1 =	vor.u32 v0, v1;
	_ =	sdelay $0x4  }
0x4a4: {  	v1 =	vld.idx.msk [tilespmem:v1+s1+$0x0], $0xffff;
	_ =	sdelay $0x3  }
0x4a5: {  	s7 =	sadd.s32 $0x10, s3  }
0x4a6: {  	[tilespmem:s7+$0x0] =	vst v1  }
0x4a7: {  	v1 =	vld.idx.msk [tilespmem:v2+s2+$0x0], $0xffff;
	_ =	sdelay $0x4  }
0x4a8: {  	v1 =	vshll.u32 v1, $0x2  }
0x4a9: {  	s8 =	sadd.s32 $0x10, s4;
	v0 =	vor.u32 v0, v1  }
0x4aa: {  	s15 =	simm.s32 $0x1F40;
	s30 =	simm.s32 $0xB680;
	s31 =	simm.s32 $0xF580;
	[tilespmem:s8+$0x0] =	vst v0  }
0x4ab: {  	[spmem:s5] =	stream.indirect.scatter.add.f32 [tilespmem:s31], [sflag:$0x1], $0x1, s30, s15, $0xb8;
	[tilespmem:$0x1C780] =	vst v63  }
0x4ac: {  	s3 =	simm.s32 $0x0;
	s4 =	simm.s32 $0x17480  }
0x4ad: {  	[tilespmem:s4], [sflag:$0x3] =	stream.linear.gather [hbm4b:s28+s3], $0x7D0, $0x38;
	[tilespmem:$0x1C780] =	vst v63  }
0x4ae: {  	s7 =	simm.s32 $0x18480;
	s8 =	rddreg [dreg:$0xa];
	s15 =	simm.s32 $0x2  }
0x4af: {  	[tilespmem:s7], [sflag:$0x5] =	stream.linear.gather [hbm4b:s8+s3], $0x7D0, $0x38;
	[tilespmem:$0x1C780] =	vst v63  }
0x4b0: {  	_ =	swait.ge [sflag:s15], $0x1F40  }
0x4b1: {  	[sflag:s15] =	ssyncset.done $0x0  }
0x4b2: {  	v0 =	vlaneseq.u32;
	s30 =	simm.s32 $0x4;
	[sflag:s15] =	ssyncadd.s32 $0xFFFFE0C0  }
0x4b3: {  	v1 =	vshrl.u32 v0, $0x2;
	_ =	swait.ge [sflag:s30], $0x7D0  }
0x4b4: {  	v2 =	vor.u32 s3, v1;
	[sflag:s30] =	ssyncset.done $0x0  }
0x4b5: {  	s31 =	simm.s32 $0x6;
	[sflag:s30] =	ssyncadd.s32 $0xFFFFF830  }
0x4b6: {  	_ =	swait.ge [sflag:s31], $0x7D0  }
0x4b7: {  	[sflag:s31] =	ssyncset.done $0x0  }
0x4b8: {  	s0 =	simm.s32 $0x17C80;
	[sflag:s31] =	ssyncadd.s32 $0xFFFFF830  }
0x4b9: {  	v3 =	vld.idx.msk [tilespmem:v2+s0+$0x0], $0xffff;
	_ =	sdelay $0x4  }
0x4ba: {  	v0 =	vand.u32 $0x3, v0;
	v3 =	vshll.u32 v3, $0x2  }
0x4bb: {  	v3 =	vor.u32 v0, v3;
	_ =	sdelay $0x3  }
0x4bc: {  	s1 =	simm.s32 $0x1680  }
0x4bd: {  	v3 =	vld.idx.msk [tilespmem:v3+s1+$0x0], $0xffff;
	_ =	sdelay $0x3  }
0x4be: {  	s3 =	simm.s32 $0x11500  }
0x4bf: {  	s2 =	simm.s32 $0x18C80;
	[tilespmem:s3+$0x0] =	vst v3  }
0x4c0: {  	v2 =	vld.idx.msk [tilespmem:v2+s2+$0x0], $0xffff;
	_ =	sdelay $0x3  }
0x4c1: {  	s8 =	simm.s32 $0x4  }
0x4c2: {  	v3 =	vshll.u32 v2, $0x2;
	v2 =	vor.u32 s8, v1;
	_ =	sdelay $0x1  }
0x4c3: {  	s4 =	simm.s32 $0xD600;
	s7 =	simm.s32 $0x8;
	v3 =	vor.u32 v0, v3  }
.LBB2_47:
0x4c4: {  	s3 =	sadd.s32 $0x10, s3  }
0x4c5: {  	[tilespmem:s4+$0x0] =	vst v3;
	s4 =	sadd.s32 $0x10, s4;
	s8 =	smov.u32 s7;
	s15 =	sadd.s32 $0x4, s7  }
0x4c6: {  	p0 =	sne.s32 s7, $0x7CC;
	v3 =	vld.idx.msk [tilespmem:v2+s0+$0x0], $0xffff;
	_ =	sdelay $0x5  }
0x4c7: {  	v3 =	vshll.u32 v3, $0x2  }
0x4c8: {  	v3 =	vor.u32 v0, v3;
	_ =	sdelay $0x4  }
0x4c9: {  	v3 =	vld.idx.msk [tilespmem:v3+s1+$0x0], $0xffff;
	_ =	sdelay $0x5  }
0x4ca: {  	[tilespmem:s3+$0x0] =	vst v3  }
0x4cb: {  	v3 =	vld.idx.msk [tilespmem:v2+s2+$0x0], $0xffff;
	_ =	sdelay $0x2  }
.Ltmp23:
0x4cc: {  	(pc) =	sbr.rel @p0 .LBB2_47-.Ltmp23, $3  }
0x4cd: {  	v2 =	vor.u32 s8, v1;
	_ =	sdelay $0x1  }
0x4ce: {  	v3 =	vshll.u32 v3, $0x2  }
0x4cf: {  	s7 =	smov.u32 s15;
	v3 =	vor.u32 v0, v3  }
0x4d0: {  	_ =	sdelay $0x2  }
0x4d1: {  	[tilespmem:s4+$0x0] =	vst v3  }
0x4d2: {  	v1 =	vld.idx.msk [tilespmem:v2+s0+$0x0], $0xffff;
	_ =	sdelay $0x4  }
0x4d3: {  	v1 =	vshll.u32 v1, $0x2  }
0x4d4: {  	v1 =	vor.u32 v0, v1;
	_ =	sdelay $0x4  }
0x4d5: {  	v1 =	vld.idx.msk [tilespmem:v1+s1+$0x0], $0xffff;
	_ =	sdelay $0x3  }
0x4d6: {  	s7 =	sadd.s32 $0x10, s3  }
0x4d7: {  	[tilespmem:s7+$0x0] =	vst v1  }
0x4d8: {  	v1 =	vld.idx.msk [tilespmem:v2+s2+$0x0], $0xffff;
	_ =	sdelay $0x4  }
0x4d9: {  	v1 =	vshll.u32 v1, $0x2  }
0x4da: {  	s8 =	sadd.s32 $0x10, s4;
	v0 =	vor.u32 v0, v1  }
0x4db: {  	s15 =	simm.s32 $0x1F40;
	s30 =	simm.s32 $0xD600;
	s31 =	simm.s32 $0x11500;
	[tilespmem:s8+$0x0] =	vst v0  }
0x4dc: {  	[spmem:s5] =	stream.indirect.scatter.add.f32 [tilespmem:s31], [sflag:$0x2], $0x1, s30, s15, $0xb8;
	[tilespmem:$0x1C780] =	vst v63  }
0x4dd: {  	s3 =	simm.s32 $0x0;
	s4 =	simm.s32 $0x17C80  }
0x4de: {  	[tilespmem:s4], [sflag:$0x4] =	stream.linear.gather [hbm4b:s29+s3], $0x7D0, $0x38;
	[tilespmem:$0x1C780] =	vst v63  }
0x4df: {  	s7 =	simm.s32 $0x18C80;
	s8 =	rddreg [dreg:$0x9];
	s15 =	simm.s32 $0x1  }
0x4e0: {  	[tilespmem:s7], [sflag:$0x6] =	stream.linear.gather [hbm4b:s8+s3], $0x7D0, $0x38;
	[tilespmem:$0x1C780] =	vst v63  }
0x4e1: {  	_ =	swait.ge [sflag:s15], $0x1F40  }
0x4e2: {  	[sflag:s15] =	ssyncset.done $0x0  }
0x4e3: {  	v0 =	vlaneseq.u32;
	s30 =	simm.s32 $0x3;
	[sflag:s15] =	ssyncadd.s32 $0xFFFFE0C0  }
0x4e4: {  	v1 =	vshrl.u32 v0, $0x2;
	_ =	swait.ge [sflag:s30], $0x7D0  }
0x4e5: {  	v2 =	vor.u32 s3, v1;
	[sflag:s30] =	ssyncset.done $0x0  }
0x4e6: {  	s31 =	simm.s32 $0x5;
	[sflag:s30] =	ssyncadd.s32 $0xFFFFF830  }
0x4e7: {  	_ =	swait.ge [sflag:s31], $0x7D0  }
0x4e8: {  	[sflag:s31] =	ssyncset.done $0x0  }
0x4e9: {  	s0 =	simm.s32 $0x17480;
	[sflag:s31] =	ssyncadd.s32 $0xFFFFF830  }
0x4ea: {  	v3 =	vld.idx.msk [tilespmem:v2+s0+$0x0], $0xffff;
	_ =	sdelay $0x4  }
0x4eb: {  	v0 =	vand.u32 $0x3, v0;
	v3 =	vshll.u32 v3, $0x2  }
0x4ec: {  	v3 =	vor.u32 v0, v3;
	_ =	sdelay $0x3  }
0x4ed: {  	s1 =	simm.s32 $0x1680  }
0x4ee: {  	v3 =	vld.idx.msk [tilespmem:v3+s1+$0x0], $0xffff;
	_ =	sdelay $0x3  }
0x4ef: {  	s3 =	simm.s32 $0xF580  }
0x4f0: {  	s2 =	simm.s32 $0x18480;
	[tilespmem:s3+$0x0] =	vst v3  }
0x4f1: {  	v2 =	vld.idx.msk [tilespmem:v2+s2+$0x0], $0xffff;
	_ =	sdelay $0x3  }
0x4f2: {  	s8 =	simm.s32 $0x4  }
0x4f3: {  	v3 =	vshll.u32 v2, $0x2;
	v2 =	vor.u32 s8, v1;
	_ =	sdelay $0x1  }
0x4f4: {  	s4 =	simm.s32 $0xB680;
	s7 =	simm.s32 $0x8;
	v3 =	vor.u32 v0, v3  }
.LBB2_49:
0x4f5: {  	s3 =	sadd.s32 $0x10, s3  }
0x4f6: {  	[tilespmem:s4+$0x0] =	vst v3;
	s4 =	sadd.s32 $0x10, s4;
	s8 =	smov.u32 s7;
	s15 =	sadd.s32 $0x4, s7  }
0x4f7: {  	p0 =	sne.s32 s7, $0x7CC;
	v3 =	vld.idx.msk [tilespmem:v2+s0+$0x0], $0xffff;
	_ =	sdelay $0x5  }
0x4f8: {  	v3 =	vshll.u32 v3, $0x2  }
0x4f9: {  	v3 =	vor.u32 v0, v3;
	_ =	sdelay $0x4  }
0x4fa: {  	v3 =	vld.idx.msk [tilespmem:v3+s1+$0x0], $0xffff;
	_ =	sdelay $0x5  }
0x4fb: {  	[tilespmem:s3+$0x0] =	vst v3  }
0x4fc: {  	v3 =	vld.idx.msk [tilespmem:v2+s2+$0x0], $0xffff;
	_ =	sdelay $0x2  }
.Ltmp24:
0x4fd: {  	(pc) =	sbr.rel @p0 .LBB2_49-.Ltmp24, $3  }
0x4fe: {  	v2 =	vor.u32 s8, v1;
	_ =	sdelay $0x1  }
0x4ff: {  	v3 =	vshll.u32 v3, $0x2  }
0x500: {  	s7 =	smov.u32 s15;
	v3 =	vor.u32 v0, v3  }
0x501: {  	_ =	sdelay $0x2  }
0x502: {  	[tilespmem:s4+$0x0] =	vst v3  }
0x503: {  	v1 =	vld.idx.msk [tilespmem:v2+s0+$0x0], $0xffff;
	_ =	sdelay $0x4  }
0x504: {  	v1 =	vshll.u32 v1, $0x2  }
0x505: {  	v1 =	vor.u32 v0, v1;
	_ =	sdelay $0x4  }
0x506: {  	v1 =	vld.idx.msk [tilespmem:v1+s1+$0x0], $0xffff;
	_ =	sdelay $0x3  }
0x507: {  	s1 =	sadd.s32 $0x10, s3  }
0x508: {  	[tilespmem:s1+$0x0] =	vst v1  }
0x509: {  	v1 =	vld.idx.msk [tilespmem:v2+s2+$0x0], $0xffff;
	_ =	sdelay $0x4  }
0x50a: {  	v1 =	vshll.u32 v1, $0x2  }
0x50b: {  	s7 =	simm.s32 $0xF580;
	s2 =	sadd.s32 $0x10, s4;
	v0 =	vor.u32 v0, v1  }
0x50c: {  	s8 =	simm.s32 $0x2;
	s3 =	simm.s32 $0x1F40;
	s4 =	simm.s32 $0xB680;
	[tilespmem:s2+$0x0] =	vst v0  }
0x50d: {  	[spmem:s5] =	stream.indirect.scatter.add.f32 [tilespmem:s7], [sflag:$0x1], $0x1, s4, s3, $0xb8;
	[tilespmem:$0x1C780] =	vst v63  }
0x50e: {  	_ =	swait.ge [sflag:s8], $0x1F40  }
0x50f: {  	[sflag:s8] =	ssyncset.done $0x0  }
0x510: {  	s15 =	simm.s32 $0x4;
	v0 =	vlaneseq.u32;
	[sflag:s8] =	ssyncadd.s32 $0xFFFFE0C0  }
0x511: {  	s30 =	simm.s32 $0x0;
	v1 =	vshrl.u32 v0, $0x2;
	_ =	swait.ge [sflag:s15], $0x7D0  }
0x512: {  	v2 =	vor.u32 s30, v1;
	[sflag:s15] =	ssyncset.done $0x0  }
0x513: {  	s31 =	simm.s32 $0x6;
	[sflag:s15] =	ssyncadd.s32 $0xFFFFF830  }
0x514: {  	_ =	swait.ge [sflag:s31], $0x7D0  }
0x515: {  	[sflag:s31] =	ssyncset.done $0x0  }
0x516: {  	s0 =	simm.s32 $0x17C80;
	[sflag:s31] =	ssyncadd.s32 $0xFFFFF830  }
0x517: {  	v3 =	vld.idx.msk [tilespmem:v2+s0+$0x0], $0xffff;
	_ =	sdelay $0x4  }
0x518: {  	v0 =	vand.u32 $0x3, v0;
	v3 =	vshll.u32 v3, $0x2  }
0x519: {  	v3 =	vor.u32 v0, v3;
	_ =	sdelay $0x3  }
0x51a: {  	s1 =	simm.s32 $0x1680  }
0x51b: {  	v3 =	vld.idx.msk [tilespmem:v3+s1+$0x0], $0xffff;
	_ =	sdelay $0x3  }
0x51c: {  	s3 =	simm.s32 $0x11500  }
0x51d: {  	s2 =	simm.s32 $0x18C80;
	[tilespmem:s3+$0x0] =	vst v3  }
0x51e: {  	v2 =	vld.idx.msk [tilespmem:v2+s2+$0x0], $0xffff;
	_ =	sdelay $0x3  }
0x51f: {  	s8 =	simm.s32 $0x4  }
0x520: {  	v3 =	vshll.u32 v2, $0x2;
	v2 =	vor.u32 s8, v1;
	_ =	sdelay $0x1  }
0x521: {  	s4 =	simm.s32 $0xD600;
	s7 =	simm.s32 $0x8;
	v3 =	vor.u32 v0, v3  }
.LBB2_51:
0x522: {  	s3 =	sadd.s32 $0x10, s3  }
0x523: {  	[tilespmem:s4+$0x0] =	vst v3;
	s4 =	sadd.s32 $0x10, s4;
	s8 =	smov.u32 s7;
	s15 =	sadd.s32 $0x4, s7  }
0x524: {  	p0 =	sne.s32 s7, $0x7CC;
	v3 =	vld.idx.msk [tilespmem:v2+s0+$0x0], $0xffff;
	_ =	sdelay $0x5  }
0x525: {  	v3 =	vshll.u32 v3, $0x2  }
0x526: {  	v3 =	vor.u32 v0, v3;
	_ =	sdelay $0x4  }
0x527: {  	v3 =	vld.idx.msk [tilespmem:v3+s1+$0x0], $0xffff;
	_ =	sdelay $0x5  }
0x528: {  	[tilespmem:s3+$0x0] =	vst v3  }
0x529: {  	v3 =	vld.idx.msk [tilespmem:v2+s2+$0x0], $0xffff;
	_ =	sdelay $0x2  }
.Ltmp25:
0x52a: {  	(pc) =	sbr.rel @p0 .LBB2_51-.Ltmp25, $3  }
0x52b: {  	v2 =	vor.u32 s8, v1;
	_ =	sdelay $0x1  }
0x52c: {  	v3 =	vshll.u32 v3, $0x2  }
0x52d: {  	s7 =	smov.u32 s15;
	v3 =	vor.u32 v0, v3  }
0x52e: {  	_ =	sdelay $0x2  }
0x52f: {  	[tilespmem:s4+$0x0] =	vst v3  }
0x530: {  	v1 =	vld.idx.msk [tilespmem:v2+s0+$0x0], $0xffff;
	_ =	sdelay $0x4  }
0x531: {  	v1 =	vshll.u32 v1, $0x2  }
0x532: {  	v1 =	vor.u32 v0, v1;
	_ =	sdelay $0x4  }
0x533: {  	v1 =	vld.idx.msk [tilespmem:v1+s1+$0x0], $0xffff;
	_ =	sdelay $0x3  }
0x534: {  	s8 =	sadd.s32 $0x10, s3  }
0x535: {  	[tilespmem:s8+$0x0] =	vst v1  }
0x536: {  	v1 =	vld.idx.msk [tilespmem:v2+s2+$0x0], $0xffff;
	_ =	sdelay $0x4  }
0x537: {  	v1 =	vshll.u32 v1, $0x2  }
0x538: {  	s15 =	sadd.s32 $0x10, s4;
	s3 =	simm.s32 $0x11500;
	v0 =	vor.u32 v0, v1  }
0x539: {  	s4 =	simm.s32 $0x1;
	s1 =	simm.s32 $0x1F40;
	s2 =	simm.s32 $0xD600;
	[tilespmem:s15+$0x0] =	vst v0  }
0x53a: {  	[spmem:s5] =	stream.indirect.scatter.add.f32 [tilespmem:s3], [sflag:$0x2], $0x1, s2, s1, $0xb8;
	[tilespmem:$0x1C780] =	vst v63  }
0x53b: {  	_ =	swait.ge [sflag:s4], $0x1F40  }
0x53c: {  	[sflag:s4] =	ssyncset.done $0x0  }
0x53d: {  	s7 =	simm.s32 $0x2;
	[sflag:s4] =	ssyncadd.s32 $0xFFFFE0C0  }
0x53e: {  	_ =	swait.ge [sflag:s7], $0x1F40  }
0x53f: {  	[sflag:s7] =	ssyncset.done $0x0  }
0x540: {  	s8 =	simm.s32 $0x1B080;
	[sflag:s7] =	ssyncadd.s32 $0xFFFFE0C0  }
0x541: {  	s15 =	simm.s32 $0x7;
	s2 =	simm.s32 $0x0;
	[bflag:$0x0] =	sbarrier.arrive $0xFFFF  }
0x542: {  	v1 =	vlaneseq.u32;
	[tilespmem:s8], [sflag:$0x7] =	stream.linear.gather [spmem:s6], $0xA00, $0x38;
	[tilespmem:$0x1C780] =	vst v63  }
0x543: {  	v0 =	vor.u32 s2, v1;
	_ =	swait.ge [sflag:s15], $0xA00  }
0x544: {  	v2 =	vshrl.u32 v0, $0x2;
	[sflag:s15] =	ssyncset.done $0x0  }
0x545: {  	v0 =	vand.u32 $0x3, v1;
	[sflag:s15] =	ssyncadd.s32 $0xFFFFF600  }
0x546: {  	s30 =	simm.s32 $0x1A680;
	v0 =	vor.u32 $0x34, v0;
	v3 =	vld [tilespmem:s8+$0x0]  }
0x547: {  	v4 =	vld [tilespmem:s30+$0x0]  }
0x548: {  	s1 =	simm.s32 $0x1C480  }
0x549: {  	v2 =	vld.idx.msk [tilespmem:v2+s1+$0x0], $0xffff  }
0x54a: {  	s3 =	simm.s32 $0x1C700  }
0x54b: {  	v5 =	vld.idx.msk [tilespmem:v0+s3+$0x0], $0xffff  }
0x54c: {  	v3 =	vadd.f32 v4, v3;
	_ =	sdelay $0x1  }
0x54d: {  	v2 =	vmul.f32 v3, v2;
	_ =	sdelay $0x1  }
0x54e: {  	v2 =	vadd.f32 v2, v5;
	_ =	sdelay $0x1  }
0x54f: {  	v2 =	vadd.f32 v2, v2;
	_ =	sdelay $0x1  }
0x550: {  	v2 =	vmul.f32 $1.442695020e+00, v2;
	_ =	sdelay $0x1  }
0x551: {  	(erf) = vpow2.f32 v2;
	_ =	sdelay $0x8  }
0x552: {  	v2 =	vpop (erf)  }
0x553: {  	v2 =	vadd.f32 $1.000000000e+00, v2;
	_ =	sdelay $0x1  }
0x554: {  	(erf) = vrcp.f32 v2;
	_ =	sdelay $0x8  }
0x555: {  	v2 =	vpop (erf)  }
0x556: {  	v2 =	vadd.f32 v2, v2  }
0x557: {  	s0 =	simm.s32 $0x10  }
0x558: {  	v3 =	vor.u32 s0, v1;
	v2 =	vsub.f32 $1.000000000e+00, v2  }
0x559: {  	s15 =	simm.s32 $0x1BA80;
	v3 =	vshrl.u32 v3, $0x2  }
0x55a: {  	s4 =	simm.s32 $0x1B090;
	[tilespmem:s15+$0x0] =	vst v2  }
0x55b: {  	s7 =	simm.s32 $0x1A690;
	v2 =	vld [tilespmem:s4+$0x0]  }
0x55c: {  	v4 =	vld [tilespmem:s7+$0x0];
	_ =	sdelay $0x1  }
0x55d: {  	v3 =	vld.idx.msk [tilespmem:v3+s1+$0x0], $0xffff;
	_ =	sdelay $0x1  }
0x55e: {  	v5 =	vld.idx.msk [tilespmem:v0+s3+$0x0], $0xffff  }
0x55f: {  	v2 =	vadd.f32 v4, v2;
	_ =	sdelay $0x1  }
0x560: {  	v2 =	vmul.f32 v2, v3;
	_ =	sdelay $0x1  }
0x561: {  	v2 =	vadd.f32 v2, v5;
	_ =	sdelay $0x1  }
0x562: {  	v2 =	vadd.f32 v2, v2;
	_ =	sdelay $0x1  }
0x563: {  	v2 =	vmul.f32 $1.442695020e+00, v2;
	_ =	sdelay $0x1  }
0x564: {  	(erf) = vpow2.f32 v2;
	_ =	sdelay $0x8  }
0x565: {  	v2 =	vpop (erf)  }
0x566: {  	v2 =	vadd.f32 $1.000000000e+00, v2;
	_ =	sdelay $0x1  }
0x567: {  	(erf) = vrcp.f32 v2;
	_ =	sdelay $0x8  }
0x568: {  	v2 =	vpop (erf)  }
0x569: {  	s31 =	simm.s32 $0x20;
	v2 =	vadd.f32 v2, v2  }
0x56a: {  	s8 =	simm.s32 $0x30;
	v3 =	vor.u32 s31, v1  }
.LBB2_53:
0x56b: {  	p0 =	sne.s32 s8, $0x9F0;
	v3 =	vshrl.u32 v3, $0x2;
	v2 =	vsub.f32 $1.000000000e+00, v2  }
0x56c: {  	s15 =	sadd.s32 $0x10, s15  }
0x56d: {  	s4 =	sadd.s32 $0x10, s4;
	[tilespmem:s15+$0x0] =	vst v2  }
0x56e: {  	s7 =	sadd.s32 $0x10, s7;
	v2 =	vld [tilespmem:s4+$0x0]  }
0x56f: {  	v4 =	vld [tilespmem:s7+$0x0]  }
0x570: {  	v3 =	vld.idx.msk [tilespmem:v3+s1+$0x0], $0xffff;
	_ =	sdelay $0x1  }
0x571: {  	v5 =	vld.idx.msk [tilespmem:v0+s3+$0x0], $0xffff;
	_ =	sdelay $0x1  }
0x572: {  	v2 =	vadd.f32 v4, v2;
	_ =	sdelay $0x1  }
0x573: {  	v2 =	vmul.f32 v2, v3;
	_ =	sdelay $0x1  }
0x574: {  	v2 =	vadd.f32 v2, v5;
	_ =	sdelay $0x1  }
0x575: {  	v2 =	vadd.f32 v2, v2;
	_ =	sdelay $0x1  }
0x576: {  	v2 =	vmul.f32 $1.442695020e+00, v2;
	_ =	sdelay $0x1  }
0x577: {  	(erf) = vpow2.f32 v2;
	_ =	sdelay $0x8  }
0x578: {  	v2 =	vpop (erf)  }
0x579: {  	v2 =	vadd.f32 $1.000000000e+00, v2;
	_ =	sdelay $0x1  }
0x57a: {  	(erf) = vrcp.f32 v2;
	_ =	sdelay $0x6  }
.Ltmp26:
0x57b: {  	(pc) =	sbr.rel @p0 .LBB2_53-.Ltmp26, $4  }
0x57c: {  	_ = 	snop  }
0x57d: {  	v2 =	vpop (erf)  }
0x57e: {  	v2 =	vadd.f32 v2, v2  }
0x57f: {  	v3 =	vor.u32 s8, v1;
	s8 =	sadd.s32 $0x10, s8  }
0x580: {  	v1 =	vsub.f32 $1.000000000e+00, v2  }
0x581: {  	v2 =	vshrl.u32 v3, $0x2;
	s8 =	sadd.s32 $0x10, s15  }
0x582: {  	s4 =	sadd.s32 $0x10, s4;
	[tilespmem:s8+$0x0] =	vst v1  }
0x583: {  	s7 =	sadd.s32 $0x10, s7;
	v1 =	vld [tilespmem:s4+$0x0]  }
0x584: {  	v3 =	vld [tilespmem:s7+$0x0];
	_ =	sdelay $0x1  }
0x585: {  	v2 =	vld.idx.msk [tilespmem:v2+s1+$0x0], $0xffff;
	_ =	sdelay $0x1  }
0x586: {  	v0 =	vld.idx.msk [tilespmem:v0+s3+$0x0], $0xffff  }
0x587: {  	v1 =	vadd.f32 v3, v1;
	_ =	sdelay $0x1  }
0x588: {  	v1 =	vmul.f32 v1, v2;
	_ =	sdelay $0x1  }
0x589: {  	v0 =	vadd.f32 v1, v0;
	_ =	sdelay $0x1  }
0x58a: {  	v0 =	vadd.f32 v0, v0;
	_ =	sdelay $0x1  }
0x58b: {  	v0 =	vmul.f32 $1.442695020e+00, v0;
	_ =	sdelay $0x1  }
0x58c: {  	(erf) = vpow2.f32 v0;
	_ =	sdelay $0x8  }
0x58d: {  	v0 =	vpop (erf)  }
0x58e: {  	v0 =	vadd.f32 $1.000000000e+00, v0;
	_ =	sdelay $0x1  }
0x58f: {  	(erf) = vrcp.f32 v0;
	_ =	sdelay $0x5  }
0x590: {  	v2 =	vimm.s32 $0x76763232  }
0x591: {  	v2 =	vunpack.c.l.s4.s8 v2;
	v1 =	vlaneseq.u32;
	v0 =	vimm.s32 $0xFEFEBABA  }
0x592: {  	v4 =	vshrl.u32 v1, $0x1;
	v0 =	vunpack.c.l.s4.s8 v0  }
0x593: {  	v2 =	vunpack.c.0.s8.s32 v2;
	v4 =	vmul.u32 $0x2, v4;
	v3 =	vpop (erf)  }
0x594: {  	v8 =	vor.u32 s2, v1;
	v6 =	vunpack.c.0.s8.s32 v0;
	v3 =	vadd.f32 v3, v3  }
0x595: {  	v5 =	vand.u32 $0x3, v1;
	v10 =	vand.u32 $0x7C, v8;
	v4 =	vor.u32 $0x1, v4  }
0x596: {  	v2 =	vcombine.low v2, v6;
	v7 =	vsub.f32 $1.000000000e+00, v3;
	v3 =	vmov s2  }
0x597: {  	v0 =	vor.u32 $0x10, v5;
	v6 =	vor.u32 s2, v4;
	v9 =	vand.u32 $0xF80, v3  }
0x598: {  	v3 =	vand.u32 $0xF, v2;
	v2 =	vand.u32 $0x7D, v6;
	v10 =	vor.u32 v9, v10  }
0x599: {  	v6 =	vshrl.u32 v1, $0x2;
	v11 =	vor.u32 v9, v2  }
0x59a: {  	s15 =	sadd.s32 $0x10, s8;
	v12 =	vor.u32 s2, v3;
	v2 =	vor.u32 $0x14, v5;
	v6 =	vmul.u32 $0x4, v6  }
0x59b: {  	s3 =	simm.s32 $0x1C700;
	[tilespmem:s15+$0x0] =	vst v7;
	v5 =	vor.u32 $0x18, v5;
	v12 =	vand.u32 $0x7E, v12  }
0x59c: {  	s1 =	simm.s32 $0x1BA80;
	v9 =	vor.u32 v9, v12;
	v7 =	vor.u32 $0x3, v6;
	v12 =	vld.idx.msk [tilespmem:v0+s3+$0x0], $0xffff  }
0x59d: {  	v13 =	vor.u32 s2, v7;
	v10 =	vld.idx.msk [tilespmem:v10+s1+$0x0], $0xffff  }
0x59e: {  	v6 =	vor.u32 $0x1C, v1;
	v11 =	vld.idx.msk [tilespmem:v11+s1+$0x0], $0xffff  }
0x59f: {  	v14 =	vld.idx.msk [tilespmem:v2+s3+$0x0], $0xffff  }
0x5a0: {  	v15 =	vld.idx.msk [tilespmem:v5+s3+$0x0], $0xffff  }
0x5a1: {  	v9 =	vld.idx.msk [tilespmem:v9+s1+$0x0], $0xffff  }
0x5a2: {  	v8 =	vshrl.u32 v8, $0x2;
	v13 =	vld.idx.msk [tilespmem:v13+s1+$0x0], $0xffff;
	v10 =	vmul.f32 v12, v10  }
0x5a3: {  	v12 =	vld.idx.msk [tilespmem:v6+s3+$0x0], $0xffff  }
0x5a4: {  	v11 =	vmul.f32 v14, v11;
	v10 =	vadd.f32 $0.0e+00, v10;
	_ =	sdelay $0x1  }
0x5a5: {  	s2 =	simm.s32 $0x1C480;
	v9 =	vmul.f32 v15, v9;
	v10 =	vadd.f32 v11, v10  }
0x5a6: {  	v8 =	vld.idx.msk [tilespmem:v8+s2+$0x0], $0xffff  }
0x5a7: {  	v11 =	vmov s0;
	v9 =	vadd.f32 v9, v10;
	v10 =	vmul.f32 v12, v13  }
0x5a8: {  	v11 =	vand.u32 $0xF80, v11;
	v12 =	vor.u32 s0, v1  }
0x5a9: {  	v13 =	vor.u32 s0, v4;
	v14 =	vand.u32 $0x7C, v12;
	v9 =	vadd.f32 v10, v9  }
0x5aa: {  	v13 =	vand.u32 $0x7D, v13;
	v10 =	vor.u32 v11, v14  }
0x5ab: {  	v13 =	vor.u32 v11, v13;
	v8 =	vmul.f32 v9, v8  }
0x5ac: {  	v14 =	vor.u32 s0, v3  }
0x5ad: {  	v9 =	vand.u32 $0x7E, v14;
	[tilespmem:s30+$0x0] =	vst v8  }
0x5ae: {  	v9 =	vor.u32 v11, v9;
	v8 =	vld.idx.msk [tilespmem:v0+s3+$0x0], $0xffff  }
0x5af: {  	v10 =	vld.idx.msk [tilespmem:v10+s1+$0x0], $0xffff  }
0x5b0: {  	v13 =	vld.idx.msk [tilespmem:v13+s1+$0x0], $0xffff  }
0x5b1: {  	v11 =	vor.u32 s0, v7;
	v14 =	vld.idx.msk [tilespmem:v2+s3+$0x0], $0xffff  }
0x5b2: {  	v15 =	vld.idx.msk [tilespmem:v5+s3+$0x0], $0xffff  }
0x5b3: {  	v9 =	vld.idx.msk [tilespmem:v9+s1+$0x0], $0xffff  }
0x5b4: {  	v8 =	vmul.f32 v8, v10  }
0x5b5: {  	v12 =	vshrl.u32 v12, $0x2;
	v16 =	vld.idx.msk [tilespmem:v6+s3+$0x0], $0xffff  }
0x5b6: {  	v11 =	vld.idx.msk [tilespmem:v11+s1+$0x0], $0xffff;
	v10 =	vmul.f32 v14, v13;
	v8 =	vadd.f32 $0.0e+00, v8;
	_ =	sdelay $0x1  }
0x5b7: {  	v9 =	vmul.f32 v15, v9;
	v8 =	vadd.f32 v10, v8;
	_ =	sdelay $0x1  }
0x5b8: {  	v10 =	vadd.f32 v9, v8;
	v9 =	vld.idx.msk [tilespmem:v12+s2+$0x0], $0xffff  }
0x5b9: {  	v11 =	vmul.f32 v16, v11  }
0x5ba: {  	s0 =	simm.s32 $0x30;
	v13 =	vmov s31;
	v8 =	vor.u32 s31, v1;
	v12 =	vor.u32 s31, v4  }
.LBB2_55:
0x5bb: {  	p0 =	sne.s32 s0, $0x9F0;
	v13 =	vand.u32 $0xF80, v13;
	v14 =	vand.u32 $0x7C, v8;
	v10 =	vadd.f32 v11, v10  }
0x5bc: {  	v12 =	vand.u32 $0x7D, v12;
	v11 =	vor.u32 v13, v14  }
0x5bd: {  	v12 =	vor.u32 v13, v12;
	v14 =	vor.u32 s31, v3;
	v9 =	vmul.f32 v10, v9  }
0x5be: {  	s30 =	sadd.s32 $0x10, s30;
	v10 =	vand.u32 $0x7E, v14  }
0x5bf: {  	v10 =	vor.u32 v13, v10;
	[tilespmem:s30+$0x0] =	vst v9  }
0x5c0: {  	v9 =	vld.idx.msk [tilespmem:v0+s3+$0x0], $0xffff  }
0x5c1: {  	v13 =	vor.u32 s31, v7;
	s31 =	smov.u32 s0;
	v11 =	vld.idx.msk [tilespmem:v11+s1+$0x0], $0xffff  }
0x5c2: {  	v12 =	vld.idx.msk [tilespmem:v12+s1+$0x0], $0xffff  }
0x5c3: {  	v14 =	vld.idx.msk [tilespmem:v2+s3+$0x0], $0xffff  }
0x5c4: {  	v10 =	vld.idx.msk [tilespmem:v10+s1+$0x0], $0xffff  }
0x5c5: {  	v15 =	vld.idx.msk [tilespmem:v5+s3+$0x0], $0xffff  }
0x5c6: {  	v8 =	vshrl.u32 v8, $0x2;
	v13 =	vld.idx.msk [tilespmem:v13+s1+$0x0], $0xffff  }
0x5c7: {  	v9 =	vmul.f32 v9, v11;
	v11 =	vld.idx.msk [tilespmem:v6+s3+$0x0], $0xffff;
	_ =	sdelay $0x1  }
0x5c8: {  	v9 =	vadd.f32 $0.0e+00, v9;
	v12 =	vmul.f32 v14, v12  }
.Ltmp27:
0x5c9: {  	(pc) =	sbr.rel @p0 .LBB2_55-.Ltmp27, $3  }
0x5ca: {  	v12 =	vadd.f32 v12, v9;
	v10 =	vmul.f32 v15, v10;
	v9 =	vld.idx.msk [tilespmem:v8+s2+$0x0], $0xffff;
	_ =	sdelay $0x1  }
0x5cb: {  	v10 =	vadd.f32 v10, v12;
	v11 =	vmul.f32 v11, v13  }
0x5cc: {  	s0 =	sadd.s32 $0x10, s0;
	v8 =	vor.u32 s31, v1;
	v13 =	vmov s31;
	v12 =	vor.u32 s31, v4  }
0x5cd: {  	v1 =	vand.u32 $0xF80, v13;
	v4 =	vand.u32 $0x7C, v8;
	v10 =	vadd.f32 v11, v10  }
0x5ce: {  	v4 =	vor.u32 v1, v4  }
0x5cf: {  	v61 =	vand.u32 $0x7D, v12;
	v9 =	vmul.f32 v10, v9  }
0x5d0: {  	v3 =	vor.u32 s31, v3;
	s0 =	sadd.s32 $0x10, s30;
	v11 =	vor.u32 v1, v61  }
0x5d1: {  	v3 =	vand.u32 $0x7E, v3;
	[tilespmem:s0+$0x0] =	vst v9  }
0x5d2: {  	v1 =	vor.u32 v1, v3;
	v0 =	vld.idx.msk [tilespmem:v0+s3+$0x0], $0xffff  }
0x5d3: {  	v3 =	vld.idx.msk [tilespmem:v4+s1+$0x0], $0xffff;
	v4 =	vor.u32 s31, v7  }
0x5d4: {  	v2 =	vld.idx.msk [tilespmem:v2+s3+$0x0], $0xffff  }
0x5d5: {  	v62 =	vld.idx.msk [tilespmem:v11+s1+$0x0], $0xffff  }
0x5d6: {  	v5 =	vld.idx.msk [tilespmem:v5+s3+$0x0], $0xffff  }
0x5d7: {  	v1 =	vld.idx.msk [tilespmem:v1+s1+$0x0], $0xffff  }
0x5d8: {  	v63 =	vshrl.u32 v8, $0x2;
	v4 =	vld.idx.msk [tilespmem:v4+s1+$0x0], $0xffff;
	v0 =	vmul.f32 v0, v3  }
0x5d9: {  	v3 =	vld.idx.msk [tilespmem:v6+s3+$0x0], $0xffff  }
0x5da: {  	v2 =	vmul.f32 v2, v62;
	v0 =	vadd.f32 $0.0e+00, v0;
	_ =	sdelay $0x1  }
0x5db: {  	v1 =	vmul.f32 v5, v1;
	v0 =	vadd.f32 v2, v0  }
0x5dc: {  	v2 =	vld.idx.msk [tilespmem:v63+s2+$0x0], $0xffff  }
0x5dd: {  	v0 =	vadd.f32 v1, v0;
	v1 =	vmul.f32 v3, v4;
	_ =	sdelay $0x1  }
0x5de: {  	v0 =	vadd.f32 v1, v0;
	_ =	sdelay $0x1  }
0x5df: {  	v0 =	vmul.f32 v0, v2  }
0x5e0: {  	s0 =	sadd.s32 $0x10, s0  }
0x5e1: {  	s4 =	simm.s32 $0x7;
	s3 =	simm.s32 $0x1A680;
	[tilespmem:s0+$0x0] =	vst v0  }
0x5e2: {  	[spmem:s23] =	stream.linear.scatter [tilespmem:s3], [sflag:$0x7], $0xA00, $0x38;
	[tilespmem:$0x1C780] =	vst v63  }
0x5e3: {  	_ =	swait.ge [sflag:s4], $0xA00  }
0x5e4: {  	[sflag:s4] =	ssyncset.done $0x0  }
0x5e5: {  	s7 =	simm.s32 $0x19C80;
	[sflag:s4] =	ssyncadd.s32 $0xFFFFF600  }
0x5e6: {  	[spmem:s6] =	stream.linear.scatter [tilespmem:s7], [sflag:$0x7], $0xA00, $0x38;
	[tilespmem:$0x1C780] =	vst v63  }
0x5e7: {  	_ =	swait.ge [sflag:s4], $0xA00  }
0x5e8: {  	[sflag:s4] =	ssyncset.done $0x0  }
0x5e9: {  	[sflag:s4] =	ssyncadd.s32 $0xFFFFF600  }
0x5ea: {  	[bflag:$0x0] =	sbarrier.arrive $0xFFFF  }
0x5eb: {  	s0 =	simm.s32 $0x1680;
	s8 =	rddreg [dreg:$0x4]  }
0x5ec: {  	[tilespmem:s0], [sflag:$0x7] =	stream.linear.gather [spmem:s8], $0xA000, $0x38;
	[tilespmem:$0x1C780] =	vst v63  }
0x5ed: {  	_ =	swait.ge [sflag:s4], $0xA000  }
0x5ee: {  	[sflag:s4] =	ssyncset.done $0x0  }
0x5ef: {  	s15 =	simm.s32 $0x0;
	s2 =	simm.s32 $0x17480;
	[sflag:s4] =	ssyncadd.s32 $0xFFFF6000  }
0x5f0: {  	[tilespmem:s2], [sflag:$0x3] =	stream.linear.gather [hbm4b:s18+s15], $0x7D0, $0x38;
	[tilespmem:$0x1C780] =	vst v63  }
0x5f1: {  	s1 =	simm.s32 $0x18480  }
0x5f2: {  	[tilespmem:s1], [sflag:$0x5] =	stream.linear.gather [hbm4b:s16+s15], $0x7D0, $0x38;
	[tilespmem:$0x1C780] =	vst v63  }
0x5f3: {  	s4 =	simm.s32 $0x17C80  }
0x5f4: {  	[tilespmem:s4], [sflag:$0x4] =	stream.linear.gather [hbm4b:s19+s15], $0x7D0, $0x38;
	[tilespmem:$0x1C780] =	vst v63  }
0x5f5: {  	s30 =	simm.s32 $0x3;
	s23 =	simm.s32 $0x18C80  }
0x5f6: {  	v0 =	vlaneseq.u32;
	[tilespmem:s23], [sflag:$0x6] =	stream.linear.gather [hbm4b:s17+s15], $0x7D0, $0x38;
	[tilespmem:$0x1C780] =	vst v63  }
0x5f7: {  	v1 =	vshrl.u32 v0, $0x1;
	_ =	swait.ge [sflag:s30], $0x7D0  }
0x5f8: {  	v2 =	vor.u32 s15, v1;
	[sflag:s30] =	ssyncset.done $0x0  }
0x5f9: {  	s31 =	simm.s32 $0x5;
	[sflag:s30] =	ssyncadd.s32 $0xFFFFF830  }
0x5fa: {  	_ =	swait.ge [sflag:s31], $0x7D0  }
0x5fb: {  	[sflag:s31] =	ssyncset.done $0x0  }
0x5fc: {  	[sflag:s31] =	ssyncadd.s32 $0xFFFFF830  }
0x5fd: {  	v3 =	vld.idx.msk [tilespmem:v2+s2+$0x0], $0xffff;
	_ =	sdelay $0x4  }
0x5fe: {  	v0 =	vand.u32 $0x1, v0;
	v3 =	vshll.u32 v3, $0x2  }
0x5ff: {  	v3 =	vor.u32 v0, v3;
	_ =	sdelay $0x4  }
0x600: {  	v3 =	vld.idx.msk [tilespmem:v3+s0+$0x0], $0xffff;
	_ =	sdelay $0x3  }
0x601: {  	s3 =	simm.s32 $0x15480  }
0x602: {  	[tilespmem:s3+$0x0] =	vst v3  }
0x603: {  	v2 =	vld.idx.msk [tilespmem:v2+s1+$0x0], $0xffff;
	_ =	sdelay $0x3  }
0x604: {  	s8 =	simm.s32 $0x8  }
0x605: {  	v3 =	vshll.u32 v2, $0x2;
	v2 =	vor.u32 s8, v1;
	_ =	sdelay $0x1  }
0x606: {  	s7 =	simm.s32 $0x10;
	s4 =	simm.s32 $0x13480;
	v3 =	vor.u32 v0, v3  }
.LBB2_57:
0x607: {  	s3 =	sadd.s32 $0x10, s3  }
0x608: {  	[tilespmem:s4+$0x0] =	vst v3;
	s4 =	sadd.s32 $0x10, s4;
	s8 =	smov.u32 s7;
	s15 =	sadd.s32 $0x8, s7  }
0x609: {  	p0 =	sne.s32 s7, $0x7C8;
	v3 =	vld.idx.msk [tilespmem:v2+s2+$0x0], $0xffff;
	_ =	sdelay $0x5  }
0x60a: {  	v3 =	vshll.u32 v3, $0x2  }
0x60b: {  	v3 =	vor.u32 v0, v3;
	_ =	sdelay $0x4  }
0x60c: {  	v3 =	vld.idx.msk [tilespmem:v3+s0+$0x0], $0xffff;
	_ =	sdelay $0x5  }
0x60d: {  	[tilespmem:s3+$0x0] =	vst v3  }
0x60e: {  	v3 =	vld.idx.msk [tilespmem:v2+s1+$0x0], $0xffff;
	_ =	sdelay $0x2  }
.Ltmp28:
0x60f: {  	(pc) =	sbr.rel @p0 .LBB2_57-.Ltmp28, $3  }
0x610: {  	v2 =	vor.u32 s8, v1;
	_ =	sdelay $0x1  }
0x611: {  	v3 =	vshll.u32 v3, $0x2  }
0x612: {  	s7 =	smov.u32 s15;
	v3 =	vor.u32 v0, v3  }
0x613: {  	_ =	sdelay $0x2  }
0x614: {  	[tilespmem:s4+$0x0] =	vst v3  }
0x615: {  	v1 =	vld.idx.msk [tilespmem:v2+s2+$0x0], $0xffff;
	_ =	sdelay $0x4  }
0x616: {  	v1 =	vshll.u32 v1, $0x2  }
0x617: {  	v1 =	vor.u32 v0, v1;
	_ =	sdelay $0x4  }
0x618: {  	v1 =	vld.idx.msk [tilespmem:v1+s0+$0x0], $0xffff;
	_ =	sdelay $0x3  }
0x619: {  	s7 =	sadd.s32 $0x10, s3  }
0x61a: {  	[tilespmem:s7+$0x0] =	vst v1  }
0x61b: {  	v1 =	vld.idx.msk [tilespmem:v2+s1+$0x0], $0xffff;
	_ =	sdelay $0x4  }
0x61c: {  	v1 =	vshll.u32 v1, $0x2  }
0x61d: {  	s8 =	sadd.s32 $0x10, s4;
	v0 =	vor.u32 v0, v1  }
0x61e: {  	s15 =	simm.s32 $0xFA0;
	s16 =	simm.s32 $0x13480;
	s17 =	simm.s32 $0x15480;
	[tilespmem:s8+$0x0] =	vst v0  }
0x61f: {  	[spmem:s5] =	stream.indirect.scatter.add.f32 [tilespmem:s17], [sflag:$0x1], $0x1, s16, s15, $0xb8;
	[tilespmem:$0x1C780] =	vst v63  }
0x620: {  	s18 =	simm.s32 $0x0;
	s19 =	simm.s32 $0x17480  }
0x621: {  	[tilespmem:s19], [sflag:$0x3] =	stream.linear.gather [hbm4b:s20+s18], $0x7D0, $0x38;
	[tilespmem:$0x1C780] =	vst v63  }
0x622: {  	s23 =	simm.s32 $0x18480;
	s30 =	simm.s32 $0x4  }
0x623: {  	v0 =	vlaneseq.u32;
	[tilespmem:s23], [sflag:$0x5] =	stream.linear.gather [hbm4b:s14+s18], $0x7D0, $0x38;
	[tilespmem:$0x1C780] =	vst v63  }
0x624: {  	v1 =	vshrl.u32 v0, $0x1;
	_ =	swait.ge [sflag:s30], $0x7D0  }
0x625: {  	v2 =	vor.u32 s18, v1;
	[sflag:s30] =	ssyncset.done $0x0  }
0x626: {  	s31 =	simm.s32 $0x6;
	[sflag:s30] =	ssyncadd.s32 $0xFFFFF830  }
0x627: {  	_ =	swait.ge [sflag:s31], $0x7D0  }
0x628: {  	[sflag:s31] =	ssyncset.done $0x0  }
0x629: {  	s0 =	simm.s32 $0x17C80;
	[sflag:s31] =	ssyncadd.s32 $0xFFFFF830  }
0x62a: {  	v3 =	vld.idx.msk [tilespmem:v2+s0+$0x0], $0xffff;
	_ =	sdelay $0x4  }
0x62b: {  	v0 =	vand.u32 $0x1, v0;
	v3 =	vshll.u32 v3, $0x2  }
0x62c: {  	v3 =	vor.u32 v0, v3;
	_ =	sdelay $0x3  }
0x62d: {  	s1 =	simm.s32 $0x1680  }
0x62e: {  	v3 =	vld.idx.msk [tilespmem:v3+s1+$0x0], $0xffff;
	_ =	sdelay $0x3  }
0x62f: {  	s3 =	simm.s32 $0x16480  }
0x630: {  	s2 =	simm.s32 $0x18C80;
	[tilespmem:s3+$0x0] =	vst v3  }
0x631: {  	v2 =	vld.idx.msk [tilespmem:v2+s2+$0x0], $0xffff;
	_ =	sdelay $0x3  }
0x632: {  	s8 =	simm.s32 $0x8  }
0x633: {  	v3 =	vshll.u32 v2, $0x2;
	v2 =	vor.u32 s8, v1;
	_ =	sdelay $0x1  }
0x634: {  	s4 =	simm.s32 $0x14480;
	s7 =	simm.s32 $0x10;
	v3 =	vor.u32 v0, v3  }
.LBB2_59:
0x635: {  	s3 =	sadd.s32 $0x10, s3  }
0x636: {  	[tilespmem:s4+$0x0] =	vst v3;
	s4 =	sadd.s32 $0x10, s4;
	s8 =	smov.u32 s7;
	s14 =	sadd.s32 $0x8, s7  }
0x637: {  	p0 =	sne.s32 s7, $0x7C8;
	v3 =	vld.idx.msk [tilespmem:v2+s0+$0x0], $0xffff;
	_ =	sdelay $0x5  }
0x638: {  	v3 =	vshll.u32 v3, $0x2  }
0x639: {  	v3 =	vor.u32 v0, v3;
	_ =	sdelay $0x4  }
0x63a: {  	v3 =	vld.idx.msk [tilespmem:v3+s1+$0x0], $0xffff;
	_ =	sdelay $0x5  }
0x63b: {  	[tilespmem:s3+$0x0] =	vst v3  }
0x63c: {  	v3 =	vld.idx.msk [tilespmem:v2+s2+$0x0], $0xffff;
	_ =	sdelay $0x2  }
.Ltmp29:
0x63d: {  	(pc) =	sbr.rel @p0 .LBB2_59-.Ltmp29, $3  }
0x63e: {  	v2 =	vor.u32 s8, v1;
	_ =	sdelay $0x1  }
0x63f: {  	v3 =	vshll.u32 v3, $0x2  }
0x640: {  	s7 =	smov.u32 s14;
	v3 =	vor.u32 v0, v3  }
0x641: {  	_ =	sdelay $0x2  }
0x642: {  	[tilespmem:s4+$0x0] =	vst v3  }
0x643: {  	v1 =	vld.idx.msk [tilespmem:v2+s0+$0x0], $0xffff;
	_ =	sdelay $0x4  }
0x644: {  	v1 =	vshll.u32 v1, $0x2  }
0x645: {  	v1 =	vor.u32 v0, v1;
	_ =	sdelay $0x4  }
0x646: {  	v1 =	vld.idx.msk [tilespmem:v1+s1+$0x0], $0xffff;
	_ =	sdelay $0x3  }
0x647: {  	s14 =	sadd.s32 $0x10, s3  }
0x648: {  	[tilespmem:s14+$0x0] =	vst v1  }
0x649: {  	v1 =	vld.idx.msk [tilespmem:v2+s2+$0x0], $0xffff;
	_ =	sdelay $0x4  }
0x64a: {  	v1 =	vshll.u32 v1, $0x2  }
0x64b: {  	s15 =	sadd.s32 $0x10, s4;
	v0 =	vor.u32 v0, v1  }
0x64c: {  	s16 =	simm.s32 $0xFA0;
	s17 =	simm.s32 $0x14480;
	s18 =	simm.s32 $0x16480;
	[tilespmem:s15+$0x0] =	vst v0  }
0x64d: {  	[spmem:s5] =	stream.indirect.scatter.add.f32 [tilespmem:s18], [sflag:$0x2], $0x1, s17, s16, $0xb8;
	[tilespmem:$0x1C780] =	vst v63  }
0x64e: {  	s19 =	simm.s32 $0x0;
	s20 =	simm.s32 $0x17C80  }
0x64f: {  	[tilespmem:s20], [sflag:$0x4] =	stream.linear.gather [hbm4b:s21+s19], $0x7D0, $0x38;
	[tilespmem:$0x1C780] =	vst v63  }
0x650: {  	s23 =	simm.s32 $0x1;
	s21 =	simm.s32 $0x18C80  }
0x651: {  	[tilespmem:s21], [sflag:$0x6] =	stream.linear.gather [hbm4b:s13+s19], $0x7D0, $0x38;
	[tilespmem:$0x1C780] =	vst v63  }
0x652: {  	_ =	swait.ge [sflag:s23], $0xFA0  }
0x653: {  	[sflag:s23] =	ssyncset.done $0x0  }
0x654: {  	s30 =	simm.s32 $0x3;
	v0 =	vlaneseq.u32;
	[sflag:s23] =	ssyncadd.s32 $0xFFFFF060  }
0x655: {  	v1 =	vshrl.u32 v0, $0x1;
	_ =	swait.ge [sflag:s30], $0x7D0  }
0x656: {  	v2 =	vor.u32 s19, v1;
	[sflag:s30] =	ssyncset.done $0x0  }
0x657: {  	s31 =	simm.s32 $0x5;
	[sflag:s30] =	ssyncadd.s32 $0xFFFFF830  }
0x658: {  	_ =	swait.ge [sflag:s31], $0x7D0  }
0x659: {  	[sflag:s31] =	ssyncset.done $0x0  }
0x65a: {  	s0 =	simm.s32 $0x17480;
	[sflag:s31] =	ssyncadd.s32 $0xFFFFF830  }
0x65b: {  	v3 =	vld.idx.msk [tilespmem:v2+s0+$0x0], $0xffff;
	_ =	sdelay $0x4  }
0x65c: {  	v0 =	vand.u32 $0x1, v0;
	v3 =	vshll.u32 v3, $0x2  }
0x65d: {  	v3 =	vor.u32 v0, v3;
	_ =	sdelay $0x3  }
0x65e: {  	s1 =	simm.s32 $0x1680  }
0x65f: {  	v3 =	vld.idx.msk [tilespmem:v3+s1+$0x0], $0xffff;
	_ =	sdelay $0x3  }
0x660: {  	s3 =	simm.s32 $0x15480  }
0x661: {  	s2 =	simm.s32 $0x18480;
	[tilespmem:s3+$0x0] =	vst v3  }
0x662: {  	v2 =	vld.idx.msk [tilespmem:v2+s2+$0x0], $0xffff;
	_ =	sdelay $0x3  }
0x663: {  	s8 =	simm.s32 $0x8  }
0x664: {  	v3 =	vshll.u32 v2, $0x2;
	v2 =	vor.u32 s8, v1;
	_ =	sdelay $0x1  }
0x665: {  	s4 =	simm.s32 $0x13480;
	s7 =	simm.s32 $0x10;
	v3 =	vor.u32 v0, v3  }
.LBB2_61:
0x666: {  	s3 =	sadd.s32 $0x10, s3  }
0x667: {  	[tilespmem:s4+$0x0] =	vst v3;
	s4 =	sadd.s32 $0x10, s4;
	s8 =	smov.u32 s7;
	s13 =	sadd.s32 $0x8, s7  }
0x668: {  	p0 =	sne.s32 s7, $0x7C8;
	v3 =	vld.idx.msk [tilespmem:v2+s0+$0x0], $0xffff;
	_ =	sdelay $0x5  }
0x669: {  	v3 =	vshll.u32 v3, $0x2  }
0x66a: {  	v3 =	vor.u32 v0, v3;
	_ =	sdelay $0x4  }
0x66b: {  	v3 =	vld.idx.msk [tilespmem:v3+s1+$0x0], $0xffff;
	_ =	sdelay $0x5  }
0x66c: {  	[tilespmem:s3+$0x0] =	vst v3  }
0x66d: {  	v3 =	vld.idx.msk [tilespmem:v2+s2+$0x0], $0xffff;
	_ =	sdelay $0x2  }
.Ltmp30:
0x66e: {  	(pc) =	sbr.rel @p0 .LBB2_61-.Ltmp30, $3  }
0x66f: {  	v2 =	vor.u32 s8, v1;
	_ =	sdelay $0x1  }
0x670: {  	v3 =	vshll.u32 v3, $0x2  }
0x671: {  	s7 =	smov.u32 s13;
	v3 =	vor.u32 v0, v3  }
0x672: {  	_ =	sdelay $0x2  }
0x673: {  	[tilespmem:s4+$0x0] =	vst v3  }
0x674: {  	v1 =	vld.idx.msk [tilespmem:v2+s0+$0x0], $0xffff;
	_ =	sdelay $0x4  }
0x675: {  	v1 =	vshll.u32 v1, $0x2  }
0x676: {  	v1 =	vor.u32 v0, v1;
	_ =	sdelay $0x4  }
0x677: {  	v1 =	vld.idx.msk [tilespmem:v1+s1+$0x0], $0xffff;
	_ =	sdelay $0x3  }
0x678: {  	s15 =	sadd.s32 $0x10, s3  }
0x679: {  	[tilespmem:s15+$0x0] =	vst v1  }
0x67a: {  	v1 =	vld.idx.msk [tilespmem:v2+s2+$0x0], $0xffff;
	_ =	sdelay $0x4  }
0x67b: {  	v1 =	vshll.u32 v1, $0x2  }
0x67c: {  	s16 =	sadd.s32 $0x10, s4;
	v0 =	vor.u32 v0, v1  }
0x67d: {  	s17 =	simm.s32 $0xFA0;
	s18 =	simm.s32 $0x13480;
	s19 =	simm.s32 $0x15480;
	[tilespmem:s16+$0x0] =	vst v0  }
0x67e: {  	[spmem:s5] =	stream.indirect.scatter.add.f32 [tilespmem:s19], [sflag:$0x1], $0x1, s18, s17, $0xb8;
	[tilespmem:$0x1C780] =	vst v63  }
0x67f: {  	s20 =	simm.s32 $0x0;
	s21 =	simm.s32 $0x17480  }
0x680: {  	[tilespmem:s21], [sflag:$0x3] =	stream.linear.gather [hbm4b:s22+s20], $0x7D0, $0x38;
	[tilespmem:$0x1C780] =	vst v63  }
0x681: {  	s23 =	simm.s32 $0x2;
	s22 =	simm.s32 $0x18480  }
0x682: {  	[tilespmem:s22], [sflag:$0x5] =	stream.linear.gather [hbm4b:s12+s20], $0x7D0, $0x38;
	[tilespmem:$0x1C780] =	vst v63  }
0x683: {  	_ =	swait.ge [sflag:s23], $0xFA0  }
0x684: {  	[sflag:s23] =	ssyncset.done $0x0  }
0x685: {  	s30 =	simm.s32 $0x4;
	v0 =	vlaneseq.u32;
	[sflag:s23] =	ssyncadd.s32 $0xFFFFF060  }
0x686: {  	v1 =	vshrl.u32 v0, $0x1;
	_ =	swait.ge [sflag:s30], $0x7D0  }
0x687: {  	v2 =	vor.u32 s20, v1;
	[sflag:s30] =	ssyncset.done $0x0  }
0x688: {  	s31 =	simm.s32 $0x6;
	[sflag:s30] =	ssyncadd.s32 $0xFFFFF830  }
0x689: {  	_ =	swait.ge [sflag:s31], $0x7D0  }
0x68a: {  	[sflag:s31] =	ssyncset.done $0x0  }
0x68b: {  	s0 =	simm.s32 $0x17C80;
	[sflag:s31] =	ssyncadd.s32 $0xFFFFF830  }
0x68c: {  	v3 =	vld.idx.msk [tilespmem:v2+s0+$0x0], $0xffff;
	_ =	sdelay $0x4  }
0x68d: {  	v0 =	vand.u32 $0x1, v0;
	v3 =	vshll.u32 v3, $0x2  }
0x68e: {  	v3 =	vor.u32 v0, v3;
	_ =	sdelay $0x3  }
0x68f: {  	s1 =	simm.s32 $0x1680  }
0x690: {  	v3 =	vld.idx.msk [tilespmem:v3+s1+$0x0], $0xffff;
	_ =	sdelay $0x3  }
0x691: {  	s3 =	simm.s32 $0x16480  }
0x692: {  	s2 =	simm.s32 $0x18C80;
	[tilespmem:s3+$0x0] =	vst v3  }
0x693: {  	v2 =	vld.idx.msk [tilespmem:v2+s2+$0x0], $0xffff;
	_ =	sdelay $0x3  }
0x694: {  	s8 =	simm.s32 $0x8  }
0x695: {  	v3 =	vshll.u32 v2, $0x2;
	v2 =	vor.u32 s8, v1;
	_ =	sdelay $0x1  }
0x696: {  	s4 =	simm.s32 $0x14480;
	s7 =	simm.s32 $0x10;
	v3 =	vor.u32 v0, v3  }
.LBB2_63:
0x697: {  	s3 =	sadd.s32 $0x10, s3  }
0x698: {  	[tilespmem:s4+$0x0] =	vst v3;
	s4 =	sadd.s32 $0x10, s4;
	s8 =	smov.u32 s7;
	s12 =	sadd.s32 $0x8, s7  }
0x699: {  	p0 =	sne.s32 s7, $0x7C8;
	v3 =	vld.idx.msk [tilespmem:v2+s0+$0x0], $0xffff;
	_ =	sdelay $0x5  }
0x69a: {  	v3 =	vshll.u32 v3, $0x2  }
0x69b: {  	v3 =	vor.u32 v0, v3;
	_ =	sdelay $0x4  }
0x69c: {  	v3 =	vld.idx.msk [tilespmem:v3+s1+$0x0], $0xffff;
	_ =	sdelay $0x5  }
0x69d: {  	[tilespmem:s3+$0x0] =	vst v3  }
0x69e: {  	v3 =	vld.idx.msk [tilespmem:v2+s2+$0x0], $0xffff;
	_ =	sdelay $0x2  }
.Ltmp31:
0x69f: {  	(pc) =	sbr.rel @p0 .LBB2_63-.Ltmp31, $3  }
0x6a0: {  	v2 =	vor.u32 s8, v1;
	_ =	sdelay $0x1  }
0x6a1: {  	v3 =	vshll.u32 v3, $0x2  }
0x6a2: {  	s7 =	smov.u32 s12;
	v3 =	vor.u32 v0, v3  }
0x6a3: {  	_ =	sdelay $0x2  }
0x6a4: {  	[tilespmem:s4+$0x0] =	vst v3  }
0x6a5: {  	v1 =	vld.idx.msk [tilespmem:v2+s0+$0x0], $0xffff;
	_ =	sdelay $0x4  }
0x6a6: {  	v1 =	vshll.u32 v1, $0x2  }
0x6a7: {  	v1 =	vor.u32 v0, v1;
	_ =	sdelay $0x4  }
0x6a8: {  	v1 =	vld.idx.msk [tilespmem:v1+s1+$0x0], $0xffff;
	_ =	sdelay $0x3  }
0x6a9: {  	s16 =	sadd.s32 $0x10, s3  }
0x6aa: {  	[tilespmem:s16+$0x0] =	vst v1  }
0x6ab: {  	v1 =	vld.idx.msk [tilespmem:v2+s2+$0x0], $0xffff;
	_ =	sdelay $0x4  }
0x6ac: {  	v1 =	vshll.u32 v1, $0x2  }
0x6ad: {  	s17 =	sadd.s32 $0x10, s4;
	v0 =	vor.u32 v0, v1  }
0x6ae: {  	s18 =	simm.s32 $0xFA0;
	s19 =	simm.s32 $0x14480;
	s20 =	simm.s32 $0x16480;
	[tilespmem:s17+$0x0] =	vst v0  }
0x6af: {  	[spmem:s5] =	stream.indirect.scatter.add.f32 [tilespmem:s20], [sflag:$0x2], $0x1, s19, s18, $0xb8;
	[tilespmem:$0x1C780] =	vst v63  }
0x6b0: {  	s21 =	simm.s32 $0x0;
	s22 =	simm.s32 $0x17C80  }
0x6b1: {  	[tilespmem:s22], [sflag:$0x4] =	stream.linear.gather [hbm4b:s24+s21], $0x7D0, $0x38;
	[tilespmem:$0x1C780] =	vst v63  }
0x6b2: {  	s23 =	simm.s32 $0x18C80;
	s24 =	simm.s32 $0x1  }
0x6b3: {  	[tilespmem:s23], [sflag:$0x6] =	stream.linear.gather [hbm4b:s11+s21], $0x7D0, $0x38;
	[tilespmem:$0x1C780] =	vst v63  }
0x6b4: {  	_ =	swait.ge [sflag:s24], $0xFA0  }
0x6b5: {  	[sflag:s24] =	ssyncset.done $0x0  }
0x6b6: {  	s30 =	simm.s32 $0x3;
	v0 =	vlaneseq.u32;
	[sflag:s24] =	ssyncadd.s32 $0xFFFFF060  }
0x6b7: {  	v1 =	vshrl.u32 v0, $0x1;
	_ =	swait.ge [sflag:s30], $0x7D0  }
0x6b8: {  	v2 =	vor.u32 s21, v1;
	[sflag:s30] =	ssyncset.done $0x0  }
0x6b9: {  	s31 =	simm.s32 $0x5;
	[sflag:s30] =	ssyncadd.s32 $0xFFFFF830  }
0x6ba: {  	_ =	swait.ge [sflag:s31], $0x7D0  }
0x6bb: {  	[sflag:s31] =	ssyncset.done $0x0  }
0x6bc: {  	s0 =	simm.s32 $0x17480;
	[sflag:s31] =	ssyncadd.s32 $0xFFFFF830  }
0x6bd: {  	v3 =	vld.idx.msk [tilespmem:v2+s0+$0x0], $0xffff;
	_ =	sdelay $0x4  }
0x6be: {  	v0 =	vand.u32 $0x1, v0;
	v3 =	vshll.u32 v3, $0x2  }
0x6bf: {  	v3 =	vor.u32 v0, v3;
	_ =	sdelay $0x3  }
0x6c0: {  	s1 =	simm.s32 $0x1680  }
0x6c1: {  	v3 =	vld.idx.msk [tilespmem:v3+s1+$0x0], $0xffff;
	_ =	sdelay $0x3  }
0x6c2: {  	s3 =	simm.s32 $0x15480  }
0x6c3: {  	s2 =	simm.s32 $0x18480;
	[tilespmem:s3+$0x0] =	vst v3  }
0x6c4: {  	v2 =	vld.idx.msk [tilespmem:v2+s2+$0x0], $0xffff;
	_ =	sdelay $0x3  }
0x6c5: {  	s8 =	simm.s32 $0x8  }
0x6c6: {  	v3 =	vshll.u32 v2, $0x2;
	v2 =	vor.u32 s8, v1;
	_ =	sdelay $0x1  }
0x6c7: {  	s4 =	simm.s32 $0x13480;
	s7 =	simm.s32 $0x10;
	v3 =	vor.u32 v0, v3  }
.LBB2_65:
0x6c8: {  	s3 =	sadd.s32 $0x10, s3  }
0x6c9: {  	[tilespmem:s4+$0x0] =	vst v3;
	s4 =	sadd.s32 $0x10, s4;
	s8 =	smov.u32 s7;
	s11 =	sadd.s32 $0x8, s7  }
0x6ca: {  	p0 =	sne.s32 s7, $0x7C8;
	v3 =	vld.idx.msk [tilespmem:v2+s0+$0x0], $0xffff;
	_ =	sdelay $0x5  }
0x6cb: {  	v3 =	vshll.u32 v3, $0x2  }
0x6cc: {  	v3 =	vor.u32 v0, v3;
	_ =	sdelay $0x4  }
0x6cd: {  	v3 =	vld.idx.msk [tilespmem:v3+s1+$0x0], $0xffff;
	_ =	sdelay $0x5  }
0x6ce: {  	[tilespmem:s3+$0x0] =	vst v3  }
0x6cf: {  	v3 =	vld.idx.msk [tilespmem:v2+s2+$0x0], $0xffff;
	_ =	sdelay $0x2  }
.Ltmp32:
0x6d0: {  	(pc) =	sbr.rel @p0 .LBB2_65-.Ltmp32, $3  }
0x6d1: {  	v2 =	vor.u32 s8, v1;
	_ =	sdelay $0x1  }
0x6d2: {  	v3 =	vshll.u32 v3, $0x2  }
0x6d3: {  	s7 =	smov.u32 s11;
	v3 =	vor.u32 v0, v3  }
0x6d4: {  	_ =	sdelay $0x2  }
0x6d5: {  	[tilespmem:s4+$0x0] =	vst v3  }
0x6d6: {  	v1 =	vld.idx.msk [tilespmem:v2+s0+$0x0], $0xffff;
	_ =	sdelay $0x4  }
0x6d7: {  	v1 =	vshll.u32 v1, $0x2  }
0x6d8: {  	v1 =	vor.u32 v0, v1;
	_ =	sdelay $0x4  }
0x6d9: {  	v1 =	vld.idx.msk [tilespmem:v1+s1+$0x0], $0xffff;
	_ =	sdelay $0x3  }
0x6da: {  	s17 =	sadd.s32 $0x10, s3  }
0x6db: {  	[tilespmem:s17+$0x0] =	vst v1  }
0x6dc: {  	v1 =	vld.idx.msk [tilespmem:v2+s2+$0x0], $0xffff;
	_ =	sdelay $0x4  }
0x6dd: {  	v1 =	vshll.u32 v1, $0x2  }
0x6de: {  	s18 =	sadd.s32 $0x10, s4;
	v0 =	vor.u32 v0, v1  }
0x6df: {  	s19 =	simm.s32 $0xFA0;
	s20 =	simm.s32 $0x13480;
	s21 =	simm.s32 $0x15480;
	[tilespmem:s18+$0x0] =	vst v0  }
0x6e0: {  	[spmem:s5] =	stream.indirect.scatter.add.f32 [tilespmem:s21], [sflag:$0x1], $0x1, s20, s19, $0xb8;
	[tilespmem:$0x1C780] =	vst v63  }
0x6e1: {  	s22 =	simm.s32 $0x0;
	s23 =	simm.s32 $0x17480  }
0x6e2: {  	[tilespmem:s23], [sflag:$0x3] =	stream.linear.gather [hbm4b:s25+s22], $0x7D0, $0x38;
	[tilespmem:$0x1C780] =	vst v63  }
0x6e3: {  	s24 =	simm.s32 $0x18480;
	s25 =	simm.s32 $0x2  }
0x6e4: {  	[tilespmem:s24], [sflag:$0x5] =	stream.linear.gather [hbm4b:s10+s22], $0x7D0, $0x38;
	[tilespmem:$0x1C780] =	vst v63  }
0x6e5: {  	_ =	swait.ge [sflag:s25], $0xFA0  }
0x6e6: {  	[sflag:s25] =	ssyncset.done $0x0  }
0x6e7: {  	s30 =	simm.s32 $0x4;
	v0 =	vlaneseq.u32;
	[sflag:s25] =	ssyncadd.s32 $0xFFFFF060  }
0x6e8: {  	v1 =	vshrl.u32 v0, $0x1;
	_ =	swait.ge [sflag:s30], $0x7D0  }
0x6e9: {  	v2 =	vor.u32 s22, v1;
	[sflag:s30] =	ssyncset.done $0x0  }
0x6ea: {  	s31 =	simm.s32 $0x6;
	[sflag:s30] =	ssyncadd.s32 $0xFFFFF830  }
0x6eb: {  	_ =	swait.ge [sflag:s31], $0x7D0  }
0x6ec: {  	[sflag:s31] =	ssyncset.done $0x0  }
0x6ed: {  	s0 =	simm.s32 $0x17C80;
	[sflag:s31] =	ssyncadd.s32 $0xFFFFF830  }
0x6ee: {  	v3 =	vld.idx.msk [tilespmem:v2+s0+$0x0], $0xffff;
	_ =	sdelay $0x4  }
0x6ef: {  	v0 =	vand.u32 $0x1, v0;
	v3 =	vshll.u32 v3, $0x2  }
0x6f0: {  	v3 =	vor.u32 v0, v3;
	_ =	sdelay $0x3  }
0x6f1: {  	s1 =	simm.s32 $0x1680  }
0x6f2: {  	v3 =	vld.idx.msk [tilespmem:v3+s1+$0x0], $0xffff;
	_ =	sdelay $0x3  }
0x6f3: {  	s3 =	simm.s32 $0x16480  }
0x6f4: {  	s2 =	simm.s32 $0x18C80;
	[tilespmem:s3+$0x0] =	vst v3  }
0x6f5: {  	v2 =	vld.idx.msk [tilespmem:v2+s2+$0x0], $0xffff;
	_ =	sdelay $0x3  }
0x6f6: {  	s8 =	simm.s32 $0x8  }
0x6f7: {  	v3 =	vshll.u32 v2, $0x2;
	v2 =	vor.u32 s8, v1;
	_ =	sdelay $0x1  }
0x6f8: {  	s4 =	simm.s32 $0x14480;
	s7 =	simm.s32 $0x10;
	v3 =	vor.u32 v0, v3  }
.LBB2_67:
0x6f9: {  	s3 =	sadd.s32 $0x10, s3  }
0x6fa: {  	[tilespmem:s4+$0x0] =	vst v3;
	s4 =	sadd.s32 $0x10, s4;
	s8 =	smov.u32 s7;
	s10 =	sadd.s32 $0x8, s7  }
0x6fb: {  	p0 =	sne.s32 s7, $0x7C8;
	v3 =	vld.idx.msk [tilespmem:v2+s0+$0x0], $0xffff;
	_ =	sdelay $0x5  }
0x6fc: {  	v3 =	vshll.u32 v3, $0x2  }
0x6fd: {  	v3 =	vor.u32 v0, v3;
	_ =	sdelay $0x4  }
0x6fe: {  	v3 =	vld.idx.msk [tilespmem:v3+s1+$0x0], $0xffff;
	_ =	sdelay $0x5  }
0x6ff: {  	[tilespmem:s3+$0x0] =	vst v3  }
0x700: {  	v3 =	vld.idx.msk [tilespmem:v2+s2+$0x0], $0xffff;
	_ =	sdelay $0x2  }
.Ltmp33:
0x701: {  	(pc) =	sbr.rel @p0 .LBB2_67-.Ltmp33, $3  }
0x702: {  	v2 =	vor.u32 s8, v1;
	_ =	sdelay $0x1  }
0x703: {  	v3 =	vshll.u32 v3, $0x2  }
0x704: {  	s7 =	smov.u32 s10;
	v3 =	vor.u32 v0, v3  }
0x705: {  	_ =	sdelay $0x2  }
0x706: {  	[tilespmem:s4+$0x0] =	vst v3  }
0x707: {  	v1 =	vld.idx.msk [tilespmem:v2+s0+$0x0], $0xffff;
	_ =	sdelay $0x4  }
0x708: {  	v1 =	vshll.u32 v1, $0x2  }
0x709: {  	v1 =	vor.u32 v0, v1;
	_ =	sdelay $0x4  }
0x70a: {  	v1 =	vld.idx.msk [tilespmem:v1+s1+$0x0], $0xffff;
	_ =	sdelay $0x3  }
0x70b: {  	s18 =	sadd.s32 $0x10, s3  }
0x70c: {  	[tilespmem:s18+$0x0] =	vst v1  }
0x70d: {  	v1 =	vld.idx.msk [tilespmem:v2+s2+$0x0], $0xffff;
	_ =	sdelay $0x4  }
0x70e: {  	v1 =	vshll.u32 v1, $0x2  }
0x70f: {  	s19 =	sadd.s32 $0x10, s4;
	v0 =	vor.u32 v0, v1  }
0x710: {  	s20 =	simm.s32 $0xFA0;
	s21 =	simm.s32 $0x14480;
	s22 =	simm.s32 $0x16480;
	[tilespmem:s19+$0x0] =	vst v0  }
0x711: {  	[spmem:s5] =	stream.indirect.scatter.add.f32 [tilespmem:s22], [sflag:$0x2], $0x1, s21, s20, $0xb8;
	[tilespmem:$0x1C780] =	vst v63  }
0x712: {  	s23 =	simm.s32 $0x0;
	s24 =	simm.s32 $0x17C80  }
0x713: {  	[tilespmem:s24], [sflag:$0x4] =	stream.linear.gather [hbm4b:s26+s23], $0x7D0, $0x38;
	[tilespmem:$0x1C780] =	vst v63  }
0x714: {  	s25 =	simm.s32 $0x18C80;
	s26 =	simm.s32 $0x1  }
0x715: {  	[tilespmem:s25], [sflag:$0x6] =	stream.linear.gather [hbm4b:s9+s23], $0x7D0, $0x38;
	[tilespmem:$0x1C780] =	vst v63  }
0x716: {  	_ =	swait.ge [sflag:s26], $0xFA0  }
0x717: {  	[sflag:s26] =	ssyncset.done $0x0  }
0x718: {  	s30 =	simm.s32 $0x3;
	v0 =	vlaneseq.u32;
	[sflag:s26] =	ssyncadd.s32 $0xFFFFF060  }
0x719: {  	v1 =	vshrl.u32 v0, $0x1;
	_ =	swait.ge [sflag:s30], $0x7D0  }
0x71a: {  	v2 =	vor.u32 s23, v1;
	[sflag:s30] =	ssyncset.done $0x0  }
0x71b: {  	s31 =	simm.s32 $0x5;
	[sflag:s30] =	ssyncadd.s32 $0xFFFFF830  }
0x71c: {  	_ =	swait.ge [sflag:s31], $0x7D0  }
0x71d: {  	[sflag:s31] =	ssyncset.done $0x0  }
0x71e: {  	s0 =	simm.s32 $0x17480;
	[sflag:s31] =	ssyncadd.s32 $0xFFFFF830  }
0x71f: {  	v3 =	vld.idx.msk [tilespmem:v2+s0+$0x0], $0xffff;
	_ =	sdelay $0x4  }
0x720: {  	v0 =	vand.u32 $0x1, v0;
	v3 =	vshll.u32 v3, $0x2  }
0x721: {  	v3 =	vor.u32 v0, v3;
	_ =	sdelay $0x3  }
0x722: {  	s1 =	simm.s32 $0x1680  }
0x723: {  	v3 =	vld.idx.msk [tilespmem:v3+s1+$0x0], $0xffff;
	_ =	sdelay $0x3  }
0x724: {  	s3 =	simm.s32 $0x15480  }
0x725: {  	s2 =	simm.s32 $0x18480;
	[tilespmem:s3+$0x0] =	vst v3  }
0x726: {  	v2 =	vld.idx.msk [tilespmem:v2+s2+$0x0], $0xffff;
	_ =	sdelay $0x3  }
0x727: {  	s8 =	simm.s32 $0x8  }
0x728: {  	v3 =	vshll.u32 v2, $0x2;
	v2 =	vor.u32 s8, v1;
	_ =	sdelay $0x1  }
0x729: {  	s4 =	simm.s32 $0x13480;
	s7 =	simm.s32 $0x10;
	v3 =	vor.u32 v0, v3  }
.LBB2_69:
0x72a: {  	s3 =	sadd.s32 $0x10, s3  }
0x72b: {  	[tilespmem:s4+$0x0] =	vst v3;
	s4 =	sadd.s32 $0x10, s4;
	s8 =	smov.u32 s7;
	s9 =	sadd.s32 $0x8, s7  }
0x72c: {  	p0 =	sne.s32 s7, $0x7C8;
	v3 =	vld.idx.msk [tilespmem:v2+s0+$0x0], $0xffff;
	_ =	sdelay $0x5  }
0x72d: {  	v3 =	vshll.u32 v3, $0x2  }
0x72e: {  	v3 =	vor.u32 v0, v3;
	_ =	sdelay $0x4  }
0x72f: {  	v3 =	vld.idx.msk [tilespmem:v3+s1+$0x0], $0xffff;
	_ =	sdelay $0x5  }
0x730: {  	[tilespmem:s3+$0x0] =	vst v3  }
0x731: {  	v3 =	vld.idx.msk [tilespmem:v2+s2+$0x0], $0xffff;
	_ =	sdelay $0x2  }
.Ltmp34:
0x732: {  	(pc) =	sbr.rel @p0 .LBB2_69-.Ltmp34, $3  }
0x733: {  	v2 =	vor.u32 s8, v1;
	_ =	sdelay $0x1  }
0x734: {  	v3 =	vshll.u32 v3, $0x2  }
0x735: {  	s7 =	smov.u32 s9;
	v3 =	vor.u32 v0, v3  }
0x736: {  	_ =	sdelay $0x2  }
0x737: {  	[tilespmem:s4+$0x0] =	vst v3  }
0x738: {  	v1 =	vld.idx.msk [tilespmem:v2+s0+$0x0], $0xffff;
	_ =	sdelay $0x4  }
0x739: {  	v1 =	vshll.u32 v1, $0x2  }
0x73a: {  	v1 =	vor.u32 v0, v1;
	_ =	sdelay $0x4  }
0x73b: {  	v1 =	vld.idx.msk [tilespmem:v1+s1+$0x0], $0xffff;
	_ =	sdelay $0x3  }
0x73c: {  	s18 =	sadd.s32 $0x10, s3  }
0x73d: {  	[tilespmem:s18+$0x0] =	vst v1  }
0x73e: {  	v1 =	vld.idx.msk [tilespmem:v2+s2+$0x0], $0xffff;
	_ =	sdelay $0x4  }
0x73f: {  	v1 =	vshll.u32 v1, $0x2  }
0x740: {  	s19 =	sadd.s32 $0x10, s4;
	v0 =	vor.u32 v0, v1  }
0x741: {  	s20 =	simm.s32 $0xFA0;
	s21 =	simm.s32 $0x13480;
	s22 =	simm.s32 $0x15480;
	[tilespmem:s19+$0x0] =	vst v0  }
0x742: {  	[spmem:s5] =	stream.indirect.scatter.add.f32 [tilespmem:s22], [sflag:$0x1], $0x1, s21, s20, $0xb8;
	[tilespmem:$0x1C780] =	vst v63  }
0x743: {  	s23 =	simm.s32 $0x0;
	s24 =	simm.s32 $0x17480  }
0x744: {  	[tilespmem:s24], [sflag:$0x3] =	stream.linear.gather [hbm4b:s28+s23], $0x7D0, $0x38;
	[tilespmem:$0x1C780] =	vst v63  }
0x745: {  	s25 =	simm.s32 $0x18480;
	s26 =	rddreg [dreg:$0xa];
	s28 =	simm.s32 $0x2  }
0x746: {  	[tilespmem:s25], [sflag:$0x5] =	stream.linear.gather [hbm4b:s26+s23], $0x7D0, $0x38;
	[tilespmem:$0x1C780] =	vst v63  }
0x747: {  	_ =	swait.ge [sflag:s28], $0xFA0  }
0x748: {  	[sflag:s28] =	ssyncset.done $0x0  }
0x749: {  	s30 =	simm.s32 $0x4;
	v0 =	vlaneseq.u32;
	[sflag:s28] =	ssyncadd.s32 $0xFFFFF060  }
0x74a: {  	v1 =	vshrl.u32 v0, $0x1;
	_ =	swait.ge [sflag:s30], $0x7D0  }
0x74b: {  	v2 =	vor.u32 s23, v1;
	[sflag:s30] =	ssyncset.done $0x0  }
0x74c: {  	s31 =	simm.s32 $0x6;
	[sflag:s30] =	ssyncadd.s32 $0xFFFFF830  }
0x74d: {  	_ =	swait.ge [sflag:s31], $0x7D0  }
0x74e: {  	[sflag:s31] =	ssyncset.done $0x0  }
0x74f: {  	s0 =	simm.s32 $0x17C80;
	[sflag:s31] =	ssyncadd.s32 $0xFFFFF830  }
0x750: {  	v3 =	vld.idx.msk [tilespmem:v2+s0+$0x0], $0xffff;
	_ =	sdelay $0x4  }
0x751: {  	v0 =	vand.u32 $0x1, v0;
	v3 =	vshll.u32 v3, $0x2  }
0x752: {  	v3 =	vor.u32 v0, v3;
	_ =	sdelay $0x3  }
0x753: {  	s1 =	simm.s32 $0x1680  }
0x754: {  	v3 =	vld.idx.msk [tilespmem:v3+s1+$0x0], $0xffff;
	_ =	sdelay $0x3  }
0x755: {  	s3 =	simm.s32 $0x16480  }
0x756: {  	s2 =	simm.s32 $0x18C80;
	[tilespmem:s3+$0x0] =	vst v3  }
0x757: {  	v2 =	vld.idx.msk [tilespmem:v2+s2+$0x0], $0xffff;
	_ =	sdelay $0x3  }
0x758: {  	s8 =	simm.s32 $0x8  }
0x759: {  	v3 =	vshll.u32 v2, $0x2;
	v2 =	vor.u32 s8, v1;
	_ =	sdelay $0x1  }
0x75a: {  	s4 =	simm.s32 $0x14480;
	s7 =	simm.s32 $0x10;
	v3 =	vor.u32 v0, v3  }
.LBB2_71:
0x75b: {  	s3 =	sadd.s32 $0x10, s3  }
0x75c: {  	[tilespmem:s4+$0x0] =	vst v3;
	s4 =	sadd.s32 $0x10, s4;
	s8 =	smov.u32 s7;
	s9 =	sadd.s32 $0x8, s7  }
0x75d: {  	p0 =	sne.s32 s7, $0x7C8;
	v3 =	vld.idx.msk [tilespmem:v2+s0+$0x0], $0xffff;
	_ =	sdelay $0x5  }
0x75e: {  	v3 =	vshll.u32 v3, $0x2  }
0x75f: {  	v3 =	vor.u32 v0, v3;
	_ =	sdelay $0x4  }
0x760: {  	v3 =	vld.idx.msk [tilespmem:v3+s1+$0x0], $0xffff;
	_ =	sdelay $0x5  }
0x761: {  	[tilespmem:s3+$0x0] =	vst v3  }
0x762: {  	v3 =	vld.idx.msk [tilespmem:v2+s2+$0x0], $0xffff;
	_ =	sdelay $0x2  }
.Ltmp35:
0x763: {  	(pc) =	sbr.rel @p0 .LBB2_71-.Ltmp35, $3  }
0x764: {  	v2 =	vor.u32 s8, v1;
	_ =	sdelay $0x1  }
0x765: {  	v3 =	vshll.u32 v3, $0x2  }
0x766: {  	s7 =	smov.u32 s9;
	v3 =	vor.u32 v0, v3  }
0x767: {  	_ =	sdelay $0x2  }
0x768: {  	[tilespmem:s4+$0x0] =	vst v3  }
0x769: {  	v1 =	vld.idx.msk [tilespmem:v2+s0+$0x0], $0xffff;
	_ =	sdelay $0x4  }
0x76a: {  	v1 =	vshll.u32 v1, $0x2  }
0x76b: {  	v1 =	vor.u32 v0, v1;
	_ =	sdelay $0x4  }
0x76c: {  	v1 =	vld.idx.msk [tilespmem:v1+s1+$0x0], $0xffff;
	_ =	sdelay $0x3  }
0x76d: {  	s19 =	sadd.s32 $0x10, s3  }
0x76e: {  	[tilespmem:s19+$0x0] =	vst v1  }
0x76f: {  	v1 =	vld.idx.msk [tilespmem:v2+s2+$0x0], $0xffff;
	_ =	sdelay $0x4  }
0x770: {  	v1 =	vshll.u32 v1, $0x2  }
0x771: {  	s20 =	sadd.s32 $0x10, s4;
	v0 =	vor.u32 v0, v1  }
0x772: {  	s21 =	simm.s32 $0xFA0;
	s22 =	simm.s32 $0x14480;
	s23 =	simm.s32 $0x16480;
	[tilespmem:s20+$0x0] =	vst v0  }
0x773: {  	[spmem:s5] =	stream.indirect.scatter.add.f32 [tilespmem:s23], [sflag:$0x2], $0x1, s22, s21, $0xb8;
	[tilespmem:$0x1C780] =	vst v63  }
0x774: {  	s24 =	simm.s32 $0x0;
	s25 =	simm.s32 $0x17C80  }
0x775: {  	[tilespmem:s25], [sflag:$0x4] =	stream.linear.gather [hbm4b:s29+s24], $0x7D0, $0x38;
	[tilespmem:$0x1C780] =	vst v63  }
0x776: {  	s26 =	simm.s32 $0x18C80;
	s28 =	rddreg [dreg:$0x9];
	s29 =	simm.s32 $0x1  }
0x777: {  	[tilespmem:s26], [sflag:$0x6] =	stream.linear.gather [hbm4b:s28+s24], $0x7D0, $0x38;
	[tilespmem:$0x1C780] =	vst v63  }
0x778: {  	_ =	swait.ge [sflag:s29], $0xFA0  }
0x779: {  	[sflag:s29] =	ssyncset.done $0x0  }
0x77a: {  	s30 =	simm.s32 $0x3;
	v0 =	vlaneseq.u32;
	[sflag:s29] =	ssyncadd.s32 $0xFFFFF060  }
0x77b: {  	v1 =	vshrl.u32 v0, $0x1;
	_ =	swait.ge [sflag:s30], $0x7D0  }
0x77c: {  	v2 =	vor.u32 s24, v1;
	[sflag:s30] =	ssyncset.done $0x0  }
0x77d: {  	s31 =	simm.s32 $0x5;
	[sflag:s30] =	ssyncadd.s32 $0xFFFFF830  }
0x77e: {  	_ =	swait.ge [sflag:s31], $0x7D0  }
0x77f: {  	[sflag:s31] =	ssyncset.done $0x0  }
0x780: {  	s0 =	simm.s32 $0x17480;
	[sflag:s31] =	ssyncadd.s32 $0xFFFFF830  }
0x781: {  	v3 =	vld.idx.msk [tilespmem:v2+s0+$0x0], $0xffff;
	_ =	sdelay $0x4  }
0x782: {  	v0 =	vand.u32 $0x1, v0;
	v3 =	vshll.u32 v3, $0x2  }
0x783: {  	v3 =	vor.u32 v0, v3;
	_ =	sdelay $0x3  }
0x784: {  	s1 =	simm.s32 $0x1680  }
0x785: {  	v3 =	vld.idx.msk [tilespmem:v3+s1+$0x0], $0xffff;
	_ =	sdelay $0x3  }
0x786: {  	s3 =	simm.s32 $0x15480  }
0x787: {  	s2 =	simm.s32 $0x18480;
	[tilespmem:s3+$0x0] =	vst v3  }
0x788: {  	v2 =	vld.idx.msk [tilespmem:v2+s2+$0x0], $0xffff;
	_ =	sdelay $0x3  }
0x789: {  	s8 =	simm.s32 $0x8  }
0x78a: {  	v3 =	vshll.u32 v2, $0x2;
	v2 =	vor.u32 s8, v1;
	_ =	sdelay $0x1  }
0x78b: {  	s4 =	simm.s32 $0x13480;
	s7 =	simm.s32 $0x10;
	v3 =	vor.u32 v0, v3  }
.LBB2_73:
0x78c: {  	s3 =	sadd.s32 $0x10, s3  }
0x78d: {  	[tilespmem:s4+$0x0] =	vst v3;
	s4 =	sadd.s32 $0x10, s4;
	s8 =	smov.u32 s7;
	s9 =	sadd.s32 $0x8, s7  }
0x78e: {  	p0 =	sne.s32 s7, $0x7C8;
	v3 =	vld.idx.msk [tilespmem:v2+s0+$0x0], $0xffff;
	_ =	sdelay $0x5  }
0x78f: {  	v3 =	vshll.u32 v3, $0x2  }
0x790: {  	v3 =	vor.u32 v0, v3;
	_ =	sdelay $0x4  }
0x791: {  	v3 =	vld.idx.msk [tilespmem:v3+s1+$0x0], $0xffff;
	_ =	sdelay $0x5  }
0x792: {  	[tilespmem:s3+$0x0] =	vst v3  }
0x793: {  	v3 =	vld.idx.msk [tilespmem:v2+s2+$0x0], $0xffff;
	_ =	sdelay $0x2  }
.Ltmp36:
0x794: {  	(pc) =	sbr.rel @p0 .LBB2_73-.Ltmp36, $3  }
0x795: {  	v2 =	vor.u32 s8, v1;
	_ =	sdelay $0x1  }
0x796: {  	v3 =	vshll.u32 v3, $0x2  }
0x797: {  	s7 =	smov.u32 s9;
	v3 =	vor.u32 v0, v3  }
0x798: {  	_ =	sdelay $0x2  }
0x799: {  	[tilespmem:s4+$0x0] =	vst v3  }
0x79a: {  	v1 =	vld.idx.msk [tilespmem:v2+s0+$0x0], $0xffff;
	_ =	sdelay $0x4  }
0x79b: {  	v1 =	vshll.u32 v1, $0x2  }
0x79c: {  	v1 =	vor.u32 v0, v1;
	_ =	sdelay $0x4  }
0x79d: {  	v1 =	vld.idx.msk [tilespmem:v1+s1+$0x0], $0xffff;
	_ =	sdelay $0x3  }
0x79e: {  	s22 =	sadd.s32 $0x10, s3  }
0x79f: {  	[tilespmem:s22+$0x0] =	vst v1  }
0x7a0: {  	v1 =	vld.idx.msk [tilespmem:v2+s2+$0x0], $0xffff;
	_ =	sdelay $0x4  }
0x7a1: {  	v1 =	vshll.u32 v1, $0x2  }
0x7a2: {  	s23 =	sadd.s32 $0x10, s4;
	s24 =	simm.s32 $0xFA0;
	v0 =	vor.u32 v0, v1  }
0x7a3: {  	s25 =	simm.s32 $0x13480;
	s26 =	simm.s32 $0x15480;
	s28 =	simm.s32 $0x2;
	[tilespmem:s23+$0x0] =	vst v0  }
0x7a4: {  	[spmem:s5] =	stream.indirect.scatter.add.f32 [tilespmem:s26], [sflag:$0x1], $0x1, s25, s24, $0xb8;
	[tilespmem:$0x1C780] =	vst v63  }
0x7a5: {  	_ =	swait.ge [sflag:s28], $0xFA0  }
0x7a6: {  	[sflag:s28] =	ssyncset.done $0x0  }
0x7a7: {  	s29 =	simm.s32 $0x4;
	v0 =	vlaneseq.u32;
	[sflag:s28] =	ssyncadd.s32 $0xFFFFF060  }
0x7a8: {  	s30 =	simm.s32 $0x0;
	v1 =	vshrl.u32 v0, $0x1;
	_ =	swait.ge [sflag:s29], $0x7D0  }
0x7a9: {  	v2 =	vor.u32 s30, v1;
	[sflag:s29] =	ssyncset.done $0x0  }
0x7aa: {  	s31 =	simm.s32 $0x6;
	[sflag:s29] =	ssyncadd.s32 $0xFFFFF830  }
0x7ab: {  	_ =	swait.ge [sflag:s31], $0x7D0  }
0x7ac: {  	[sflag:s31] =	ssyncset.done $0x0  }
0x7ad: {  	s0 =	simm.s32 $0x17C80;
	[sflag:s31] =	ssyncadd.s32 $0xFFFFF830  }
0x7ae: {  	v3 =	vld.idx.msk [tilespmem:v2+s0+$0x0], $0xffff;
	_ =	sdelay $0x4  }
0x7af: {  	v0 =	vand.u32 $0x1, v0;
	v3 =	vshll.u32 v3, $0x2  }
0x7b0: {  	v3 =	vor.u32 v0, v3;
	_ =	sdelay $0x3  }
0x7b1: {  	s1 =	simm.s32 $0x1680  }
0x7b2: {  	v3 =	vld.idx.msk [tilespmem:v3+s1+$0x0], $0xffff;
	_ =	sdelay $0x3  }
0x7b3: {  	s3 =	simm.s32 $0x16480  }
0x7b4: {  	s2 =	simm.s32 $0x18C80;
	[tilespmem:s3+$0x0] =	vst v3  }
0x7b5: {  	v2 =	vld.idx.msk [tilespmem:v2+s2+$0x0], $0xffff;
	_ =	sdelay $0x3  }
0x7b6: {  	s8 =	simm.s32 $0x8  }
0x7b7: {  	v3 =	vshll.u32 v2, $0x2;
	v2 =	vor.u32 s8, v1;
	_ =	sdelay $0x1  }
0x7b8: {  	s4 =	simm.s32 $0x14480;
	s7 =	simm.s32 $0x10;
	v3 =	vor.u32 v0, v3  }
.LBB2_75:
0x7b9: {  	s3 =	sadd.s32 $0x10, s3  }
0x7ba: {  	[tilespmem:s4+$0x0] =	vst v3;
	s4 =	sadd.s32 $0x10, s4;
	s8 =	smov.u32 s7;
	s9 =	sadd.s32 $0x8, s7  }
0x7bb: {  	p0 =	sne.s32 s7, $0x7C8;
	v3 =	vld.idx.msk [tilespmem:v2+s0+$0x0], $0xffff;
	_ =	sdelay $0x5  }
0x7bc: {  	v3 =	vshll.u32 v3, $0x2  }
0x7bd: {  	v3 =	vor.u32 v0, v3;
	_ =	sdelay $0x4  }
0x7be: {  	v3 =	vld.idx.msk [tilespmem:v3+s1+$0x0], $0xffff;
	_ =	sdelay $0x5  }
0x7bf: {  	[tilespmem:s3+$0x0] =	vst v3  }
0x7c0: {  	v3 =	vld.idx.msk [tilespmem:v2+s2+$0x0], $0xffff;
	_ =	sdelay $0x2  }
.Ltmp37:
0x7c1: {  	(pc) =	sbr.rel @p0 .LBB2_75-.Ltmp37, $3  }
0x7c2: {  	v2 =	vor.u32 s8, v1;
	_ =	sdelay $0x1  }
0x7c3: {  	v3 =	vshll.u32 v3, $0x2  }
0x7c4: {  	s7 =	smov.u32 s9;
	v3 =	vor.u32 v0, v3  }
0x7c5: {  	_ =	sdelay $0x2  }
0x7c6: {  	[tilespmem:s4+$0x0] =	vst v3  }
0x7c7: {  	v1 =	vld.idx.msk [tilespmem:v2+s0+$0x0], $0xffff;
	_ =	sdelay $0x4  }
0x7c8: {  	v1 =	vshll.u32 v1, $0x2  }
0x7c9: {  	v1 =	vor.u32 v0, v1;
	_ =	sdelay $0x4  }
0x7ca: {  	v1 =	vld.idx.msk [tilespmem:v1+s1+$0x0], $0xffff;
	_ =	sdelay $0x3  }
0x7cb: {  	s22 =	sadd.s32 $0x10, s3  }
0x7cc: {  	[tilespmem:s22+$0x0] =	vst v1  }
0x7cd: {  	v1 =	vld.idx.msk [tilespmem:v2+s2+$0x0], $0xffff;
	_ =	sdelay $0x4  }
0x7ce: {  	v1 =	vshll.u32 v1, $0x2  }
0x7cf: {  	s23 =	sadd.s32 $0x10, s4;
	s24 =	simm.s32 $0xFA0;
	v0 =	vor.u32 v0, v1  }
0x7d0: {  	s25 =	simm.s32 $0x14480;
	s26 =	simm.s32 $0x16480;
	s28 =	simm.s32 $0x1;
	[tilespmem:s23+$0x0] =	vst v0  }
0x7d1: {  	[spmem:s5] =	stream.indirect.scatter.add.f32 [tilespmem:s26], [sflag:$0x2], $0x1, s25, s24, $0xb8;
	[tilespmem:$0x1C780] =	vst v63  }
0x7d2: {  	_ =	swait.ge [sflag:s28], $0xFA0  }
0x7d3: {  	[sflag:s28] =	ssyncset.done $0x0  }
0x7d4: {  	s29 =	simm.s32 $0x2;
	[sflag:s28] =	ssyncadd.s32 $0xFFFFF060  }
0x7d5: {  	_ =	swait.ge [sflag:s29], $0xFA0  }
0x7d6: {  	[sflag:s29] =	ssyncset.done $0x0  }
0x7d7: {  	s30 =	simm.s32 $0x7;
	[sflag:s29] =	ssyncadd.s32 $0xFFFFF060  }
0x7d8: {  	s0 =	simm.s32 $0x0;
	s5 =	simm.s32 $0x1B080;
	[bflag:$0x0] =	sbarrier.arrive $0xFFFF  }
0x7d9: {  	v1 =	vlaneseq.u32;
	[tilespmem:s5], [sflag:$0x7] =	stream.linear.gather [spmem:s6], $0xA00, $0x38;
	[tilespmem:$0x1C780] =	vst v63  }
0x7da: {  	v0 =	vor.u32 s0, v1;
	_ =	swait.ge [sflag:s30], $0xA00  }
0x7db: {  	v2 =	vshrl.u32 v0, $0x2;
	[sflag:s30] =	ssyncset.done $0x0  }
0x7dc: {  	v0 =	vand.u32 $0x3, v1;
	[sflag:s30] =	ssyncadd.s32 $0xFFFFF600  }
0x7dd: {  	s31 =	simm.s32 $0x1A680;
	v0 =	vor.u32 $0x38, v0;
	v3 =	vld [tilespmem:s5+$0x0]  }
0x7de: {  	v4 =	vld [tilespmem:s31+$0x0]  }
0x7df: {  	s1 =	simm.s32 $0x1C480  }
0x7e0: {  	v2 =	vld.idx.msk [tilespmem:v2+s1+$0x0], $0xffff  }
0x7e1: {  	s3 =	simm.s32 $0x1C700  }
0x7e2: {  	v5 =	vld.idx.msk [tilespmem:v0+s3+$0x0], $0xffff  }
0x7e3: {  	v3 =	vadd.f32 v4, v3;
	_ =	sdelay $0x1  }
0x7e4: {  	v2 =	vmul.f32 v3, v2;
	_ =	sdelay $0x1  }
0x7e5: {  	v2 =	vadd.f32 v2, v5;
	_ =	sdelay $0x1  }
0x7e6: {  	v2 =	vadd.f32 v2, v2;
	_ =	sdelay $0x1  }
0x7e7: {  	v2 =	vmul.f32 $1.442695020e+00, v2;
	_ =	sdelay $0x1  }
0x7e8: {  	(erf) = vpow2.f32 v2;
	_ =	sdelay $0x8  }
0x7e9: {  	v2 =	vpop (erf)  }
0x7ea: {  	v2 =	vadd.f32 $1.000000000e+00, v2;
	_ =	sdelay $0x1  }
0x7eb: {  	(erf) = vrcp.f32 v2;
	_ =	sdelay $0x8  }
0x7ec: {  	v2 =	vpop (erf)  }
0x7ed: {  	v2 =	vadd.f32 v2, v2  }
0x7ee: {  	s2 =	simm.s32 $0x10  }
0x7ef: {  	v3 =	vor.u32 s2, v1;
	v2 =	vsub.f32 $1.000000000e+00, v2  }
0x7f0: {  	s7 =	simm.s32 $0x1BA80;
	v3 =	vshrl.u32 v3, $0x2  }
0x7f1: {  	s4 =	simm.s32 $0x1B090;
	[tilespmem:s7+$0x0] =	vst v2  }
0x7f2: {  	s8 =	simm.s32 $0x1A690;
	v2 =	vld [tilespmem:s4+$0x0]  }
0x7f3: {  	v4 =	vld [tilespmem:s8+$0x0];
	_ =	sdelay $0x1  }
0x7f4: {  	v3 =	vld.idx.msk [tilespmem:v3+s1+$0x0], $0xffff;
	_ =	sdelay $0x1  }
0x7f5: {  	v5 =	vld.idx.msk [tilespmem:v0+s3+$0x0], $0xffff  }
0x7f6: {  	v2 =	vadd.f32 v4, v2;
	_ =	sdelay $0x1  }
0x7f7: {  	v2 =	vmul.f32 v2, v3;
	_ =	sdelay $0x1  }
0x7f8: {  	v2 =	vadd.f32 v2, v5;
	_ =	sdelay $0x1  }
0x7f9: {  	v2 =	vadd.f32 v2, v2;
	_ =	sdelay $0x1  }
0x7fa: {  	v2 =	vmul.f32 $1.442695020e+00, v2;
	_ =	sdelay $0x1  }
0x7fb: {  	(erf) = vpow2.f32 v2;
	_ =	sdelay $0x8  }
0x7fc: {  	v2 =	vpop (erf)  }
0x7fd: {  	v2 =	vadd.f32 $1.000000000e+00, v2;
	_ =	sdelay $0x1  }
0x7fe: {  	(erf) = vrcp.f32 v2;
	_ =	sdelay $0x8  }
0x7ff: {  	v2 =	vpop (erf)  }
0x800: {  	s6 =	simm.s32 $0x20;
	v2 =	vadd.f32 v2, v2  }
0x801: {  	s9 =	simm.s32 $0x30;
	v3 =	vor.u32 s6, v1  }
.LBB2_77:
0x802: {  	p0 =	sne.s32 s9, $0x9F0;
	v3 =	vshrl.u32 v3, $0x2;
	v2 =	vsub.f32 $1.000000000e+00, v2  }
0x803: {  	s7 =	sadd.s32 $0x10, s7  }
0x804: {  	s4 =	sadd.s32 $0x10, s4;
	[tilespmem:s7+$0x0] =	vst v2  }
0x805: {  	s8 =	sadd.s32 $0x10, s8;
	v2 =	vld [tilespmem:s4+$0x0]  }
0x806: {  	v4 =	vld [tilespmem:s8+$0x0]  }
0x807: {  	v3 =	vld.idx.msk [tilespmem:v3+s1+$0x0], $0xffff;
	_ =	sdelay $0x1  }
0x808: {  	v5 =	vld.idx.msk [tilespmem:v0+s3+$0x0], $0xffff;
	_ =	sdelay $0x1  }
0x809: {  	v2 =	vadd.f32 v4, v2;
	_ =	sdelay $0x1  }
0x80a: {  	v2 =	vmul.f32 v2, v3;
	_ =	sdelay $0x1  }
0x80b: {  	v2 =	vadd.f32 v2, v5;
	_ =	sdelay $0x1  }
0x80c: {  	v2 =	vadd.f32 v2, v2;
	_ =	sdelay $0x1  }
0x80d: {  	v2 =	vmul.f32 $1.442695020e+00, v2;
	_ =	sdelay $0x1  }
0x80e: {  	(erf) = vpow2.f32 v2;
	_ =	sdelay $0x8  }
0x80f: {  	v2 =	vpop (erf)  }
0x810: {  	v2 =	vadd.f32 $1.000000000e+00, v2;
	_ =	sdelay $0x1  }
0x811: {  	(erf) = vrcp.f32 v2;
	_ =	sdelay $0x6  }
.Ltmp38:
0x812: {  	(pc) =	sbr.rel @p0 .LBB2_77-.Ltmp38, $4  }
0x813: {  	_ = 	snop  }
0x814: {  	v2 =	vpop (erf)  }
0x815: {  	v2 =	vadd.f32 v2, v2  }
0x816: {  	v3 =	vor.u32 s9, v1;
	s9 =	sadd.s32 $0x10, s9  }
0x817: {  	v1 =	vsub.f32 $1.000000000e+00, v2  }
0x818: {  	v2 =	vshrl.u32 v3, $0x2;
	s7 =	sadd.s32 $0x10, s7  }
0x819: {  	s4 =	sadd.s32 $0x10, s4;
	[tilespmem:s7+$0x0] =	vst v1  }
0x81a: {  	s30 =	sadd.s32 $0x10, s8;
	v1 =	vld [tilespmem:s4+$0x0]  }
0x81b: {  	v3 =	vld [tilespmem:s30+$0x0];
	_ =	sdelay $0x1  }
0x81c: {  	v2 =	vld.idx.msk [tilespmem:v2+s1+$0x0], $0xffff;
	_ =	sdelay $0x1  }
0x81d: {  	v0 =	vld.idx.msk [tilespmem:v0+s3+$0x0], $0xffff  }
0x81e: {  	v1 =	vadd.f32 v3, v1;
	_ =	sdelay $0x1  }
0x81f: {  	v1 =	vmul.f32 v1, v2;
	_ =	sdelay $0x1  }
0x820: {  	v0 =	vadd.f32 v1, v0;
	_ =	sdelay $0x1  }
0x821: {  	v0 =	vadd.f32 v0, v0;
	_ =	sdelay $0x1  }
0x822: {  	v0 =	vmul.f32 $1.442695020e+00, v0;
	_ =	sdelay $0x1  }
0x823: {  	(erf) = vpow2.f32 v0;
	_ =	sdelay $0x8  }
0x824: {  	v0 =	vpop (erf)  }
0x825: {  	v0 =	vadd.f32 $1.000000000e+00, v0;
	_ =	sdelay $0x1  }
0x826: {  	(erf) = vrcp.f32 v0;
	_ =	sdelay $0x6  }
0x827: {  	v6 =	vlaneseq.u32  }
0x828: {  	v0 =	vshrl.u32 v6, $0x2  }
0x829: {  	v4 =	vand.u32 $0x3, v6;
	v2 =	vmul.u32 $0x4, v0;
	v1 =	vpop (erf)  }
0x82a: {  	v0 =	vor.u32 $0x3C, v4;
	v1 =	vadd.f32 v1, v1  }
0x82b: {  	v9 =	vor.u32 s0, v2  }
0x82c: {  	v5 =	vor.u32 $0x1, v2;
	v3 =	vsub.f32 $1.000000000e+00, v1;
	v1 =	vor.u32 $0x20, v4  }
0x82d: {  	s31 =	sadd.s32 $0x10, s7;
	v10 =	vor.u32 s0, v5  }
0x82e: {  	s1 =	simm.s32 $0x1C700;
	v7 =	vor.u32 $0x2, v2;
	[tilespmem:s31+$0x0] =	vst v3;
	v3 =	vor.u32 $0x24, v4  }
0x82f: {  	s3 =	simm.s32 $0x1BA80;
	v12 =	vor.u32 s0, v7;
	v11 =	vld.idx.msk [tilespmem:v0+s1+$0x0], $0xffff  }
0x830: {  	v8 =	vor.u32 $0x3, v2;
	v4 =	vor.u32 $0x28, v4;
	v9 =	vld.idx.msk [tilespmem:v9+s3+$0x0], $0xffff  }
0x831: {  	v14 =	vor.u32 s0, v8;
	v13 =	vld.idx.msk [tilespmem:v1+s1+$0x0], $0xffff  }
0x832: {  	v6 =	vor.u32 $0x2C, v6;
	v10 =	vld.idx.msk [tilespmem:v10+s3+$0x0], $0xffff  }
0x833: {  	v15 =	vld.idx.msk [tilespmem:v3+s1+$0x0], $0xffff  }
0x834: {  	v12 =	vld.idx.msk [tilespmem:v12+s3+$0x0], $0xffff  }
0x835: {  	v16 =	vld.idx.msk [tilespmem:v4+s1+$0x0], $0xffff  }
0x836: {  	v14 =	vld.idx.msk [tilespmem:v14+s3+$0x0], $0xffff;
	v9 =	vmul.f32 v13, v9  }
0x837: {  	v57 =	vld.idx.msk [tilespmem:v6+s1+$0x0], $0xffff  }
0x838: {  	v9 =	vadd.f32 v9, v11;
	v10 =	vmul.f32 v15, v10;
	_ =	sdelay $0x1  }
0x839: {  	v9 =	vadd.f32 v10, v9;
	v10 =	vmul.f32 v16, v12;
	_ =	sdelay $0x1  }
0x83a: {  	v9 =	vadd.f32 v10, v9;
	v10 =	vmul.f32 v57, v14  }
0x83b: {  	v11 =	vor.u32 s2, v2  }
0x83c: {  	v9 =	vadd.f32 v10, v9;
	_ =	sdelay $0x1  }
0x83d: {  	v10 =	vor.u32 s2, v5;
	[tilespmem:s5+$0x0] =	vst v9  }
0x83e: {  	v58 =	vor.u32 s2, v7;
	v9 =	vld.idx.msk [tilespmem:v0+s1+$0x0], $0xffff  }
0x83f: {  	v11 =	vld.idx.msk [tilespmem:v11+s3+$0x0], $0xffff  }
0x840: {  	v60 =	vor.u32 s2, v8;
	v59 =	vld.idx.msk [tilespmem:v1+s1+$0x0], $0xffff  }
0x841: {  	v61 =	vld.idx.msk [tilespmem:v3+s1+$0x0], $0xffff  }
0x842: {  	v10 =	vld.idx.msk [tilespmem:v10+s3+$0x0], $0xffff  }
0x843: {  	v12 =	vld.idx.msk [tilespmem:v58+s3+$0x0], $0xffff  }
0x844: {  	v62 =	vld.idx.msk [tilespmem:v4+s1+$0x0], $0xffff  }
0x845: {  	v14 =	vld.idx.msk [tilespmem:v60+s3+$0x0], $0xffff;
	v11 =	vmul.f32 v59, v11  }
0x846: {  	v63 =	vld.idx.msk [tilespmem:v6+s1+$0x0], $0xffff  }
0x847: {  	v9 =	vadd.f32 v11, v9;
	v10 =	vmul.f32 v61, v10;
	_ =	sdelay $0x1  }
0x848: {  	v9 =	vadd.f32 v10, v9;
	v10 =	vmul.f32 v62, v12;
	_ =	sdelay $0x1  }
0x849: {  	v11 =	vmul.f32 v63, v14;
	v10 =	vadd.f32 v10, v9  }
0x84a: {  	v9 =	vor.u32 s6, v2  }
0x84b: {  	s0 =	simm.s32 $0x30;
	v10 =	vadd.f32 v11, v10  }
.LBB2_79:
0x84c: {  	p0 =	sne.s32 s0, $0x9F0;
	v11 =	vor.u32 s6, v5;
	s5 =	sadd.s32 $0x10, s5  }
0x84d: {  	[tilespmem:s5+$0x0] =	vst v10  }
0x84e: {  	v12 =	vor.u32 s6, v7;
	v10 =	vld.idx.msk [tilespmem:v0+s1+$0x0], $0xffff  }
0x84f: {  	v9 =	vld.idx.msk [tilespmem:v9+s3+$0x0], $0xffff  }
0x850: {  	v14 =	vor.u32 s6, v8;
	s6 =	smov.u32 s0;
	v13 =	vld.idx.msk [tilespmem:v1+s1+$0x0], $0xffff  }
0x851: {  	v11 =	vld.idx.msk [tilespmem:v11+s3+$0x0], $0xffff  }
0x852: {  	v15 =	vld.idx.msk [tilespmem:v3+s1+$0x0], $0xffff  }
0x853: {  	v12 =	vld.idx.msk [tilespmem:v12+s3+$0x0], $0xffff  }
0x854: {  	v16 =	vld.idx.msk [tilespmem:v4+s1+$0x0], $0xffff  }
0x855: {  	v14 =	vld.idx.msk [tilespmem:v14+s3+$0x0], $0xffff  }
0x856: {  	v9 =	vmul.f32 v13, v9;
	v13 =	vld.idx.msk [tilespmem:v6+s1+$0x0], $0xffff;
	_ =	sdelay $0x1  }
0x857: {  	v9 =	vadd.f32 v9, v10;
	v10 =	vmul.f32 v15, v11;
	_ =	sdelay $0x1  }
.Ltmp39:
0x858: {  	v9 =	vadd.f32 v10, v9;
	v10 =	vmul.f32 v16, v12;
	(pc) =	sbr.rel @p0 .LBB2_79-.Ltmp39, $4  }
0x859: {  	_ = 	snop  }
0x85a: {  	v10 =	vadd.f32 v10, v9;
	v11 =	vmul.f32 v13, v14  }
0x85b: {  	v9 =	vor.u32 s0, v2  }
0x85c: {  	s0 =	sadd.s32 $0x10, s0;
	v10 =	vadd.f32 v11, v10  }
0x85d: {  	_ =	sdelay $0x1  }
0x85e: {  	s0 =	sadd.s32 $0x10, s5  }
0x85f: {  	v2 =	vor.u32 s6, v5;
	[tilespmem:s0+$0x0] =	vst v10  }
0x860: {  	v0 =	vld.idx.msk [tilespmem:v0+s1+$0x0], $0xffff  }
0x861: {  	v5 =	vor.u32 s6, v7;
	v7 =	vld.idx.msk [tilespmem:v9+s3+$0x0], $0xffff  }
0x862: {  	v1 =	vld.idx.msk [tilespmem:v1+s1+$0x0], $0xffff  }
0x863: {  	v8 =	vor.u32 s6, v8;
	v3 =	vld.idx.msk [tilespmem:v3+s1+$0x0], $0xffff  }
0x864: {  	v2 =	vld.idx.msk [tilespmem:v2+s3+$0x0], $0xffff  }
0x865: {  	v4 =	vld.idx.msk [tilespmem:v4+s1+$0x0], $0xffff  }
0x866: {  	v5 =	vld.idx.msk [tilespmem:v5+s3+$0x0], $0xffff  }
0x867: {  	v6 =	vld.idx.msk [tilespmem:v6+s1+$0x0], $0xffff;
	v1 =	vmul.f32 v1, v7  }
0x868: {  	v8 =	vld.idx.msk [tilespmem:v8+s3+$0x0], $0xffff  }
0x869: {  	v0 =	vadd.f32 v1, v0;
	v1 =	vmul.f32 v3, v2;
	_ =	sdelay $0x1  }
0x86a: {  	v0 =	vadd.f32 v1, v0;
	v1 =	vmul.f32 v4, v5;
	_ =	sdelay $0x1  }
0x86b: {  	v0 =	vadd.f32 v1, v0;
	v1 =	vmul.f32 v6, v8  }
0x86c: {  	s25 =	simm.s32 $0x0;
	v2 =	vlaneseq.u32  }
0x86d: {  	v3 =	vmov s25;
	v1 =	vadd.f32 v1, v0;
	v0 =	vmul.u32 $0x2, v2  }
0x86e: {  	v3 =	vshll.u32 v3, $0x1  }
0x86f: {  	s26 =	rddreg [dreg:$0x7];
	s0 =	sadd.s32 $0x10, s0;
	v3 =	vor.u32 v0, v3  }
0x870: {  	s2 =	rddreg [dreg:$0x8];
	s28 =	simm.s32 $0x1B080;
	[tilespmem:s0+$0x0] =	vst v1;
	v1 =	vand.u32 $0x1, v2;
	v2 =	vand.u32 $0xFFC, v3  }
0x871: {  	s29 =	simm.s32 $0x10;
	s30 =	simm.s32 $0x7;
	s0 =	sadd.s32 s26, s2;
	v2 =	vor.u32 v1, v2  }
0x872: {  	[hbm4b:s0+s25] =	stream.linear.scatter [tilespmem:s28], [sflag:$0x7], $0xA00, $0x38;
	[tilespmem:$0x1C780] =	vst v63  }
0x873: {  	v3 =	vmov s29;
	_ =	swait.ge [sflag:s30], $0xA00  }
0x874: {  	v3 =	vshll.u32 v3, $0x1;
	[sflag:s30] =	ssyncset.done $0x0  }
0x875: {  	s0 =	simm.s32 $0x1BA80;
	v3 =	vor.u32 v0, v3;
	[sflag:s30] =	ssyncadd.s32 $0xFFFFF600  }
0x876: {  	v3 =	vand.u32 $0xFFC, v3;
	v2 =	vld.idx.msk [tilespmem:v2+s0+$0x0], $0xffff  }
0x877: {  	v3 =	vor.u32 v1, v3;
	_ =	sdelay $0x1  }
0x878: {  	s31 =	simm.s32 $0x20  }
0x879: {  	s1 =	simm.s32 $0x1A680;
	s3 =	stileid.u32;
	v4 =	vmov s31;
	s2 =	simm.s32 $0x30  }
.LBB2_81:
0x87a: {  	p0 =	sne.s32 s2, $0x4F0;
	v4 =	vshll.u32 v4, $0x1;
	[tilespmem:s1+$0x0] =	vst v2  }
0x87b: {  	v4 =	vor.u32 v0, v4;
	v2 =	vld.idx.msk [tilespmem:v3+s0+$0x0], $0xffff  }
.Ltmp40:
0x87c: {  	v3 =	vand.u32 $0xFFC, v4;
	(pc) =	sbr.rel @p0 .LBB2_81-.Ltmp40, $2  }
0x87d: {  	v3 =	vor.u32 v1, v3;
	_ =	sdelay $0x2  }
0x87e: {  	s1 =	sadd.s32 $0x10, s1;
	v4 =	vmov s2;
	s2 =	sadd.s32 $0x10, s2  }
0x87f: {  	_ =	sdelay $0x1  }
0x880: {  	v4 =	vshll.u32 v4, $0x1  }
0x881: {  	[tilespmem:s1+$0x0] =	vst v2;
	v0 =	vor.u32 v0, v4  }
0x882: {  	v2 =	vld.idx.msk [tilespmem:v3+s0+$0x0], $0xffff;
	v0 =	vand.u32 $0xFFC, v0  }
0x883: {  	v0 =	vor.u32 v1, v0;
	_ =	sdelay $0x2  }
0x884: {  	s26 =	sadd.s32 $0x10, s1  }
0x885: {  	[tilespmem:s26+$0x0] =	vst v2  }
0x886: {  	v0 =	vld.idx.msk [tilespmem:v0+s0+$0x0], $0xffff;
	_ =	sdelay $0x2  }
0x887: {  	s28 =	smul.u32 $0xA0, s3  }
0x888: {  	s29 =	rddreg [dreg:$0x6];
	s30 =	simm.s32 $0x0;
	s1 =	sadd.s32 $0x10, s26  }
0x889: {  	s2 =	simm.s32 $0x1A680;
	s31 =	simm.s32 $0x7;
	s0 =	sadd.s32 s29, s28;
	[tilespmem:s1+$0x0] =	vst v0  }
0x88a: {  	[hbm4b:s0+s30] =	stream.linear.scatter [tilespmem:s2], [sflag:$0x7], $0x500, $0x38;
	[tilespmem:$0x1C780] =	vst v63  }
0x88b: {  	_ =	swait.ge [sflag:s31], $0x500  }
0x88c: {  	[sflag:s31] =	ssyncset.done $0x0  }
0x88d: {  	[sflag:s31] =	ssyncadd.s32 $0xFFFFFB00  }
0x88e: {  	[bflag:$0x0] =	sbarrier.arrive $0xFFFF  }
0x88f: {  	_ =	sfence.sel $0x180000  }
0x890: {  	[bflag:$0x0] =	sbarrier.arrive $0xFFFF  }
0x891: {  	_ =	strace $0x90000047  }
0x892: {  	[bflag:$0x2] =	sbarrier.arrive $0xFFFF  }
0x893: {  	p0 =	sne.s32 s3, $0x0;
	s0 =	rddreg [dreg:$0x5]  }
0x894: {  	s0 =	sadd.s32 @!p0 $0x100000, s0  }
0x895: {  	[sflag:s0] =	ssyncadd.tile.s32 @!p0 $0x1;
	_ =	shalt  }
.Lfunc_end2:
_tile_overlayer_lowered:
.L_overlay_start_2:
0x896: {  	(tag) =	ssettag $0x2  }
0x897: {  	s0 =	rddreg [dreg:$0x0];
	s2 =	stileid.u32  }
0x898: {  	s1 =	rddreg [dreg:$0x1];
	p0 =	sne.s32 s2, $0x0  }
0x899: {  	s3 =	rddreg [dreg:$0x2];
	[bflag:$0x3] =	sbarrier.arrive $0xFFFF;
	s2 =	simm.s32 @!p0 $0x1C07  }
0x89a: {  	[timem:s3], [sflag:s2] =	dma.local @!p0 [hbm:s0], s1  }
0x89b: {  	s0 =	simm.s32 @!p0 $0x7  }
0x89c: {  	_ =	swait.ge @!p0 [sflag:s0], s1  }
0x89d: {  	s1 =	ssub.s32 @!p0 $0x0, s1;
	[sflag:s0] =	ssyncset.done @!p0 $0x0  }
0x89e: {  	[sflag:s0] =	ssyncadd.s32 @!p0 s1  }
0x89f: {  	[bflag:$0x3] =	sbarrier.arrive $0xFFFF  }
0x8a0: {  	_ =	shalt  }

</sc_bundles>
